<compile_context>
chip_gen: v7x
topology: tpu7x:2x2x1
jax: 0.10.2.dev20260603
libtpu: 0.0.44.dev20260713+nightly
codegen_flags: <defaults>
</compile_context>

<pallas_src>
import jax
import jax.numpy as jnp
from jax import lax
from jax.experimental import pallas as pl
from jax.experimental.pallas import tpu as pltpu
from jax.experimental.pallas import tpu_sc as plsc

NSAMPLES = 100000
NDIM = 128
B = 16384
P = 131072

NC = 2
NS = 16
NW = NC * NS
L = 16

RPW = B // NW
PPW = P // NW
CH = 128
NCH_A = RPW // CH
NCH_B = PPW // CH
NG = CH // L


def _loss_body(u_hbm, enc_hbm, sw_hbm, pw_hbm, pa_hbm, pb_hbm, idx_hbm,
               s1_hbm, s2_hbm, lam_hbm, out_hbm,
               idxall, pa_v, pb_v, ua_all, ub_all, a0, a1, b0, b1,
               swv, pwv, s1v, s2v, lamv, accv, sa0, sa1, sb0, sb1):
    wid = lax.axis_index("s") * NC + lax.axis_index("c")
    rbase = wid * RPW
    pbase = wid * PPW

    d1 = pltpu.async_copy(idx_hbm, idxall, sa0)
    d2 = pltpu.async_copy(pa_hbm.at[pl.ds(pbase, PPW)], pa_v, sa1)
    d3 = pltpu.async_copy(pb_hbm.at[pl.ds(pbase, PPW)], pb_v, sb0)
    d4 = pltpu.async_copy(sw_hbm.at[pl.ds(rbase, RPW)], swv, sb1)
    d1.wait()
    d2.wait()
    d3.wait()
    d4.wait()
    d5 = pltpu.async_copy(pw_hbm.at[pl.ds(pbase, PPW)], pwv, sa0)
    d6 = pltpu.async_copy(s1_hbm, s1v, sa1)
    d7 = pltpu.async_copy(s2_hbm, s2v, sb0)
    d8 = pltpu.async_copy(lam_hbm, lamv, sb1)
    d5.wait()
    d6.wait()
    d7.wait()
    d8.wait()

    accv[...] = jnp.zeros((L,), jnp.float32)
    iota16 = lax.iota(jnp.int32, L)
    s1 = s1v[...]
    s2 = s2v[...]
    lam = lamv[...]

    abuf = (a0, a1)
    bbuf = (b0, b1)
    asem = (sa0, sa1)
    bsem = (sb0, sb1)

    def issue_a(sub, i):
        da = pltpu.async_copy(
            u_hbm.at[idxall.at[pl.ds(rbase + sub * CH, CH)]], abuf[i], asem[i])
        db = pltpu.async_copy(
            enc_hbm.at[pl.ds(rbase + sub * CH, CH), :], bbuf[i], bsem[i])
        return da, db

    pend = issue_a(0, 0)

    def translate(t, _):
        pav = pa_v[pl.ds(t * L, L)]
        ua_all[pl.ds(t * L, L)] = plsc.load_gather(idxall, [pav])
        pbv = pb_v[pl.ds(t * L, L)]
        ub_all[pl.ds(t * L, L)] = plsc.load_gather(idxall, [pbv])

    lax.fori_loop(0, PPW // L, translate, None)

    def row_sums(ar, br):
        def sums_at(g):
            def quad(q, ov):
                for r4 in range(8):
                    lane = q * 8 + r4
                    row = g * L + lane
                    acc16 = jnp.zeros((L,), jnp.float32)
                    for k in range(NDIM // L):
                        xv = ar[row, pl.ds(k * L, L)]
                        yv = br[row, pl.ds(k * L, L)]
                        df = xv - yv
                        acc16 = acc16 + df * df
                    ov = ov + jnp.where(iota16 == lane, jnp.sum(acc16), 0.0)
                return ov
            return lax.fori_loop(0, 2, quad, jnp.zeros((L,), jnp.float32))
        return sums_at

    for sub in range(NCH_A):
        i = sub % 2
        nxt = issue_a(sub + 1, 1 - i) if sub + 1 < NCH_A else None
        pend[0].wait()
        pend[1].wait()
        sums = row_sums(abuf[i], bbuf[i])

        def group_a(g, _, sub=sub, sums=sums):
            o1v = sums(g)
            w16 = swv[pl.ds(sub * CH + g * L, L)]
            accv[...] = accv[...] + (s1 * w16 * o1v) / (s1 + o1v)

        lax.fori_loop(0, NG, group_a, None)
        pend = nxt

    def issue_b(c, i):
        pltpu.async_copy(u_hbm.at[ua_all.at[pl.ds(c * CH, CH)]],
                         abuf[i], asem[i])
        pltpu.async_copy(u_hbm.at[ub_all.at[pl.ds(c * CH, CH)]],
                         bbuf[i], bsem[i])

    def wait_b(i):
        pltpu.make_async_copy(u_hbm.at[ua_all.at[pl.ds(0, CH)]],
                              abuf[i], asem[i]).wait()
        pltpu.make_async_copy(u_hbm.at[ub_all.at[pl.ds(0, CH)]],
                              bbuf[i], bsem[i]).wait()

    def compute_b(c, i):
        sums = row_sums(abuf[i], bbuf[i])

        def group_b(g, _):
            o2v = sums(g)
            pw16 = pwv[pl.ds(c * CH + g * L, L)]
            accv[...] = accv[...] + (lam * s2 * pw16 * o2v) / (s2 + o2v)

        lax.fori_loop(0, NG, group_b, None)

    issue_b(0, 0)
    issue_b(1, 1)

    def chunk_pair_b(t, _):
        c0 = 2 * t
        wait_b(0)
        compute_b(c0, 0)

        @pl.when(t < NCH_B // 2 - 1)
        def _():
            issue_b(c0 + 2, 0)

        wait_b(1)
        compute_b(c0 + 1, 1)

        @pl.when(t < NCH_B // 2 - 1)
        def _():
            issue_b(c0 + 3, 1)

    lax.fori_loop(0, NCH_B // 2, chunk_pair_b, None)

    pltpu.sync_copy(accv, out_hbm.at[pl.ds(wid * L, L)])


_loss_kernel = pl.kernel(
    _loss_body,
    out_type=jax.ShapeDtypeStruct((NW * L,), jnp.float32),
    mesh=plsc.VectorSubcoreMesh(core_axis_name="c", subcore_axis_name="s",
                                num_cores=NC, num_subcores=NS),
    compiler_params=pltpu.CompilerParams(needs_layout_passes=False),
    scratch_types=[
        pltpu.VMEM((B,), jnp.int32),
        pltpu.VMEM((PPW,), jnp.int32),
        pltpu.VMEM((PPW,), jnp.int32),
        pltpu.VMEM((PPW,), jnp.int32),
        pltpu.VMEM((PPW,), jnp.int32),
        pltpu.VMEM((CH, NDIM), jnp.float32),
        pltpu.VMEM((CH, NDIM), jnp.float32),
        pltpu.VMEM((CH, NDIM), jnp.float32),
        pltpu.VMEM((CH, NDIM), jnp.float32),
        pltpu.VMEM((RPW,), jnp.float32),
        pltpu.VMEM((PPW,), jnp.float32),
        pltpu.VMEM((L,), jnp.float32),
        pltpu.VMEM((L,), jnp.float32),
        pltpu.VMEM((L,), jnp.float32),
        pltpu.VMEM((L,), jnp.float32),
        pltpu.SemaphoreType.DMA,
        pltpu.SemaphoreType.DMA,
        pltpu.SemaphoreType.DMA,
        pltpu.SemaphoreType.DMA,
    ],
)


def kernel(enc_out, sampweights, pairweights, pairs, index, _sigma1, _sigma2,
           _lambda, U):
    pa = pairs[:, 0].astype(jnp.int32)
    pb = pairs[:, 1].astype(jnp.int32)
    idx = index.astype(jnp.int32)
    s1v = jnp.full((L,), _sigma1, jnp.float32)
    s2v = jnp.full((L,), _sigma2, jnp.float32)
    lamv = jnp.full((L,), _lambda, jnp.float32)
    partials = _loss_kernel(U, enc_out, sampweights, pairweights, pa, pb, idx,
                            s1v, s2v, lamv)
    return jnp.sum(partials) / (enc_out.shape[0] * enc_out.shape[1])

# --- scband reference (transcript-rebuilt; emitter-appended) ---
"""Pipeline reference for scband-dccloss-14027363189244 (READ-ONLY COPY).

The authoritative reference and input builder live on the scoring server;
editing this copy changes nothing except your own understanding.
"""

import jax, jax.numpy as jnp
import numpy as np

NSAMPLES = 100000
NDIM = 128
B = 16384
P = 131072


def setup_inputs(seed: int = 0) -> dict:
    key = jax.random.key(seed)
    ks = jax.random.split(key, 8)
    U = jax.random.normal(ks[0], (NSAMPLES, NDIM), dtype=jnp.float32)
    enc_out = jax.random.normal(ks[1], (B, NDIM), dtype=jnp.float32)
    sampweights = jax.random.uniform(ks[2], (B,), dtype=jnp.float32)
    pairweights = jax.random.uniform(ks[3], (P,), dtype=jnp.float32)
    pairs = jax.random.randint(ks[4], (P, 2), 0, B)
    index = jax.random.randint(ks[5], (B,), 0, NSAMPLES)
    _sigma1 = jnp.ones((), dtype=jnp.float32)
    _sigma2 = jnp.ones((), dtype=jnp.float32)
    _lambda = jnp.ones((), dtype=jnp.float32)
    return {
        "enc_out": enc_out,
        "sampweights": sampweights,
        "pairweights": pairweights,
        "pairs": pairs,
        "index": index,
        "_sigma1": _sigma1,
        "_sigma2": _sigma2,
        "_lambda": _lambda,
        "U": U,
    }


def reference(enc_out, sampweights, pairweights, pairs, index, _sigma1, _sigma2, _lambda, U):
    # centroids = self.U[index]
    centroids = jnp.take(U, index, axis=0)
    # out1 = ||enc_out - centroids||_2^2 per row
    d1 = (enc_out - centroids).reshape(enc_out.shape[0], -1)
    out1 = jnp.sum(d1 * d1, axis=1)
    out11 = jnp.sum(_sigma1 * sampweights * out1 / (_sigma1 + out1))
    # out2 = ||centroids[pairs[:,0]] - centroids[pairs[:,1]]||_2^2 per pair
    d2 = (jnp.take(centroids, pairs[:, 0], axis=0) - jnp.take(centroids, pairs[:, 1], axis=0)).reshape(pairs.shape[0], -1)
    out2 = jnp.sum(d2 * d2, axis=1)
    out21 = _lambda * jnp.sum(_sigma2 * pairweights * out2 / (_sigma2 + out2))
    out = out11 + out21
    # size_average=True
    out = out / enc_out.size
    return out

if __name__ == "__main__":
    import jax
    _d = setup_inputs()
    print(jax.jit(kernel)(*tuple(_d.values())))

</pallas_src>

<mosaic_0001>
#map = affine_map<(d0, d1) -> (0, 0)>
#map1 = affine_map<(d0, d1) -> (0)>
module attributes {stable_mosaic.version = 14 : i64} {
  func.func @_loss_body(%arg0: i32, %arg1: i32, %arg2: memref<100000x128xf32, #tpu.memory_space<hbm>>, %arg3: memref<16384x128xf32, #tpu.memory_space<hbm>>, %arg4: memref<16384xf32, #tpu.memory_space<hbm>>, %arg5: memref<131072xf32, #tpu.memory_space<hbm>>, %arg6: memref<131072xi32, #tpu.memory_space<hbm>>, %arg7: memref<131072xi32, #tpu.memory_space<hbm>>, %arg8: memref<16384xi32, #tpu.memory_space<hbm>>, %arg9: memref<16xf32, #tpu.memory_space<hbm>>, %arg10: memref<16xf32, #tpu.memory_space<hbm>>, %arg11: memref<16xf32, #tpu.memory_space<hbm>>, %arg12: memref<512xf32, #tpu.memory_space<hbm>>, %arg13: memref<16384xi32, #tpu.memory_space<vmem>>, %arg14: memref<4096xi32, #tpu.memory_space<vmem>>, %arg15: memref<4096xi32, #tpu.memory_space<vmem>>, %arg16: memref<4096xi32, #tpu.memory_space<vmem>>, %arg17: memref<4096xi32, #tpu.memory_space<vmem>>, %arg18: memref<128x128xf32, #tpu.memory_space<vmem>>, %arg19: memref<128x128xf32, #tpu.memory_space<vmem>>, %arg20: memref<128x128xf32, #tpu.memory_space<vmem>>, %arg21: memref<128x128xf32, #tpu.memory_space<vmem>>, %arg22: memref<512xf32, #tpu.memory_space<vmem>>, %arg23: memref<4096xf32, #tpu.memory_space<vmem>>, %arg24: memref<16xf32, #tpu.memory_space<vmem>>, %arg25: memref<16xf32, #tpu.memory_space<vmem>>, %arg26: memref<16xf32, #tpu.memory_space<vmem>>, %arg27: memref<16xf32, #tpu.memory_space<vmem>>, %arg28: memref<!tpu.dma_semaphore, #tpu.memory_space<semaphore_mem>>, %arg29: memref<!tpu.dma_semaphore, #tpu.memory_space<semaphore_mem>>, %arg30: memref<!tpu.dma_semaphore, #tpu.memory_space<semaphore_mem>>, %arg31: memref<!tpu.dma_semaphore, #tpu.memory_space<semaphore_mem>>) attributes {dimension_semantics = [#tpu.dimension_semantics<core_parallel>, #tpu.dimension_semantics<subcore_parallel>], iteration_bounds = array<i64: 2, 16>, scalar_prefetch = 0 : i64, scratch_operands = 19 : i64, tpu.core_type = #tpu.core_type<sc_vector_subcore>, window_params = [{transform_indices = #map}, {transform_indices = #map}, {transform_indices = #map1}, {transform_indices = #map1}, {transform_indices = #map1}, {transform_indices = #map1}, {transform_indices = #map1}, {transform_indices = #map1}, {transform_indices = #map1}, {transform_indices = #map1}, {transform_indices = #map1}]} {
    %mul3A = arith.constant 2 : i32
    %mul3A_0 = arith.muli %arg1, %mul3A : i32
    %add3A = arith.addi %mul3A_0, %arg0 : i32
    %mul3A_1 = arith.constant 512 : i32
    %mul3A_2 = arith.muli %add3A, %mul3A_1 : i32
    %mul3A_3 = arith.constant 4096 : i32
    %mul3A_4 = arith.muli %add3A, %mul3A_3 : i32
    tpu.enqueue_dma source(%arg8 : memref<16384xi32, #tpu.memory_space<hbm>>) target(%arg13 : memref<16384xi32, #tpu.memory_space<vmem>>) target_semaphore(%arg28 : memref<!tpu.dma_semaphore, #tpu.memory_space<semaphore_mem>>)
    %dma_start3A = tpu.memref_slice %arg6[%mul3A_4] : memref<131072xi32, #tpu.memory_space<hbm>> -> memref<4096xi32, #tpu.memory_space<hbm>>
    %dma_start3A_5 = tpu.memref_slice %arg6[%mul3A_4] : memref<131072xi32, #tpu.memory_space<hbm>> -> memref<4096xi32, #tpu.memory_space<hbm>>
    tpu.enqueue_dma source(%dma_start3A_5 : memref<4096xi32, #tpu.memory_space<hbm>>) target(%arg14 : memref<4096xi32, #tpu.memory_space<vmem>>) target_semaphore(%arg29 : memref<!tpu.dma_semaphore, #tpu.memory_space<semaphore_mem>>)
    %dma_start3A_6 = tpu.memref_slice %arg7[%mul3A_4] : memref<131072xi32, #tpu.memory_space<hbm>> -> memref<4096xi32, #tpu.memory_space<hbm>>
    %dma_start3A_7 = tpu.memref_slice %arg7[%mul3A_4] : memref<131072xi32, #tpu.memory_space<hbm>> -> memref<4096xi32, #tpu.memory_space<hbm>>
    tpu.enqueue_dma source(%dma_start3A_7 : memref<4096xi32, #tpu.memory_space<hbm>>) target(%arg15 : memref<4096xi32, #tpu.memory_space<vmem>>) target_semaphore(%arg30 : memref<!tpu.dma_semaphore, #tpu.memory_space<semaphore_mem>>)
    %dma_start3A_8 = tpu.memref_slice %arg4[%mul3A_2] : memref<16384xf32, #tpu.memory_space<hbm>> -> memref<512xf32, #tpu.memory_space<hbm>>
    %dma_start3A_9 = tpu.memref_slice %arg4[%mul3A_2] : memref<16384xf32, #tpu.memory_space<hbm>> -> memref<512xf32, #tpu.memory_space<hbm>>
    tpu.enqueue_dma source(%dma_start3A_9 : memref<512xf32, #tpu.memory_space<hbm>>) target(%arg22 : memref<512xf32, #tpu.memory_space<vmem>>) target_semaphore(%arg31 : memref<!tpu.dma_semaphore, #tpu.memory_space<semaphore_mem>>)
    tpu.wait_dma2 semaphore(%arg28 : memref<!tpu.dma_semaphore, #tpu.memory_space<semaphore_mem>>) src(%arg8 : memref<16384xi32, #tpu.memory_space<hbm>>) dst(%arg13 : memref<16384xi32, #tpu.memory_space<vmem>>)
    %dma_wait3A = tpu.memref_slice %arg6[%mul3A_4] : memref<131072xi32, #tpu.memory_space<hbm>> -> memref<4096xi32, #tpu.memory_space<hbm>>
    %dma_wait3A_10 = tpu.memref_slice %arg6[%mul3A_4] : memref<131072xi32, #tpu.memory_space<hbm>> -> memref<4096xi32, #tpu.memory_space<hbm>>
    tpu.wait_dma2 semaphore(%arg29 : memref<!tpu.dma_semaphore, #tpu.memory_space<semaphore_mem>>) src(%dma_wait3A_10 : memref<4096xi32, #tpu.memory_space<hbm>>) dst(%arg14 : memref<4096xi32, #tpu.memory_space<vmem>>)
    %dma_wait3A_11 = tpu.memref_slice %arg7[%mul3A_4] : memref<131072xi32, #tpu.memory_space<hbm>> -> memref<4096xi32, #tpu.memory_space<hbm>>
    %dma_wait3A_12 = tpu.memref_slice %arg7[%mul3A_4] : memref<131072xi32, #tpu.memory_space<hbm>> -> memref<4096xi32, #tpu.memory_space<hbm>>
    tpu.wait_dma2 semaphore(%arg30 : memref<!tpu.dma_semaphore, #tpu.memory_space<semaphore_mem>>) src(%dma_wait3A_12 : memref<4096xi32, #tpu.memory_space<hbm>>) dst(%arg15 : memref<4096xi32, #tpu.memory_space<vmem>>)
    %dma_wait3A_13 = tpu.memref_slice %arg4[%mul3A_2] : memref<16384xf32, #tpu.memory_space<hbm>> -> memref<512xf32, #tpu.memory_space<hbm>>
    %dma_wait3A_14 = tpu.memref_slice %arg4[%mul3A_2] : memref<16384xf32, #tpu.memory_space<hbm>> -> memref<512xf32, #tpu.memory_space<hbm>>
    tpu.wait_dma2 semaphore(%arg31 : memref<!tpu.dma_semaphore, #tpu.memory_space<semaphore_mem>>) src(%dma_wait3A_14 : memref<512xf32, #tpu.memory_space<hbm>>) dst(%arg22 : memref<512xf32, #tpu.memory_space<vmem>>)
    %dma_start3A_15 = tpu.memref_slice %arg5[%mul3A_4] : memref<131072xf32, #tpu.memory_space<hbm>> -> memref<4096xf32, #tpu.memory_space<hbm>>
    %dma_start3A_16 = tpu.memref_slice %arg5[%mul3A_4] : memref<131072xf32, #tpu.memory_space<hbm>> -> memref<4096xf32, #tpu.memory_space<hbm>>
    tpu.enqueue_dma source(%dma_start3A_16 : memref<4096xf32, #tpu.memory_space<hbm>>) target(%arg23 : memref<4096xf32, #tpu.memory_space<vmem>>) target_semaphore(%arg28 : memref<!tpu.dma_semaphore, #tpu.memory_space<semaphore_mem>>)
    tpu.enqueue_dma source(%arg9 : memref<16xf32, #tpu.memory_space<hbm>>) target(%arg24 : memref<16xf32, #tpu.memory_space<vmem>>) target_semaphore(%arg29 : memref<!tpu.dma_semaphore, #tpu.memory_space<semaphore_mem>>)
    tpu.enqueue_dma source(%arg10 : memref<16xf32, #tpu.memory_space<hbm>>) target(%arg25 : memref<16xf32, #tpu.memory_space<vmem>>) target_semaphore(%arg30 : memref<!tpu.dma_semaphore, #tpu.memory_space<semaphore_mem>>)
    tpu.enqueue_dma source(%arg11 : memref<16xf32, #tpu.memory_space<hbm>>) target(%arg26 : memref<16xf32, #tpu.memory_space<vmem>>) target_semaphore(%arg31 : memref<!tpu.dma_semaphore, #tpu.memory_space<semaphore_mem>>)
    %dma_wait3A_17 = tpu.memref_slice %arg5[%mul3A_4] : memref<131072xf32, #tpu.memory_space<hbm>> -> memref<4096xf32, #tpu.memory_space<hbm>>
    %dma_wait3A_18 = tpu.memref_slice %arg5[%mul3A_4] : memref<131072xf32, #tpu.memory_space<hbm>> -> memref<4096xf32, #tpu.memory_space<hbm>>
    tpu.wait_dma2 semaphore(%arg28 : memref<!tpu.dma_semaphore, #tpu.memory_space<semaphore_mem>>) src(%dma_wait3A_18 : memref<4096xf32, #tpu.memory_space<hbm>>) dst(%arg23 : memref<4096xf32, #tpu.memory_space<vmem>>)
    tpu.wait_dma2 semaphore(%arg29 : memref<!tpu.dma_semaphore, #tpu.memory_space<semaphore_mem>>) src(%arg9 : memref<16xf32, #tpu.memory_space<hbm>>) dst(%arg24 : memref<16xf32, #tpu.memory_space<vmem>>)
    tpu.wait_dma2 semaphore(%arg30 : memref<!tpu.dma_semaphore, #tpu.memory_space<semaphore_mem>>) src(%arg10 : memref<16xf32, #tpu.memory_space<hbm>>) dst(%arg25 : memref<16xf32, #tpu.memory_space<vmem>>)
    tpu.wait_dma2 semaphore(%arg31 : memref<!tpu.dma_semaphore, #tpu.memory_space<semaphore_mem>>) src(%arg11 : memref<16xf32, #tpu.memory_space<hbm>>) dst(%arg26 : memref<16xf32, #tpu.memory_space<vmem>>)
    %broadcast_in_dim3A = arith.constant 0.000000e+00 : f32
    %broadcast_in_dim3A_19 = vector.broadcast %broadcast_in_dim3A : f32 to vector<16xf32>
    %swap3A = arith.constant 0 : index
    %swap3A_20 = tpu.vector_load %arg27[%swap3A] {strides = array<i32>} : memref<16xf32, #tpu.memory_space<vmem>>, vector<16xf32>,
    tpu.vector_store %arg27[%swap3A], %broadcast_in_dim3A_19 {strides = array<i32>} : memref<16xf32, #tpu.memory_space<vmem>>, vector<16xf32>,
    %iota3A = tpu.iota {dimensions = array<i32: 0>} : vector<16xi32>
    %get3A = arith.constant 0 : index
    %get3A_21 = tpu.vector_load %arg24[%get3A] {strides = array<i32>} : memref<16xf32, #tpu.memory_space<vmem>>, vector<16xf32>,
    %get3A_22 = arith.constant 0 : index
    %get3A_23 = tpu.vector_load %arg25[%get3A_22] {strides = array<i32>} : memref<16xf32, #tpu.memory_space<vmem>>, vector<16xf32>,
    %get3A_24 = arith.constant 0 : index
    %get3A_25 = tpu.vector_load %arg26[%get3A_24] {strides = array<i32>} : memref<16xf32, #tpu.memory_space<vmem>>, vector<16xf32>,
    %add3A_26 = arith.constant 0 : i32
    %add3A_27 = arith.addi %mul3A_2, %add3A_26 : i32
    %dma_start3A_28 = tpu.memref_slice %arg13[%add3A_27] : memref<16384xi32, #tpu.memory_space<vmem>> -> memref<128xi32, #tpu.memory_space<vmem>>
    %dma_start3A_29 = arith.constant 0 : i32
    %dma_start3A_30 = arith.constant 0 : i32
    %dma_start3A_31 = tpu.memref_slice %arg2[%dma_start3A_29, %dma_start3A_30] : memref<100000x128xf32, #tpu.memory_space<hbm>> -> memref<100000x128xf32, #tpu.memory_space<hbm>>
    tpu.enqueue_indirect_dma source(%dma_start3A_31 : memref<100000x128xf32, #tpu.memory_space<hbm>>) target(%arg18 : memref<128x128xf32, #tpu.memory_space<vmem>>) offsets(%dma_start3A_28 : memref<128xi32, #tpu.memory_space<vmem>>) semaphore(%arg28 : memref<!tpu.dma_semaphore, #tpu.memory_space<semaphore_mem>>)
    %add3A_32 = arith.constant 0 : i32
    %add3A_33 = arith.addi %mul3A_2, %add3A_32 : i32
    %dma_start3A_34 = arith.constant 0 : i32
    %dma_start3A_35 = tpu.memref_slice %arg3[%add3A_33, %dma_start3A_34] : memref<16384x128xf32, #tpu.memory_space<hbm>> -> memref<128x128xf32, #tpu.memory_space<hbm>>
    %dma_start3A_36 = arith.constant 0 : i32
    %dma_start3A_37 = tpu.memref_slice %arg3[%add3A_33, %dma_start3A_36] : memref<16384x128xf32, #tpu.memory_space<hbm>> -> memref<128x128xf32, #tpu.memory_space<hbm>>
    tpu.enqueue_dma source(%dma_start3A_37 : memref<128x128xf32, #tpu.memory_space<hbm>>) target(%arg20 : memref<128x128xf32, #tpu.memory_space<vmem>>) target_semaphore(%arg30 : memref<!tpu.dma_semaphore, #tpu.memory_space<semaphore_mem>>)
    %scan3A = arith.constant 0 : i32
    %scan3A_38 = arith.constant 256 : i32
    %scan3A_39 = arith.addi %scan3A, %scan3A_38 : i32
    %scan3A_40 = arith.constant 1 : i32
    scf.for %scan3A_157 = %scan3A to %scan3A_39 step %scan3A_40  : i32 {
      %mul3A_158 = arith.constant 16 : i32
      %mul3A_159 = arith.muli %scan3A_157, %mul3A_158 : i32
      %get3A_160 = arith.index_cast %mul3A_159 : i32 to index
      %get3A_161 = tpu.vector_load %arg14[%get3A_160] {strides = array<i32>} : memref<4096xi32, #tpu.memory_space<vmem>>, vector<16xi32>,
      %gather3A = tpu.vector_load_idx %arg13[%get3A_161] : memref<16384xi32, #tpu.memory_space<vmem>>[vector<16xi32>], vector<16xi32>,
      %mul3A_162 = arith.constant 16 : i32
      %mul3A_163 = arith.muli %scan3A_157, %mul3A_162 : i32
      %swap3A_164 = arith.index_cast %mul3A_163 : i32 to index
      %swap3A_165 = tpu.vector_load %arg16[%swap3A_164] {strides = array<i32>} : memref<4096xi32, #tpu.memory_space<vmem>>, vector<16xi32>,
      tpu.vector_store %arg16[%swap3A_164], %gather3A {strides = array<i32>} : memref<4096xi32, #tpu.memory_space<vmem>>, vector<16xi32>,
      %mul3A_166 = arith.constant 16 : i32
      %mul3A_167 = arith.muli %scan3A_157, %mul3A_166 : i32
      %get3A_168 = arith.index_cast %mul3A_167 : i32 to index
      %get3A_169 = tpu.vector_load %arg15[%get3A_168] {strides = array<i32>} : memref<4096xi32, #tpu.memory_space<vmem>>, vector<16xi32>,
      %gather3A_170 = tpu.vector_load_idx %arg13[%get3A_169] : memref<16384xi32, #tpu.memory_space<vmem>>[vector<16xi32>], vector<16xi32>,
      %mul3A_171 = arith.constant 16 : i32
      %mul3A_172 = arith.muli %scan3A_157, %mul3A_171 : i32
      %swap3A_173 = arith.index_cast %mul3A_172 : i32 to index
      %swap3A_174 = tpu.vector_load %arg17[%swap3A_173] {strides = array<i32>} : memref<4096xi32, #tpu.memory_space<vmem>>, vector<16xi32>,
      tpu.vector_store %arg17[%swap3A_173], %gather3A_170 {strides = array<i32>} : memref<4096xi32, #tpu.memory_space<vmem>>, vector<16xi32>,
    }
    %scan3A_41 = arith.constant 256 : i32
    %add3A_42 = arith.constant 128 : i32
    %add3A_43 = arith.addi %mul3A_2, %add3A_42 : i32
    %dma_start3A_44 = tpu.memref_slice %arg13[%add3A_43] : memref<16384xi32, #tpu.memory_space<vmem>> -> memref<128xi32, #tpu.memory_space<vmem>>
    %dma_start3A_45 = arith.constant 0 : i32
    %dma_start3A_46 = arith.constant 0 : i32
    %dma_start3A_47 = tpu.memref_slice %arg2[%dma_start3A_45, %dma_start3A_46] : memref<100000x128xf32, #tpu.memory_space<hbm>> -> memref<100000x128xf32, #tpu.memory_space<hbm>>
    tpu.enqueue_indirect_dma source(%dma_start3A_47 : memref<100000x128xf32, #tpu.memory_space<hbm>>) target(%arg19 : memref<128x128xf32, #tpu.memory_space<vmem>>) offsets(%dma_start3A_44 : memref<128xi32, #tpu.memory_space<vmem>>) semaphore(%arg29 : memref<!tpu.dma_semaphore, #tpu.memory_space<semaphore_mem>>)
    %add3A_48 = arith.constant 128 : i32
    %add3A_49 = arith.addi %mul3A_2, %add3A_48 : i32
    %dma_start3A_50 = arith.constant 0 : i32
    %dma_start3A_51 = tpu.memref_slice %arg3[%add3A_49, %dma_start3A_50] : memref<16384x128xf32, #tpu.memory_space<hbm>> -> memref<128x128xf32, #tpu.memory_space<hbm>>
    %dma_start3A_52 = arith.constant 0 : i32
    %dma_start3A_53 = tpu.memref_slice %arg3[%add3A_49, %dma_start3A_52] : memref<16384x128xf32, #tpu.memory_space<hbm>> -> memref<128x128xf32, #tpu.memory_space<hbm>>
    tpu.enqueue_dma source(%dma_start3A_53 : memref<128x128xf32, #tpu.memory_space<hbm>>) target(%arg21 : memref<128x128xf32, #tpu.memory_space<vmem>>) target_semaphore(%arg31 : memref<!tpu.dma_semaphore, #tpu.memory_space<semaphore_mem>>)
    %dma_wait3A_54 = tpu.memref_slice %arg13[%add3A_27] : memref<16384xi32, #tpu.memory_space<vmem>> -> memref<128xi32, #tpu.memory_space<vmem>>
    %dma_wait3A_55 = arith.constant 0 : i32
    %dma_wait3A_56 = arith.constant 0 : i32
    %dma_wait3A_57 = tpu.memref_slice %arg2[%dma_wait3A_55, %dma_wait3A_56] : memref<100000x128xf32, #tpu.memory_space<hbm>> -> memref<100000x128xf32, #tpu.memory_space<hbm>>
    tpu.wait_indirect_dma semaphore(%arg28 : memref<!tpu.dma_semaphore, #tpu.memory_space<semaphore_mem>>) src(%dma_wait3A_57 : memref<100000x128xf32, #tpu.memory_space<hbm>>) dst(%arg18 : memref<128x128xf32, #tpu.memory_space<vmem>>)
    %dma_wait3A_58 = arith.constant 0 : i32
    %dma_wait3A_59 = tpu.memref_slice %arg3[%add3A_33, %dma_wait3A_58] : memref<16384x128xf32, #tpu.memory_space<hbm>> -> memref<128x128xf32, #tpu.memory_space<hbm>>
    %dma_wait3A_60 = arith.constant 0 : i32
    %dma_wait3A_61 = tpu.memref_slice %arg3[%add3A_33, %dma_wait3A_60] : memref<16384x128xf32, #tpu.memory_space<hbm>> -> memref<128x128xf32, #tpu.memory_space<hbm>>
    tpu.wait_dma2 semaphore(%arg30 : memref<!tpu.dma_semaphore, #tpu.memory_space<semaphore_mem>>) src(%dma_wait3A_61 : memref<128x128xf32, #tpu.memory_space<hbm>>) dst(%arg20 : memref<128x128xf32, #tpu.memory_space<vmem>>)
    %scan3A_62 = arith.constant 0 : i32
    %scan3A_63 = arith.constant 8 : i32
    %scan3A_64 = arith.addi %scan3A_62, %scan3A_63 : i32
    %scan3A_65 = arith.constant 1 : i32
    scf.for %scan3A_157 = %scan3A_62 to %scan3A_64 step %scan3A_65  : i32 {
      %broadcast_in_dim3A_158 = arith.constant 0.000000e+00 : f32
      %broadcast_in_dim3A_159 = vector.broadcast %broadcast_in_dim3A_158 : f32 to vector<16xf32>
      %scan3A_160 = arith.constant 0 : i32
      %scan3A_161 = arith.constant 2 : i32
      %scan3A_162 = arith.addi %scan3A_160, %scan3A_161 : i32
      %scan3A_163 = arith.constant 1 : i32
      %scan3A_164 = scf.for %scan3A_180 = %scan3A_160 to %scan3A_162 step %scan3A_163 iter_args(%scan3A_181 = %broadcast_in_dim3A_159) -> (vector<16xf32>)  : i32 {
        %mul3A_182 = arith.constant 8 : i32
        %mul3A_183 = arith.muli %scan3A_180, %mul3A_182 : i32
        %add3A_184 = arith.constant 0 : i32
        %add3A_185 = arith.addi %mul3A_183, %add3A_184 : i32
        %mul3A_186 = arith.constant 16 : i32
        %mul3A_187 = arith.muli %scan3A_157, %mul3A_186 : i32
        %add3A_188 = arith.addi %mul3A_187, %add3A_185 : i32
        %broadcast_in_dim3A_189 = arith.constant 0.000000e+00 : f32
        %broadcast_in_dim3A_190 = vector.broadcast %broadcast_in_dim3A_189 : f32 to vector<16xf32>
        %get3A_191 = arith.index_cast %add3A_188 : i32 to index
        %get3A_192 = arith.constant 0 : index
        %get3A_193 = tpu.vector_load %arg18[%get3A_191, %get3A_192] {strides = array<i32>} : memref<128x128xf32, #tpu.memory_space<vmem>>, vector<16xf32>,
        %get3A_194 = arith.index_cast %add3A_188 : i32 to index
        %get3A_195 = arith.constant 0 : index
        %get3A_196 = tpu.vector_load %arg20[%get3A_194, %get3A_195] {strides = array<i32>} : memref<128x128xf32, #tpu.memory_space<vmem>>, vector<16xf32>,
        %sub3A = arith.subf %get3A_193, %get3A_196 : vector<16xf32>
        %mul3A_197 = arith.mulf %sub3A, %sub3A : vector<16xf32>
        %add3A_198 = arith.addf %broadcast_in_dim3A_190, %mul3A_197 : vector<16xf32>
        %get3A_199 = arith.index_cast %add3A_188 : i32 to index
        %get3A_200 = arith.constant 16 : index
        %get3A_201 = tpu.vector_load %arg18[%get3A_199, %get3A_200] {strides = array<i32>} : memref<128x128xf32, #tpu.memory_space<vmem>>, vector<16xf32>,
        %get3A_202 = arith.index_cast %add3A_188 : i32 to index
        %get3A_203 = arith.constant 16 : index
        %get3A_204 = tpu.vector_load %arg20[%get3A_202, %get3A_203] {strides = array<i32>} : memref<128x128xf32, #tpu.memory_space<vmem>>, vector<16xf32>,
        %sub3A_205 = arith.subf %get3A_201, %get3A_204 : vector<16xf32>
        %mul3A_206 = arith.mulf %sub3A_205, %sub3A_205 : vector<16xf32>
        %add3A_207 = arith.addf %add3A_198, %mul3A_206 : vector<16xf32>
        %get3A_208 = arith.index_cast %add3A_188 : i32 to index
        %get3A_209 = arith.constant 32 : index
        %get3A_210 = tpu.vector_load %arg18[%get3A_208, %get3A_209] {strides = array<i32>} : memref<128x128xf32, #tpu.memory_space<vmem>>, vector<16xf32>,
        %get3A_211 = arith.index_cast %add3A_188 : i32 to index
        %get3A_212 = arith.constant 32 : index
        %get3A_213 = tpu.vector_load %arg20[%get3A_211, %get3A_212] {strides = array<i32>} : memref<128x128xf32, #tpu.memory_space<vmem>>, vector<16xf32>,
        %sub3A_214 = arith.subf %get3A_210, %get3A_213 : vector<16xf32>
        %mul3A_215 = arith.mulf %sub3A_214, %sub3A_214 : vector<16xf32>
        %add3A_216 = arith.addf %add3A_207, %mul3A_215 : vector<16xf32>
        %get3A_217 = arith.index_cast %add3A_188 : i32 to index
        %get3A_218 = arith.constant 48 : index
        %get3A_219 = tpu.vector_load %arg18[%get3A_217, %get3A_218] {strides = array<i32>} : memref<128x128xf32, #tpu.memory_space<vmem>>, vector<16xf32>,
        %get3A_220 = arith.index_cast %add3A_188 : i32 to index
        %get3A_221 = arith.constant 48 : index
        %get3A_222 = tpu.vector_load %arg20[%get3A_220, %get3A_221] {strides = array<i32>} : memref<128x128xf32, #tpu.memory_space<vmem>>, vector<16xf32>,
        %sub3A_223 = arith.subf %get3A_219, %get3A_222 : vector<16xf32>
        %mul3A_224 = arith.mulf %sub3A_223, %sub3A_223 : vector<16xf32>
        %add3A_225 = arith.addf %add3A_216, %mul3A_224 : vector<16xf32>
        %get3A_226 = arith.index_cast %add3A_188 : i32 to index
        %get3A_227 = arith.constant 64 : index
        %get3A_228 = tpu.vector_load %arg18[%get3A_226, %get3A_227] {strides = array<i32>} : memref<128x128xf32, #tpu.memory_space<vmem>>, vector<16xf32>,
        %get3A_229 = arith.index_cast %add3A_188 : i32 to index
        %get3A_230 = arith.constant 64 : index
        %get3A_231 = tpu.vector_load %arg20[%get3A_229, %get3A_230] {strides = array<i32>} : memref<128x128xf32, #tpu.memory_space<vmem>>, vector<16xf32>,
        %sub3A_232 = arith.subf %get3A_228, %get3A_231 : vector<16xf32>
        %mul3A_233 = arith.mulf %sub3A_232, %sub3A_232 : vector<16xf32>
        %add3A_234 = arith.addf %add3A_225, %mul3A_233 : vector<16xf32>
        %get3A_235 = arith.index_cast %add3A_188 : i32 to index
        %get3A_236 = arith.constant 80 : index
        %get3A_237 = tpu.vector_load %arg18[%get3A_235, %get3A_236] {strides = array<i32>} : memref<128x128xf32, #tpu.memory_space<vmem>>, vector<16xf32>,
        %get3A_238 = arith.index_cast %add3A_188 : i32 to index
        %get3A_239 = arith.constant 80 : index
        %get3A_240 = tpu.vector_load %arg20[%get3A_238, %get3A_239] {strides = array<i32>} : memref<128x128xf32, #tpu.memory_space<vmem>>, vector<16xf32>,
        %sub3A_241 = arith.subf %get3A_237, %get3A_240 : vector<16xf32>
        %mul3A_242 = arith.mulf %sub3A_241, %sub3A_241 : vector<16xf32>
        %add3A_243 = arith.addf %add3A_234, %mul3A_242 : vector<16xf32>
        %get3A_244 = arith.index_cast %add3A_188 : i32 to index
        %get3A_245 = arith.constant 96 : index
        %get3A_246 = tpu.vector_load %arg18[%get3A_244, %get3A_245] {strides = array<i32>} : memref<128x128xf32, #tpu.memory_space<vmem>>, vector<16xf32>,
        %get3A_247 = arith.index_cast %add3A_188 : i32 to index
        %get3A_248 = arith.constant 96 : index
        %get3A_249 = tpu.vector_load %arg20[%get3A_247, %get3A_248] {strides = array<i32>} : memref<128x128xf32, #tpu.memory_space<vmem>>, vector<16xf32>,
        %sub3A_250 = arith.subf %get3A_246, %get3A_249 : vector<16xf32>
        %mul3A_251 = arith.mulf %sub3A_250, %sub3A_250 : vector<16xf32>
        %add3A_252 = arith.addf %add3A_243, %mul3A_251 : vector<16xf32>
        %get3A_253 = arith.index_cast %add3A_188 : i32 to index
        %get3A_254 = arith.constant 112 : index
        %get3A_255 = tpu.vector_load %arg18[%get3A_253, %get3A_254] {strides = array<i32>} : memref<128x128xf32, #tpu.memory_space<vmem>>, vector<16xf32>,
        %get3A_256 = arith.index_cast %add3A_188 : i32 to index
        %get3A_257 = arith.constant 112 : index
        %get3A_258 = tpu.vector_load %arg20[%get3A_256, %get3A_257] {strides = array<i32>} : memref<128x128xf32, #tpu.memory_space<vmem>>, vector<16xf32>,
        %sub3A_259 = arith.subf %get3A_255, %get3A_258 : vector<16xf32>
        %mul3A_260 = arith.mulf %sub3A_259, %sub3A_259 : vector<16xf32>
        %add3A_261 = arith.addf %add3A_252, %mul3A_260 : vector<16xf32>
        %eq3A = vector.broadcast %add3A_185 : i32 to vector<16xi32>
        %eq3A_262 = arith.cmpi eq, %iota3A, %eq3A : vector<16xi32>
        %reduce_sum3A = arith.constant true
        %reduce_sum3A_263 = vector.broadcast %reduce_sum3A : i1 to vector<16xi1>
        %reduce_sum3A_264 = tpu.scan <sum>, %add3A_261 masked %reduce_sum3A_263 : vector<16xf32>, vector<16xi1> -> vector<16xf32>
        %reduce_sum3A_265 = vector.extract %reduce_sum3A_264[15] : f32 from vector<16xf32>
        %jit3A = arith.constant 0.000000e+00 : f32
        %broadcast_in_dim3A_266 = vector.broadcast %reduce_sum3A_265 : f32 to vector<16xf32>
        %broadcast_in_dim3A_267 = vector.broadcast %jit3A : f32 to vector<16xf32>
        %select_n3A = arith.select %eq3A_262, %broadcast_in_dim3A_266, %broadcast_in_dim3A_267 : vector<16xi1>, vector<16xf32>
        %add3A_268 = arith.addf %scan3A_181, %select_n3A : vector<16xf32>
        %mul3A_269 = arith.constant 8 : i32
        %mul3A_270 = arith.muli %scan3A_180, %mul3A_269 : i32
        %add3A_271 = arith.constant 1 : i32
        %add3A_272 = arith.addi %mul3A_270, %add3A_271 : i32
        %mul3A_273 = arith.constant 16 : i32
        %mul3A_274 = arith.muli %scan3A_157, %mul3A_273 : i32
        %add3A_275 = arith.addi %mul3A_274, %add3A_272 : i32
        %broadcast_in_dim3A_276 = arith.constant 0.000000e+00 : f32
        %broadcast_in_dim3A_277 = vector.broadcast %broadcast_in_dim3A_276 : f32 to vector<16xf32>
        %get3A_278 = arith.index_cast %add3A_275 : i32 to index
        %get3A_279 = arith.constant 0 : index
        %get3A_280 = tpu.vector_load %arg18[%get3A_278, %get3A_279] {strides = array<i32>} : memref<128x128xf32, #tpu.memory_space<vmem>>, vector<16xf32>,
        %get3A_281 = arith.index_cast %add3A_275 : i32 to index
        %get3A_282 = arith.constant 0 : index
        %get3A_283 = tpu.vector_load %arg20[%get3A_281, %get3A_282] {strides = array<i32>} : memref<128x128xf32, #tpu.memory_space<vmem>>, vector<16xf32>,
        %sub3A_284 = arith.subf %get3A_280, %get3A_283 : vector<16xf32>
        %mul3A_285 = arith.mulf %sub3A_284, %sub3A_284 : vector<16xf32>
        %add3A_286 = arith.addf %broadcast_in_dim3A_277, %mul3A_285 : vector<16xf32>
        %get3A_287 = arith.index_cast %add3A_275 : i32 to index
        %get3A_288 = arith.constant 16 : index
        %get3A_289 = tpu.vector_load %arg18[%get3A_287, %get3A_288] {strides = array<i32>} : memref<128x128xf32, #tpu.memory_space<vmem>>, vector<16xf32>,
        %get3A_290 = arith.index_cast %add3A_275 : i32 to index
        %get3A_291 = arith.constant 16 : index
        %get3A_292 = tpu.vector_load %arg20[%get3A_290, %get3A_291] {strides = array<i32>} : memref<128x128xf32, #tpu.memory_space<vmem>>, vector<16xf32>,
        %sub3A_293 = arith.subf %get3A_289, %get3A_292 : vector<16xf32>
        %mul3A_294 = arith.mulf %sub3A_293, %sub3A_293 : vector<16xf32>
        %add3A_295 = arith.addf %add3A_286, %mul3A_294 : vector<16xf32>
        %get3A_296 = arith.index_cast %add3A_275 : i32 to index
        %get3A_297 = arith.constant 32 : index
        %get3A_298 = tpu.vector_load %arg18[%get3A_296, %get3A_297] {strides = array<i32>} : memref<128x128xf32, #tpu.memory_space<vmem>>, vector<16xf32>,
        %get3A_299 = arith.index_cast %add3A_275 : i32 to index
        %get3A_300 = arith.constant 32 : index
        %get3A_301 = tpu.vector_load %arg20[%get3A_299, %get3A_300] {strides = array<i32>} : memref<128x128xf32, #tpu.memory_space<vmem>>, vector<16xf32>,
        %sub3A_302 = arith.subf %get3A_298, %get3A_301 : vector<16xf32>
        %mul3A_303 = arith.mulf %sub3A_302, %sub3A_302 : vector<16xf32>
        %add3A_304 = arith.addf %add3A_295, %mul3A_303 : vector<16xf32>
        %get3A_305 = arith.index_cast %add3A_275 : i32 to index
        %get3A_306 = arith.constant 48 : index
        %get3A_307 = tpu.vector_load %arg18[%get3A_305, %get3A_306] {strides = array<i32>} : memref<128x128xf32, #tpu.memory_space<vmem>>, vector<16xf32>,
        %get3A_308 = arith.index_cast %add3A_275 : i32 to index
        %get3A_309 = arith.constant 48 : index
        %get3A_310 = tpu.vector_load %arg20[%get3A_308, %get3A_309] {strides = array<i32>} : memref<128x128xf32, #tpu.memory_space<vmem>>, vector<16xf32>,
        %sub3A_311 = arith.subf %get3A_307, %get3A_310 : vector<16xf32>
        %mul3A_312 = arith.mulf %sub3A_311, %sub3A_311 : vector<16xf32>
        %add3A_313 = arith.addf %add3A_304, %mul3A_312 : vector<16xf32>
        %get3A_314 = arith.index_cast %add3A_275 : i32 to index
        %get3A_315 = arith.constant 64 : index
        %get3A_316 = tpu.vector_load %arg18[%get3A_314, %get3A_315] {strides = array<i32>} : memref<128x128xf32, #tpu.memory_space<vmem>>, vector<16xf32>,
        %get3A_317 = arith.index_cast %add3A_275 : i32 to index
        %get3A_318 = arith.constant 64 : index
        %get3A_319 = tpu.vector_load %arg20[%get3A_317, %get3A_318] {strides = array<i32>} : memref<128x128xf32, #tpu.memory_space<vmem>>, vector<16xf32>,
        %sub3A_320 = arith.subf %get3A_316, %get3A_319 : vector<16xf32>
        %mul3A_321 = arith.mulf %sub3A_320, %sub3A_320 : vector<16xf32>
        %add3A_322 = arith.addf %add3A_313, %mul3A_321 : vector<16xf32>
        %get3A_323 = arith.index_cast %add3A_275 : i32 to index
        %get3A_324 = arith.constant 80 : index
        %get3A_325 = tpu.vector_load %arg18[%get3A_323, %get3A_324] {strides = array<i32>} : memref<128x128xf32, #tpu.memory_space<vmem>>, vector<16xf32>,
        %get3A_326 = arith.index_cast %add3A_275 : i32 to index
        %get3A_327 = arith.constant 80 : index
        %get3A_328 = tpu.vector_load %arg20[%get3A_326, %get3A_327] {strides = array<i32>} : memref<128x128xf32, #tpu.memory_space<vmem>>, vector<16xf32>,
        %sub3A_329 = arith.subf %get3A_325, %get3A_328 : vector<16xf32>
        %mul3A_330 = arith.mulf %sub3A_329, %sub3A_329 : vector<16xf32>
        %add3A_331 = arith.addf %add3A_322, %mul3A_330 : vector<16xf32>
        %get3A_332 = arith.index_cast %add3A_275 : i32 to index
        %get3A_333 = arith.constant 96 : index
        %get3A_334 = tpu.vector_load %arg18[%get3A_332, %get3A_333] {strides = array<i32>} : memref<128x128xf32, #tpu.memory_space<vmem>>, vector<16xf32>,
        %get3A_335 = arith.index_cast %add3A_275 : i32 to index
        %get3A_336 = arith.constant 96 : index
        %get3A_337 = tpu.vector_load %arg20[%get3A_335, %get3A_336] {strides = array<i32>} : memref<128x128xf32, #tpu.memory_space<vmem>>, vector<16xf32>,
        %sub3A_338 = arith.subf %get3A_334, %get3A_337 : vector<16xf32>
        %mul3A_339 = arith.mulf %sub3A_338, %sub3A_338 : vector<16xf32>
        %add3A_340 = arith.addf %add3A_331, %mul3A_339 : vector<16xf32>
        %get3A_341 = arith.index_cast %add3A_275 : i32 to index
        %get3A_342 = arith.constant 112 : index
        %get3A_343 = tpu.vector_load %arg18[%get3A_341, %get3A_342] {strides = array<i32>} : memref<128x128xf32, #tpu.memory_space<vmem>>, vector<16xf32>,
        %get3A_344 = arith.index_cast %add3A_275 : i32 to index
        %get3A_345 = arith.constant 112 : index
        %get3A_346 = tpu.vector_load %arg20[%get3A_344, %get3A_345] {strides = array<i32>} : memref<128x128xf32, #tpu.memory_space<vmem>>, vector<16xf32>,
        %sub3A_347 = arith.subf %get3A_343, %get3A_346 : vector<16xf32>
        %mul3A_348 = arith.mulf %sub3A_347, %sub3A_347 : vector<16xf32>
        %add3A_349 = arith.addf %add3A_340, %mul3A_348 : vector<16xf32>
        %eq3A_350 = vector.broadcast %add3A_272 : i32 to vector<16xi32>
        %eq3A_351 = arith.cmpi eq, %iota3A, %eq3A_350 : vector<16xi32>
        %reduce_sum3A_352 = arith.constant true
        %reduce_sum3A_353 = vector.broadcast %reduce_sum3A_352 : i1 to vector<16xi1>
        %reduce_sum3A_354 = tpu.scan <sum>, %add3A_349 masked %reduce_sum3A_353 : vector<16xf32>, vector<16xi1> -> vector<16xf32>
        %reduce_sum3A_355 = vector.extract %reduce_sum3A_354[15] : f32 from vector<16xf32>
        %jit3A_356 = arith.constant 0.000000e+00 : f32
        %broadcast_in_dim3A_357 = vector.broadcast %reduce_sum3A_355 : f32 to vector<16xf32>
        %broadcast_in_dim3A_358 = vector.broadcast %jit3A_356 : f32 to vector<16xf32>
        %select_n3A_359 = arith.select %eq3A_351, %broadcast_in_dim3A_357, %broadcast_in_dim3A_358 : vector<16xi1>, vector<16xf32>
        %add3A_360 = arith.addf %add3A_268, %select_n3A_359 : vector<16xf32>
        %mul3A_361 = arith.constant 8 : i32
        %mul3A_362 = arith.muli %scan3A_180, %mul3A_361 : i32
        %add3A_363 = arith.constant 2 : i32
        %add3A_364 = arith.addi %mul3A_362, %add3A_363 : i32
        %mul3A_365 = arith.constant 16 : i32
        %mul3A_366 = arith.muli %scan3A_157, %mul3A_365 : i32
        %add3A_367 = arith.addi %mul3A_366, %add3A_364 : i32
        %broadcast_in_dim3A_368 = arith.constant 0.000000e+00 : f32
        %broadcast_in_dim3A_369 = vector.broadcast %broadcast_in_dim3A_368 : f32 to vector<16xf32>
        %get3A_370 = arith.index_cast %add3A_367 : i32 to index
        %get3A_371 = arith.constant 0 : index
        %get3A_372 = tpu.vector_load %arg18[%get3A_370, %get3A_371] {strides = array<i32>} : memref<128x128xf32, #tpu.memory_space<vmem>>, vector<16xf32>,
        %get3A_373 = arith.index_cast %add3A_367 : i32 to index
        %get3A_374 = arith.constant 0 : index
        %get3A_375 = tpu.vector_load %arg20[%get3A_373, %get3A_374] {strides = array<i32>} : memref<128x128xf32, #tpu.memory_space<vmem>>, vector<16xf32>,
        %sub3A_376 = arith.subf %get3A_372, %get3A_375 : vector<16xf32>
        %mul3A_377 = arith.mulf %sub3A_376, %sub3A_376 : vector<16xf32>
        %add3A_378 = arith.addf %broadcast_in_dim3A_369, %mul3A_377 : vector<16xf32>
        %get3A_379 = arith.index_cast %add3A_367 : i32 to index
        %get3A_380 = arith.constant 16 : index
        %get3A_381 = tpu.vector_load %arg18[%get3A_379, %get3A_380] {strides = array<i32>} : memref<128x128xf32, #tpu.memory_space<vmem>>, vector<16xf32>,
        %get3A_382 = arith.index_cast %add3A_367 : i32 to index
        %get3A_383 = arith.constant 16 : index
        %get3A_384 = tpu.vector_load %arg20[%get3A_382, %get3A_383] {strides = array<i32>} : memref<128x128xf32, #tpu.memory_space<vmem>>, vector<16xf32>,
        %sub3A_385 = arith.subf %get3A_381, %get3A_384 : vector<16xf32>
        %mul3A_386 = arith.mulf %sub3A_385, %sub3A_385 : vector<16xf32>
        %add3A_387 = arith.addf %add3A_378, %mul3A_386 : vector<16xf32>
        %get3A_388 = arith.index_cast %add3A_367 : i32 to index
        %get3A_389 = arith.constant 32 : index
        %get3A_390 = tpu.vector_load %arg18[%get3A_388, %get3A_389] {strides = array<i32>} : memref<128x128xf32, #tpu.memory_space<vmem>>, vector<16xf32>,
        %get3A_391 = arith.index_cast %add3A_367 : i32 to index
        %get3A_392 = arith.constant 32 : index
        %get3A_393 = tpu.vector_load %arg20[%get3A_391, %get3A_392] {strides = array<i32>} : memref<128x128xf32, #tpu.memory_space<vmem>>, vector<16xf32>,
        %sub3A_394 = arith.subf %get3A_390, %get3A_393 : vector<16xf32>
        %mul3A_395 = arith.mulf %sub3A_394, %sub3A_394 : vector<16xf32>
        %add3A_396 = arith.addf %add3A_387, %mul3A_395 : vector<16xf32>
        %get3A_397 = arith.index_cast %add3A_367 : i32 to index
        %get3A_398 = arith.constant 48 : index
        %get3A_399 = tpu.vector_load %arg18[%get3A_397, %get3A_398] {strides = array<i32>} : memref<128x128xf32, #tpu.memory_space<vmem>>, vector<16xf32>,
        %get3A_400 = arith.index_cast %add3A_367 : i32 to index
        %get3A_401 = arith.constant 48 : index
        %get3A_402 = tpu.vector_load %arg20[%get3A_400, %get3A_401] {strides = array<i32>} : memref<128x128xf32, #tpu.memory_space<vmem>>, vector<16xf32>,
        %sub3A_403 = arith.subf %get3A_399, %get3A_402 : vector<16xf32>
        %mul3A_404 = arith.mulf %sub3A_403, %sub3A_403 : vector<16xf32>
        %add3A_405 = arith.addf %add3A_396, %mul3A_404 : vector<16xf32>
        %get3A_406 = arith.index_cast %add3A_367 : i32 to index
        %get3A_407 = arith.constant 64 : index
        %get3A_408 = tpu.vector_load %arg18[%get3A_406, %get3A_407] {strides = array<i32>} : memref<128x128xf32, #tpu.memory_space<vmem>>, vector<16xf32>,
        %get3A_409 = arith.index_cast %add3A_367 : i32 to index
        %get3A_410 = arith.constant 64 : index
        %get3A_411 = tpu.vector_load %arg20[%get3A_409, %get3A_410] {strides = array<i32>} : memref<128x128xf32, #tpu.memory_space<vmem>>, vector<16xf32>,
        %sub3A_412 = arith.subf %get3A_408, %get3A_411 : vector<16xf32>
        %mul3A_413 = arith.mulf %sub3A_412, %sub3A_412 : vector<16xf32>
        %add3A_414 = arith.addf %add3A_405, %mul3A_413 : vector<16xf32>
        %get3A_415 = arith.index_cast %add3A_367 : i32 to index
        %get3A_416 = arith.constant 80 : index
        %get3A_417 = tpu.vector_load %arg18[%get3A_415, %get3A_416] {strides = array<i32>} : memref<128x128xf32, #tpu.memory_space<vmem>>, vector<16xf32>,
        %get3A_418 = arith.index_cast %add3A_367 : i32 to index
        %get3A_419 = arith.constant 80 : index
        %get3A_420 = tpu.vector_load %arg20[%get3A_418, %get3A_419] {strides = array<i32>} : memref<128x128xf32, #tpu.memory_space<vmem>>, vector<16xf32>,
        %sub3A_421 = arith.subf %get3A_417, %get3A_420 : vector<16xf32>
        %mul3A_422 = arith.mulf %sub3A_421, %sub3A_421 : vector<16xf32>
        %add3A_423 = arith.addf %add3A_414, %mul3A_422 : vector<16xf32>
        %get3A_424 = arith.index_cast %add3A_367 : i32 to index
        %get3A_425 = arith.constant 96 : index
        %get3A_426 = tpu.vector_load %arg18[%get3A_424, %get3A_425] {strides = array<i32>} : memref<128x128xf32, #tpu.memory_space<vmem>>, vector<16xf32>,
        %get3A_427 = arith.index_cast %add3A_367 : i32 to index
        %get3A_428 = arith.constant 96 : index
        %get3A_429 = tpu.vector_load %arg20[%get3A_427, %get3A_428] {strides = array<i32>} : memref<128x128xf32, #tpu.memory_space<vmem>>, vector<16xf32>,
        %sub3A_430 = arith.subf %get3A_426, %get3A_429 : vector<16xf32>
        %mul3A_431 = arith.mulf %sub3A_430, %sub3A_430 : vector<16xf32>
        %add3A_432 = arith.addf %add3A_423, %mul3A_431 : vector<16xf32>
        %get3A_433 = arith.index_cast %add3A_367 : i32 to index
        %get3A_434 = arith.constant 112 : index
        %get3A_435 = tpu.vector_load %arg18[%get3A_433, %get3A_434] {strides = array<i32>} : memref<128x128xf32, #tpu.memory_space<vmem>>, vector<16xf32>,
        %get3A_436 = arith.index_cast %add3A_367 : i32 to index
        %get3A_437 = arith.constant 112 : index
        %get3A_438 = tpu.vector_load %arg20[%get3A_436, %get3A_437] {strides = array<i32>} : memref<128x128xf32, #tpu.memory_space<vmem>>, vector<16xf32>,
        %sub3A_439 = arith.subf %get3A_435, %get3A_438 : vector<16xf32>
        %mul3A_440 = arith.mulf %sub3A_439, %sub3A_439 : vector<16xf32>
        %add3A_441 = arith.addf %add3A_432, %mul3A_440 : vector<16xf32>
        %eq3A_442 = vector.broadcast %add3A_364 : i32 to vector<16xi32>
        %eq3A_443 = arith.cmpi eq, %iota3A, %eq3A_442 : vector<16xi32>
        %reduce_sum3A_444 = arith.constant true
        %reduce_sum3A_445 = vector.broadcast %reduce_sum3A_444 : i1 to vector<16xi1>
        %reduce_sum3A_446 = tpu.scan <sum>, %add3A_441 masked %reduce_sum3A_445 : vector<16xf32>, vector<16xi1> -> vector<16xf32>
        %reduce_sum3A_447 = vector.extract %reduce_sum3A_446[15] : f32 from vector<16xf32>
        %jit3A_448 = arith.constant 0.000000e+00 : f32
        %broadcast_in_dim3A_449 = vector.broadcast %reduce_sum3A_447 : f32 to vector<16xf32>
        %broadcast_in_dim3A_450 = vector.broadcast %jit3A_448 : f32 to vector<16xf32>
        %select_n3A_451 = arith.select %eq3A_443, %broadcast_in_dim3A_449, %broadcast_in_dim3A_450 : vector<16xi1>, vector<16xf32>
        %add3A_452 = arith.addf %add3A_360, %select_n3A_451 : vector<16xf32>
        %mul3A_453 = arith.constant 8 : i32
        %mul3A_454 = arith.muli %scan3A_180, %mul3A_453 : i32
        %add3A_455 = arith.constant 3 : i32
        %add3A_456 = arith.addi %mul3A_454, %add3A_455 : i32
        %mul3A_457 = arith.constant 16 : i32
        %mul3A_458 = arith.muli %scan3A_157, %mul3A_457 : i32
        %add3A_459 = arith.addi %mul3A_458, %add3A_456 : i32
        %broadcast_in_dim3A_460 = arith.constant 0.000000e+00 : f32
        %broadcast_in_dim3A_461 = vector.broadcast %broadcast_in_dim3A_460 : f32 to vector<16xf32>
        %get3A_462 = arith.index_cast %add3A_459 : i32 to index
        %get3A_463 = arith.constant 0 : index
        %get3A_464 = tpu.vector_load %arg18[%get3A_462, %get3A_463] {strides = array<i32>} : memref<128x128xf32, #tpu.memory_space<vmem>>, vector<16xf32>,
        %get3A_465 = arith.index_cast %add3A_459 : i32 to index
        %get3A_466 = arith.constant 0 : index
        %get3A_467 = tpu.vector_load %arg20[%get3A_465, %get3A_466] {strides = array<i32>} : memref<128x128xf32, #tpu.memory_space<vmem>>, vector<16xf32>,
        %sub3A_468 = arith.subf %get3A_464, %get3A_467 : vector<16xf32>
        %mul3A_469 = arith.mulf %sub3A_468, %sub3A_468 : vector<16xf32>
        %add3A_470 = arith.addf %broadcast_in_dim3A_461, %mul3A_469 : vector<16xf32>
        %get3A_471 = arith.index_cast %add3A_459 : i32 to index
        %get3A_472 = arith.constant 16 : index
        %get3A_473 = tpu.vector_load %arg18[%get3A_471, %get3A_472] {strides = array<i32>} : memref<128x128xf32, #tpu.memory_space<vmem>>, vector<16xf32>,
        %get3A_474 = arith.index_cast %add3A_459 : i32 to index
        %get3A_475 = arith.constant 16 : index
        %get3A_476 = tpu.vector_load %arg20[%get3A_474, %get3A_475] {strides = array<i32>} : memref<128x128xf32, #tpu.memory_space<vmem>>, vector<16xf32>,
        %sub3A_477 = arith.subf %get3A_473, %get3A_476 : vector<16xf32>
        %mul3A_478 = arith.mulf %sub3A_477, %sub3A_477 : vector<16xf32>
        %add3A_479 = arith.addf %add3A_470, %mul3A_478 : vector<16xf32>
        %get3A_480 = arith.index_cast %add3A_459 : i32 to index
        %get3A_481 = arith.constant 32 : index
        %get3A_482 = tpu.vector_load %arg18[%get3A_480, %get3A_481] {strides = array<i32>} : memref<128x128xf32, #tpu.memory_space<vmem>>, vector<16xf32>,
        %get3A_483 = arith.index_cast %add3A_459 : i32 to index
        %get3A_484 = arith.constant 32 : index
        %get3A_485 = tpu.vector_load %arg20[%get3A_483, %get3A_484] {strides = array<i32>} : memref<128x128xf32, #tpu.memory_space<vmem>>, vector<16xf32>,
        %sub3A_486 = arith.subf %get3A_482, %get3A_485 : vector<16xf32>
        %mul3A_487 = arith.mulf %sub3A_486, %sub3A_486 : vector<16xf32>
        %add3A_488 = arith.addf %add3A_479, %mul3A_487 : vector<16xf32>
        %get3A_489 = arith.index_cast %add3A_459 : i32 to index
        %get3A_490 = arith.constant 48 : index
        %get3A_491 = tpu.vector_load %arg18[%get3A_489, %get3A_490] {strides = array<i32>} : memref<128x128xf32, #tpu.memory_space<vmem>>, vector<16xf32>,
        %get3A_492 = arith.index_cast %add3A_459 : i32 to index
        %get3A_493 = arith.constant 48 : index
        %get3A_494 = tpu.vector_load %arg20[%get3A_492, %get3A_493] {strides = array<i32>} : memref<128x128xf32, #tpu.memory_space<vmem>>, vector<16xf32>,
        %sub3A_495 = arith.subf %get3A_491, %get3A_494 : vector<16xf32>
        %mul3A_496 = arith.mulf %sub3A_495, %sub3A_495 : vector<16xf32>
        %add3A_497 = arith.addf %add3A_488, %mul3A_496 : vector<16xf32>
        %get3A_498 = arith.index_cast %add3A_459 : i32 to index
        %get3A_499 = arith.constant 64 : index
        %get3A_500 = tpu.vector_load %arg18[%get3A_498, %get3A_499] {strides = array<i32>} : memref<128x128xf32, #tpu.memory_space<vmem>>, vector<16xf32>,
        %get3A_501 = arith.index_cast %add3A_459 : i32 to index
        %get3A_502 = arith.constant 64 : index
        %get3A_503 = tpu.vector_load %arg20[%get3A_501, %get3A_502] {strides = array<i32>} : memref<128x128xf32, #tpu.memory_space<vmem>>, vector<16xf32>,
        %sub3A_504 = arith.subf %get3A_500, %get3A_503 : vector<16xf32>
        %mul3A_505 = arith.mulf %sub3A_504, %sub3A_504 : vector<16xf32>
        %add3A_506 = arith.addf %add3A_497, %mul3A_505 : vector<16xf32>
        %get3A_507 = arith.index_cast %add3A_459 : i32 to index
        %get3A_508 = arith.constant 80 : index
        %get3A_509 = tpu.vector_load %arg18[%get3A_507, %get3A_508] {strides = array<i32>} : memref<128x128xf32, #tpu.memory_space<vmem>>, vector<16xf32>,
        %get3A_510 = arith.index_cast %add3A_459 : i32 to index
        %get3A_511 = arith.constant 80 : index
        %get3A_512 = tpu.vector_load %arg20[%get3A_510, %get3A_511] {strides = array<i32>} : memref<128x128xf32, #tpu.memory_space<vmem>>, vector<16xf32>,
        %sub3A_513 = arith.subf %get3A_509, %get3A_512 : vector<16xf32>
        %mul3A_514 = arith.mulf %sub3A_513, %sub3A_513 : vector<16xf32>
        %add3A_515 = arith.addf %add3A_506, %mul3A_514 : vector<16xf32>
        %get3A_516 = arith.index_cast %add3A_459 : i32 to index
        %get3A_517 = arith.constant 96 : index
        %get3A_518 = tpu.vector_load %arg18[%get3A_516, %get3A_517] {strides = array<i32>} : memref<128x128xf32, #tpu.memory_space<vmem>>, vector<16xf32>,
        %get3A_519 = arith.index_cast %add3A_459 : i32 to index
        %get3A_520 = arith.constant 96 : index
        %get3A_521 = tpu.vector_load %arg20[%get3A_519, %get3A_520] {strides = array<i32>} : memref<128x128xf32, #tpu.memory_space<vmem>>, vector<16xf32>,
        %sub3A_522 = arith.subf %get3A_518, %get3A_521 : vector<16xf32>
        %mul3A_523 = arith.mulf %sub3A_522, %sub3A_522 : vector<16xf32>
        %add3A_524 = arith.addf %add3A_515, %mul3A_523 : vector<16xf32>
        %get3A_525 = arith.index_cast %add3A_459 : i32 to index
        %get3A_526 = arith.constant 112 : index
        %get3A_527 = tpu.vector_load %arg18[%get3A_525, %get3A_526] {strides = array<i32>} : memref<128x128xf32, #tpu.memory_space<vmem>>, vector<16xf32>,
        %get3A_528 = arith.index_cast %add3A_459 : i32 to index
        %get3A_529 = arith.constant 112 : index
        %get3A_530 = tpu.vector_load %arg20[%get3A_528, %get3A_529] {strides = array<i32>} : memref<128x128xf32, #tpu.memory_space<vmem>>, vector<16xf32>,
        %sub3A_531 = arith.subf %get3A_527, %get3A_530 : vector<16xf32>
        %mul3A_532 = arith.mulf %sub3A_531, %sub3A_531 : vector<16xf32>
        %add3A_533 = arith.addf %add3A_524, %mul3A_532 : vector<16xf32>
        %eq3A_534 = vector.broadcast %add3A_456 : i32 to vector<16xi32>
        %eq3A_535 = arith.cmpi eq, %iota3A, %eq3A_534 : vector<16xi32>
        %reduce_sum3A_536 = arith.constant true
        %reduce_sum3A_537 = vector.broadcast %reduce_sum3A_536 : i1 to vector<16xi1>
        %reduce_sum3A_538 = tpu.scan <sum>, %add3A_533 masked %reduce_sum3A_537 : vector<16xf32>, vector<16xi1> -> vector<16xf32>
        %reduce_sum3A_539 = vector.extract %reduce_sum3A_538[15] : f32 from vector<16xf32>
        %jit3A_540 = arith.constant 0.000000e+00 : f32
        %broadcast_in_dim3A_541 = vector.broadcast %reduce_sum3A_539 : f32 to vector<16xf32>
        %broadcast_in_dim3A_542 = vector.broadcast %jit3A_540 : f32 to vector<16xf32>
        %select_n3A_543 = arith.select %eq3A_535, %broadcast_in_dim3A_541, %broadcast_in_dim3A_542 : vector<16xi1>, vector<16xf32>
        %add3A_544 = arith.addf %add3A_452, %select_n3A_543 : vector<16xf32>
        %mul3A_545 = arith.constant 8 : i32
        %mul3A_546 = arith.muli %scan3A_180, %mul3A_545 : i32
        %add3A_547 = arith.constant 4 : i32
        %add3A_548 = arith.addi %mul3A_546, %add3A_547 : i32
        %mul3A_549 = arith.constant 16 : i32
        %mul3A_550 = arith.muli %scan3A_157, %mul3A_549 : i32
        %add3A_551 = arith.addi %mul3A_550, %add3A_548 : i32
        %broadcast_in_dim3A_552 = arith.constant 0.000000e+00 : f32
        %broadcast_in_dim3A_553 = vector.broadcast %broadcast_in_dim3A_552 : f32 to vector<16xf32>
        %get3A_554 = arith.index_cast %add3A_551 : i32 to index
        %get3A_555 = arith.constant 0 : index
        %get3A_556 = tpu.vector_load %arg18[%get3A_554, %get3A_555] {strides = array<i32>} : memref<128x128xf32, #tpu.memory_space<vmem>>, vector<16xf32>,
        %get3A_557 = arith.index_cast %add3A_551 : i32 to index
        %get3A_558 = arith.constant 0 : index
        %get3A_559 = tpu.vector_load %arg20[%get3A_557, %get3A_558] {strides = array<i32>} : memref<128x128xf32, #tpu.memory_space<vmem>>, vector<16xf32>,
        %sub3A_560 = arith.subf %get3A_556, %get3A_559 : vector<16xf32>
        %mul3A_561 = arith.mulf %sub3A_560, %sub3A_560 : vector<16xf32>
        %add3A_562 = arith.addf %broadcast_in_dim3A_553, %mul3A_561 : vector<16xf32>
        %get3A_563 = arith.index_cast %add3A_551 : i32 to index
        %get3A_564 = arith.constant 16 : index
        %get3A_565 = tpu.vector_load %arg18[%get3A_563, %get3A_564] {strides = array<i32>} : memref<128x128xf32, #tpu.memory_space<vmem>>, vector<16xf32>,
        %get3A_566 = arith.index_cast %add3A_551 : i32 to index
        %get3A_567 = arith.constant 16 : index
        %get3A_568 = tpu.vector_load %arg20[%get3A_566, %get3A_567] {strides = array<i32>} : memref<128x128xf32, #tpu.memory_space<vmem>>, vector<16xf32>,
        %sub3A_569 = arith.subf %get3A_565, %get3A_568 : vector<16xf32>
        %mul3A_570 = arith.mulf %sub3A_569, %sub3A_569 : vector<16xf32>
        %add3A_571 = arith.addf %add3A_562, %mul3A_570 : vector<16xf32>
        %get3A_572 = arith.index_cast %add3A_551 : i32 to index
        %get3A_573 = arith.constant 32 : index
        %get3A_574 = tpu.vector_load %arg18[%get3A_572, %get3A_573] {strides = array<i32>} : memref<128x128xf32, #tpu.memory_space<vmem>>, vector<16xf32>,
        %get3A_575 = arith.index_cast %add3A_551 : i32 to index
        %get3A_576 = arith.constant 32 : index
        %get3A_577 = tpu.vector_load %arg20[%get3A_575, %get3A_576] {strides = array<i32>} : memref<128x128xf32, #tpu.memory_space<vmem>>, vector<16xf32>,
        %sub3A_578 = arith.subf %get3A_574, %get3A_577 : vector<16xf32>
        %mul3A_579 = arith.mulf %sub3A_578, %sub3A_578 : vector<16xf32>
        %add3A_580 = arith.addf %add3A_571, %mul3A_579 : vector<16xf32>
        %get3A_581 = arith.index_cast %add3A_551 : i32 to index
        %get3A_582 = arith.constant 48 : index
        %get3A_583 = tpu.vector_load %arg18[%get3A_581, %get3A_582] {strides = array<i32>} : memref<128x128xf32, #tpu.memory_space<vmem>>, vector<16xf32>,
        %get3A_584 = arith.index_cast %add3A_551 : i32 to index
        %get3A_585 = arith.constant 48 : index
        %get3A_586 = tpu.vector_load %arg20[%get3A_584, %get3A_585] {strides = array<i32>} : memref<128x128xf32, #tpu.memory_space<vmem>>, vector<16xf32>,
        %sub3A_587 = arith.subf %get3A_583, %get3A_586 : vector<16xf32>
        %mul3A_588 = arith.mulf %sub3A_587, %sub3A_587 : vector<16xf32>
        %add3A_589 = arith.addf %add3A_580, %mul3A_588 : vector<16xf32>
        %get3A_590 = arith.index_cast %add3A_551 : i32 to index
        %get3A_591 = arith.constant 64 : index
        %get3A_592 = tpu.vector_load %arg18[%get3A_590, %get3A_591] {strides = array<i32>} : memref<128x128xf32, #tpu.memory_space<vmem>>, vector<16xf32>,
        %get3A_593 = arith.index_cast %add3A_551 : i32 to index
        %get3A_594 = arith.constant 64 : index
        %get3A_595 = tpu.vector_load %arg20[%get3A_593, %get3A_594] {strides = array<i32>} : memref<128x128xf32, #tpu.memory_space<vmem>>, vector<16xf32>,
        %sub3A_596 = arith.subf %get3A_592, %get3A_595 : vector<16xf32>
        %mul3A_597 = arith.mulf %sub3A_596, %sub3A_596 : vector<16xf32>
        %add3A_598 = arith.addf %add3A_589, %mul3A_597 : vector<16xf32>
        %get3A_599 = arith.index_cast %add3A_551 : i32 to index
        %get3A_600 = arith.constant 80 : index
        %get3A_601 = tpu.vector_load %arg18[%get3A_599, %get3A_600] {strides = array<i32>} : memref<128x128xf32, #tpu.memory_space<vmem>>, vector<16xf32>,
        %get3A_602 = arith.index_cast %add3A_551 : i32 to index
        %get3A_603 = arith.constant 80 : index
        %get3A_604 = tpu.vector_load %arg20[%get3A_602, %get3A_603] {strides = array<i32>} : memref<128x128xf32, #tpu.memory_space<vmem>>, vector<16xf32>,
        %sub3A_605 = arith.subf %get3A_601, %get3A_604 : vector<16xf32>
        %mul3A_606 = arith.mulf %sub3A_605, %sub3A_605 : vector<16xf32>
        %add3A_607 = arith.addf %add3A_598, %mul3A_606 : vector<16xf32>
        %get3A_608 = arith.index_cast %add3A_551 : i32 to index
        %get3A_609 = arith.constant 96 : index
        %get3A_610 = tpu.vector_load %arg18[%get3A_608, %get3A_609] {strides = array<i32>} : memref<128x128xf32, #tpu.memory_space<vmem>>, vector<16xf32>,
        %get3A_611 = arith.index_cast %add3A_551 : i32 to index
        %get3A_612 = arith.constant 96 : index
        %get3A_613 = tpu.vector_load %arg20[%get3A_611, %get3A_612] {strides = array<i32>} : memref<128x128xf32, #tpu.memory_space<vmem>>, vector<16xf32>,
        %sub3A_614 = arith.subf %get3A_610, %get3A_613 : vector<16xf32>
        %mul3A_615 = arith.mulf %sub3A_614, %sub3A_614 : vector<16xf32>
        %add3A_616 = arith.addf %add3A_607, %mul3A_615 : vector<16xf32>
        %get3A_617 = arith.index_cast %add3A_551 : i32 to index
        %get3A_618 = arith.constant 112 : index
        %get3A_619 = tpu.vector_load %arg18[%get3A_617, %get3A_618] {strides = array<i32>} : memref<128x128xf32, #tpu.memory_space<vmem>>, vector<16xf32>,
        %get3A_620 = arith.index_cast %add3A_551 : i32 to index
        %get3A_621 = arith.constant 112 : index
        %get3A_622 = tpu.vector_load %arg20[%get3A_620, %get3A_621] {strides = array<i32>} : memref<128x128xf32, #tpu.memory_space<vmem>>, vector<16xf32>,
        %sub3A_623 = arith.subf %get3A_619, %get3A_622 : vector<16xf32>
        %mul3A_624 = arith.mulf %sub3A_623, %sub3A_623 : vector<16xf32>
        %add3A_625 = arith.addf %add3A_616, %mul3A_624 : vector<16xf32>
        %eq3A_626 = vector.broadcast %add3A_548 : i32 to vector<16xi32>
        %eq3A_627 = arith.cmpi eq, %iota3A, %eq3A_626 : vector<16xi32>
        %reduce_sum3A_628 = arith.constant true
        %reduce_sum3A_629 = vector.broadcast %reduce_sum3A_628 : i1 to vector<16xi1>
        %reduce_sum3A_630 = tpu.scan <sum>, %add3A_625 masked %reduce_sum3A_629 : vector<16xf32>, vector<16xi1> -> vector<16xf32>
        %reduce_sum3A_631 = vector.extract %reduce_sum3A_630[15] : f32 from vector<16xf32>
        %jit3A_632 = arith.constant 0.000000e+00 : f32
        %broadcast_in_dim3A_633 = vector.broadcast %reduce_sum3A_631 : f32 to vector<16xf32>
        %broadcast_in_dim3A_634 = vector.broadcast %jit3A_632 : f32 to vector<16xf32>
        %select_n3A_635 = arith.select %eq3A_627, %broadcast_in_dim3A_633, %broadcast_in_dim3A_634 : vector<16xi1>, vector<16xf32>
        %add3A_636 = arith.addf %add3A_544, %select_n3A_635 : vector<16xf32>
        %mul3A_637 = arith.constant 8 : i32
        %mul3A_638 = arith.muli %scan3A_180, %mul3A_637 : i32
        %add3A_639 = arith.constant 5 : i32
        %add3A_640 = arith.addi %mul3A_638, %add3A_639 : i32
        %mul3A_641 = arith.constant 16 : i32
        %mul3A_642 = arith.muli %scan3A_157, %mul3A_641 : i32
        %add3A_643 = arith.addi %mul3A_642, %add3A_640 : i32
        %broadcast_in_dim3A_644 = arith.constant 0.000000e+00 : f32
        %broadcast_in_dim3A_645 = vector.broadcast %broadcast_in_dim3A_644 : f32 to vector<16xf32>
        %get3A_646 = arith.index_cast %add3A_643 : i32 to index
        %get3A_647 = arith.constant 0 : index
        %get3A_648 = tpu.vector_load %arg18[%get3A_646, %get3A_647] {strides = array<i32>} : memref<128x128xf32, #tpu.memory_space<vmem>>, vector<16xf32>,
        %get3A_649 = arith.index_cast %add3A_643 : i32 to index
        %get3A_650 = arith.constant 0 : index
        %get3A_651 = tpu.vector_load %arg20[%get3A_649, %get3A_650] {strides = array<i32>} : memref<128x128xf32, #tpu.memory_space<vmem>>, vector<16xf32>,
        %sub3A_652 = arith.subf %get3A_648, %get3A_651 : vector<16xf32>
        %mul3A_653 = arith.mulf %sub3A_652, %sub3A_652 : vector<16xf32>
        %add3A_654 = arith.addf %broadcast_in_dim3A_645, %mul3A_653 : vector<16xf32>
        %get3A_655 = arith.index_cast %add3A_643 : i32 to index
        %get3A_656 = arith.constant 16 : index
        %get3A_657 = tpu.vector_load %arg18[%get3A_655, %get3A_656] {strides = array<i32>} : memref<128x128xf32, #tpu.memory_space<vmem>>, vector<16xf32>,
        %get3A_658 = arith.index_cast %add3A_643 : i32 to index
        %get3A_659 = arith.constant 16 : index
        %get3A_660 = tpu.vector_load %arg20[%get3A_658, %get3A_659] {strides = array<i32>} : memref<128x128xf32, #tpu.memory_space<vmem>>, vector<16xf32>,
        %sub3A_661 = arith.subf %get3A_657, %get3A_660 : vector<16xf32>
        %mul3A_662 = arith.mulf %sub3A_661, %sub3A_661 : vector<16xf32>
        %add3A_663 = arith.addf %add3A_654, %mul3A_662 : vector<16xf32>
        %get3A_664 = arith.index_cast %add3A_643 : i32 to index
        %get3A_665 = arith.constant 32 : index
        %get3A_666 = tpu.vector_load %arg18[%get3A_664, %get3A_665] {strides = array<i32>} : memref<128x128xf32, #tpu.memory_space<vmem>>, vector<16xf32>,
        %get3A_667 = arith.index_cast %add3A_643 : i32 to index
        %get3A_668 = arith.constant 32 : index
        %get3A_669 = tpu.vector_load %arg20[%get3A_667, %get3A_668] {strides = array<i32>} : memref<128x128xf32, #tpu.memory_space<vmem>>, vector<16xf32>,
        %sub3A_670 = arith.subf %get3A_666, %get3A_669 : vector<16xf32>
        %mul3A_671 = arith.mulf %sub3A_670, %sub3A_670 : vector<16xf32>
        %add3A_672 = arith.addf %add3A_663, %mul3A_671 : vector<16xf32>
        %get3A_673 = arith.index_cast %add3A_643 : i32 to index
        %get3A_674 = arith.constant 48 : index
        %get3A_675 = tpu.vector_load %arg18[%get3A_673, %get3A_674] {strides = array<i32>} : memref<128x128xf32, #tpu.memory_space<vmem>>, vector<16xf32>,
        %get3A_676 = arith.index_cast %add3A_643 : i32 to index
        %get3A_677 = arith.constant 48 : index
        %get3A_678 = tpu.vector_load %arg20[%get3A_676, %get3A_677] {strides = array<i32>} : memref<128x128xf32, #tpu.memory_space<vmem>>, vector<16xf32>,
        %sub3A_679 = arith.subf %get3A_675, %get3A_678 : vector<16xf32>
        %mul3A_680 = arith.mulf %sub3A_679, %sub3A_679 : vector<16xf32>
        %add3A_681 = arith.addf %add3A_672, %mul3A_680 : vector<16xf32>
        %get3A_682 = arith.index_cast %add3A_643 : i32 to index
        %get3A_683 = arith.constant 64 : index
        %get3A_684 = tpu.vector_load %arg18[%get3A_682, %get3A_683] {strides = array<i32>} : memref<128x128xf32, #tpu.memory_space<vmem>>, vector<16xf32>,
        %get3A_685 = arith.index_cast %add3A_643 : i32 to index
        %get3A_686 = arith.constant 64 : index
        %get3A_687 = tpu.vector_load %arg20[%get3A_685, %get3A_686] {strides = array<i32>} : memref<128x128xf32, #tpu.memory_space<vmem>>, vector<16xf32>,
        %sub3A_688 = arith.subf %get3A_684, %get3A_687 : vector<16xf32>
        %mul3A_689 = arith.mulf %sub3A_688, %sub3A_688 : vector<16xf32>
        %add3A_690 = arith.addf %add3A_681, %mul3A_689 : vector<16xf32>
        %get3A_691 = arith.index_cast %add3A_643 : i32 to index
        %get3A_692 = arith.constant 80 : index
        %get3A_693 = tpu.vector_load %arg18[%get3A_691, %get3A_692] {strides = array<i32>} : memref<128x128xf32, #tpu.memory_space<vmem>>, vector<16xf32>,
        %get3A_694 = arith.index_cast %add3A_643 : i32 to index
        %get3A_695 = arith.constant 80 : index
        %get3A_696 = tpu.vector_load %arg20[%get3A_694, %get3A_695] {strides = array<i32>} : memref<128x128xf32, #tpu.memory_space<vmem>>, vector<16xf32>,
        %sub3A_697 = arith.subf %get3A_693, %get3A_696 : vector<16xf32>
        %mul3A_698 = arith.mulf %sub3A_697, %sub3A_697 : vector<16xf32>
        %add3A_699 = arith.addf %add3A_690, %mul3A_698 : vector<16xf32>
        %get3A_700 = arith.index_cast %add3A_643 : i32 to index
        %get3A_701 = arith.constant 96 : index
        %get3A_702 = tpu.vector_load %arg18[%get3A_700, %get3A_701] {strides = array<i32>} : memref<128x128xf32, #tpu.memory_space<vmem>>, vector<16xf32>,
        %get3A_703 = arith.index_cast %add3A_643 : i32 to index
        %get3A_704 = arith.constant 96 : index
        %get3A_705 = tpu.vector_load %arg20[%get3A_703, %get3A_704] {strides = array<i32>} : memref<128x128xf32, #tpu.memory_space<vmem>>, vector<16xf32>,
        %sub3A_706 = arith.subf %get3A_702, %get3A_705 : vector<16xf32>
        %mul3A_707 = arith.mulf %sub3A_706, %sub3A_706 : vector<16xf32>
        %add3A_708 = arith.addf %add3A_699, %mul3A_707 : vector<16xf32>
        %get3A_709 = arith.index_cast %add3A_643 : i32 to index
        %get3A_710 = arith.constant 112 : index
        %get3A_711 = tpu.vector_load %arg18[%get3A_709, %get3A_710] {strides = array<i32>} : memref<128x128xf32, #tpu.memory_space<vmem>>, vector<16xf32>,
        %get3A_712 = arith.index_cast %add3A_643 : i32 to index
        %get3A_713 = arith.constant 112 : index
        %get3A_714 = tpu.vector_load %arg20[%get3A_712, %get3A_713] {strides = array<i32>} : memref<128x128xf32, #tpu.memory_space<vmem>>, vector<16xf32>,
        %sub3A_715 = arith.subf %get3A_711, %get3A_714 : vector<16xf32>
        %mul3A_716 = arith.mulf %sub3A_715, %sub3A_715 : vector<16xf32>
        %add3A_717 = arith.addf %add3A_708, %mul3A_716 : vector<16xf32>
        %eq3A_718 = vector.broadcast %add3A_640 : i32 to vector<16xi32>
        %eq3A_719 = arith.cmpi eq, %iota3A, %eq3A_718 : vector<16xi32>
        %reduce_sum3A_720 = arith.constant true
        %reduce_sum3A_721 = vector.broadcast %reduce_sum3A_720 : i1 to vector<16xi1>
        %reduce_sum3A_722 = tpu.scan <sum>, %add3A_717 masked %reduce_sum3A_721 : vector<16xf32>, vector<16xi1> -> vector<16xf32>
        %reduce_sum3A_723 = vector.extract %reduce_sum3A_722[15] : f32 from vector<16xf32>
        %jit3A_724 = arith.constant 0.000000e+00 : f32
        %broadcast_in_dim3A_725 = vector.broadcast %reduce_sum3A_723 : f32 to vector<16xf32>
        %broadcast_in_dim3A_726 = vector.broadcast %jit3A_724 : f32 to vector<16xf32>
        %select_n3A_727 = arith.select %eq3A_719, %broadcast_in_dim3A_725, %broadcast_in_dim3A_726 : vector<16xi1>, vector<16xf32>
        %add3A_728 = arith.addf %add3A_636, %select_n3A_727 : vector<16xf32>
        %mul3A_729 = arith.constant 8 : i32
        %mul3A_730 = arith.muli %scan3A_180, %mul3A_729 : i32
        %add3A_731 = arith.constant 6 : i32
        %add3A_732 = arith.addi %mul3A_730, %add3A_731 : i32
        %mul3A_733 = arith.constant 16 : i32
        %mul3A_734 = arith.muli %scan3A_157, %mul3A_733 : i32
        %add3A_735 = arith.addi %mul3A_734, %add3A_732 : i32
        %broadcast_in_dim3A_736 = arith.constant 0.000000e+00 : f32
        %broadcast_in_dim3A_737 = vector.broadcast %broadcast_in_dim3A_736 : f32 to vector<16xf32>
        %get3A_738 = arith.index_cast %add3A_735 : i32 to index
        %get3A_739 = arith.constant 0 : index
        %get3A_740 = tpu.vector_load %arg18[%get3A_738, %get3A_739] {strides = array<i32>} : memref<128x128xf32, #tpu.memory_space<vmem>>, vector<16xf32>,
        %get3A_741 = arith.index_cast %add3A_735 : i32 to index
        %get3A_742 = arith.constant 0 : index
        %get3A_743 = tpu.vector_load %arg20[%get3A_741, %get3A_742] {strides = array<i32>} : memref<128x128xf32, #tpu.memory_space<vmem>>, vector<16xf32>,
        %sub3A_744 = arith.subf %get3A_740, %get3A_743 : vector<16xf32>
        %mul3A_745 = arith.mulf %sub3A_744, %sub3A_744 : vector<16xf32>
        %add3A_746 = arith.addf %broadcast_in_dim3A_737, %mul3A_745 : vector<16xf32>
        %get3A_747 = arith.index_cast %add3A_735 : i32 to index
        %get3A_748 = arith.constant 16 : index
        %get3A_749 = tpu.vector_load %arg18[%get3A_747, %get3A_748] {strides = array<i32>} : memref<128x128xf32, #tpu.memory_space<vmem>>, vector<16xf32>,
        %get3A_750 = arith.index_cast %add3A_735 : i32 to index
        %get3A_751 = arith.constant 16 : index
        %get3A_752 = tpu.vector_load %arg20[%get3A_750, %get3A_751] {strides = array<i32>} : memref<128x128xf32, #tpu.memory_space<vmem>>, vector<16xf32>,
        %sub3A_753 = arith.subf %get3A_749, %get3A_752 : vector<16xf32>
        %mul3A_754 = arith.mulf %sub3A_753, %sub3A_753 : vector<16xf32>
        %add3A_755 = arith.addf %add3A_746, %mul3A_754 : vector<16xf32>
        %get3A_756 = arith.index_cast %add3A_735 : i32 to index
        %get3A_757 = arith.constant 32 : index
        %get3A_758 = tpu.vector_load %arg18[%get3A_756, %get3A_757] {strides = array<i32>} : memref<128x128xf32, #tpu.memory_space<vmem>>, vector<16xf32>,
        %get3A_759 = arith.index_cast %add3A_735 : i32 to index
        %get3A_760 = arith.constant 32 : index
        %get3A_761 = tpu.vector_load %arg20[%get3A_759, %get3A_760] {strides = array<i32>} : memref<128x128xf32, #tpu.memory_space<vmem>>, vector<16xf32>,
        %sub3A_762 = arith.subf %get3A_758, %get3A_761 : vector<16xf32>
        %mul3A_763 = arith.mulf %sub3A_762, %sub3A_762 : vector<16xf32>
        %add3A_764 = arith.addf %add3A_755, %mul3A_763 : vector<16xf32>
        %get3A_765 = arith.index_cast %add3A_735 : i32 to index
        %get3A_766 = arith.constant 48 : index
        %get3A_767 = tpu.vector_load %arg18[%get3A_765, %get3A_766] {strides = array<i32>} : memref<128x128xf32, #tpu.memory_space<vmem>>, vector<16xf32>,
        %get3A_768 = arith.index_cast %add3A_735 : i32 to index
        %get3A_769 = arith.constant 48 : index
        %get3A_770 = tpu.vector_load %arg20[%get3A_768, %get3A_769] {strides = array<i32>} : memref<128x128xf32, #tpu.memory_space<vmem>>, vector<16xf32>,
        %sub3A_771 = arith.subf %get3A_767, %get3A_770 : vector<16xf32>
        %mul3A_772 = arith.mulf %sub3A_771, %sub3A_771 : vector<16xf32>
        %add3A_773 = arith.addf %add3A_764, %mul3A_772 : vector<16xf32>
        %get3A_774 = arith.index_cast %add3A_735 : i32 to index
        %get3A_775 = arith.constant 64 : index
        %get3A_776 = tpu.vector_load %arg18[%get3A_774, %get3A_775] {strides = array<i32>} : memref<128x128xf32, #tpu.memory_space<vmem>>, vector<16xf32>,
        %get3A_777 = arith.index_cast %add3A_735 : i32 to index
        %get3A_778 = arith.constant 64 : index
        %get3A_779 = tpu.vector_load %arg20[%get3A_777, %get3A_778] {strides = array<i32>} : memref<128x128xf32, #tpu.memory_space<vmem>>, vector<16xf32>,
        %sub3A_780 = arith.subf %get3A_776, %get3A_779 : vector<16xf32>
        %mul3A_781 = arith.mulf %sub3A_780, %sub3A_780 : vector<16xf32>
        %add3A_782 = arith.addf %add3A_773, %mul3A_781 : vector<16xf32>
        %get3A_783 = arith.index_cast %add3A_735 : i32 to index
        %get3A_784 = arith.constant 80 : index
        %get3A_785 = tpu.vector_load %arg18[%get3A_783, %get3A_784] {strides = array<i32>} : memref<128x128xf32, #tpu.memory_space<vmem>>, vector<16xf32>,
        %get3A_786 = arith.index_cast %add3A_735 : i32 to index
        %get3A_787 = arith.constant 80 : index
        %get3A_788 = tpu.vector_load %arg20[%get3A_786, %get3A_787] {strides = array<i32>} : memref<128x128xf32, #tpu.memory_space<vmem>>, vector<16xf32>,
        %sub3A_789 = arith.subf %get3A_785, %get3A_788 : vector<16xf32>
        %mul3A_790 = arith.mulf %sub3A_789, %sub3A_789 : vector<16xf32>
        %add3A_791 = arith.addf %add3A_782, %mul3A_790 : vector<16xf32>
        %get3A_792 = arith.index_cast %add3A_735 : i32 to index
        %get3A_793 = arith.constant 96 : index
        %get3A_794 = tpu.vector_load %arg18[%get3A_792, %get3A_793] {strides = array<i32>} : memref<128x128xf32, #tpu.memory_space<vmem>>, vector<16xf32>,
        %get3A_795 = arith.index_cast %add3A_735 : i32 to index
        %get3A_796 = arith.constant 96 : index
        %get3A_797 = tpu.vector_load %arg20[%get3A_795, %get3A_796] {strides = array<i32>} : memref<128x128xf32, #tpu.memory_space<vmem>>, vector<16xf32>,
        %sub3A_798 = arith.subf %get3A_794, %get3A_797 : vector<16xf32>
        %mul3A_799 = arith.mulf %sub3A_798, %sub3A_798 : vector<16xf32>
        %add3A_800 = arith.addf %add3A_791, %mul3A_799 : vector<16xf32>
        %get3A_801 = arith.index_cast %add3A_735 : i32 to index
        %get3A_802 = arith.constant 112 : index
        %get3A_803 = tpu.vector_load %arg18[%get3A_801, %get3A_802] {strides = array<i32>} : memref<128x128xf32, #tpu.memory_space<vmem>>, vector<16xf32>,
        %get3A_804 = arith.index_cast %add3A_735 : i32 to index
        %get3A_805 = arith.constant 112 : index
        %get3A_806 = tpu.vector_load %arg20[%get3A_804, %get3A_805] {strides = array<i32>} : memref<128x128xf32, #tpu.memory_space<vmem>>, vector<16xf32>,
        %sub3A_807 = arith.subf %get3A_803, %get3A_806 : vector<16xf32>
        %mul3A_808 = arith.mulf %sub3A_807, %sub3A_807 : vector<16xf32>
        %add3A_809 = arith.addf %add3A_800, %mul3A_808 : vector<16xf32>
        %eq3A_810 = vector.broadcast %add3A_732 : i32 to vector<16xi32>
        %eq3A_811 = arith.cmpi eq, %iota3A, %eq3A_810 : vector<16xi32>
        %reduce_sum3A_812 = arith.constant true
        %reduce_sum3A_813 = vector.broadcast %reduce_sum3A_812 : i1 to vector<16xi1>
        %reduce_sum3A_814 = tpu.scan <sum>, %add3A_809 masked %reduce_sum3A_813 : vector<16xf32>, vector<16xi1> -> vector<16xf32>
        %reduce_sum3A_815 = vector.extract %reduce_sum3A_814[15] : f32 from vector<16xf32>
        %jit3A_816 = arith.constant 0.000000e+00 : f32
        %broadcast_in_dim3A_817 = vector.broadcast %reduce_sum3A_815 : f32 to vector<16xf32>
        %broadcast_in_dim3A_818 = vector.broadcast %jit3A_816 : f32 to vector<16xf32>
        %select_n3A_819 = arith.select %eq3A_811, %broadcast_in_dim3A_817, %broadcast_in_dim3A_818 : vector<16xi1>, vector<16xf32>
        %add3A_820 = arith.addf %add3A_728, %select_n3A_819 : vector<16xf32>
        %mul3A_821 = arith.constant 8 : i32
        %mul3A_822 = arith.muli %scan3A_180, %mul3A_821 : i32
        %add3A_823 = arith.constant 7 : i32
        %add3A_824 = arith.addi %mul3A_822, %add3A_823 : i32
        %mul3A_825 = arith.constant 16 : i32
        %mul3A_826 = arith.muli %scan3A_157, %mul3A_825 : i32
        %add3A_827 = arith.addi %mul3A_826, %add3A_824 : i32
        %broadcast_in_dim3A_828 = arith.constant 0.000000e+00 : f32
        %broadcast_in_dim3A_829 = vector.broadcast %broadcast_in_dim3A_828 : f32 to vector<16xf32>
        %get3A_830 = arith.index_cast %add3A_827 : i32 to index
        %get3A_831 = arith.constant 0 : index
        %get3A_832 = tpu.vector_load %arg18[%get3A_830, %get3A_831] {strides = array<i32>} : memref<128x128xf32, #tpu.memory_space<vmem>>, vector<16xf32>,
        %get3A_833 = arith.index_cast %add3A_827 : i32 to index
        %get3A_834 = arith.constant 0 : index
        %get3A_835 = tpu.vector_load %arg20[%get3A_833, %get3A_834] {strides = array<i32>} : memref<128x128xf32, #tpu.memory_space<vmem>>, vector<16xf32>,
        %sub3A_836 = arith.subf %get3A_832, %get3A_835 : vector<16xf32>
        %mul3A_837 = arith.mulf %sub3A_836, %sub3A_836 : vector<16xf32>
        %add3A_838 = arith.addf %broadcast_in_dim3A_829, %mul3A_837 : vector<16xf32>
        %get3A_839 = arith.index_cast %add3A_827 : i32 to index
        %get3A_840 = arith.constant 16 : index
        %get3A_841 = tpu.vector_load %arg18[%get3A_839, %get3A_840] {strides = array<i32>} : memref<128x128xf32, #tpu.memory_space<vmem>>, vector<16xf32>,
        %get3A_842 = arith.index_cast %add3A_827 : i32 to index
        %get3A_843 = arith.constant 16 : index
        %get3A_844 = tpu.vector_load %arg20[%get3A_842, %get3A_843] {strides = array<i32>} : memref<128x128xf32, #tpu.memory_space<vmem>>, vector<16xf32>,
        %sub3A_845 = arith.subf %get3A_841, %get3A_844 : vector<16xf32>
        %mul3A_846 = arith.mulf %sub3A_845, %sub3A_845 : vector<16xf32>
        %add3A_847 = arith.addf %add3A_838, %mul3A_846 : vector<16xf32>
        %get3A_848 = arith.index_cast %add3A_827 : i32 to index
        %get3A_849 = arith.constant 32 : index
        %get3A_850 = tpu.vector_load %arg18[%get3A_848, %get3A_849] {strides = array<i32>} : memref<128x128xf32, #tpu.memory_space<vmem>>, vector<16xf32>,
        %get3A_851 = arith.index_cast %add3A_827 : i32 to index
        %get3A_852 = arith.constant 32 : index
        %get3A_853 = tpu.vector_load %arg20[%get3A_851, %get3A_852] {strides = array<i32>} : memref<128x128xf32, #tpu.memory_space<vmem>>, vector<16xf32>,
        %sub3A_854 = arith.subf %get3A_850, %get3A_853 : vector<16xf32>
        %mul3A_855 = arith.mulf %sub3A_854, %sub3A_854 : vector<16xf32>
        %add3A_856 = arith.addf %add3A_847, %mul3A_855 : vector<16xf32>
        %get3A_857 = arith.index_cast %add3A_827 : i32 to index
        %get3A_858 = arith.constant 48 : index
        %get3A_859 = tpu.vector_load %arg18[%get3A_857, %get3A_858] {strides = array<i32>} : memref<128x128xf32, #tpu.memory_space<vmem>>, vector<16xf32>,
        %get3A_860 = arith.index_cast %add3A_827 : i32 to index
        %get3A_861 = arith.constant 48 : index
        %get3A_862 = tpu.vector_load %arg20[%get3A_860, %get3A_861] {strides = array<i32>} : memref<128x128xf32, #tpu.memory_space<vmem>>, vector<16xf32>,
        %sub3A_863 = arith.subf %get3A_859, %get3A_862 : vector<16xf32>
        %mul3A_864 = arith.mulf %sub3A_863, %sub3A_863 : vector<16xf32>
        %add3A_865 = arith.addf %add3A_856, %mul3A_864 : vector<16xf32>
        %get3A_866 = arith.index_cast %add3A_827 : i32 to index
        %get3A_867 = arith.constant 64 : index
        %get3A_868 = tpu.vector_load %arg18[%get3A_866, %get3A_867] {strides = array<i32>} : memref<128x128xf32, #tpu.memory_space<vmem>>, vector<16xf32>,
        %get3A_869 = arith.index_cast %add3A_827 : i32 to index
        %get3A_870 = arith.constant 64 : index
        %get3A_871 = tpu.vector_load %arg20[%get3A_869, %get3A_870] {strides = array<i32>} : memref<128x128xf32, #tpu.memory_space<vmem>>, vector<16xf32>,
        %sub3A_872 = arith.subf %get3A_868, %get3A_871 : vector<16xf32>
        %mul3A_873 = arith.mulf %sub3A_872, %sub3A_872 : vector<16xf32>
        %add3A_874 = arith.addf %add3A_865, %mul3A_873 : vector<16xf32>
        %get3A_875 = arith.index_cast %add3A_827 : i32 to index
        %get3A_876 = arith.constant 80 : index
        %get3A_877 = tpu.vector_load %arg18[%get3A_875, %get3A_876] {strides = array<i32>} : memref<128x128xf32, #tpu.memory_space<vmem>>, vector<16xf32>,
        %get3A_878 = arith.index_cast %add3A_827 : i32 to index
        %get3A_879 = arith.constant 80 : index
        %get3A_880 = tpu.vector_load %arg20[%get3A_878, %get3A_879] {strides = array<i32>} : memref<128x128xf32, #tpu.memory_space<vmem>>, vector<16xf32>,
        %sub3A_881 = arith.subf %get3A_877, %get3A_880 : vector<16xf32>
        %mul3A_882 = arith.mulf %sub3A_881, %sub3A_881 : vector<16xf32>
        %add3A_883 = arith.addf %add3A_874, %mul3A_882 : vector<16xf32>
        %get3A_884 = arith.index_cast %add3A_827 : i32 to index
        %get3A_885 = arith.constant 96 : index
        %get3A_886 = tpu.vector_load %arg18[%get3A_884, %get3A_885] {strides = array<i32>} : memref<128x128xf32, #tpu.memory_space<vmem>>, vector<16xf32>,
        %get3A_887 = arith.index_cast %add3A_827 : i32 to index
        %get3A_888 = arith.constant 96 : index
        %get3A_889 = tpu.vector_load %arg20[%get3A_887, %get3A_888] {strides = array<i32>} : memref<128x128xf32, #tpu.memory_space<vmem>>, vector<16xf32>,
        %sub3A_890 = arith.subf %get3A_886, %get3A_889 : vector<16xf32>
        %mul3A_891 = arith.mulf %sub3A_890, %sub3A_890 : vector<16xf32>
        %add3A_892 = arith.addf %add3A_883, %mul3A_891 : vector<16xf32>
        %get3A_893 = arith.index_cast %add3A_827 : i32 to index
        %get3A_894 = arith.constant 112 : index
        %get3A_895 = tpu.vector_load %arg18[%get3A_893, %get3A_894] {strides = array<i32>} : memref<128x128xf32, #tpu.memory_space<vmem>>, vector<16xf32>,
        %get3A_896 = arith.index_cast %add3A_827 : i32 to index
        %get3A_897 = arith.constant 112 : index
        %get3A_898 = tpu.vector_load %arg20[%get3A_896, %get3A_897] {strides = array<i32>} : memref<128x128xf32, #tpu.memory_space<vmem>>, vector<16xf32>,
        %sub3A_899 = arith.subf %get3A_895, %get3A_898 : vector<16xf32>
        %mul3A_900 = arith.mulf %sub3A_899, %sub3A_899 : vector<16xf32>
        %add3A_901 = arith.addf %add3A_892, %mul3A_900 : vector<16xf32>
        %eq3A_902 = vector.broadcast %add3A_824 : i32 to vector<16xi32>
        %eq3A_903 = arith.cmpi eq, %iota3A, %eq3A_902 : vector<16xi32>
        %reduce_sum3A_904 = arith.constant true
        %reduce_sum3A_905 = vector.broadcast %reduce_sum3A_904 : i1 to vector<16xi1>
        %reduce_sum3A_906 = tpu.scan <sum>, %add3A_901 masked %reduce_sum3A_905 : vector<16xf32>, vector<16xi1> -> vector<16xf32>
        %reduce_sum3A_907 = vector.extract %reduce_sum3A_906[15] : f32 from vector<16xf32>
        %jit3A_908 = arith.constant 0.000000e+00 : f32
        %broadcast_in_dim3A_909 = vector.broadcast %reduce_sum3A_907 : f32 to vector<16xf32>
        %broadcast_in_dim3A_910 = vector.broadcast %jit3A_908 : f32 to vector<16xf32>
        %select_n3A_911 = arith.select %eq3A_903, %broadcast_in_dim3A_909, %broadcast_in_dim3A_910 : vector<16xi1>, vector<16xf32>
        %add3A_912 = arith.addf %add3A_820, %select_n3A_911 : vector<16xf32>
        scf.yield %add3A_912 : vector<16xf32>
      }
      %scan3A_165 = arith.constant 2 : i32
      %mul3A_166 = arith.constant 16 : i32
      %mul3A_167 = arith.muli %scan3A_157, %mul3A_166 : i32
      %add3A_168 = arith.constant 0 : i32
      %add3A_169 = arith.addi %add3A_168, %mul3A_167 : i32
      %get3A_170 = arith.index_cast %add3A_169 : i32 to index
      %get3A_171 = tpu.vector_load %arg22[%get3A_170] {strides = array<i32>} : memref<512xf32, #tpu.memory_space<vmem>>, vector<16xf32>,
      %get3A_172 = arith.constant 0 : index
      %get3A_173 = tpu.vector_load %arg27[%get3A_172] {strides = array<i32>} : memref<16xf32, #tpu.memory_space<vmem>>, vector<16xf32>,
      %mul3A_174 = arith.mulf %get3A_21, %get3A_171 : vector<16xf32>
      %mul3A_175 = arith.mulf %mul3A_174, %scan3A_164 : vector<16xf32>
      %add3A_176 = arith.addf %get3A_21, %scan3A_164 : vector<16xf32>
      %div3A = arith.divf %mul3A_175, %add3A_176 : vector<16xf32>
      %add3A_177 = arith.addf %get3A_173, %div3A : vector<16xf32>
      %swap3A_178 = arith.constant 0 : index
      %swap3A_179 = tpu.vector_load %arg27[%swap3A_178] {strides = array<i32>} : memref<16xf32, #tpu.memory_space<vmem>>, vector<16xf32>,
      tpu.vector_store %arg27[%swap3A_178], %add3A_177 {strides = array<i32>} : memref<16xf32, #tpu.memory_space<vmem>>, vector<16xf32>,
    }
    %scan3A_66 = arith.constant 8 : i32
    %add3A_67 = arith.constant 256 : i32
    %add3A_68 = arith.addi %mul3A_2, %add3A_67 : i32
    %dma_start3A_69 = tpu.memref_slice %arg13[%add3A_68] : memref<16384xi32, #tpu.memory_space<vmem>> -> memref<128xi32, #tpu.memory_space<vmem>>
    %dma_start3A_70 = arith.constant 0 : i32
    %dma_start3A_71 = arith.constant 0 : i32
    %dma_start3A_72 = tpu.memref_slice %arg2[%dma_start3A_70, %dma_start3A_71] : memref<100000x128xf32, #tpu.memory_space<hbm>> -> memref<100000x128xf32, #tpu.memory_space<hbm>>
    tpu.enqueue_indirect_dma source(%dma_start3A_72 : memref<100000x128xf32, #tpu.memory_space<hbm>>) target(%arg18 : memref<128x128xf32, #tpu.memory_space<vmem>>) offsets(%dma_start3A_69 : memref<128xi32, #tpu.memory_space<vmem>>) semaphore(%arg28 : memref<!tpu.dma_semaphore, #tpu.memory_space<semaphore_mem>>)
    %add3A_73 = arith.constant 256 : i32
    %add3A_74 = arith.addi %mul3A_2, %add3A_73 : i32
    %dma_start3A_75 = arith.constant 0 : i32
    %dma_start3A_76 = tpu.memref_slice %arg3[%add3A_74, %dma_start3A_75] : memref<16384x128xf32, #tpu.memory_space<hbm>> -> memref<128x128xf32, #tpu.memory_space<hbm>>
    %dma_start3A_77 = arith.constant 0 : i32
    %dma_start3A_78 = tpu.memref_slice %arg3[%add3A_74, %dma_start3A_77] : memref<16384x128xf32, #tpu.memory_space<hbm>> -> memref<128x128xf32, #tpu.memory_space<hbm>>
    tpu.enqueue_dma source(%dma_start3A_78 : memref<128x128xf32, #tpu.memory_space<hbm>>) target(%arg20 : memref<128x128xf32, #tpu.memory_space<vmem>>) target_semaphore(%arg30 : memref<!tpu.dma_semaphore, #tpu.memory_space<semaphore_mem>>)
    %dma_wait3A_79 = tpu.memref_slice %arg13[%add3A_43] : memref<16384xi32, #tpu.memory_space<vmem>> -> memref<128xi32, #tpu.memory_space<vmem>>
    %dma_wait3A_80 = arith.constant 0 : i32
    %dma_wait3A_81 = arith.constant 0 : i32
    %dma_wait3A_82 = tpu.memref_slice %arg2[%dma_wait3A_80, %dma_wait3A_81] : memref<100000x128xf32, #tpu.memory_space<hbm>> -> memref<100000x128xf32, #tpu.memory_space<hbm>>
    tpu.wait_indirect_dma semaphore(%arg29 : memref<!tpu.dma_semaphore, #tpu.memory_space<semaphore_mem>>) src(%dma_wait3A_82 : memref<100000x128xf32, #tpu.memory_space<hbm>>) dst(%arg19 : memref<128x128xf32, #tpu.memory_space<vmem>>)
    %dma_wait3A_83 = arith.constant 0 : i32
    %dma_wait3A_84 = tpu.memref_slice %arg3[%add3A_49, %dma_wait3A_83] : memref<16384x128xf32, #tpu.memory_space<hbm>> -> memref<128x128xf32, #tpu.memory_space<hbm>>
    %dma_wait3A_85 = arith.constant 0 : i32
    %dma_wait3A_86 = tpu.memref_slice %arg3[%add3A_49, %dma_wait3A_85] : memref<16384x128xf32, #tpu.memory_space<hbm>> -> memref<128x128xf32, #tpu.memory_space<hbm>>
    tpu.wait_dma2 semaphore(%arg31 : memref<!tpu.dma_semaphore, #tpu.memory_space<semaphore_mem>>) src(%dma_wait3A_86 : memref<128x128xf32, #tpu.memory_space<hbm>>) dst(%arg21 : memref<128x128xf32, #tpu.memory_space<vmem>>)
    %scan3A_87 = arith.constant 0 : i32
    %scan3A_88 = arith.constant 8 : i32
    %scan3A_89 = arith.addi %scan3A_87, %scan3A_88 : i32
    %scan3A_90 = arith.constant 1 : i32
    scf.for %scan3A_157 = %scan3A_87 to %scan3A_89 step %scan3A_90  : i32 {
      %broadcast_in_dim3A_158 = arith.constant 0.000000e+00 : f32
      %broadcast_in_dim3A_159 = vector.broadcast %broadcast_in_dim3A_158 : f32 to vector<16xf32>
      %scan3A_160 = arith.constant 0 : i32
      %scan3A_161 = arith.constant 2 : i32
      %scan3A_162 = arith.addi %scan3A_160, %scan3A_161 : i32
      %scan3A_163 = arith.constant 1 : i32
      %scan3A_164 = scf.for %scan3A_180 = %scan3A_160 to %scan3A_162 step %scan3A_163 iter_args(%scan3A_181 = %broadcast_in_dim3A_159) -> (vector<16xf32>)  : i32 {
        %mul3A_182 = arith.constant 8 : i32
        %mul3A_183 = arith.muli %scan3A_180, %mul3A_182 : i32
        %add3A_184 = arith.constant 0 : i32
        %add3A_185 = arith.addi %mul3A_183, %add3A_184 : i32
        %mul3A_186 = arith.constant 16 : i32
        %mul3A_187 = arith.muli %scan3A_157, %mul3A_186 : i32
        %add3A_188 = arith.addi %mul3A_187, %add3A_185 : i32
        %broadcast_in_dim3A_189 = arith.constant 0.000000e+00 : f32
        %broadcast_in_dim3A_190 = vector.broadcast %broadcast_in_dim3A_189 : f32 to vector<16xf32>
        %get3A_191 = arith.index_cast %add3A_188 : i32 to index
        %get3A_192 = arith.constant 0 : index
        %get3A_193 = tpu.vector_load %arg19[%get3A_191, %get3A_192] {strides = array<i32>} : memref<128x128xf32, #tpu.memory_space<vmem>>, vector<16xf32>,
        %get3A_194 = arith.index_cast %add3A_188 : i32 to index
        %get3A_195 = arith.constant 0 : index
        %get3A_196 = tpu.vector_load %arg21[%get3A_194, %get3A_195] {strides = array<i32>} : memref<128x128xf32, #tpu.memory_space<vmem>>, vector<16xf32>,
        %sub3A = arith.subf %get3A_193, %get3A_196 : vector<16xf32>
        %mul3A_197 = arith.mulf %sub3A, %sub3A : vector<16xf32>
        %add3A_198 = arith.addf %broadcast_in_dim3A_190, %mul3A_197 : vector<16xf32>
        %get3A_199 = arith.index_cast %add3A_188 : i32 to index
        %get3A_200 = arith.constant 16 : index
        %get3A_201 = tpu.vector_load %arg19[%get3A_199, %get3A_200] {strides = array<i32>} : memref<128x128xf32, #tpu.memory_space<vmem>>, vector<16xf32>,
        %get3A_202 = arith.index_cast %add3A_188 : i32 to index
        %get3A_203 = arith.constant 16 : index
        %get3A_204 = tpu.vector_load %arg21[%get3A_202, %get3A_203] {strides = array<i32>} : memref<128x128xf32, #tpu.memory_space<vmem>>, vector<16xf32>,
        %sub3A_205 = arith.subf %get3A_201, %get3A_204 : vector<16xf32>
        %mul3A_206 = arith.mulf %sub3A_205, %sub3A_205 : vector<16xf32>
        %add3A_207 = arith.addf %add3A_198, %mul3A_206 : vector<16xf32>
        %get3A_208 = arith.index_cast %add3A_188 : i32 to index
        %get3A_209 = arith.constant 32 : index
        %get3A_210 = tpu.vector_load %arg19[%get3A_208, %get3A_209] {strides = array<i32>} : memref<128x128xf32, #tpu.memory_space<vmem>>, vector<16xf32>,
        %get3A_211 = arith.index_cast %add3A_188 : i32 to index
        %get3A_212 = arith.constant 32 : index
        %get3A_213 = tpu.vector_load %arg21[%get3A_211, %get3A_212] {strides = array<i32>} : memref<128x128xf32, #tpu.memory_space<vmem>>, vector<16xf32>,
        %sub3A_214 = arith.subf %get3A_210, %get3A_213 : vector<16xf32>
        %mul3A_215 = arith.mulf %sub3A_214, %sub3A_214 : vector<16xf32>
        %add3A_216 = arith.addf %add3A_207, %mul3A_215 : vector<16xf32>
        %get3A_217 = arith.index_cast %add3A_188 : i32 to index
        %get3A_218 = arith.constant 48 : index
        %get3A_219 = tpu.vector_load %arg19[%get3A_217, %get3A_218] {strides = array<i32>} : memref<128x128xf32, #tpu.memory_space<vmem>>, vector<16xf32>,
        %get3A_220 = arith.index_cast %add3A_188 : i32 to index
        %get3A_221 = arith.constant 48 : index
        %get3A_222 = tpu.vector_load %arg21[%get3A_220, %get3A_221] {strides = array<i32>} : memref<128x128xf32, #tpu.memory_space<vmem>>, vector<16xf32>,
        %sub3A_223 = arith.subf %get3A_219, %get3A_222 : vector<16xf32>
        %mul3A_224 = arith.mulf %sub3A_223, %sub3A_223 : vector<16xf32>
        %add3A_225 = arith.addf %add3A_216, %mul3A_224 : vector<16xf32>
        %get3A_226 = arith.index_cast %add3A_188 : i32 to index
        %get3A_227 = arith.constant 64 : index
        %get3A_228 = tpu.vector_load %arg19[%get3A_226, %get3A_227] {strides = array<i32>} : memref<128x128xf32, #tpu.memory_space<vmem>>, vector<16xf32>,
        %get3A_229 = arith.index_cast %add3A_188 : i32 to index
        %get3A_230 = arith.constant 64 : index
        %get3A_231 = tpu.vector_load %arg21[%get3A_229, %get3A_230] {strides = array<i32>} : memref<128x128xf32, #tpu.memory_space<vmem>>, vector<16xf32>,
        %sub3A_232 = arith.subf %get3A_228, %get3A_231 : vector<16xf32>
        %mul3A_233 = arith.mulf %sub3A_232, %sub3A_232 : vector<16xf32>
        %add3A_234 = arith.addf %add3A_225, %mul3A_233 : vector<16xf32>
        %get3A_235 = arith.index_cast %add3A_188 : i32 to index
        %get3A_236 = arith.constant 80 : index
        %get3A_237 = tpu.vector_load %arg19[%get3A_235, %get3A_236] {strides = array<i32>} : memref<128x128xf32, #tpu.memory_space<vmem>>, vector<16xf32>,
        %get3A_238 = arith.index_cast %add3A_188 : i32 to index
        %get3A_239 = arith.constant 80 : index
        %get3A_240 = tpu.vector_load %arg21[%get3A_238, %get3A_239] {strides = array<i32>} : memref<128x128xf32, #tpu.memory_space<vmem>>, vector<16xf32>,
        %sub3A_241 = arith.subf %get3A_237, %get3A_240 : vector<16xf32>
        %mul3A_242 = arith.mulf %sub3A_241, %sub3A_241 : vector<16xf32>
        %add3A_243 = arith.addf %add3A_234, %mul3A_242 : vector<16xf32>
        %get3A_244 = arith.index_cast %add3A_188 : i32 to index
        %get3A_245 = arith.constant 96 : index
        %get3A_246 = tpu.vector_load %arg19[%get3A_244, %get3A_245] {strides = array<i32>} : memref<128x128xf32, #tpu.memory_space<vmem>>, vector<16xf32>,
        %get3A_247 = arith.index_cast %add3A_188 : i32 to index
        %get3A_248 = arith.constant 96 : index
        %get3A_249 = tpu.vector_load %arg21[%get3A_247, %get3A_248] {strides = array<i32>} : memref<128x128xf32, #tpu.memory_space<vmem>>, vector<16xf32>,
        %sub3A_250 = arith.subf %get3A_246, %get3A_249 : vector<16xf32>
        %mul3A_251 = arith.mulf %sub3A_250, %sub3A_250 : vector<16xf32>
        %add3A_252 = arith.addf %add3A_243, %mul3A_251 : vector<16xf32>
        %get3A_253 = arith.index_cast %add3A_188 : i32 to index
        %get3A_254 = arith.constant 112 : index
        %get3A_255 = tpu.vector_load %arg19[%get3A_253, %get3A_254] {strides = array<i32>} : memref<128x128xf32, #tpu.memory_space<vmem>>, vector<16xf32>,
        %get3A_256 = arith.index_cast %add3A_188 : i32 to index
        %get3A_257 = arith.constant 112 : index
        %get3A_258 = tpu.vector_load %arg21[%get3A_256, %get3A_257] {strides = array<i32>} : memref<128x128xf32, #tpu.memory_space<vmem>>, vector<16xf32>,
        %sub3A_259 = arith.subf %get3A_255, %get3A_258 : vector<16xf32>
        %mul3A_260 = arith.mulf %sub3A_259, %sub3A_259 : vector<16xf32>
        %add3A_261 = arith.addf %add3A_252, %mul3A_260 : vector<16xf32>
        %eq3A = vector.broadcast %add3A_185 : i32 to vector<16xi32>
        %eq3A_262 = arith.cmpi eq, %iota3A, %eq3A : vector<16xi32>
        %reduce_sum3A = arith.constant true
        %reduce_sum3A_263 = vector.broadcast %reduce_sum3A : i1 to vector<16xi1>
        %reduce_sum3A_264 = tpu.scan <sum>, %add3A_261 masked %reduce_sum3A_263 : vector<16xf32>, vector<16xi1> -> vector<16xf32>
        %reduce_sum3A_265 = vector.extract %reduce_sum3A_264[15] : f32 from vector<16xf32>
        %jit3A = arith.constant 0.000000e+00 : f32
        %broadcast_in_dim3A_266 = vector.broadcast %reduce_sum3A_265 : f32 to vector<16xf32>
        %broadcast_in_dim3A_267 = vector.broadcast %jit3A : f32 to vector<16xf32>
        %select_n3A = arith.select %eq3A_262, %broadcast_in_dim3A_266, %broadcast_in_dim3A_267 : vector<16xi1>, vector<16xf32>
        %add3A_268 = arith.addf %scan3A_181, %select_n3A : vector<16xf32>
        %mul3A_269 = arith.constant 8 : i32
        %mul3A_270 = arith.muli %scan3A_180, %mul3A_269 : i32
        %add3A_271 = arith.constant 1 : i32
        %add3A_272 = arith.addi %mul3A_270, %add3A_271 : i32
        %mul3A_273 = arith.constant 16 : i32
        %mul3A_274 = arith.muli %scan3A_157, %mul3A_273 : i32
        %add3A_275 = arith.addi %mul3A_274, %add3A_272 : i32
        %broadcast_in_dim3A_276 = arith.constant 0.000000e+00 : f32
        %broadcast_in_dim3A_277 = vector.broadcast %broadcast_in_dim3A_276 : f32 to vector<16xf32>
        %get3A_278 = arith.index_cast %add3A_275 : i32 to index
        %get3A_279 = arith.constant 0 : index
        %get3A_280 = tpu.vector_load %arg19[%get3A_278, %get3A_279] {strides = array<i32>} : memref<128x128xf32, #tpu.memory_space<vmem>>, vector<16xf32>,
        %get3A_281 = arith.index_cast %add3A_275 : i32 to index
        %get3A_282 = arith.constant 0 : index
        %get3A_283 = tpu.vector_load %arg21[%get3A_281, %get3A_282] {strides = array<i32>} : memref<128x128xf32, #tpu.memory_space<vmem>>, vector<16xf32>,
        %sub3A_284 = arith.subf %get3A_280, %get3A_283 : vector<16xf32>
        %mul3A_285 = arith.mulf %sub3A_284, %sub3A_284 : vector<16xf32>
        %add3A_286 = arith.addf %broadcast_in_dim3A_277, %mul3A_285 : vector<16xf32>
        %get3A_287 = arith.index_cast %add3A_275 : i32 to index
        %get3A_288 = arith.constant 16 : index
        %get3A_289 = tpu.vector_load %arg19[%get3A_287, %get3A_288] {strides = array<i32>} : memref<128x128xf32, #tpu.memory_space<vmem>>, vector<16xf32>,
        %get3A_290 = arith.index_cast %add3A_275 : i32 to index
        %get3A_291 = arith.constant 16 : index
        %get3A_292 = tpu.vector_load %arg21[%get3A_290, %get3A_291] {strides = array<i32>} : memref<128x128xf32, #tpu.memory_space<vmem>>, vector<16xf32>,
        %sub3A_293 = arith.subf %get3A_289, %get3A_292 : vector<16xf32>
        %mul3A_294 = arith.mulf %sub3A_293, %sub3A_293 : vector<16xf32>
        %add3A_295 = arith.addf %add3A_286, %mul3A_294 : vector<16xf32>
        %get3A_296 = arith.index_cast %add3A_275 : i32 to index
        %get3A_297 = arith.constant 32 : index
        %get3A_298 = tpu.vector_load %arg19[%get3A_296, %get3A_297] {strides = array<i32>} : memref<128x128xf32, #tpu.memory_space<vmem>>, vector<16xf32>,
        %get3A_299 = arith.index_cast %add3A_275 : i32 to index
        %get3A_300 = arith.constant 32 : index
        %get3A_301 = tpu.vector_load %arg21[%get3A_299, %get3A_300] {strides = array<i32>} : memref<128x128xf32, #tpu.memory_space<vmem>>, vector<16xf32>,
        %sub3A_302 = arith.subf %get3A_298, %get3A_301 : vector<16xf32>
        %mul3A_303 = arith.mulf %sub3A_302, %sub3A_302 : vector<16xf32>
        %add3A_304 = arith.addf %add3A_295, %mul3A_303 : vector<16xf32>
        %get3A_305 = arith.index_cast %add3A_275 : i32 to index
        %get3A_306 = arith.constant 48 : index
        %get3A_307 = tpu.vector_load %arg19[%get3A_305, %get3A_306] {strides = array<i32>} : memref<128x128xf32, #tpu.memory_space<vmem>>, vector<16xf32>,
        %get3A_308 = arith.index_cast %add3A_275 : i32 to index
        %get3A_309 = arith.constant 48 : index
        %get3A_310 = tpu.vector_load %arg21[%get3A_308, %get3A_309] {strides = array<i32>} : memref<128x128xf32, #tpu.memory_space<vmem>>, vector<16xf32>,
        %sub3A_311 = arith.subf %get3A_307, %get3A_310 : vector<16xf32>
        %mul3A_312 = arith.mulf %sub3A_311, %sub3A_311 : vector<16xf32>
        %add3A_313 = arith.addf %add3A_304, %mul3A_312 : vector<16xf32>
        %get3A_314 = arith.index_cast %add3A_275 : i32 to index
        %get3A_315 = arith.constant 64 : index
        %get3A_316 = tpu.vector_load %arg19[%get3A_314, %get3A_315] {strides = array<i32>} : memref<128x128xf32, #tpu.memory_space<vmem>>, vector<16xf32>,
        %get3A_317 = arith.index_cast %add3A_275 : i32 to index
        %get3A_318 = arith.constant 64 : index
        %get3A_319 = tpu.vector_load %arg21[%get3A_317, %get3A_318] {strides = array<i32>} : memref<128x128xf32, #tpu.memory_space<vmem>>, vector<16xf32>,
        %sub3A_320 = arith.subf %get3A_316, %get3A_319 : vector<16xf32>
        %mul3A_321 = arith.mulf %sub3A_320, %sub3A_320 : vector<16xf32>
        %add3A_322 = arith.addf %add3A_313, %mul3A_321 : vector<16xf32>
        %get3A_323 = arith.index_cast %add3A_275 : i32 to index
        %get3A_324 = arith.constant 80 : index
        %get3A_325 = tpu.vector_load %arg19[%get3A_323, %get3A_324] {strides = array<i32>} : memref<128x128xf32, #tpu.memory_space<vmem>>, vector<16xf32>,
        %get3A_326 = arith.index_cast %add3A_275 : i32 to index
        %get3A_327 = arith.constant 80 : index
        %get3A_328 = tpu.vector_load %arg21[%get3A_326, %get3A_327] {strides = array<i32>} : memref<128x128xf32, #tpu.memory_space<vmem>>, vector<16xf32>,
        %sub3A_329 = arith.subf %get3A_325, %get3A_328 : vector<16xf32>
        %mul3A_330 = arith.mulf %sub3A_329, %sub3A_329 : vector<16xf32>
        %add3A_331 = arith.addf %add3A_322, %mul3A_330 : vector<16xf32>
        %get3A_332 = arith.index_cast %add3A_275 : i32 to index
        %get3A_333 = arith.constant 96 : index
        %get3A_334 = tpu.vector_load %arg19[%get3A_332, %get3A_333] {strides = array<i32>} : memref<128x128xf32, #tpu.memory_space<vmem>>, vector<16xf32>,
        %get3A_335 = arith.index_cast %add3A_275 : i32 to index
        %get3A_336 = arith.constant 96 : index
        %get3A_337 = tpu.vector_load %arg21[%get3A_335, %get3A_336] {strides = array<i32>} : memref<128x128xf32, #tpu.memory_space<vmem>>, vector<16xf32>,
        %sub3A_338 = arith.subf %get3A_334, %get3A_337 : vector<16xf32>
        %mul3A_339 = arith.mulf %sub3A_338, %sub3A_338 : vector<16xf32>
        %add3A_340 = arith.addf %add3A_331, %mul3A_339 : vector<16xf32>
        %get3A_341 = arith.index_cast %add3A_275 : i32 to index
        %get3A_342 = arith.constant 112 : index
        %get3A_343 = tpu.vector_load %arg19[%get3A_341, %get3A_342] {strides = array<i32>} : memref<128x128xf32, #tpu.memory_space<vmem>>, vector<16xf32>,
        %get3A_344 = arith.index_cast %add3A_275 : i32 to index
        %get3A_345 = arith.constant 112 : index
        %get3A_346 = tpu.vector_load %arg21[%get3A_344, %get3A_345] {strides = array<i32>} : memref<128x128xf32, #tpu.memory_space<vmem>>, vector<16xf32>,
        %sub3A_347 = arith.subf %get3A_343, %get3A_346 : vector<16xf32>
        %mul3A_348 = arith.mulf %sub3A_347, %sub3A_347 : vector<16xf32>
        %add3A_349 = arith.addf %add3A_340, %mul3A_348 : vector<16xf32>
        %eq3A_350 = vector.broadcast %add3A_272 : i32 to vector<16xi32>
        %eq3A_351 = arith.cmpi eq, %iota3A, %eq3A_350 : vector<16xi32>
        %reduce_sum3A_352 = arith.constant true
        %reduce_sum3A_353 = vector.broadcast %reduce_sum3A_352 : i1 to vector<16xi1>
        %reduce_sum3A_354 = tpu.scan <sum>, %add3A_349 masked %reduce_sum3A_353 : vector<16xf32>, vector<16xi1> -> vector<16xf32>
        %reduce_sum3A_355 = vector.extract %reduce_sum3A_354[15] : f32 from vector<16xf32>
        %jit3A_356 = arith.constant 0.000000e+00 : f32
        %broadcast_in_dim3A_357 = vector.broadcast %reduce_sum3A_355 : f32 to vector<16xf32>
        %broadcast_in_dim3A_358 = vector.broadcast %jit3A_356 : f32 to vector<16xf32>
        %select_n3A_359 = arith.select %eq3A_351, %broadcast_in_dim3A_357, %broadcast_in_dim3A_358 : vector<16xi1>, vector<16xf32>
        %add3A_360 = arith.addf %add3A_268, %select_n3A_359 : vector<16xf32>
        %mul3A_361 = arith.constant 8 : i32
        %mul3A_362 = arith.muli %scan3A_180, %mul3A_361 : i32
        %add3A_363 = arith.constant 2 : i32
        %add3A_364 = arith.addi %mul3A_362, %add3A_363 : i32
        %mul3A_365 = arith.constant 16 : i32
        %mul3A_366 = arith.muli %scan3A_157, %mul3A_365 : i32
        %add3A_367 = arith.addi %mul3A_366, %add3A_364 : i32
        %broadcast_in_dim3A_368 = arith.constant 0.000000e+00 : f32
        %broadcast_in_dim3A_369 = vector.broadcast %broadcast_in_dim3A_368 : f32 to vector<16xf32>
        %get3A_370 = arith.index_cast %add3A_367 : i32 to index
        %get3A_371 = arith.constant 0 : index
        %get3A_372 = tpu.vector_load %arg19[%get3A_370, %get3A_371] {strides = array<i32>} : memref<128x128xf32, #tpu.memory_space<vmem>>, vector<16xf32>,
        %get3A_373 = arith.index_cast %add3A_367 : i32 to index
        %get3A_374 = arith.constant 0 : index
        %get3A_375 = tpu.vector_load %arg21[%get3A_373, %get3A_374] {strides = array<i32>} : memref<128x128xf32, #tpu.memory_space<vmem>>, vector<16xf32>,
        %sub3A_376 = arith.subf %get3A_372, %get3A_375 : vector<16xf32>
        %mul3A_377 = arith.mulf %sub3A_376, %sub3A_376 : vector<16xf32>
        %add3A_378 = arith.addf %broadcast_in_dim3A_369, %mul3A_377 : vector<16xf32>
        %get3A_379 = arith.index_cast %add3A_367 : i32 to index
        %get3A_380 = arith.constant 16 : index
        %get3A_381 = tpu.vector_load %arg19[%get3A_379, %get3A_380] {strides = array<i32>} : memref<128x128xf32, #tpu.memory_space<vmem>>, vector<16xf32>,
        %get3A_382 = arith.index_cast %add3A_367 : i32 to index
        %get3A_383 = arith.constant 16 : index
        %get3A_384 = tpu.vector_load %arg21[%get3A_382, %get3A_383] {strides = array<i32>} : memref<128x128xf32, #tpu.memory_space<vmem>>, vector<16xf32>,
        %sub3A_385 = arith.subf %get3A_381, %get3A_384 : vector<16xf32>
        %mul3A_386 = arith.mulf %sub3A_385, %sub3A_385 : vector<16xf32>
        %add3A_387 = arith.addf %add3A_378, %mul3A_386 : vector<16xf32>
        %get3A_388 = arith.index_cast %add3A_367 : i32 to index
        %get3A_389 = arith.constant 32 : index
        %get3A_390 = tpu.vector_load %arg19[%get3A_388, %get3A_389] {strides = array<i32>} : memref<128x128xf32, #tpu.memory_space<vmem>>, vector<16xf32>,
        %get3A_391 = arith.index_cast %add3A_367 : i32 to index
        %get3A_392 = arith.constant 32 : index
        %get3A_393 = tpu.vector_load %arg21[%get3A_391, %get3A_392] {strides = array<i32>} : memref<128x128xf32, #tpu.memory_space<vmem>>, vector<16xf32>,
        %sub3A_394 = arith.subf %get3A_390, %get3A_393 : vector<16xf32>
        %mul3A_395 = arith.mulf %sub3A_394, %sub3A_394 : vector<16xf32>
        %add3A_396 = arith.addf %add3A_387, %mul3A_395 : vector<16xf32>
        %get3A_397 = arith.index_cast %add3A_367 : i32 to index
        %get3A_398 = arith.constant 48 : index
        %get3A_399 = tpu.vector_load %arg19[%get3A_397, %get3A_398] {strides = array<i32>} : memref<128x128xf32, #tpu.memory_space<vmem>>, vector<16xf32>,
        %get3A_400 = arith.index_cast %add3A_367 : i32 to index
        %get3A_401 = arith.constant 48 : index
        %get3A_402 = tpu.vector_load %arg21[%get3A_400, %get3A_401] {strides = array<i32>} : memref<128x128xf32, #tpu.memory_space<vmem>>, vector<16xf32>,
        %sub3A_403 = arith.subf %get3A_399, %get3A_402 : vector<16xf32>
        %mul3A_404 = arith.mulf %sub3A_403, %sub3A_403 : vector<16xf32>
        %add3A_405 = arith.addf %add3A_396, %mul3A_404 : vector<16xf32>
        %get3A_406 = arith.index_cast %add3A_367 : i32 to index
        %get3A_407 = arith.constant 64 : index
        %get3A_408 = tpu.vector_load %arg19[%get3A_406, %get3A_407] {strides = array<i32>} : memref<128x128xf32, #tpu.memory_space<vmem>>, vector<16xf32>,
        %get3A_409 = arith.index_cast %add3A_367 : i32 to index
        %get3A_410 = arith.constant 64 : index
        %get3A_411 = tpu.vector_load %arg21[%get3A_409, %get3A_410] {strides = array<i32>} : memref<128x128xf32, #tpu.memory_space<vmem>>, vector<16xf32>,
        %sub3A_412 = arith.subf %get3A_408, %get3A_411 : vector<16xf32>
        %mul3A_413 = arith.mulf %sub3A_412, %sub3A_412 : vector<16xf32>
        %add3A_414 = arith.addf %add3A_405, %mul3A_413 : vector<16xf32>
        %get3A_415 = arith.index_cast %add3A_367 : i32 to index
        %get3A_416 = arith.constant 80 : index
        %get3A_417 = tpu.vector_load %arg19[%get3A_415, %get3A_416] {strides = array<i32>} : memref<128x128xf32, #tpu.memory_space<vmem>>, vector<16xf32>,
        %get3A_418 = arith.index_cast %add3A_367 : i32 to index
        %get3A_419 = arith.constant 80 : index
        %get3A_420 = tpu.vector_load %arg21[%get3A_418, %get3A_419] {strides = array<i32>} : memref<128x128xf32, #tpu.memory_space<vmem>>, vector<16xf32>,
        %sub3A_421 = arith.subf %get3A_417, %get3A_420 : vector<16xf32>
        %mul3A_422 = arith.mulf %sub3A_421, %sub3A_421 : vector<16xf32>
        %add3A_423 = arith.addf %add3A_414, %mul3A_422 : vector<16xf32>
        %get3A_424 = arith.index_cast %add3A_367 : i32 to index
        %get3A_425 = arith.constant 96 : index
        %get3A_426 = tpu.vector_load %arg19[%get3A_424, %get3A_425] {strides = array<i32>} : memref<128x128xf32, #tpu.memory_space<vmem>>, vector<16xf32>,
        %get3A_427 = arith.index_cast %add3A_367 : i32 to index
        %get3A_428 = arith.constant 96 : index
        %get3A_429 = tpu.vector_load %arg21[%get3A_427, %get3A_428] {strides = array<i32>} : memref<128x128xf32, #tpu.memory_space<vmem>>, vector<16xf32>,
        %sub3A_430 = arith.subf %get3A_426, %get3A_429 : vector<16xf32>
        %mul3A_431 = arith.mulf %sub3A_430, %sub3A_430 : vector<16xf32>
        %add3A_432 = arith.addf %add3A_423, %mul3A_431 : vector<16xf32>
        %get3A_433 = arith.index_cast %add3A_367 : i32 to index
        %get3A_434 = arith.constant 112 : index
        %get3A_435 = tpu.vector_load %arg19[%get3A_433, %get3A_434] {strides = array<i32>} : memref<128x128xf32, #tpu.memory_space<vmem>>, vector<16xf32>,
        %get3A_436 = arith.index_cast %add3A_367 : i32 to index
        %get3A_437 = arith.constant 112 : index
        %get3A_438 = tpu.vector_load %arg21[%get3A_436, %get3A_437] {strides = array<i32>} : memref<128x128xf32, #tpu.memory_space<vmem>>, vector<16xf32>,
        %sub3A_439 = arith.subf %get3A_435, %get3A_438 : vector<16xf32>
        %mul3A_440 = arith.mulf %sub3A_439, %sub3A_439 : vector<16xf32>
        %add3A_441 = arith.addf %add3A_432, %mul3A_440 : vector<16xf32>
        %eq3A_442 = vector.broadcast %add3A_364 : i32 to vector<16xi32>
        %eq3A_443 = arith.cmpi eq, %iota3A, %eq3A_442 : vector<16xi32>
        %reduce_sum3A_444 = arith.constant true
        %reduce_sum3A_445 = vector.broadcast %reduce_sum3A_444 : i1 to vector<16xi1>
        %reduce_sum3A_446 = tpu.scan <sum>, %add3A_441 masked %reduce_sum3A_445 : vector<16xf32>, vector<16xi1> -> vector<16xf32>
        %reduce_sum3A_447 = vector.extract %reduce_sum3A_446[15] : f32 from vector<16xf32>
        %jit3A_448 = arith.constant 0.000000e+00 : f32
        %broadcast_in_dim3A_449 = vector.broadcast %reduce_sum3A_447 : f32 to vector<16xf32>
        %broadcast_in_dim3A_450 = vector.broadcast %jit3A_448 : f32 to vector<16xf32>
        %select_n3A_451 = arith.select %eq3A_443, %broadcast_in_dim3A_449, %broadcast_in_dim3A_450 : vector<16xi1>, vector<16xf32>
        %add3A_452 = arith.addf %add3A_360, %select_n3A_451 : vector<16xf32>
        %mul3A_453 = arith.constant 8 : i32
        %mul3A_454 = arith.muli %scan3A_180, %mul3A_453 : i32
        %add3A_455 = arith.constant 3 : i32
        %add3A_456 = arith.addi %mul3A_454, %add3A_455 : i32
        %mul3A_457 = arith.constant 16 : i32
        %mul3A_458 = arith.muli %scan3A_157, %mul3A_457 : i32
        %add3A_459 = arith.addi %mul3A_458, %add3A_456 : i32
        %broadcast_in_dim3A_460 = arith.constant 0.000000e+00 : f32
        %broadcast_in_dim3A_461 = vector.broadcast %broadcast_in_dim3A_460 : f32 to vector<16xf32>
        %get3A_462 = arith.index_cast %add3A_459 : i32 to index
        %get3A_463 = arith.constant 0 : index
        %get3A_464 = tpu.vector_load %arg19[%get3A_462, %get3A_463] {strides = array<i32>} : memref<128x128xf32, #tpu.memory_space<vmem>>, vector<16xf32>,
        %get3A_465 = arith.index_cast %add3A_459 : i32 to index
        %get3A_466 = arith.constant 0 : index
        %get3A_467 = tpu.vector_load %arg21[%get3A_465, %get3A_466] {strides = array<i32>} : memref<128x128xf32, #tpu.memory_space<vmem>>, vector<16xf32>,
        %sub3A_468 = arith.subf %get3A_464, %get3A_467 : vector<16xf32>
        %mul3A_469 = arith.mulf %sub3A_468, %sub3A_468 : vector<16xf32>
        %add3A_470 = arith.addf %broadcast_in_dim3A_461, %mul3A_469 : vector<16xf32>
        %get3A_471 = arith.index_cast %add3A_459 : i32 to index
        %get3A_472 = arith.constant 16 : index
        %get3A_473 = tpu.vector_load %arg19[%get3A_471, %get3A_472] {strides = array<i32>} : memref<128x128xf32, #tpu.memory_space<vmem>>, vector<16xf32>,
        %get3A_474 = arith.index_cast %add3A_459 : i32 to index
        %get3A_475 = arith.constant 16 : index
        %get3A_476 = tpu.vector_load %arg21[%get3A_474, %get3A_475] {strides = array<i32>} : memref<128x128xf32, #tpu.memory_space<vmem>>, vector<16xf32>,
        %sub3A_477 = arith.subf %get3A_473, %get3A_476 : vector<16xf32>
        %mul3A_478 = arith.mulf %sub3A_477, %sub3A_477 : vector<16xf32>
        %add3A_479 = arith.addf %add3A_470, %mul3A_478 : vector<16xf32>
        %get3A_480 = arith.index_cast %add3A_459 : i32 to index
        %get3A_481 = arith.constant 32 : index
        %get3A_482 = tpu.vector_load %arg19[%get3A_480, %get3A_481] {strides = array<i32>} : memref<128x128xf32, #tpu.memory_space<vmem>>, vector<16xf32>,
        %get3A_483 = arith.index_cast %add3A_459 : i32 to index
        %get3A_484 = arith.constant 32 : index
        %get3A_485 = tpu.vector_load %arg21[%get3A_483, %get3A_484] {strides = array<i32>} : memref<128x128xf32, #tpu.memory_space<vmem>>, vector<16xf32>,
        %sub3A_486 = arith.subf %get3A_482, %get3A_485 : vector<16xf32>
        %mul3A_487 = arith.mulf %sub3A_486, %sub3A_486 : vector<16xf32>
        %add3A_488 = arith.addf %add3A_479, %mul3A_487 : vector<16xf32>
        %get3A_489 = arith.index_cast %add3A_459 : i32 to index
        %get3A_490 = arith.constant 48 : index
        %get3A_491 = tpu.vector_load %arg19[%get3A_489, %get3A_490] {strides = array<i32>} : memref<128x128xf32, #tpu.memory_space<vmem>>, vector<16xf32>,
        %get3A_492 = arith.index_cast %add3A_459 : i32 to index
        %get3A_493 = arith.constant 48 : index
        %get3A_494 = tpu.vector_load %arg21[%get3A_492, %get3A_493] {strides = array<i32>} : memref<128x128xf32, #tpu.memory_space<vmem>>, vector<16xf32>,
        %sub3A_495 = arith.subf %get3A_491, %get3A_494 : vector<16xf32>
        %mul3A_496 = arith.mulf %sub3A_495, %sub3A_495 : vector<16xf32>
        %add3A_497 = arith.addf %add3A_488, %mul3A_496 : vector<16xf32>
        %get3A_498 = arith.index_cast %add3A_459 : i32 to index
        %get3A_499 = arith.constant 64 : index
        %get3A_500 = tpu.vector_load %arg19[%get3A_498, %get3A_499] {strides = array<i32>} : memref<128x128xf32, #tpu.memory_space<vmem>>, vector<16xf32>,
        %get3A_501 = arith.index_cast %add3A_459 : i32 to index
        %get3A_502 = arith.constant 64 : index
        %get3A_503 = tpu.vector_load %arg21[%get3A_501, %get3A_502] {strides = array<i32>} : memref<128x128xf32, #tpu.memory_space<vmem>>, vector<16xf32>,
        %sub3A_504 = arith.subf %get3A_500, %get3A_503 : vector<16xf32>
        %mul3A_505 = arith.mulf %sub3A_504, %sub3A_504 : vector<16xf32>
        %add3A_506 = arith.addf %add3A_497, %mul3A_505 : vector<16xf32>
        %get3A_507 = arith.index_cast %add3A_459 : i32 to index
        %get3A_508 = arith.constant 80 : index
        %get3A_509 = tpu.vector_load %arg19[%get3A_507, %get3A_508] {strides = array<i32>} : memref<128x128xf32, #tpu.memory_space<vmem>>, vector<16xf32>,
        %get3A_510 = arith.index_cast %add3A_459 : i32 to index
        %get3A_511 = arith.constant 80 : index
        %get3A_512 = tpu.vector_load %arg21[%get3A_510, %get3A_511] {strides = array<i32>} : memref<128x128xf32, #tpu.memory_space<vmem>>, vector<16xf32>,
        %sub3A_513 = arith.subf %get3A_509, %get3A_512 : vector<16xf32>
        %mul3A_514 = arith.mulf %sub3A_513, %sub3A_513 : vector<16xf32>
        %add3A_515 = arith.addf %add3A_506, %mul3A_514 : vector<16xf32>
        %get3A_516 = arith.index_cast %add3A_459 : i32 to index
        %get3A_517 = arith.constant 96 : index
        %get3A_518 = tpu.vector_load %arg19[%get3A_516, %get3A_517] {strides = array<i32>} : memref<128x128xf32, #tpu.memory_space<vmem>>, vector<16xf32>,
        %get3A_519 = arith.index_cast %add3A_459 : i32 to index
        %get3A_520 = arith.constant 96 : index
        %get3A_521 = tpu.vector_load %arg21[%get3A_519, %get3A_520] {strides = array<i32>} : memref<128x128xf32, #tpu.memory_space<vmem>>, vector<16xf32>,
        %sub3A_522 = arith.subf %get3A_518, %get3A_521 : vector<16xf32>
        %mul3A_523 = arith.mulf %sub3A_522, %sub3A_522 : vector<16xf32>
        %add3A_524 = arith.addf %add3A_515, %mul3A_523 : vector<16xf32>
        %get3A_525 = arith.index_cast %add3A_459 : i32 to index
        %get3A_526 = arith.constant 112 : index
        %get3A_527 = tpu.vector_load %arg19[%get3A_525, %get3A_526] {strides = array<i32>} : memref<128x128xf32, #tpu.memory_space<vmem>>, vector<16xf32>,
        %get3A_528 = arith.index_cast %add3A_459 : i32 to index
        %get3A_529 = arith.constant 112 : index
        %get3A_530 = tpu.vector_load %arg21[%get3A_528, %get3A_529] {strides = array<i32>} : memref<128x128xf32, #tpu.memory_space<vmem>>, vector<16xf32>,
        %sub3A_531 = arith.subf %get3A_527, %get3A_530 : vector<16xf32>
        %mul3A_532 = arith.mulf %sub3A_531, %sub3A_531 : vector<16xf32>
        %add3A_533 = arith.addf %add3A_524, %mul3A_532 : vector<16xf32>
        %eq3A_534 = vector.broadcast %add3A_456 : i32 to vector<16xi32>
        %eq3A_535 = arith.cmpi eq, %iota3A, %eq3A_534 : vector<16xi32>
        %reduce_sum3A_536 = arith.constant true
        %reduce_sum3A_537 = vector.broadcast %reduce_sum3A_536 : i1 to vector<16xi1>
        %reduce_sum3A_538 = tpu.scan <sum>, %add3A_533 masked %reduce_sum3A_537 : vector<16xf32>, vector<16xi1> -> vector<16xf32>
        %reduce_sum3A_539 = vector.extract %reduce_sum3A_538[15] : f32 from vector<16xf32>
        %jit3A_540 = arith.constant 0.000000e+00 : f32
        %broadcast_in_dim3A_541 = vector.broadcast %reduce_sum3A_539 : f32 to vector<16xf32>
        %broadcast_in_dim3A_542 = vector.broadcast %jit3A_540 : f32 to vector<16xf32>
        %select_n3A_543 = arith.select %eq3A_535, %broadcast_in_dim3A_541, %broadcast_in_dim3A_542 : vector<16xi1>, vector<16xf32>
        %add3A_544 = arith.addf %add3A_452, %select_n3A_543 : vector<16xf32>
        %mul3A_545 = arith.constant 8 : i32
        %mul3A_546 = arith.muli %scan3A_180, %mul3A_545 : i32
        %add3A_547 = arith.constant 4 : i32
        %add3A_548 = arith.addi %mul3A_546, %add3A_547 : i32
        %mul3A_549 = arith.constant 16 : i32
        %mul3A_550 = arith.muli %scan3A_157, %mul3A_549 : i32
        %add3A_551 = arith.addi %mul3A_550, %add3A_548 : i32
        %broadcast_in_dim3A_552 = arith.constant 0.000000e+00 : f32
        %broadcast_in_dim3A_553 = vector.broadcast %broadcast_in_dim3A_552 : f32 to vector<16xf32>
        %get3A_554 = arith.index_cast %add3A_551 : i32 to index
        %get3A_555 = arith.constant 0 : index
        %get3A_556 = tpu.vector_load %arg19[%get3A_554, %get3A_555] {strides = array<i32>} : memref<128x128xf32, #tpu.memory_space<vmem>>, vector<16xf32>,
        %get3A_557 = arith.index_cast %add3A_551 : i32 to index
        %get3A_558 = arith.constant 0 : index
        %get3A_559 = tpu.vector_load %arg21[%get3A_557, %get3A_558] {strides = array<i32>} : memref<128x128xf32, #tpu.memory_space<vmem>>, vector<16xf32>,
        %sub3A_560 = arith.subf %get3A_556, %get3A_559 : vector<16xf32>
        %mul3A_561 = arith.mulf %sub3A_560, %sub3A_560 : vector<16xf32>
        %add3A_562 = arith.addf %broadcast_in_dim3A_553, %mul3A_561 : vector<16xf32>
        %get3A_563 = arith.index_cast %add3A_551 : i32 to index
        %get3A_564 = arith.constant 16 : index
        %get3A_565 = tpu.vector_load %arg19[%get3A_563, %get3A_564] {strides = array<i32>} : memref<128x128xf32, #tpu.memory_space<vmem>>, vector<16xf32>,
        %get3A_566 = arith.index_cast %add3A_551 : i32 to index
        %get3A_567 = arith.constant 16 : index
        %get3A_568 = tpu.vector_load %arg21[%get3A_566, %get3A_567] {strides = array<i32>} : memref<128x128xf32, #tpu.memory_space<vmem>>, vector<16xf32>,
        %sub3A_569 = arith.subf %get3A_565, %get3A_568 : vector<16xf32>
        %mul3A_570 = arith.mulf %sub3A_569, %sub3A_569 : vector<16xf32>
        %add3A_571 = arith.addf %add3A_562, %mul3A_570 : vector<16xf32>
        %get3A_572 = arith.index_cast %add3A_551 : i32 to index
        %get3A_573 = arith.constant 32 : index
        %get3A_574 = tpu.vector_load %arg19[%get3A_572, %get3A_573] {strides = array<i32>} : memref<128x128xf32, #tpu.memory_space<vmem>>, vector<16xf32>,
        %get3A_575 = arith.index_cast %add3A_551 : i32 to index
        %get3A_576 = arith.constant 32 : index
        %get3A_577 = tpu.vector_load %arg21[%get3A_575, %get3A_576] {strides = array<i32>} : memref<128x128xf32, #tpu.memory_space<vmem>>, vector<16xf32>,
        %sub3A_578 = arith.subf %get3A_574, %get3A_577 : vector<16xf32>
        %mul3A_579 = arith.mulf %sub3A_578, %sub3A_578 : vector<16xf32>
        %add3A_580 = arith.addf %add3A_571, %mul3A_579 : vector<16xf32>
        %get3A_581 = arith.index_cast %add3A_551 : i32 to index
        %get3A_582 = arith.constant 48 : index
        %get3A_583 = tpu.vector_load %arg19[%get3A_581, %get3A_582] {strides = array<i32>} : memref<128x128xf32, #tpu.memory_space<vmem>>, vector<16xf32>,
        %get3A_584 = arith.index_cast %add3A_551 : i32 to index
        %get3A_585 = arith.constant 48 : index
        %get3A_586 = tpu.vector_load %arg21[%get3A_584, %get3A_585] {strides = array<i32>} : memref<128x128xf32, #tpu.memory_space<vmem>>, vector<16xf32>,
        %sub3A_587 = arith.subf %get3A_583, %get3A_586 : vector<16xf32>
        %mul3A_588 = arith.mulf %sub3A_587, %sub3A_587 : vector<16xf32>
        %add3A_589 = arith.addf %add3A_580, %mul3A_588 : vector<16xf32>
        %get3A_590 = arith.index_cast %add3A_551 : i32 to index
        %get3A_591 = arith.constant 64 : index
        %get3A_592 = tpu.vector_load %arg19[%get3A_590, %get3A_591] {strides = array<i32>} : memref<128x128xf32, #tpu.memory_space<vmem>>, vector<16xf32>,
        %get3A_593 = arith.index_cast %add3A_551 : i32 to index
        %get3A_594 = arith.constant 64 : index
        %get3A_595 = tpu.vector_load %arg21[%get3A_593, %get3A_594] {strides = array<i32>} : memref<128x128xf32, #tpu.memory_space<vmem>>, vector<16xf32>,
        %sub3A_596 = arith.subf %get3A_592, %get3A_595 : vector<16xf32>
        %mul3A_597 = arith.mulf %sub3A_596, %sub3A_596 : vector<16xf32>
        %add3A_598 = arith.addf %add3A_589, %mul3A_597 : vector<16xf32>
        %get3A_599 = arith.index_cast %add3A_551 : i32 to index
        %get3A_600 = arith.constant 80 : index
        %get3A_601 = tpu.vector_load %arg19[%get3A_599, %get3A_600] {strides = array<i32>} : memref<128x128xf32, #tpu.memory_space<vmem>>, vector<16xf32>,
        %get3A_602 = arith.index_cast %add3A_551 : i32 to index
        %get3A_603 = arith.constant 80 : index
        %get3A_604 = tpu.vector_load %arg21[%get3A_602, %get3A_603] {strides = array<i32>} : memref<128x128xf32, #tpu.memory_space<vmem>>, vector<16xf32>,
        %sub3A_605 = arith.subf %get3A_601, %get3A_604 : vector<16xf32>
        %mul3A_606 = arith.mulf %sub3A_605, %sub3A_605 : vector<16xf32>
        %add3A_607 = arith.addf %add3A_598, %mul3A_606 : vector<16xf32>
        %get3A_608 = arith.index_cast %add3A_551 : i32 to index
        %get3A_609 = arith.constant 96 : index
        %get3A_610 = tpu.vector_load %arg19[%get3A_608, %get3A_609] {strides = array<i32>} : memref<128x128xf32, #tpu.memory_space<vmem>>, vector<16xf32>,
        %get3A_611 = arith.index_cast %add3A_551 : i32 to index
        %get3A_612 = arith.constant 96 : index
        %get3A_613 = tpu.vector_load %arg21[%get3A_611, %get3A_612] {strides = array<i32>} : memref<128x128xf32, #tpu.memory_space<vmem>>, vector<16xf32>,
        %sub3A_614 = arith.subf %get3A_610, %get3A_613 : vector<16xf32>
        %mul3A_615 = arith.mulf %sub3A_614, %sub3A_614 : vector<16xf32>
        %add3A_616 = arith.addf %add3A_607, %mul3A_615 : vector<16xf32>
        %get3A_617 = arith.index_cast %add3A_551 : i32 to index
        %get3A_618 = arith.constant 112 : index
        %get3A_619 = tpu.vector_load %arg19[%get3A_617, %get3A_618] {strides = array<i32>} : memref<128x128xf32, #tpu.memory_space<vmem>>, vector<16xf32>,
        %get3A_620 = arith.index_cast %add3A_551 : i32 to index
        %get3A_621 = arith.constant 112 : index
        %get3A_622 = tpu.vector_load %arg21[%get3A_620, %get3A_621] {strides = array<i32>} : memref<128x128xf32, #tpu.memory_space<vmem>>, vector<16xf32>,
        %sub3A_623 = arith.subf %get3A_619, %get3A_622 : vector<16xf32>
        %mul3A_624 = arith.mulf %sub3A_623, %sub3A_623 : vector<16xf32>
        %add3A_625 = arith.addf %add3A_616, %mul3A_624 : vector<16xf32>
        %eq3A_626 = vector.broadcast %add3A_548 : i32 to vector<16xi32>
        %eq3A_627 = arith.cmpi eq, %iota3A, %eq3A_626 : vector<16xi32>
        %reduce_sum3A_628 = arith.constant true
        %reduce_sum3A_629 = vector.broadcast %reduce_sum3A_628 : i1 to vector<16xi1>
        %reduce_sum3A_630 = tpu.scan <sum>, %add3A_625 masked %reduce_sum3A_629 : vector<16xf32>, vector<16xi1> -> vector<16xf32>
        %reduce_sum3A_631 = vector.extract %reduce_sum3A_630[15] : f32 from vector<16xf32>
        %jit3A_632 = arith.constant 0.000000e+00 : f32
        %broadcast_in_dim3A_633 = vector.broadcast %reduce_sum3A_631 : f32 to vector<16xf32>
        %broadcast_in_dim3A_634 = vector.broadcast %jit3A_632 : f32 to vector<16xf32>
        %select_n3A_635 = arith.select %eq3A_627, %broadcast_in_dim3A_633, %broadcast_in_dim3A_634 : vector<16xi1>, vector<16xf32>
        %add3A_636 = arith.addf %add3A_544, %select_n3A_635 : vector<16xf32>
        %mul3A_637 = arith.constant 8 : i32
        %mul3A_638 = arith.muli %scan3A_180, %mul3A_637 : i32
        %add3A_639 = arith.constant 5 : i32
        %add3A_640 = arith.addi %mul3A_638, %add3A_639 : i32
        %mul3A_641 = arith.constant 16 : i32
        %mul3A_642 = arith.muli %scan3A_157, %mul3A_641 : i32
        %add3A_643 = arith.addi %mul3A_642, %add3A_640 : i32
        %broadcast_in_dim3A_644 = arith.constant 0.000000e+00 : f32
        %broadcast_in_dim3A_645 = vector.broadcast %broadcast_in_dim3A_644 : f32 to vector<16xf32>
        %get3A_646 = arith.index_cast %add3A_643 : i32 to index
        %get3A_647 = arith.constant 0 : index
        %get3A_648 = tpu.vector_load %arg19[%get3A_646, %get3A_647] {strides = array<i32>} : memref<128x128xf32, #tpu.memory_space<vmem>>, vector<16xf32>,
        %get3A_649 = arith.index_cast %add3A_643 : i32 to index
        %get3A_650 = arith.constant 0 : index
        %get3A_651 = tpu.vector_load %arg21[%get3A_649, %get3A_650] {strides = array<i32>} : memref<128x128xf32, #tpu.memory_space<vmem>>, vector<16xf32>,
        %sub3A_652 = arith.subf %get3A_648, %get3A_651 : vector<16xf32>
        %mul3A_653 = arith.mulf %sub3A_652, %sub3A_652 : vector<16xf32>
        %add3A_654 = arith.addf %broadcast_in_dim3A_645, %mul3A_653 : vector<16xf32>
        %get3A_655 = arith.index_cast %add3A_643 : i32 to index
        %get3A_656 = arith.constant 16 : index
        %get3A_657 = tpu.vector_load %arg19[%get3A_655, %get3A_656] {strides = array<i32>} : memref<128x128xf32, #tpu.memory_space<vmem>>, vector<16xf32>,
        %get3A_658 = arith.index_cast %add3A_643 : i32 to index
        %get3A_659 = arith.constant 16 : index
        %get3A_660 = tpu.vector_load %arg21[%get3A_658, %get3A_659] {strides = array<i32>} : memref<128x128xf32, #tpu.memory_space<vmem>>, vector<16xf32>,
        %sub3A_661 = arith.subf %get3A_657, %get3A_660 : vector<16xf32>
        %mul3A_662 = arith.mulf %sub3A_661, %sub3A_661 : vector<16xf32>
        %add3A_663 = arith.addf %add3A_654, %mul3A_662 : vector<16xf32>
        %get3A_664 = arith.index_cast %add3A_643 : i32 to index
        %get3A_665 = arith.constant 32 : index
        %get3A_666 = tpu.vector_load %arg19[%get3A_664, %get3A_665] {strides = array<i32>} : memref<128x128xf32, #tpu.memory_space<vmem>>, vector<16xf32>,
        %get3A_667 = arith.index_cast %add3A_643 : i32 to index
        %get3A_668 = arith.constant 32 : index
        %get3A_669 = tpu.vector_load %arg21[%get3A_667, %get3A_668] {strides = array<i32>} : memref<128x128xf32, #tpu.memory_space<vmem>>, vector<16xf32>,
        %sub3A_670 = arith.subf %get3A_666, %get3A_669 : vector<16xf32>
        %mul3A_671 = arith.mulf %sub3A_670, %sub3A_670 : vector<16xf32>
        %add3A_672 = arith.addf %add3A_663, %mul3A_671 : vector<16xf32>
        %get3A_673 = arith.index_cast %add3A_643 : i32 to index
        %get3A_674 = arith.constant 48 : index
        %get3A_675 = tpu.vector_load %arg19[%get3A_673, %get3A_674] {strides = array<i32>} : memref<128x128xf32, #tpu.memory_space<vmem>>, vector<16xf32>,
        %get3A_676 = arith.index_cast %add3A_643 : i32 to index
        %get3A_677 = arith.constant 48 : index
        %get3A_678 = tpu.vector_load %arg21[%get3A_676, %get3A_677] {strides = array<i32>} : memref<128x128xf32, #tpu.memory_space<vmem>>, vector<16xf32>,
        %sub3A_679 = arith.subf %get3A_675, %get3A_678 : vector<16xf32>
        %mul3A_680 = arith.mulf %sub3A_679, %sub3A_679 : vector<16xf32>
        %add3A_681 = arith.addf %add3A_672, %mul3A_680 : vector<16xf32>
        %get3A_682 = arith.index_cast %add3A_643 : i32 to index
        %get3A_683 = arith.constant 64 : index
        %get3A_684 = tpu.vector_load %arg19[%get3A_682, %get3A_683] {strides = array<i32>} : memref<128x128xf32, #tpu.memory_space<vmem>>, vector<16xf32>,
        %get3A_685 = arith.index_cast %add3A_643 : i32 to index
        %get3A_686 = arith.constant 64 : index
        %get3A_687 = tpu.vector_load %arg21[%get3A_685, %get3A_686] {strides = array<i32>} : memref<128x128xf32, #tpu.memory_space<vmem>>, vector<16xf32>,
        %sub3A_688 = arith.subf %get3A_684, %get3A_687 : vector<16xf32>
        %mul3A_689 = arith.mulf %sub3A_688, %sub3A_688 : vector<16xf32>
        %add3A_690 = arith.addf %add3A_681, %mul3A_689 : vector<16xf32>
        %get3A_691 = arith.index_cast %add3A_643 : i32 to index
        %get3A_692 = arith.constant 80 : index
        %get3A_693 = tpu.vector_load %arg19[%get3A_691, %get3A_692] {strides = array<i32>} : memref<128x128xf32, #tpu.memory_space<vmem>>, vector<16xf32>,
        %get3A_694 = arith.index_cast %add3A_643 : i32 to index
        %get3A_695 = arith.constant 80 : index
        %get3A_696 = tpu.vector_load %arg21[%get3A_694, %get3A_695] {strides = array<i32>} : memref<128x128xf32, #tpu.memory_space<vmem>>, vector<16xf32>,
        %sub3A_697 = arith.subf %get3A_693, %get3A_696 : vector<16xf32>
        %mul3A_698 = arith.mulf %sub3A_697, %sub3A_697 : vector<16xf32>
        %add3A_699 = arith.addf %add3A_690, %mul3A_698 : vector<16xf32>
        %get3A_700 = arith.index_cast %add3A_643 : i32 to index
        %get3A_701 = arith.constant 96 : index
        %get3A_702 = tpu.vector_load %arg19[%get3A_700, %get3A_701] {strides = array<i32>} : memref<128x128xf32, #tpu.memory_space<vmem>>, vector<16xf32>,
        %get3A_703 = arith.index_cast %add3A_643 : i32 to index
        %get3A_704 = arith.constant 96 : index
        %get3A_705 = tpu.vector_load %arg21[%get3A_703, %get3A_704] {strides = array<i32>} : memref<128x128xf32, #tpu.memory_space<vmem>>, vector<16xf32>,
        %sub3A_706 = arith.subf %get3A_702, %get3A_705 : vector<16xf32>
        %mul3A_707 = arith.mulf %sub3A_706, %sub3A_706 : vector<16xf32>
        %add3A_708 = arith.addf %add3A_699, %mul3A_707 : vector<16xf32>
        %get3A_709 = arith.index_cast %add3A_643 : i32 to index
        %get3A_710 = arith.constant 112 : index
        %get3A_711 = tpu.vector_load %arg19[%get3A_709, %get3A_710] {strides = array<i32>} : memref<128x128xf32, #tpu.memory_space<vmem>>, vector<16xf32>,
        %get3A_712 = arith.index_cast %add3A_643 : i32 to index
        %get3A_713 = arith.constant 112 : index
        %get3A_714 = tpu.vector_load %arg21[%get3A_712, %get3A_713] {strides = array<i32>} : memref<128x128xf32, #tpu.memory_space<vmem>>, vector<16xf32>,
        %sub3A_715 = arith.subf %get3A_711, %get3A_714 : vector<16xf32>
        %mul3A_716 = arith.mulf %sub3A_715, %sub3A_715 : vector<16xf32>
        %add3A_717 = arith.addf %add3A_708, %mul3A_716 : vector<16xf32>
        %eq3A_718 = vector.broadcast %add3A_640 : i32 to vector<16xi32>
        %eq3A_719 = arith.cmpi eq, %iota3A, %eq3A_718 : vector<16xi32>
        %reduce_sum3A_720 = arith.constant true
        %reduce_sum3A_721 = vector.broadcast %reduce_sum3A_720 : i1 to vector<16xi1>
        %reduce_sum3A_722 = tpu.scan <sum>, %add3A_717 masked %reduce_sum3A_721 : vector<16xf32>, vector<16xi1> -> vector<16xf32>
        %reduce_sum3A_723 = vector.extract %reduce_sum3A_722[15] : f32 from vector<16xf32>
        %jit3A_724 = arith.constant 0.000000e+00 : f32
        %broadcast_in_dim3A_725 = vector.broadcast %reduce_sum3A_723 : f32 to vector<16xf32>
        %broadcast_in_dim3A_726 = vector.broadcast %jit3A_724 : f32 to vector<16xf32>
        %select_n3A_727 = arith.select %eq3A_719, %broadcast_in_dim3A_725, %broadcast_in_dim3A_726 : vector<16xi1>, vector<16xf32>
        %add3A_728 = arith.addf %add3A_636, %select_n3A_727 : vector<16xf32>
        %mul3A_729 = arith.constant 8 : i32
        %mul3A_730 = arith.muli %scan3A_180, %mul3A_729 : i32
        %add3A_731 = arith.constant 6 : i32
        %add3A_732 = arith.addi %mul3A_730, %add3A_731 : i32
        %mul3A_733 = arith.constant 16 : i32
        %mul3A_734 = arith.muli %scan3A_157, %mul3A_733 : i32
        %add3A_735 = arith.addi %mul3A_734, %add3A_732 : i32
        %broadcast_in_dim3A_736 = arith.constant 0.000000e+00 : f32
        %broadcast_in_dim3A_737 = vector.broadcast %broadcast_in_dim3A_736 : f32 to vector<16xf32>
        %get3A_738 = arith.index_cast %add3A_735 : i32 to index
        %get3A_739 = arith.constant 0 : index
        %get3A_740 = tpu.vector_load %arg19[%get3A_738, %get3A_739] {strides = array<i32>} : memref<128x128xf32, #tpu.memory_space<vmem>>, vector<16xf32>,
        %get3A_741 = arith.index_cast %add3A_735 : i32 to index
        %get3A_742 = arith.constant 0 : index
        %get3A_743 = tpu.vector_load %arg21[%get3A_741, %get3A_742] {strides = array<i32>} : memref<128x128xf32, #tpu.memory_space<vmem>>, vector<16xf32>,
        %sub3A_744 = arith.subf %get3A_740, %get3A_743 : vector<16xf32>
        %mul3A_745 = arith.mulf %sub3A_744, %sub3A_744 : vector<16xf32>
        %add3A_746 = arith.addf %broadcast_in_dim3A_737, %mul3A_745 : vector<16xf32>
        %get3A_747 = arith.index_cast %add3A_735 : i32 to index
        %get3A_748 = arith.constant 16 : index
        %get3A_749 = tpu.vector_load %arg19[%get3A_747, %get3A_748] {strides = array<i32>} : memref<128x128xf32, #tpu.memory_space<vmem>>, vector<16xf32>,
        %get3A_750 = arith.index_cast %add3A_735 : i32 to index
        %get3A_751 = arith.constant 16 : index
        %get3A_752 = tpu.vector_load %arg21[%get3A_750, %get3A_751] {strides = array<i32>} : memref<128x128xf32, #tpu.memory_space<vmem>>, vector<16xf32>,
        %sub3A_753 = arith.subf %get3A_749, %get3A_752 : vector<16xf32>
        %mul3A_754 = arith.mulf %sub3A_753, %sub3A_753 : vector<16xf32>
        %add3A_755 = arith.addf %add3A_746, %mul3A_754 : vector<16xf32>
        %get3A_756 = arith.index_cast %add3A_735 : i32 to index
        %get3A_757 = arith.constant 32 : index
        %get3A_758 = tpu.vector_load %arg19[%get3A_756, %get3A_757] {strides = array<i32>} : memref<128x128xf32, #tpu.memory_space<vmem>>, vector<16xf32>,
        %get3A_759 = arith.index_cast %add3A_735 : i32 to index
        %get3A_760 = arith.constant 32 : index
        %get3A_761 = tpu.vector_load %arg21[%get3A_759, %get3A_760] {strides = array<i32>} : memref<128x128xf32, #tpu.memory_space<vmem>>, vector<16xf32>,
        %sub3A_762 = arith.subf %get3A_758, %get3A_761 : vector<16xf32>
        %mul3A_763 = arith.mulf %sub3A_762, %sub3A_762 : vector<16xf32>
        %add3A_764 = arith.addf %add3A_755, %mul3A_763 : vector<16xf32>
        %get3A_765 = arith.index_cast %add3A_735 : i32 to index
        %get3A_766 = arith.constant 48 : index
        %get3A_767 = tpu.vector_load %arg19[%get3A_765, %get3A_766] {strides = array<i32>} : memref<128x128xf32, #tpu.memory_space<vmem>>, vector<16xf32>,
        %get3A_768 = arith.index_cast %add3A_735 : i32 to index
        %get3A_769 = arith.constant 48 : index
        %get3A_770 = tpu.vector_load %arg21[%get3A_768, %get3A_769] {strides = array<i32>} : memref<128x128xf32, #tpu.memory_space<vmem>>, vector<16xf32>,
        %sub3A_771 = arith.subf %get3A_767, %get3A_770 : vector<16xf32>
        %mul3A_772 = arith.mulf %sub3A_771, %sub3A_771 : vector<16xf32>
        %add3A_773 = arith.addf %add3A_764, %mul3A_772 : vector<16xf32>
        %get3A_774 = arith.index_cast %add3A_735 : i32 to index
        %get3A_775 = arith.constant 64 : index
        %get3A_776 = tpu.vector_load %arg19[%get3A_774, %get3A_775] {strides = array<i32>} : memref<128x128xf32, #tpu.memory_space<vmem>>, vector<16xf32>,
        %get3A_777 = arith.index_cast %add3A_735 : i32 to index
        %get3A_778 = arith.constant 64 : index
        %get3A_779 = tpu.vector_load %arg21[%get3A_777, %get3A_778] {strides = array<i32>} : memref<128x128xf32, #tpu.memory_space<vmem>>, vector<16xf32>,
        %sub3A_780 = arith.subf %get3A_776, %get3A_779 : vector<16xf32>
        %mul3A_781 = arith.mulf %sub3A_780, %sub3A_780 : vector<16xf32>
        %add3A_782 = arith.addf %add3A_773, %mul3A_781 : vector<16xf32>
        %get3A_783 = arith.index_cast %add3A_735 : i32 to index
        %get3A_784 = arith.constant 80 : index
        %get3A_785 = tpu.vector_load %arg19[%get3A_783, %get3A_784] {strides = array<i32>} : memref<128x128xf32, #tpu.memory_space<vmem>>, vector<16xf32>,
        %get3A_786 = arith.index_cast %add3A_735 : i32 to index
        %get3A_787 = arith.constant 80 : index
        %get3A_788 = tpu.vector_load %arg21[%get3A_786, %get3A_787] {strides = array<i32>} : memref<128x128xf32, #tpu.memory_space<vmem>>, vector<16xf32>,
        %sub3A_789 = arith.subf %get3A_785, %get3A_788 : vector<16xf32>
        %mul3A_790 = arith.mulf %sub3A_789, %sub3A_789 : vector<16xf32>
        %add3A_791 = arith.addf %add3A_782, %mul3A_790 : vector<16xf32>
        %get3A_792 = arith.index_cast %add3A_735 : i32 to index
        %get3A_793 = arith.constant 96 : index
        %get3A_794 = tpu.vector_load %arg19[%get3A_792, %get3A_793] {strides = array<i32>} : memref<128x128xf32, #tpu.memory_space<vmem>>, vector<16xf32>,
        %get3A_795 = arith.index_cast %add3A_735 : i32 to index
        %get3A_796 = arith.constant 96 : index
        %get3A_797 = tpu.vector_load %arg21[%get3A_795, %get3A_796] {strides = array<i32>} : memref<128x128xf32, #tpu.memory_space<vmem>>, vector<16xf32>,
        %sub3A_798 = arith.subf %get3A_794, %get3A_797 : vector<16xf32>
        %mul3A_799 = arith.mulf %sub3A_798, %sub3A_798 : vector<16xf32>
        %add3A_800 = arith.addf %add3A_791, %mul3A_799 : vector<16xf32>
        %get3A_801 = arith.index_cast %add3A_735 : i32 to index
        %get3A_802 = arith.constant 112 : index
        %get3A_803 = tpu.vector_load %arg19[%get3A_801, %get3A_802] {strides = array<i32>} : memref<128x128xf32, #tpu.memory_space<vmem>>, vector<16xf32>,
        %get3A_804 = arith.index_cast %add3A_735 : i32 to index
        %get3A_805 = arith.constant 112 : index
        %get3A_806 = tpu.vector_load %arg21[%get3A_804, %get3A_805] {strides = array<i32>} : memref<128x128xf32, #tpu.memory_space<vmem>>, vector<16xf32>,
        %sub3A_807 = arith.subf %get3A_803, %get3A_806 : vector<16xf32>
        %mul3A_808 = arith.mulf %sub3A_807, %sub3A_807 : vector<16xf32>
        %add3A_809 = arith.addf %add3A_800, %mul3A_808 : vector<16xf32>
        %eq3A_810 = vector.broadcast %add3A_732 : i32 to vector<16xi32>
        %eq3A_811 = arith.cmpi eq, %iota3A, %eq3A_810 : vector<16xi32>
        %reduce_sum3A_812 = arith.constant true
        %reduce_sum3A_813 = vector.broadcast %reduce_sum3A_812 : i1 to vector<16xi1>
        %reduce_sum3A_814 = tpu.scan <sum>, %add3A_809 masked %reduce_sum3A_813 : vector<16xf32>, vector<16xi1> -> vector<16xf32>
        %reduce_sum3A_815 = vector.extract %reduce_sum3A_814[15] : f32 from vector<16xf32>
        %jit3A_816 = arith.constant 0.000000e+00 : f32
        %broadcast_in_dim3A_817 = vector.broadcast %reduce_sum3A_815 : f32 to vector<16xf32>
        %broadcast_in_dim3A_818 = vector.broadcast %jit3A_816 : f32 to vector<16xf32>
        %select_n3A_819 = arith.select %eq3A_811, %broadcast_in_dim3A_817, %broadcast_in_dim3A_818 : vector<16xi1>, vector<16xf32>
        %add3A_820 = arith.addf %add3A_728, %select_n3A_819 : vector<16xf32>
        %mul3A_821 = arith.constant 8 : i32
        %mul3A_822 = arith.muli %scan3A_180, %mul3A_821 : i32
        %add3A_823 = arith.constant 7 : i32
        %add3A_824 = arith.addi %mul3A_822, %add3A_823 : i32
        %mul3A_825 = arith.constant 16 : i32
        %mul3A_826 = arith.muli %scan3A_157, %mul3A_825 : i32
        %add3A_827 = arith.addi %mul3A_826, %add3A_824 : i32
        %broadcast_in_dim3A_828 = arith.constant 0.000000e+00 : f32
        %broadcast_in_dim3A_829 = vector.broadcast %broadcast_in_dim3A_828 : f32 to vector<16xf32>
        %get3A_830 = arith.index_cast %add3A_827 : i32 to index
        %get3A_831 = arith.constant 0 : index
        %get3A_832 = tpu.vector_load %arg19[%get3A_830, %get3A_831] {strides = array<i32>} : memref<128x128xf32, #tpu.memory_space<vmem>>, vector<16xf32>,
        %get3A_833 = arith.index_cast %add3A_827 : i32 to index
        %get3A_834 = arith.constant 0 : index
        %get3A_835 = tpu.vector_load %arg21[%get3A_833, %get3A_834] {strides = array<i32>} : memref<128x128xf32, #tpu.memory_space<vmem>>, vector<16xf32>,
        %sub3A_836 = arith.subf %get3A_832, %get3A_835 : vector<16xf32>
        %mul3A_837 = arith.mulf %sub3A_836, %sub3A_836 : vector<16xf32>
        %add3A_838 = arith.addf %broadcast_in_dim3A_829, %mul3A_837 : vector<16xf32>
        %get3A_839 = arith.index_cast %add3A_827 : i32 to index
        %get3A_840 = arith.constant 16 : index
        %get3A_841 = tpu.vector_load %arg19[%get3A_839, %get3A_840] {strides = array<i32>} : memref<128x128xf32, #tpu.memory_space<vmem>>, vector<16xf32>,
        %get3A_842 = arith.index_cast %add3A_827 : i32 to index
        %get3A_843 = arith.constant 16 : index
        %get3A_844 = tpu.vector_load %arg21[%get3A_842, %get3A_843] {strides = array<i32>} : memref<128x128xf32, #tpu.memory_space<vmem>>, vector<16xf32>,
        %sub3A_845 = arith.subf %get3A_841, %get3A_844 : vector<16xf32>
        %mul3A_846 = arith.mulf %sub3A_845, %sub3A_845 : vector<16xf32>
        %add3A_847 = arith.addf %add3A_838, %mul3A_846 : vector<16xf32>
        %get3A_848 = arith.index_cast %add3A_827 : i32 to index
        %get3A_849 = arith.constant 32 : index
        %get3A_850 = tpu.vector_load %arg19[%get3A_848, %get3A_849] {strides = array<i32>} : memref<128x128xf32, #tpu.memory_space<vmem>>, vector<16xf32>,
        %get3A_851 = arith.index_cast %add3A_827 : i32 to index
        %get3A_852 = arith.constant 32 : index
        %get3A_853 = tpu.vector_load %arg21[%get3A_851, %get3A_852] {strides = array<i32>} : memref<128x128xf32, #tpu.memory_space<vmem>>, vector<16xf32>,
        %sub3A_854 = arith.subf %get3A_850, %get3A_853 : vector<16xf32>
        %mul3A_855 = arith.mulf %sub3A_854, %sub3A_854 : vector<16xf32>
        %add3A_856 = arith.addf %add3A_847, %mul3A_855 : vector<16xf32>
        %get3A_857 = arith.index_cast %add3A_827 : i32 to index
        %get3A_858 = arith.constant 48 : index
        %get3A_859 = tpu.vector_load %arg19[%get3A_857, %get3A_858] {strides = array<i32>} : memref<128x128xf32, #tpu.memory_space<vmem>>, vector<16xf32>,
        %get3A_860 = arith.index_cast %add3A_827 : i32 to index
        %get3A_861 = arith.constant 48 : index
        %get3A_862 = tpu.vector_load %arg21[%get3A_860, %get3A_861] {strides = array<i32>} : memref<128x128xf32, #tpu.memory_space<vmem>>, vector<16xf32>,
        %sub3A_863 = arith.subf %get3A_859, %get3A_862 : vector<16xf32>
        %mul3A_864 = arith.mulf %sub3A_863, %sub3A_863 : vector<16xf32>
        %add3A_865 = arith.addf %add3A_856, %mul3A_864 : vector<16xf32>
        %get3A_866 = arith.index_cast %add3A_827 : i32 to index
        %get3A_867 = arith.constant 64 : index
        %get3A_868 = tpu.vector_load %arg19[%get3A_866, %get3A_867] {strides = array<i32>} : memref<128x128xf32, #tpu.memory_space<vmem>>, vector<16xf32>,
        %get3A_869 = arith.index_cast %add3A_827 : i32 to index
        %get3A_870 = arith.constant 64 : index
        %get3A_871 = tpu.vector_load %arg21[%get3A_869, %get3A_870] {strides = array<i32>} : memref<128x128xf32, #tpu.memory_space<vmem>>, vector<16xf32>,
        %sub3A_872 = arith.subf %get3A_868, %get3A_871 : vector<16xf32>
        %mul3A_873 = arith.mulf %sub3A_872, %sub3A_872 : vector<16xf32>
        %add3A_874 = arith.addf %add3A_865, %mul3A_873 : vector<16xf32>
        %get3A_875 = arith.index_cast %add3A_827 : i32 to index
        %get3A_876 = arith.constant 80 : index
        %get3A_877 = tpu.vector_load %arg19[%get3A_875, %get3A_876] {strides = array<i32>} : memref<128x128xf32, #tpu.memory_space<vmem>>, vector<16xf32>,
        %get3A_878 = arith.index_cast %add3A_827 : i32 to index
        %get3A_879 = arith.constant 80 : index
        %get3A_880 = tpu.vector_load %arg21[%get3A_878, %get3A_879] {strides = array<i32>} : memref<128x128xf32, #tpu.memory_space<vmem>>, vector<16xf32>,
        %sub3A_881 = arith.subf %get3A_877, %get3A_880 : vector<16xf32>
        %mul3A_882 = arith.mulf %sub3A_881, %sub3A_881 : vector<16xf32>
        %add3A_883 = arith.addf %add3A_874, %mul3A_882 : vector<16xf32>
        %get3A_884 = arith.index_cast %add3A_827 : i32 to index
        %get3A_885 = arith.constant 96 : index
        %get3A_886 = tpu.vector_load %arg19[%get3A_884, %get3A_885] {strides = array<i32>} : memref<128x128xf32, #tpu.memory_space<vmem>>, vector<16xf32>,
        %get3A_887 = arith.index_cast %add3A_827 : i32 to index
        %get3A_888 = arith.constant 96 : index
        %get3A_889 = tpu.vector_load %arg21[%get3A_887, %get3A_888] {strides = array<i32>} : memref<128x128xf32, #tpu.memory_space<vmem>>, vector<16xf32>,
        %sub3A_890 = arith.subf %get3A_886, %get3A_889 : vector<16xf32>
        %mul3A_891 = arith.mulf %sub3A_890, %sub3A_890 : vector<16xf32>
        %add3A_892 = arith.addf %add3A_883, %mul3A_891 : vector<16xf32>
        %get3A_893 = arith.index_cast %add3A_827 : i32 to index
        %get3A_894 = arith.constant 112 : index
        %get3A_895 = tpu.vector_load %arg19[%get3A_893, %get3A_894] {strides = array<i32>} : memref<128x128xf32, #tpu.memory_space<vmem>>, vector<16xf32>,
        %get3A_896 = arith.index_cast %add3A_827 : i32 to index
        %get3A_897 = arith.constant 112 : index
        %get3A_898 = tpu.vector_load %arg21[%get3A_896, %get3A_897] {strides = array<i32>} : memref<128x128xf32, #tpu.memory_space<vmem>>, vector<16xf32>,
        %sub3A_899 = arith.subf %get3A_895, %get3A_898 : vector<16xf32>
        %mul3A_900 = arith.mulf %sub3A_899, %sub3A_899 : vector<16xf32>
        %add3A_901 = arith.addf %add3A_892, %mul3A_900 : vector<16xf32>
        %eq3A_902 = vector.broadcast %add3A_824 : i32 to vector<16xi32>
        %eq3A_903 = arith.cmpi eq, %iota3A, %eq3A_902 : vector<16xi32>
        %reduce_sum3A_904 = arith.constant true
        %reduce_sum3A_905 = vector.broadcast %reduce_sum3A_904 : i1 to vector<16xi1>
        %reduce_sum3A_906 = tpu.scan <sum>, %add3A_901 masked %reduce_sum3A_905 : vector<16xf32>, vector<16xi1> -> vector<16xf32>
        %reduce_sum3A_907 = vector.extract %reduce_sum3A_906[15] : f32 from vector<16xf32>
        %jit3A_908 = arith.constant 0.000000e+00 : f32
        %broadcast_in_dim3A_909 = vector.broadcast %reduce_sum3A_907 : f32 to vector<16xf32>
        %broadcast_in_dim3A_910 = vector.broadcast %jit3A_908 : f32 to vector<16xf32>
        %select_n3A_911 = arith.select %eq3A_903, %broadcast_in_dim3A_909, %broadcast_in_dim3A_910 : vector<16xi1>, vector<16xf32>
        %add3A_912 = arith.addf %add3A_820, %select_n3A_911 : vector<16xf32>
        scf.yield %add3A_912 : vector<16xf32>
      }
      %scan3A_165 = arith.constant 2 : i32
      %mul3A_166 = arith.constant 16 : i32
      %mul3A_167 = arith.muli %scan3A_157, %mul3A_166 : i32
      %add3A_168 = arith.constant 128 : i32
      %add3A_169 = arith.addi %add3A_168, %mul3A_167 : i32
      %get3A_170 = arith.index_cast %add3A_169 : i32 to index
      %get3A_171 = tpu.vector_load %arg22[%get3A_170] {strides = array<i32>} : memref<512xf32, #tpu.memory_space<vmem>>, vector<16xf32>,
      %get3A_172 = arith.constant 0 : index
      %get3A_173 = tpu.vector_load %arg27[%get3A_172] {strides = array<i32>} : memref<16xf32, #tpu.memory_space<vmem>>, vector<16xf32>,
      %mul3A_174 = arith.mulf %get3A_21, %get3A_171 : vector<16xf32>
      %mul3A_175 = arith.mulf %mul3A_174, %scan3A_164 : vector<16xf32>
      %add3A_176 = arith.addf %get3A_21, %scan3A_164 : vector<16xf32>
      %div3A = arith.divf %mul3A_175, %add3A_176 : vector<16xf32>
      %add3A_177 = arith.addf %get3A_173, %div3A : vector<16xf32>
      %swap3A_178 = arith.constant 0 : index
      %swap3A_179 = tpu.vector_load %arg27[%swap3A_178] {strides = array<i32>} : memref<16xf32, #tpu.memory_space<vmem>>, vector<16xf32>,
      tpu.vector_store %arg27[%swap3A_178], %add3A_177 {strides = array<i32>} : memref<16xf32, #tpu.memory_space<vmem>>, vector<16xf32>,
    }
    %scan3A_91 = arith.constant 8 : i32
    %add3A_92 = arith.constant 384 : i32
    %add3A_93 = arith.addi %mul3A_2, %add3A_92 : i32
    %dma_start3A_94 = tpu.memref_slice %arg13[%add3A_93] : memref<16384xi32, #tpu.memory_space<vmem>> -> memref<128xi32, #tpu.memory_space<vmem>>
    %dma_start3A_95 = arith.constant 0 : i32
    %dma_start3A_96 = arith.constant 0 : i32
    %dma_start3A_97 = tpu.memref_slice %arg2[%dma_start3A_95, %dma_start3A_96] : memref<100000x128xf32, #tpu.memory_space<hbm>> -> memref<100000x128xf32, #tpu.memory_space<hbm>>
    tpu.enqueue_indirect_dma source(%dma_start3A_97 : memref<100000x128xf32, #tpu.memory_space<hbm>>) target(%arg19 : memref<128x128xf32, #tpu.memory_space<vmem>>) offsets(%dma_start3A_94 : memref<128xi32, #tpu.memory_space<vmem>>) semaphore(%arg29 : memref<!tpu.dma_semaphore, #tpu.memory_space<semaphore_mem>>)
    %add3A_98 = arith.constant 384 : i32
    %add3A_99 = arith.addi %mul3A_2, %add3A_98 : i32
    %dma_start3A_100 = arith.constant 0 : i32
    %dma_start3A_101 = tpu.memref_slice %arg3[%add3A_99, %dma_start3A_100] : memref<16384x128xf32, #tpu.memory_space<hbm>> -> memref<128x128xf32, #tpu.memory_space<hbm>>
    %dma_start3A_102 = arith.constant 0 : i32
    %dma_start3A_103 = tpu.memref_slice %arg3[%add3A_99, %dma_start3A_102] : memref<16384x128xf32, #tpu.memory_space<hbm>> -> memref<128x128xf32, #tpu.memory_space<hbm>>
    tpu.enqueue_dma source(%dma_start3A_103 : memref<128x128xf32, #tpu.memory_space<hbm>>) target(%arg21 : memref<128x128xf32, #tpu.memory_space<vmem>>) target_semaphore(%arg31 : memref<!tpu.dma_semaphore, #tpu.memory_space<semaphore_mem>>)
    %dma_wait3A_104 = tpu.memref_slice %arg13[%add3A_68] : memref<16384xi32, #tpu.memory_space<vmem>> -> memref<128xi32, #tpu.memory_space<vmem>>
    %dma_wait3A_105 = arith.constant 0 : i32
    %dma_wait3A_106 = arith.constant 0 : i32
    %dma_wait3A_107 = tpu.memref_slice %arg2[%dma_wait3A_105, %dma_wait3A_106] : memref<100000x128xf32, #tpu.memory_space<hbm>> -> memref<100000x128xf32, #tpu.memory_space<hbm>>
    tpu.wait_indirect_dma semaphore(%arg28 : memref<!tpu.dma_semaphore, #tpu.memory_space<semaphore_mem>>) src(%dma_wait3A_107 : memref<100000x128xf32, #tpu.memory_space<hbm>>) dst(%arg18 : memref<128x128xf32, #tpu.memory_space<vmem>>)
    %dma_wait3A_108 = arith.constant 0 : i32
    %dma_wait3A_109 = tpu.memref_slice %arg3[%add3A_74, %dma_wait3A_108] : memref<16384x128xf32, #tpu.memory_space<hbm>> -> memref<128x128xf32, #tpu.memory_space<hbm>>
    %dma_wait3A_110 = arith.constant 0 : i32
    %dma_wait3A_111 = tpu.memref_slice %arg3[%add3A_74, %dma_wait3A_110] : memref<16384x128xf32, #tpu.memory_space<hbm>> -> memref<128x128xf32, #tpu.memory_space<hbm>>
    tpu.wait_dma2 semaphore(%arg30 : memref<!tpu.dma_semaphore, #tpu.memory_space<semaphore_mem>>) src(%dma_wait3A_111 : memref<128x128xf32, #tpu.memory_space<hbm>>) dst(%arg20 : memref<128x128xf32, #tpu.memory_space<vmem>>)
    %scan3A_112 = arith.constant 0 : i32
    %scan3A_113 = arith.constant 8 : i32
    %scan3A_114 = arith.addi %scan3A_112, %scan3A_113 : i32
    %scan3A_115 = arith.constant 1 : i32
    scf.for %scan3A_157 = %scan3A_112 to %scan3A_114 step %scan3A_115  : i32 {
      %broadcast_in_dim3A_158 = arith.constant 0.000000e+00 : f32
      %broadcast_in_dim3A_159 = vector.broadcast %broadcast_in_dim3A_158 : f32 to vector<16xf32>
      %scan3A_160 = arith.constant 0 : i32
      %scan3A_161 = arith.constant 2 : i32
      %scan3A_162 = arith.addi %scan3A_160, %scan3A_161 : i32
      %scan3A_163 = arith.constant 1 : i32
      %scan3A_164 = scf.for %scan3A_180 = %scan3A_160 to %scan3A_162 step %scan3A_163 iter_args(%scan3A_181 = %broadcast_in_dim3A_159) -> (vector<16xf32>)  : i32 {
        %mul3A_182 = arith.constant 8 : i32
        %mul3A_183 = arith.muli %scan3A_180, %mul3A_182 : i32
        %add3A_184 = arith.constant 0 : i32
        %add3A_185 = arith.addi %mul3A_183, %add3A_184 : i32
        %mul3A_186 = arith.constant 16 : i32
        %mul3A_187 = arith.muli %scan3A_157, %mul3A_186 : i32
        %add3A_188 = arith.addi %mul3A_187, %add3A_185 : i32
        %broadcast_in_dim3A_189 = arith.constant 0.000000e+00 : f32
        %broadcast_in_dim3A_190 = vector.broadcast %broadcast_in_dim3A_189 : f32 to vector<16xf32>
        %get3A_191 = arith.index_cast %add3A_188 : i32 to index
        %get3A_192 = arith.constant 0 : index
        %get3A_193 = tpu.vector_load %arg18[%get3A_191, %get3A_192] {strides = array<i32>} : memref<128x128xf32, #tpu.memory_space<vmem>>, vector<16xf32>,
        %get3A_194 = arith.index_cast %add3A_188 : i32 to index
        %get3A_195 = arith.constant 0 : index
        %get3A_196 = tpu.vector_load %arg20[%get3A_194, %get3A_195] {strides = array<i32>} : memref<128x128xf32, #tpu.memory_space<vmem>>, vector<16xf32>,
        %sub3A = arith.subf %get3A_193, %get3A_196 : vector<16xf32>
        %mul3A_197 = arith.mulf %sub3A, %sub3A : vector<16xf32>
        %add3A_198 = arith.addf %broadcast_in_dim3A_190, %mul3A_197 : vector<16xf32>
        %get3A_199 = arith.index_cast %add3A_188 : i32 to index
        %get3A_200 = arith.constant 16 : index
        %get3A_201 = tpu.vector_load %arg18[%get3A_199, %get3A_200] {strides = array<i32>} : memref<128x128xf32, #tpu.memory_space<vmem>>, vector<16xf32>,
        %get3A_202 = arith.index_cast %add3A_188 : i32 to index
        %get3A_203 = arith.constant 16 : index
        %get3A_204 = tpu.vector_load %arg20[%get3A_202, %get3A_203] {strides = array<i32>} : memref<128x128xf32, #tpu.memory_space<vmem>>, vector<16xf32>,
        %sub3A_205 = arith.subf %get3A_201, %get3A_204 : vector<16xf32>
        %mul3A_206 = arith.mulf %sub3A_205, %sub3A_205 : vector<16xf32>
        %add3A_207 = arith.addf %add3A_198, %mul3A_206 : vector<16xf32>
        %get3A_208 = arith.index_cast %add3A_188 : i32 to index
        %get3A_209 = arith.constant 32 : index
        %get3A_210 = tpu.vector_load %arg18[%get3A_208, %get3A_209] {strides = array<i32>} : memref<128x128xf32, #tpu.memory_space<vmem>>, vector<16xf32>,
        %get3A_211 = arith.index_cast %add3A_188 : i32 to index
        %get3A_212 = arith.constant 32 : index
        %get3A_213 = tpu.vector_load %arg20[%get3A_211, %get3A_212] {strides = array<i32>} : memref<128x128xf32, #tpu.memory_space<vmem>>, vector<16xf32>,
        %sub3A_214 = arith.subf %get3A_210, %get3A_213 : vector<16xf32>
        %mul3A_215 = arith.mulf %sub3A_214, %sub3A_214 : vector<16xf32>
        %add3A_216 = arith.addf %add3A_207, %mul3A_215 : vector<16xf32>
        %get3A_217 = arith.index_cast %add3A_188 : i32 to index
        %get3A_218 = arith.constant 48 : index
        %get3A_219 = tpu.vector_load %arg18[%get3A_217, %get3A_218] {strides = array<i32>} : memref<128x128xf32, #tpu.memory_space<vmem>>, vector<16xf32>,
        %get3A_220 = arith.index_cast %add3A_188 : i32 to index
        %get3A_221 = arith.constant 48 : index
        %get3A_222 = tpu.vector_load %arg20[%get3A_220, %get3A_221] {strides = array<i32>} : memref<128x128xf32, #tpu.memory_space<vmem>>, vector<16xf32>,
        %sub3A_223 = arith.subf %get3A_219, %get3A_222 : vector<16xf32>
        %mul3A_224 = arith.mulf %sub3A_223, %sub3A_223 : vector<16xf32>
        %add3A_225 = arith.addf %add3A_216, %mul3A_224 : vector<16xf32>
        %get3A_226 = arith.index_cast %add3A_188 : i32 to index
        %get3A_227 = arith.constant 64 : index
        %get3A_228 = tpu.vector_load %arg18[%get3A_226, %get3A_227] {strides = array<i32>} : memref<128x128xf32, #tpu.memory_space<vmem>>, vector<16xf32>,
        %get3A_229 = arith.index_cast %add3A_188 : i32 to index
        %get3A_230 = arith.constant 64 : index
        %get3A_231 = tpu.vector_load %arg20[%get3A_229, %get3A_230] {strides = array<i32>} : memref<128x128xf32, #tpu.memory_space<vmem>>, vector<16xf32>,
        %sub3A_232 = arith.subf %get3A_228, %get3A_231 : vector<16xf32>
        %mul3A_233 = arith.mulf %sub3A_232, %sub3A_232 : vector<16xf32>
        %add3A_234 = arith.addf %add3A_225, %mul3A_233 : vector<16xf32>
        %get3A_235 = arith.index_cast %add3A_188 : i32 to index
        %get3A_236 = arith.constant 80 : index
        %get3A_237 = tpu.vector_load %arg18[%get3A_235, %get3A_236] {strides = array<i32>} : memref<128x128xf32, #tpu.memory_space<vmem>>, vector<16xf32>,
        %get3A_238 = arith.index_cast %add3A_188 : i32 to index
        %get3A_239 = arith.constant 80 : index
        %get3A_240 = tpu.vector_load %arg20[%get3A_238, %get3A_239] {strides = array<i32>} : memref<128x128xf32, #tpu.memory_space<vmem>>, vector<16xf32>,
        %sub3A_241 = arith.subf %get3A_237, %get3A_240 : vector<16xf32>
        %mul3A_242 = arith.mulf %sub3A_241, %sub3A_241 : vector<16xf32>
        %add3A_243 = arith.addf %add3A_234, %mul3A_242 : vector<16xf32>
        %get3A_244 = arith.index_cast %add3A_188 : i32 to index
        %get3A_245 = arith.constant 96 : index
        %get3A_246 = tpu.vector_load %arg18[%get3A_244, %get3A_245] {strides = array<i32>} : memref<128x128xf32, #tpu.memory_space<vmem>>, vector<16xf32>,
        %get3A_247 = arith.index_cast %add3A_188 : i32 to index
        %get3A_248 = arith.constant 96 : index
        %get3A_249 = tpu.vector_load %arg20[%get3A_247, %get3A_248] {strides = array<i32>} : memref<128x128xf32, #tpu.memory_space<vmem>>, vector<16xf32>,
        %sub3A_250 = arith.subf %get3A_246, %get3A_249 : vector<16xf32>
        %mul3A_251 = arith.mulf %sub3A_250, %sub3A_250 : vector<16xf32>
        %add3A_252 = arith.addf %add3A_243, %mul3A_251 : vector<16xf32>
        %get3A_253 = arith.index_cast %add3A_188 : i32 to index
        %get3A_254 = arith.constant 112 : index
        %get3A_255 = tpu.vector_load %arg18[%get3A_253, %get3A_254] {strides = array<i32>} : memref<128x128xf32, #tpu.memory_space<vmem>>, vector<16xf32>,
        %get3A_256 = arith.index_cast %add3A_188 : i32 to index
        %get3A_257 = arith.constant 112 : index
        %get3A_258 = tpu.vector_load %arg20[%get3A_256, %get3A_257] {strides = array<i32>} : memref<128x128xf32, #tpu.memory_space<vmem>>, vector<16xf32>,
        %sub3A_259 = arith.subf %get3A_255, %get3A_258 : vector<16xf32>
        %mul3A_260 = arith.mulf %sub3A_259, %sub3A_259 : vector<16xf32>
        %add3A_261 = arith.addf %add3A_252, %mul3A_260 : vector<16xf32>
        %eq3A = vector.broadcast %add3A_185 : i32 to vector<16xi32>
        %eq3A_262 = arith.cmpi eq, %iota3A, %eq3A : vector<16xi32>
        %reduce_sum3A = arith.constant true
        %reduce_sum3A_263 = vector.broadcast %reduce_sum3A : i1 to vector<16xi1>
        %reduce_sum3A_264 = tpu.scan <sum>, %add3A_261 masked %reduce_sum3A_263 : vector<16xf32>, vector<16xi1> -> vector<16xf32>
        %reduce_sum3A_265 = vector.extract %reduce_sum3A_264[15] : f32 from vector<16xf32>
        %jit3A = arith.constant 0.000000e+00 : f32
        %broadcast_in_dim3A_266 = vector.broadcast %reduce_sum3A_265 : f32 to vector<16xf32>
        %broadcast_in_dim3A_267 = vector.broadcast %jit3A : f32 to vector<16xf32>
        %select_n3A = arith.select %eq3A_262, %broadcast_in_dim3A_266, %broadcast_in_dim3A_267 : vector<16xi1>, vector<16xf32>
        %add3A_268 = arith.addf %scan3A_181, %select_n3A : vector<16xf32>
        %mul3A_269 = arith.constant 8 : i32
        %mul3A_270 = arith.muli %scan3A_180, %mul3A_269 : i32
        %add3A_271 = arith.constant 1 : i32
        %add3A_272 = arith.addi %mul3A_270, %add3A_271 : i32
        %mul3A_273 = arith.constant 16 : i32
        %mul3A_274 = arith.muli %scan3A_157, %mul3A_273 : i32
        %add3A_275 = arith.addi %mul3A_274, %add3A_272 : i32
        %broadcast_in_dim3A_276 = arith.constant 0.000000e+00 : f32
        %broadcast_in_dim3A_277 = vector.broadcast %broadcast_in_dim3A_276 : f32 to vector<16xf32>
        %get3A_278 = arith.index_cast %add3A_275 : i32 to index
        %get3A_279 = arith.constant 0 : index
        %get3A_280 = tpu.vector_load %arg18[%get3A_278, %get3A_279] {strides = array<i32>} : memref<128x128xf32, #tpu.memory_space<vmem>>, vector<16xf32>,
        %get3A_281 = arith.index_cast %add3A_275 : i32 to index
        %get3A_282 = arith.constant 0 : index
        %get3A_283 = tpu.vector_load %arg20[%get3A_281, %get3A_282] {strides = array<i32>} : memref<128x128xf32, #tpu.memory_space<vmem>>, vector<16xf32>,
        %sub3A_284 = arith.subf %get3A_280, %get3A_283 : vector<16xf32>
        %mul3A_285 = arith.mulf %sub3A_284, %sub3A_284 : vector<16xf32>
        %add3A_286 = arith.addf %broadcast_in_dim3A_277, %mul3A_285 : vector<16xf32>
        %get3A_287 = arith.index_cast %add3A_275 : i32 to index
        %get3A_288 = arith.constant 16 : index
        %get3A_289 = tpu.vector_load %arg18[%get3A_287, %get3A_288] {strides = array<i32>} : memref<128x128xf32, #tpu.memory_space<vmem>>, vector<16xf32>,
        %get3A_290 = arith.index_cast %add3A_275 : i32 to index
        %get3A_291 = arith.constant 16 : index
        %get3A_292 = tpu.vector_load %arg20[%get3A_290, %get3A_291] {strides = array<i32>} : memref<128x128xf32, #tpu.memory_space<vmem>>, vector<16xf32>,
        %sub3A_293 = arith.subf %get3A_289, %get3A_292 : vector<16xf32>
        %mul3A_294 = arith.mulf %sub3A_293, %sub3A_293 : vector<16xf32>
        %add3A_295 = arith.addf %add3A_286, %mul3A_294 : vector<16xf32>
        %get3A_296 = arith.index_cast %add3A_275 : i32 to index
        %get3A_297 = arith.constant 32 : index
        %get3A_298 = tpu.vector_load %arg18[%get3A_296, %get3A_297] {strides = array<i32>} : memref<128x128xf32, #tpu.memory_space<vmem>>, vector<16xf32>,
        %get3A_299 = arith.index_cast %add3A_275 : i32 to index
        %get3A_300 = arith.constant 32 : index
        %get3A_301 = tpu.vector_load %arg20[%get3A_299, %get3A_300] {strides = array<i32>} : memref<128x128xf32, #tpu.memory_space<vmem>>, vector<16xf32>,
        %sub3A_302 = arith.subf %get3A_298, %get3A_301 : vector<16xf32>
        %mul3A_303 = arith.mulf %sub3A_302, %sub3A_302 : vector<16xf32>
        %add3A_304 = arith.addf %add3A_295, %mul3A_303 : vector<16xf32>
        %get3A_305 = arith.index_cast %add3A_275 : i32 to index
        %get3A_306 = arith.constant 48 : index
        %get3A_307 = tpu.vector_load %arg18[%get3A_305, %get3A_306] {strides = array<i32>} : memref<128x128xf32, #tpu.memory_space<vmem>>, vector<16xf32>,
        %get3A_308 = arith.index_cast %add3A_275 : i32 to index
        %get3A_309 = arith.constant 48 : index
        %get3A_310 = tpu.vector_load %arg20[%get3A_308, %get3A_309] {strides = array<i32>} : memref<128x128xf32, #tpu.memory_space<vmem>>, vector<16xf32>,
        %sub3A_311 = arith.subf %get3A_307, %get3A_310 : vector<16xf32>
        %mul3A_312 = arith.mulf %sub3A_311, %sub3A_311 : vector<16xf32>
        %add3A_313 = arith.addf %add3A_304, %mul3A_312 : vector<16xf32>
        %get3A_314 = arith.index_cast %add3A_275 : i32 to index
        %get3A_315 = arith.constant 64 : index
        %get3A_316 = tpu.vector_load %arg18[%get3A_314, %get3A_315] {strides = array<i32>} : memref<128x128xf32, #tpu.memory_space<vmem>>, vector<16xf32>,
        %get3A_317 = arith.index_cast %add3A_275 : i32 to index
        %get3A_318 = arith.constant 64 : index
        %get3A_319 = tpu.vector_load %arg20[%get3A_317, %get3A_318] {strides = array<i32>} : memref<128x128xf32, #tpu.memory_space<vmem>>, vector<16xf32>,
        %sub3A_320 = arith.subf %get3A_316, %get3A_319 : vector<16xf32>
        %mul3A_321 = arith.mulf %sub3A_320, %sub3A_320 : vector<16xf32>
        %add3A_322 = arith.addf %add3A_313, %mul3A_321 : vector<16xf32>
        %get3A_323 = arith.index_cast %add3A_275 : i32 to index
        %get3A_324 = arith.constant 80 : index
        %get3A_325 = tpu.vector_load %arg18[%get3A_323, %get3A_324] {strides = array<i32>} : memref<128x128xf32, #tpu.memory_space<vmem>>, vector<16xf32>,
        %get3A_326 = arith.index_cast %add3A_275 : i32 to index
        %get3A_327 = arith.constant 80 : index
        %get3A_328 = tpu.vector_load %arg20[%get3A_326, %get3A_327] {strides = array<i32>} : memref<128x128xf32, #tpu.memory_space<vmem>>, vector<16xf32>,
        %sub3A_329 = arith.subf %get3A_325, %get3A_328 : vector<16xf32>
        %mul3A_330 = arith.mulf %sub3A_329, %sub3A_329 : vector<16xf32>
        %add3A_331 = arith.addf %add3A_322, %mul3A_330 : vector<16xf32>
        %get3A_332 = arith.index_cast %add3A_275 : i32 to index
        %get3A_333 = arith.constant 96 : index
        %get3A_334 = tpu.vector_load %arg18[%get3A_332, %get3A_333] {strides = array<i32>} : memref<128x128xf32, #tpu.memory_space<vmem>>, vector<16xf32>,
        %get3A_335 = arith.index_cast %add3A_275 : i32 to index
        %get3A_336 = arith.constant 96 : index
        %get3A_337 = tpu.vector_load %arg20[%get3A_335, %get3A_336] {strides = array<i32>} : memref<128x128xf32, #tpu.memory_space<vmem>>, vector<16xf32>,
        %sub3A_338 = arith.subf %get3A_334, %get3A_337 : vector<16xf32>
        %mul3A_339 = arith.mulf %sub3A_338, %sub3A_338 : vector<16xf32>
        %add3A_340 = arith.addf %add3A_331, %mul3A_339 : vector<16xf32>
        %get3A_341 = arith.index_cast %add3A_275 : i32 to index
        %get3A_342 = arith.constant 112 : index
        %get3A_343 = tpu.vector_load %arg18[%get3A_341, %get3A_342] {strides = array<i32>} : memref<128x128xf32, #tpu.memory_space<vmem>>, vector<16xf32>,
        %get3A_344 = arith.index_cast %add3A_275 : i32 to index
        %get3A_345 = arith.constant 112 : index
        %get3A_346 = tpu.vector_load %arg20[%get3A_344, %get3A_345] {strides = array<i32>} : memref<128x128xf32, #tpu.memory_space<vmem>>, vector<16xf32>,
        %sub3A_347 = arith.subf %get3A_343, %get3A_346 : vector<16xf32>
        %mul3A_348 = arith.mulf %sub3A_347, %sub3A_347 : vector<16xf32>
        %add3A_349 = arith.addf %add3A_340, %mul3A_348 : vector<16xf32>
        %eq3A_350 = vector.broadcast %add3A_272 : i32 to vector<16xi32>
        %eq3A_351 = arith.cmpi eq, %iota3A, %eq3A_350 : vector<16xi32>
        %reduce_sum3A_352 = arith.constant true
        %reduce_sum3A_353 = vector.broadcast %reduce_sum3A_352 : i1 to vector<16xi1>
        %reduce_sum3A_354 = tpu.scan <sum>, %add3A_349 masked %reduce_sum3A_353 : vector<16xf32>, vector<16xi1> -> vector<16xf32>
        %reduce_sum3A_355 = vector.extract %reduce_sum3A_354[15] : f32 from vector<16xf32>
        %jit3A_356 = arith.constant 0.000000e+00 : f32
        %broadcast_in_dim3A_357 = vector.broadcast %reduce_sum3A_355 : f32 to vector<16xf32>
        %broadcast_in_dim3A_358 = vector.broadcast %jit3A_356 : f32 to vector<16xf32>
        %select_n3A_359 = arith.select %eq3A_351, %broadcast_in_dim3A_357, %broadcast_in_dim3A_358 : vector<16xi1>, vector<16xf32>
        %add3A_360 = arith.addf %add3A_268, %select_n3A_359 : vector<16xf32>
        %mul3A_361 = arith.constant 8 : i32
        %mul3A_362 = arith.muli %scan3A_180, %mul3A_361 : i32
        %add3A_363 = arith.constant 2 : i32
        %add3A_364 = arith.addi %mul3A_362, %add3A_363 : i32
        %mul3A_365 = arith.constant 16 : i32
        %mul3A_366 = arith.muli %scan3A_157, %mul3A_365 : i32
        %add3A_367 = arith.addi %mul3A_366, %add3A_364 : i32
        %broadcast_in_dim3A_368 = arith.constant 0.000000e+00 : f32
        %broadcast_in_dim3A_369 = vector.broadcast %broadcast_in_dim3A_368 : f32 to vector<16xf32>
        %get3A_370 = arith.index_cast %add3A_367 : i32 to index
        %get3A_371 = arith.constant 0 : index
        %get3A_372 = tpu.vector_load %arg18[%get3A_370, %get3A_371] {strides = array<i32>} : memref<128x128xf32, #tpu.memory_space<vmem>>, vector<16xf32>,
        %get3A_373 = arith.index_cast %add3A_367 : i32 to index
        %get3A_374 = arith.constant 0 : index
        %get3A_375 = tpu.vector_load %arg20[%get3A_373, %get3A_374] {strides = array<i32>} : memref<128x128xf32, #tpu.memory_space<vmem>>, vector<16xf32>,
        %sub3A_376 = arith.subf %get3A_372, %get3A_375 : vector<16xf32>
        %mul3A_377 = arith.mulf %sub3A_376, %sub3A_376 : vector<16xf32>
        %add3A_378 = arith.addf %broadcast_in_dim3A_369, %mul3A_377 : vector<16xf32>
        %get3A_379 = arith.index_cast %add3A_367 : i32 to index
        %get3A_380 = arith.constant 16 : index
        %get3A_381 = tpu.vector_load %arg18[%get3A_379, %get3A_380] {strides = array<i32>} : memref<128x128xf32, #tpu.memory_space<vmem>>, vector<16xf32>,
        %get3A_382 = arith.index_cast %add3A_367 : i32 to index
        %get3A_383 = arith.constant 16 : index
        %get3A_384 = tpu.vector_load %arg20[%get3A_382, %get3A_383] {strides = array<i32>} : memref<128x128xf32, #tpu.memory_space<vmem>>, vector<16xf32>,
        %sub3A_385 = arith.subf %get3A_381, %get3A_384 : vector<16xf32>
        %mul3A_386 = arith.mulf %sub3A_385, %sub3A_385 : vector<16xf32>
        %add3A_387 = arith.addf %add3A_378, %mul3A_386 : vector<16xf32>
        %get3A_388 = arith.index_cast %add3A_367 : i32 to index
        %get3A_389 = arith.constant 32 : index
        %get3A_390 = tpu.vector_load %arg18[%get3A_388, %get3A_389] {strides = array<i32>} : memref<128x128xf32, #tpu.memory_space<vmem>>, vector<16xf32>,
        %get3A_391 = arith.index_cast %add3A_367 : i32 to index
        %get3A_392 = arith.constant 32 : index
        %get3A_393 = tpu.vector_load %arg20[%get3A_391, %get3A_392] {strides = array<i32>} : memref<128x128xf32, #tpu.memory_space<vmem>>, vector<16xf32>,
        %sub3A_394 = arith.subf %get3A_390, %get3A_393 : vector<16xf32>
        %mul3A_395 = arith.mulf %sub3A_394, %sub3A_394 : vector<16xf32>
        %add3A_396 = arith.addf %add3A_387, %mul3A_395 : vector<16xf32>
        %get3A_397 = arith.index_cast %add3A_367 : i32 to index
        %get3A_398 = arith.constant 48 : index
        %get3A_399 = tpu.vector_load %arg18[%get3A_397, %get3A_398] {strides = array<i32>} : memref<128x128xf32, #tpu.memory_space<vmem>>, vector<16xf32>,
        %get3A_400 = arith.index_cast %add3A_367 : i32 to index
        %get3A_401 = arith.constant 48 : index
        %get3A_402 = tpu.vector_load %arg20[%get3A_400, %get3A_401] {strides = array<i32>} : memref<128x128xf32, #tpu.memory_space<vmem>>, vector<16xf32>,
        %sub3A_403 = arith.subf %get3A_399, %get3A_402 : vector<16xf32>
        %mul3A_404 = arith.mulf %sub3A_403, %sub3A_403 : vector<16xf32>
        %add3A_405 = arith.addf %add3A_396, %mul3A_404 : vector<16xf32>
        %get3A_406 = arith.index_cast %add3A_367 : i32 to index
        %get3A_407 = arith.constant 64 : index
        %get3A_408 = tpu.vector_load %arg18[%get3A_406, %get3A_407] {strides = array<i32>} : memref<128x128xf32, #tpu.memory_space<vmem>>, vector<16xf32>,
        %get3A_409 = arith.index_cast %add3A_367 : i32 to index
        %get3A_410 = arith.constant 64 : index
        %get3A_411 = tpu.vector_load %arg20[%get3A_409, %get3A_410] {strides = array<i32>} : memref<128x128xf32, #tpu.memory_space<vmem>>, vector<16xf32>,
        %sub3A_412 = arith.subf %get3A_408, %get3A_411 : vector<16xf32>
        %mul3A_413 = arith.mulf %sub3A_412, %sub3A_412 : vector<16xf32>
        %add3A_414 = arith.addf %add3A_405, %mul3A_413 : vector<16xf32>
        %get3A_415 = arith.index_cast %add3A_367 : i32 to index
        %get3A_416 = arith.constant 80 : index
        %get3A_417 = tpu.vector_load %arg18[%get3A_415, %get3A_416] {strides = array<i32>} : memref<128x128xf32, #tpu.memory_space<vmem>>, vector<16xf32>,
        %get3A_418 = arith.index_cast %add3A_367 : i32 to index
        %get3A_419 = arith.constant 80 : index
        %get3A_420 = tpu.vector_load %arg20[%get3A_418, %get3A_419] {strides = array<i32>} : memref<128x128xf32, #tpu.memory_space<vmem>>, vector<16xf32>,
        %sub3A_421 = arith.subf %get3A_417, %get3A_420 : vector<16xf32>
        %mul3A_422 = arith.mulf %sub3A_421, %sub3A_421 : vector<16xf32>
        %add3A_423 = arith.addf %add3A_414, %mul3A_422 : vector<16xf32>
        %get3A_424 = arith.index_cast %add3A_367 : i32 to index
        %get3A_425 = arith.constant 96 : index
        %get3A_426 = tpu.vector_load %arg18[%get3A_424, %get3A_425] {strides = array<i32>} : memref<128x128xf32, #tpu.memory_space<vmem>>, vector<16xf32>,
        %get3A_427 = arith.index_cast %add3A_367 : i32 to index
        %get3A_428 = arith.constant 96 : index
        %get3A_429 = tpu.vector_load %arg20[%get3A_427, %get3A_428] {strides = array<i32>} : memref<128x128xf32, #tpu.memory_space<vmem>>, vector<16xf32>,
        %sub3A_430 = arith.subf %get3A_426, %get3A_429 : vector<16xf32>
        %mul3A_431 = arith.mulf %sub3A_430, %sub3A_430 : vector<16xf32>
        %add3A_432 = arith.addf %add3A_423, %mul3A_431 : vector<16xf32>
        %get3A_433 = arith.index_cast %add3A_367 : i32 to index
        %get3A_434 = arith.constant 112 : index
        %get3A_435 = tpu.vector_load %arg18[%get3A_433, %get3A_434] {strides = array<i32>} : memref<128x128xf32, #tpu.memory_space<vmem>>, vector<16xf32>,
        %get3A_436 = arith.index_cast %add3A_367 : i32 to index
        %get3A_437 = arith.constant 112 : index
        %get3A_438 = tpu.vector_load %arg20[%get3A_436, %get3A_437] {strides = array<i32>} : memref<128x128xf32, #tpu.memory_space<vmem>>, vector<16xf32>,
        %sub3A_439 = arith.subf %get3A_435, %get3A_438 : vector<16xf32>
        %mul3A_440 = arith.mulf %sub3A_439, %sub3A_439 : vector<16xf32>
        %add3A_441 = arith.addf %add3A_432, %mul3A_440 : vector<16xf32>
        %eq3A_442 = vector.broadcast %add3A_364 : i32 to vector<16xi32>
        %eq3A_443 = arith.cmpi eq, %iota3A, %eq3A_442 : vector<16xi32>
        %reduce_sum3A_444 = arith.constant true
        %reduce_sum3A_445 = vector.broadcast %reduce_sum3A_444 : i1 to vector<16xi1>
        %reduce_sum3A_446 = tpu.scan <sum>, %add3A_441 masked %reduce_sum3A_445 : vector<16xf32>, vector<16xi1> -> vector<16xf32>
        %reduce_sum3A_447 = vector.extract %reduce_sum3A_446[15] : f32 from vector<16xf32>
        %jit3A_448 = arith.constant 0.000000e+00 : f32
        %broadcast_in_dim3A_449 = vector.broadcast %reduce_sum3A_447 : f32 to vector<16xf32>
        %broadcast_in_dim3A_450 = vector.broadcast %jit3A_448 : f32 to vector<16xf32>
        %select_n3A_451 = arith.select %eq3A_443, %broadcast_in_dim3A_449, %broadcast_in_dim3A_450 : vector<16xi1>, vector<16xf32>
        %add3A_452 = arith.addf %add3A_360, %select_n3A_451 : vector<16xf32>
        %mul3A_453 = arith.constant 8 : i32
        %mul3A_454 = arith.muli %scan3A_180, %mul3A_453 : i32
        %add3A_455 = arith.constant 3 : i32
        %add3A_456 = arith.addi %mul3A_454, %add3A_455 : i32
        %mul3A_457 = arith.constant 16 : i32
        %mul3A_458 = arith.muli %scan3A_157, %mul3A_457 : i32
        %add3A_459 = arith.addi %mul3A_458, %add3A_456 : i32
        %broadcast_in_dim3A_460 = arith.constant 0.000000e+00 : f32
        %broadcast_in_dim3A_461 = vector.broadcast %broadcast_in_dim3A_460 : f32 to vector<16xf32>
        %get3A_462 = arith.index_cast %add3A_459 : i32 to index
        %get3A_463 = arith.constant 0 : index
        %get3A_464 = tpu.vector_load %arg18[%get3A_462, %get3A_463] {strides = array<i32>} : memref<128x128xf32, #tpu.memory_space<vmem>>, vector<16xf32>,
        %get3A_465 = arith.index_cast %add3A_459 : i32 to index
        %get3A_466 = arith.constant 0 : index
        %get3A_467 = tpu.vector_load %arg20[%get3A_465, %get3A_466] {strides = array<i32>} : memref<128x128xf32, #tpu.memory_space<vmem>>, vector<16xf32>,
        %sub3A_468 = arith.subf %get3A_464, %get3A_467 : vector<16xf32>
        %mul3A_469 = arith.mulf %sub3A_468, %sub3A_468 : vector<16xf32>
        %add3A_470 = arith.addf %broadcast_in_dim3A_461, %mul3A_469 : vector<16xf32>
        %get3A_471 = arith.index_cast %add3A_459 : i32 to index
        %get3A_472 = arith.constant 16 : index
        %get3A_473 = tpu.vector_load %arg18[%get3A_471, %get3A_472] {strides = array<i32>} : memref<128x128xf32, #tpu.memory_space<vmem>>, vector<16xf32>,
        %get3A_474 = arith.index_cast %add3A_459 : i32 to index
        %get3A_475 = arith.constant 16 : index
        %get3A_476 = tpu.vector_load %arg20[%get3A_474, %get3A_475] {strides = array<i32>} : memref<128x128xf32, #tpu.memory_space<vmem>>, vector<16xf32>,
        %sub3A_477 = arith.subf %get3A_473, %get3A_476 : vector<16xf32>
        %mul3A_478 = arith.mulf %sub3A_477, %sub3A_477 : vector<16xf32>
        %add3A_479 = arith.addf %add3A_470, %mul3A_478 : vector<16xf32>
        %get3A_480 = arith.index_cast %add3A_459 : i32 to index
        %get3A_481 = arith.constant 32 : index
        %get3A_482 = tpu.vector_load %arg18[%get3A_480, %get3A_481] {strides = array<i32>} : memref<128x128xf32, #tpu.memory_space<vmem>>, vector<16xf32>,
        %get3A_483 = arith.index_cast %add3A_459 : i32 to index
        %get3A_484 = arith.constant 32 : index
        %get3A_485 = tpu.vector_load %arg20[%get3A_483, %get3A_484] {strides = array<i32>} : memref<128x128xf32, #tpu.memory_space<vmem>>, vector<16xf32>,
        %sub3A_486 = arith.subf %get3A_482, %get3A_485 : vector<16xf32>
        %mul3A_487 = arith.mulf %sub3A_486, %sub3A_486 : vector<16xf32>
        %add3A_488 = arith.addf %add3A_479, %mul3A_487 : vector<16xf32>
        %get3A_489 = arith.index_cast %add3A_459 : i32 to index
        %get3A_490 = arith.constant 48 : index
        %get3A_491 = tpu.vector_load %arg18[%get3A_489, %get3A_490] {strides = array<i32>} : memref<128x128xf32, #tpu.memory_space<vmem>>, vector<16xf32>,
        %get3A_492 = arith.index_cast %add3A_459 : i32 to index
        %get3A_493 = arith.constant 48 : index
        %get3A_494 = tpu.vector_load %arg20[%get3A_492, %get3A_493] {strides = array<i32>} : memref<128x128xf32, #tpu.memory_space<vmem>>, vector<16xf32>,
        %sub3A_495 = arith.subf %get3A_491, %get3A_494 : vector<16xf32>
        %mul3A_496 = arith.mulf %sub3A_495, %sub3A_495 : vector<16xf32>
        %add3A_497 = arith.addf %add3A_488, %mul3A_496 : vector<16xf32>
        %get3A_498 = arith.index_cast %add3A_459 : i32 to index
        %get3A_499 = arith.constant 64 : index
        %get3A_500 = tpu.vector_load %arg18[%get3A_498, %get3A_499] {strides = array<i32>} : memref<128x128xf32, #tpu.memory_space<vmem>>, vector<16xf32>,
        %get3A_501 = arith.index_cast %add3A_459 : i32 to index
        %get3A_502 = arith.constant 64 : index
        %get3A_503 = tpu.vector_load %arg20[%get3A_501, %get3A_502] {strides = array<i32>} : memref<128x128xf32, #tpu.memory_space<vmem>>, vector<16xf32>,
        %sub3A_504 = arith.subf %get3A_500, %get3A_503 : vector<16xf32>
        %mul3A_505 = arith.mulf %sub3A_504, %sub3A_504 : vector<16xf32>
        %add3A_506 = arith.addf %add3A_497, %mul3A_505 : vector<16xf32>
        %get3A_507 = arith.index_cast %add3A_459 : i32 to index
        %get3A_508 = arith.constant 80 : index
        %get3A_509 = tpu.vector_load %arg18[%get3A_507, %get3A_508] {strides = array<i32>} : memref<128x128xf32, #tpu.memory_space<vmem>>, vector<16xf32>,
        %get3A_510 = arith.index_cast %add3A_459 : i32 to index
        %get3A_511 = arith.constant 80 : index
        %get3A_512 = tpu.vector_load %arg20[%get3A_510, %get3A_511] {strides = array<i32>} : memref<128x128xf32, #tpu.memory_space<vmem>>, vector<16xf32>,
        %sub3A_513 = arith.subf %get3A_509, %get3A_512 : vector<16xf32>
        %mul3A_514 = arith.mulf %sub3A_513, %sub3A_513 : vector<16xf32>
        %add3A_515 = arith.addf %add3A_506, %mul3A_514 : vector<16xf32>
        %get3A_516 = arith.index_cast %add3A_459 : i32 to index
        %get3A_517 = arith.constant 96 : index
        %get3A_518 = tpu.vector_load %arg18[%get3A_516, %get3A_517] {strides = array<i32>} : memref<128x128xf32, #tpu.memory_space<vmem>>, vector<16xf32>,
        %get3A_519 = arith.index_cast %add3A_459 : i32 to index
        %get3A_520 = arith.constant 96 : index
        %get3A_521 = tpu.vector_load %arg20[%get3A_519, %get3A_520] {strides = array<i32>} : memref<128x128xf32, #tpu.memory_space<vmem>>, vector<16xf32>,
        %sub3A_522 = arith.subf %get3A_518, %get3A_521 : vector<16xf32>
        %mul3A_523 = arith.mulf %sub3A_522, %sub3A_522 : vector<16xf32>
        %add3A_524 = arith.addf %add3A_515, %mul3A_523 : vector<16xf32>
        %get3A_525 = arith.index_cast %add3A_459 : i32 to index
        %get3A_526 = arith.constant 112 : index
        %get3A_527 = tpu.vector_load %arg18[%get3A_525, %get3A_526] {strides = array<i32>} : memref<128x128xf32, #tpu.memory_space<vmem>>, vector<16xf32>,
        %get3A_528 = arith.index_cast %add3A_459 : i32 to index
        %get3A_529 = arith.constant 112 : index
        %get3A_530 = tpu.vector_load %arg20[%get3A_528, %get3A_529] {strides = array<i32>} : memref<128x128xf32, #tpu.memory_space<vmem>>, vector<16xf32>,
        %sub3A_531 = arith.subf %get3A_527, %get3A_530 : vector<16xf32>
        %mul3A_532 = arith.mulf %sub3A_531, %sub3A_531 : vector<16xf32>
        %add3A_533 = arith.addf %add3A_524, %mul3A_532 : vector<16xf32>
        %eq3A_534 = vector.broadcast %add3A_456 : i32 to vector<16xi32>
        %eq3A_535 = arith.cmpi eq, %iota3A, %eq3A_534 : vector<16xi32>
        %reduce_sum3A_536 = arith.constant true
        %reduce_sum3A_537 = vector.broadcast %reduce_sum3A_536 : i1 to vector<16xi1>
        %reduce_sum3A_538 = tpu.scan <sum>, %add3A_533 masked %reduce_sum3A_537 : vector<16xf32>, vector<16xi1> -> vector<16xf32>
        %reduce_sum3A_539 = vector.extract %reduce_sum3A_538[15] : f32 from vector<16xf32>
        %jit3A_540 = arith.constant 0.000000e+00 : f32
        %broadcast_in_dim3A_541 = vector.broadcast %reduce_sum3A_539 : f32 to vector<16xf32>
        %broadcast_in_dim3A_542 = vector.broadcast %jit3A_540 : f32 to vector<16xf32>
        %select_n3A_543 = arith.select %eq3A_535, %broadcast_in_dim3A_541, %broadcast_in_dim3A_542 : vector<16xi1>, vector<16xf32>
        %add3A_544 = arith.addf %add3A_452, %select_n3A_543 : vector<16xf32>
        %mul3A_545 = arith.constant 8 : i32
        %mul3A_546 = arith.muli %scan3A_180, %mul3A_545 : i32
        %add3A_547 = arith.constant 4 : i32
        %add3A_548 = arith.addi %mul3A_546, %add3A_547 : i32
        %mul3A_549 = arith.constant 16 : i32
        %mul3A_550 = arith.muli %scan3A_157, %mul3A_549 : i32
        %add3A_551 = arith.addi %mul3A_550, %add3A_548 : i32
        %broadcast_in_dim3A_552 = arith.constant 0.000000e+00 : f32
        %broadcast_in_dim3A_553 = vector.broadcast %broadcast_in_dim3A_552 : f32 to vector<16xf32>
        %get3A_554 = arith.index_cast %add3A_551 : i32 to index
        %get3A_555 = arith.constant 0 : index
        %get3A_556 = tpu.vector_load %arg18[%get3A_554, %get3A_555] {strides = array<i32>} : memref<128x128xf32, #tpu.memory_space<vmem>>, vector<16xf32>,
        %get3A_557 = arith.index_cast %add3A_551 : i32 to index
        %get3A_558 = arith.constant 0 : index
        %get3A_559 = tpu.vector_load %arg20[%get3A_557, %get3A_558] {strides = array<i32>} : memref<128x128xf32, #tpu.memory_space<vmem>>, vector<16xf32>,
        %sub3A_560 = arith.subf %get3A_556, %get3A_559 : vector<16xf32>
        %mul3A_561 = arith.mulf %sub3A_560, %sub3A_560 : vector<16xf32>
        %add3A_562 = arith.addf %broadcast_in_dim3A_553, %mul3A_561 : vector<16xf32>
        %get3A_563 = arith.index_cast %add3A_551 : i32 to index
        %get3A_564 = arith.constant 16 : index
        %get3A_565 = tpu.vector_load %arg18[%get3A_563, %get3A_564] {strides = array<i32>} : memref<128x128xf32, #tpu.memory_space<vmem>>, vector<16xf32>,
        %get3A_566 = arith.index_cast %add3A_551 : i32 to index
        %get3A_567 = arith.constant 16 : index
        %get3A_568 = tpu.vector_load %arg20[%get3A_566, %get3A_567] {strides = array<i32>} : memref<128x128xf32, #tpu.memory_space<vmem>>, vector<16xf32>,
        %sub3A_569 = arith.subf %get3A_565, %get3A_568 : vector<16xf32>
        %mul3A_570 = arith.mulf %sub3A_569, %sub3A_569 : vector<16xf32>
        %add3A_571 = arith.addf %add3A_562, %mul3A_570 : vector<16xf32>
        %get3A_572 = arith.index_cast %add3A_551 : i32 to index
        %get3A_573 = arith.constant 32 : index
        %get3A_574 = tpu.vector_load %arg18[%get3A_572, %get3A_573] {strides = array<i32>} : memref<128x128xf32, #tpu.memory_space<vmem>>, vector<16xf32>,
        %get3A_575 = arith.index_cast %add3A_551 : i32 to index
        %get3A_576 = arith.constant 32 : index
        %get3A_577 = tpu.vector_load %arg20[%get3A_575, %get3A_576] {strides = array<i32>} : memref<128x128xf32, #tpu.memory_space<vmem>>, vector<16xf32>,
        %sub3A_578 = arith.subf %get3A_574, %get3A_577 : vector<16xf32>
        %mul3A_579 = arith.mulf %sub3A_578, %sub3A_578 : vector<16xf32>
        %add3A_580 = arith.addf %add3A_571, %mul3A_579 : vector<16xf32>
        %get3A_581 = arith.index_cast %add3A_551 : i32 to index
        %get3A_582 = arith.constant 48 : index
        %get3A_583 = tpu.vector_load %arg18[%get3A_581, %get3A_582] {strides = array<i32>} : memref<128x128xf32, #tpu.memory_space<vmem>>, vector<16xf32>,
        %get3A_584 = arith.index_cast %add3A_551 : i32 to index
        %get3A_585 = arith.constant 48 : index
        %get3A_586 = tpu.vector_load %arg20[%get3A_584, %get3A_585] {strides = array<i32>} : memref<128x128xf32, #tpu.memory_space<vmem>>, vector<16xf32>,
        %sub3A_587 = arith.subf %get3A_583, %get3A_586 : vector<16xf32>
        %mul3A_588 = arith.mulf %sub3A_587, %sub3A_587 : vector<16xf32>
        %add3A_589 = arith.addf %add3A_580, %mul3A_588 : vector<16xf32>
        %get3A_590 = arith.index_cast %add3A_551 : i32 to index
        %get3A_591 = arith.constant 64 : index
        %get3A_592 = tpu.vector_load %arg18[%get3A_590, %get3A_591] {strides = array<i32>} : memref<128x128xf32, #tpu.memory_space<vmem>>, vector<16xf32>,
        %get3A_593 = arith.index_cast %add3A_551 : i32 to index
        %get3A_594 = arith.constant 64 : index
        %get3A_595 = tpu.vector_load %arg20[%get3A_593, %get3A_594] {strides = array<i32>} : memref<128x128xf32, #tpu.memory_space<vmem>>, vector<16xf32>,
        %sub3A_596 = arith.subf %get3A_592, %get3A_595 : vector<16xf32>
        %mul3A_597 = arith.mulf %sub3A_596, %sub3A_596 : vector<16xf32>
        %add3A_598 = arith.addf %add3A_589, %mul3A_597 : vector<16xf32>
        %get3A_599 = arith.index_cast %add3A_551 : i32 to index
        %get3A_600 = arith.constant 80 : index
        %get3A_601 = tpu.vector_load %arg18[%get3A_599, %get3A_600] {strides = array<i32>} : memref<128x128xf32, #tpu.memory_space<vmem>>, vector<16xf32>,
        %get3A_602 = arith.index_cast %add3A_551 : i32 to index
        %get3A_603 = arith.constant 80 : index
        %get3A_604 = tpu.vector_load %arg20[%get3A_602, %get3A_603] {strides = array<i32>} : memref<128x128xf32, #tpu.memory_space<vmem>>, vector<16xf32>,
        %sub3A_605 = arith.subf %get3A_601, %get3A_604 : vector<16xf32>
        %mul3A_606 = arith.mulf %sub3A_605, %sub3A_605 : vector<16xf32>
        %add3A_607 = arith.addf %add3A_598, %mul3A_606 : vector<16xf32>
        %get3A_608 = arith.index_cast %add3A_551 : i32 to index
        %get3A_609 = arith.constant 96 : index
        %get3A_610 = tpu.vector_load %arg18[%get3A_608, %get3A_609] {strides = array<i32>} : memref<128x128xf32, #tpu.memory_space<vmem>>, vector<16xf32>,
        %get3A_611 = arith.index_cast %add3A_551 : i32 to index
        %get3A_612 = arith.constant 96 : index
        %get3A_613 = tpu.vector_load %arg20[%get3A_611, %get3A_612] {strides = array<i32>} : memref<128x128xf32, #tpu.memory_space<vmem>>, vector<16xf32>,
        %sub3A_614 = arith.subf %get3A_610, %get3A_613 : vector<16xf32>
        %mul3A_615 = arith.mulf %sub3A_614, %sub3A_614 : vector<16xf32>
        %add3A_616 = arith.addf %add3A_607, %mul3A_615 : vector<16xf32>
        %get3A_617 = arith.index_cast %add3A_551 : i32 to index
        %get3A_618 = arith.constant 112 : index
        %get3A_619 = tpu.vector_load %arg18[%get3A_617, %get3A_618] {strides = array<i32>} : memref<128x128xf32, #tpu.memory_space<vmem>>, vector<16xf32>,
        %get3A_620 = arith.index_cast %add3A_551 : i32 to index
        %get3A_621 = arith.constant 112 : index
        %get3A_622 = tpu.vector_load %arg20[%get3A_620, %get3A_621] {strides = array<i32>} : memref<128x128xf32, #tpu.memory_space<vmem>>, vector<16xf32>,
        %sub3A_623 = arith.subf %get3A_619, %get3A_622 : vector<16xf32>
        %mul3A_624 = arith.mulf %sub3A_623, %sub3A_623 : vector<16xf32>
        %add3A_625 = arith.addf %add3A_616, %mul3A_624 : vector<16xf32>
        %eq3A_626 = vector.broadcast %add3A_548 : i32 to vector<16xi32>
        %eq3A_627 = arith.cmpi eq, %iota3A, %eq3A_626 : vector<16xi32>
        %reduce_sum3A_628 = arith.constant true
        %reduce_sum3A_629 = vector.broadcast %reduce_sum3A_628 : i1 to vector<16xi1>
        %reduce_sum3A_630 = tpu.scan <sum>, %add3A_625 masked %reduce_sum3A_629 : vector<16xf32>, vector<16xi1> -> vector<16xf32>
        %reduce_sum3A_631 = vector.extract %reduce_sum3A_630[15] : f32 from vector<16xf32>
        %jit3A_632 = arith.constant 0.000000e+00 : f32
        %broadcast_in_dim3A_633 = vector.broadcast %reduce_sum3A_631 : f32 to vector<16xf32>
        %broadcast_in_dim3A_634 = vector.broadcast %jit3A_632 : f32 to vector<16xf32>
        %select_n3A_635 = arith.select %eq3A_627, %broadcast_in_dim3A_633, %broadcast_in_dim3A_634 : vector<16xi1>, vector<16xf32>
        %add3A_636 = arith.addf %add3A_544, %select_n3A_635 : vector<16xf32>
        %mul3A_637 = arith.constant 8 : i32
        %mul3A_638 = arith.muli %scan3A_180, %mul3A_637 : i32
        %add3A_639 = arith.constant 5 : i32
        %add3A_640 = arith.addi %mul3A_638, %add3A_639 : i32
        %mul3A_641 = arith.constant 16 : i32
        %mul3A_642 = arith.muli %scan3A_157, %mul3A_641 : i32
        %add3A_643 = arith.addi %mul3A_642, %add3A_640 : i32
        %broadcast_in_dim3A_644 = arith.constant 0.000000e+00 : f32
        %broadcast_in_dim3A_645 = vector.broadcast %broadcast_in_dim3A_644 : f32 to vector<16xf32>
        %get3A_646 = arith.index_cast %add3A_643 : i32 to index
        %get3A_647 = arith.constant 0 : index
        %get3A_648 = tpu.vector_load %arg18[%get3A_646, %get3A_647] {strides = array<i32>} : memref<128x128xf32, #tpu.memory_space<vmem>>, vector<16xf32>,
        %get3A_649 = arith.index_cast %add3A_643 : i32 to index
        %get3A_650 = arith.constant 0 : index
        %get3A_651 = tpu.vector_load %arg20[%get3A_649, %get3A_650] {strides = array<i32>} : memref<128x128xf32, #tpu.memory_space<vmem>>, vector<16xf32>,
        %sub3A_652 = arith.subf %get3A_648, %get3A_651 : vector<16xf32>
        %mul3A_653 = arith.mulf %sub3A_652, %sub3A_652 : vector<16xf32>
        %add3A_654 = arith.addf %broadcast_in_dim3A_645, %mul3A_653 : vector<16xf32>
        %get3A_655 = arith.index_cast %add3A_643 : i32 to index
        %get3A_656 = arith.constant 16 : index
        %get3A_657 = tpu.vector_load %arg18[%get3A_655, %get3A_656] {strides = array<i32>} : memref<128x128xf32, #tpu.memory_space<vmem>>, vector<16xf32>,
        %get3A_658 = arith.index_cast %add3A_643 : i32 to index
        %get3A_659 = arith.constant 16 : index
        %get3A_660 = tpu.vector_load %arg20[%get3A_658, %get3A_659] {strides = array<i32>} : memref<128x128xf32, #tpu.memory_space<vmem>>, vector<16xf32>,
        %sub3A_661 = arith.subf %get3A_657, %get3A_660 : vector<16xf32>
        %mul3A_662 = arith.mulf %sub3A_661, %sub3A_661 : vector<16xf32>
        %add3A_663 = arith.addf %add3A_654, %mul3A_662 : vector<16xf32>
        %get3A_664 = arith.index_cast %add3A_643 : i32 to index
        %get3A_665 = arith.constant 32 : index
        %get3A_666 = tpu.vector_load %arg18[%get3A_664, %get3A_665] {strides = array<i32>} : memref<128x128xf32, #tpu.memory_space<vmem>>, vector<16xf32>,
        %get3A_667 = arith.index_cast %add3A_643 : i32 to index
        %get3A_668 = arith.constant 32 : index
        %get3A_669 = tpu.vector_load %arg20[%get3A_667, %get3A_668] {strides = array<i32>} : memref<128x128xf32, #tpu.memory_space<vmem>>, vector<16xf32>,
        %sub3A_670 = arith.subf %get3A_666, %get3A_669 : vector<16xf32>
        %mul3A_671 = arith.mulf %sub3A_670, %sub3A_670 : vector<16xf32>
        %add3A_672 = arith.addf %add3A_663, %mul3A_671 : vector<16xf32>
        %get3A_673 = arith.index_cast %add3A_643 : i32 to index
        %get3A_674 = arith.constant 48 : index
        %get3A_675 = tpu.vector_load %arg18[%get3A_673, %get3A_674] {strides = array<i32>} : memref<128x128xf32, #tpu.memory_space<vmem>>, vector<16xf32>,
        %get3A_676 = arith.index_cast %add3A_643 : i32 to index
        %get3A_677 = arith.constant 48 : index
        %get3A_678 = tpu.vector_load %arg20[%get3A_676, %get3A_677] {strides = array<i32>} : memref<128x128xf32, #tpu.memory_space<vmem>>, vector<16xf32>,
        %sub3A_679 = arith.subf %get3A_675, %get3A_678 : vector<16xf32>
        %mul3A_680 = arith.mulf %sub3A_679, %sub3A_679 : vector<16xf32>
        %add3A_681 = arith.addf %add3A_672, %mul3A_680 : vector<16xf32>
        %get3A_682 = arith.index_cast %add3A_643 : i32 to index
        %get3A_683 = arith.constant 64 : index
        %get3A_684 = tpu.vector_load %arg18[%get3A_682, %get3A_683] {strides = array<i32>} : memref<128x128xf32, #tpu.memory_space<vmem>>, vector<16xf32>,
        %get3A_685 = arith.index_cast %add3A_643 : i32 to index
        %get3A_686 = arith.constant 64 : index
        %get3A_687 = tpu.vector_load %arg20[%get3A_685, %get3A_686] {strides = array<i32>} : memref<128x128xf32, #tpu.memory_space<vmem>>, vector<16xf32>,
        %sub3A_688 = arith.subf %get3A_684, %get3A_687 : vector<16xf32>
        %mul3A_689 = arith.mulf %sub3A_688, %sub3A_688 : vector<16xf32>
        %add3A_690 = arith.addf %add3A_681, %mul3A_689 : vector<16xf32>
        %get3A_691 = arith.index_cast %add3A_643 : i32 to index
        %get3A_692 = arith.constant 80 : index
        %get3A_693 = tpu.vector_load %arg18[%get3A_691, %get3A_692] {strides = array<i32>} : memref<128x128xf32, #tpu.memory_space<vmem>>, vector<16xf32>,
        %get3A_694 = arith.index_cast %add3A_643 : i32 to index
        %get3A_695 = arith.constant 80 : index
        %get3A_696 = tpu.vector_load %arg20[%get3A_694, %get3A_695] {strides = array<i32>} : memref<128x128xf32, #tpu.memory_space<vmem>>, vector<16xf32>,
        %sub3A_697 = arith.subf %get3A_693, %get3A_696 : vector<16xf32>
        %mul3A_698 = arith.mulf %sub3A_697, %sub3A_697 : vector<16xf32>
        %add3A_699 = arith.addf %add3A_690, %mul3A_698 : vector<16xf32>
        %get3A_700 = arith.index_cast %add3A_643 : i32 to index
        %get3A_701 = arith.constant 96 : index
        %get3A_702 = tpu.vector_load %arg18[%get3A_700, %get3A_701] {strides = array<i32>} : memref<128x128xf32, #tpu.memory_space<vmem>>, vector<16xf32>,
        %get3A_703 = arith.index_cast %add3A_643 : i32 to index
        %get3A_704 = arith.constant 96 : index
        %get3A_705 = tpu.vector_load %arg20[%get3A_703, %get3A_704] {strides = array<i32>} : memref<128x128xf32, #tpu.memory_space<vmem>>, vector<16xf32>,
        %sub3A_706 = arith.subf %get3A_702, %get3A_705 : vector<16xf32>
        %mul3A_707 = arith.mulf %sub3A_706, %sub3A_706 : vector<16xf32>
        %add3A_708 = arith.addf %add3A_699, %mul3A_707 : vector<16xf32>
        %get3A_709 = arith.index_cast %add3A_643 : i32 to index
        %get3A_710 = arith.constant 112 : index
        %get3A_711 = tpu.vector_load %arg18[%get3A_709, %get3A_710] {strides = array<i32>} : memref<128x128xf32, #tpu.memory_space<vmem>>, vector<16xf32>,
        %get3A_712 = arith.index_cast %add3A_643 : i32 to index
        %get3A_713 = arith.constant 112 : index
        %get3A_714 = tpu.vector_load %arg20[%get3A_712, %get3A_713] {strides = array<i32>} : memref<128x128xf32, #tpu.memory_space<vmem>>, vector<16xf32>,
        %sub3A_715 = arith.subf %get3A_711, %get3A_714 : vector<16xf32>
        %mul3A_716 = arith.mulf %sub3A_715, %sub3A_715 : vector<16xf32>
        %add3A_717 = arith.addf %add3A_708, %mul3A_716 : vector<16xf32>
        %eq3A_718 = vector.broadcast %add3A_640 : i32 to vector<16xi32>
        %eq3A_719 = arith.cmpi eq, %iota3A, %eq3A_718 : vector<16xi32>
        %reduce_sum3A_720 = arith.constant true
        %reduce_sum3A_721 = vector.broadcast %reduce_sum3A_720 : i1 to vector<16xi1>
        %reduce_sum3A_722 = tpu.scan <sum>, %add3A_717 masked %reduce_sum3A_721 : vector<16xf32>, vector<16xi1> -> vector<16xf32>
        %reduce_sum3A_723 = vector.extract %reduce_sum3A_722[15] : f32 from vector<16xf32>
        %jit3A_724 = arith.constant 0.000000e+00 : f32
        %broadcast_in_dim3A_725 = vector.broadcast %reduce_sum3A_723 : f32 to vector<16xf32>
        %broadcast_in_dim3A_726 = vector.broadcast %jit3A_724 : f32 to vector<16xf32>
        %select_n3A_727 = arith.select %eq3A_719, %broadcast_in_dim3A_725, %broadcast_in_dim3A_726 : vector<16xi1>, vector<16xf32>
        %add3A_728 = arith.addf %add3A_636, %select_n3A_727 : vector<16xf32>
        %mul3A_729 = arith.constant 8 : i32
        %mul3A_730 = arith.muli %scan3A_180, %mul3A_729 : i32
        %add3A_731 = arith.constant 6 : i32
        %add3A_732 = arith.addi %mul3A_730, %add3A_731 : i32
        %mul3A_733 = arith.constant 16 : i32
        %mul3A_734 = arith.muli %scan3A_157, %mul3A_733 : i32
        %add3A_735 = arith.addi %mul3A_734, %add3A_732 : i32
        %broadcast_in_dim3A_736 = arith.constant 0.000000e+00 : f32
        %broadcast_in_dim3A_737 = vector.broadcast %broadcast_in_dim3A_736 : f32 to vector<16xf32>
        %get3A_738 = arith.index_cast %add3A_735 : i32 to index
        %get3A_739 = arith.constant 0 : index
        %get3A_740 = tpu.vector_load %arg18[%get3A_738, %get3A_739] {strides = array<i32>} : memref<128x128xf32, #tpu.memory_space<vmem>>, vector<16xf32>,
        %get3A_741 = arith.index_cast %add3A_735 : i32 to index
        %get3A_742 = arith.constant 0 : index
        %get3A_743 = tpu.vector_load %arg20[%get3A_741, %get3A_742] {strides = array<i32>} : memref<128x128xf32, #tpu.memory_space<vmem>>, vector<16xf32>,
        %sub3A_744 = arith.subf %get3A_740, %get3A_743 : vector<16xf32>
        %mul3A_745 = arith.mulf %sub3A_744, %sub3A_744 : vector<16xf32>
        %add3A_746 = arith.addf %broadcast_in_dim3A_737, %mul3A_745 : vector<16xf32>
        %get3A_747 = arith.index_cast %add3A_735 : i32 to index
        %get3A_748 = arith.constant 16 : index
        %get3A_749 = tpu.vector_load %arg18[%get3A_747, %get3A_748] {strides = array<i32>} : memref<128x128xf32, #tpu.memory_space<vmem>>, vector<16xf32>,
        %get3A_750 = arith.index_cast %add3A_735 : i32 to index
        %get3A_751 = arith.constant 16 : index
        %get3A_752 = tpu.vector_load %arg20[%get3A_750, %get3A_751] {strides = array<i32>} : memref<128x128xf32, #tpu.memory_space<vmem>>, vector<16xf32>,
        %sub3A_753 = arith.subf %get3A_749, %get3A_752 : vector<16xf32>
        %mul3A_754 = arith.mulf %sub3A_753, %sub3A_753 : vector<16xf32>
        %add3A_755 = arith.addf %add3A_746, %mul3A_754 : vector<16xf32>
        %get3A_756 = arith.index_cast %add3A_735 : i32 to index
        %get3A_757 = arith.constant 32 : index
        %get3A_758 = tpu.vector_load %arg18[%get3A_756, %get3A_757] {strides = array<i32>} : memref<128x128xf32, #tpu.memory_space<vmem>>, vector<16xf32>,
        %get3A_759 = arith.index_cast %add3A_735 : i32 to index
        %get3A_760 = arith.constant 32 : index
        %get3A_761 = tpu.vector_load %arg20[%get3A_759, %get3A_760] {strides = array<i32>} : memref<128x128xf32, #tpu.memory_space<vmem>>, vector<16xf32>,
        %sub3A_762 = arith.subf %get3A_758, %get3A_761 : vector<16xf32>
        %mul3A_763 = arith.mulf %sub3A_762, %sub3A_762 : vector<16xf32>
        %add3A_764 = arith.addf %add3A_755, %mul3A_763 : vector<16xf32>
        %get3A_765 = arith.index_cast %add3A_735 : i32 to index
        %get3A_766 = arith.constant 48 : index
        %get3A_767 = tpu.vector_load %arg18[%get3A_765, %get3A_766] {strides = array<i32>} : memref<128x128xf32, #tpu.memory_space<vmem>>, vector<16xf32>,
        %get3A_768 = arith.index_cast %add3A_735 : i32 to index
        %get3A_769 = arith.constant 48 : index
        %get3A_770 = tpu.vector_load %arg20[%get3A_768, %get3A_769] {strides = array<i32>} : memref<128x128xf32, #tpu.memory_space<vmem>>, vector<16xf32>,
        %sub3A_771 = arith.subf %get3A_767, %get3A_770 : vector<16xf32>
        %mul3A_772 = arith.mulf %sub3A_771, %sub3A_771 : vector<16xf32>
        %add3A_773 = arith.addf %add3A_764, %mul3A_772 : vector<16xf32>
        %get3A_774 = arith.index_cast %add3A_735 : i32 to index
        %get3A_775 = arith.constant 64 : index
        %get3A_776 = tpu.vector_load %arg18[%get3A_774, %get3A_775] {strides = array<i32>} : memref<128x128xf32, #tpu.memory_space<vmem>>, vector<16xf32>,
        %get3A_777 = arith.index_cast %add3A_735 : i32 to index
        %get3A_778 = arith.constant 64 : index
        %get3A_779 = tpu.vector_load %arg20[%get3A_777, %get3A_778] {strides = array<i32>} : memref<128x128xf32, #tpu.memory_space<vmem>>, vector<16xf32>,
        %sub3A_780 = arith.subf %get3A_776, %get3A_779 : vector<16xf32>
        %mul3A_781 = arith.mulf %sub3A_780, %sub3A_780 : vector<16xf32>
        %add3A_782 = arith.addf %add3A_773, %mul3A_781 : vector<16xf32>
        %get3A_783 = arith.index_cast %add3A_735 : i32 to index
        %get3A_784 = arith.constant 80 : index
        %get3A_785 = tpu.vector_load %arg18[%get3A_783, %get3A_784] {strides = array<i32>} : memref<128x128xf32, #tpu.memory_space<vmem>>, vector<16xf32>,
        %get3A_786 = arith.index_cast %add3A_735 : i32 to index
        %get3A_787 = arith.constant 80 : index
        %get3A_788 = tpu.vector_load %arg20[%get3A_786, %get3A_787] {strides = array<i32>} : memref<128x128xf32, #tpu.memory_space<vmem>>, vector<16xf32>,
        %sub3A_789 = arith.subf %get3A_785, %get3A_788 : vector<16xf32>
        %mul3A_790 = arith.mulf %sub3A_789, %sub3A_789 : vector<16xf32>
        %add3A_791 = arith.addf %add3A_782, %mul3A_790 : vector<16xf32>
        %get3A_792 = arith.index_cast %add3A_735 : i32 to index
        %get3A_793 = arith.constant 96 : index
        %get3A_794 = tpu.vector_load %arg18[%get3A_792, %get3A_793] {strides = array<i32>} : memref<128x128xf32, #tpu.memory_space<vmem>>, vector<16xf32>,
        %get3A_795 = arith.index_cast %add3A_735 : i32 to index
        %get3A_796 = arith.constant 96 : index
        %get3A_797 = tpu.vector_load %arg20[%get3A_795, %get3A_796] {strides = array<i32>} : memref<128x128xf32, #tpu.memory_space<vmem>>, vector<16xf32>,
        %sub3A_798 = arith.subf %get3A_794, %get3A_797 : vector<16xf32>
        %mul3A_799 = arith.mulf %sub3A_798, %sub3A_798 : vector<16xf32>
        %add3A_800 = arith.addf %add3A_791, %mul3A_799 : vector<16xf32>
        %get3A_801 = arith.index_cast %add3A_735 : i32 to index
        %get3A_802 = arith.constant 112 : index
        %get3A_803 = tpu.vector_load %arg18[%get3A_801, %get3A_802] {strides = array<i32>} : memref<128x128xf32, #tpu.memory_space<vmem>>, vector<16xf32>,
        %get3A_804 = arith.index_cast %add3A_735 : i32 to index
        %get3A_805 = arith.constant 112 : index
        %get3A_806 = tpu.vector_load %arg20[%get3A_804, %get3A_805] {strides = array<i32>} : memref<128x128xf32, #tpu.memory_space<vmem>>, vector<16xf32>,
        %sub3A_807 = arith.subf %get3A_803, %get3A_806 : vector<16xf32>
        %mul3A_808 = arith.mulf %sub3A_807, %sub3A_807 : vector<16xf32>
        %add3A_809 = arith.addf %add3A_800, %mul3A_808 : vector<16xf32>
        %eq3A_810 = vector.broadcast %add3A_732 : i32 to vector<16xi32>
        %eq3A_811 = arith.cmpi eq, %iota3A, %eq3A_810 : vector<16xi32>
        %reduce_sum3A_812 = arith.constant true
        %reduce_sum3A_813 = vector.broadcast %reduce_sum3A_812 : i1 to vector<16xi1>
        %reduce_sum3A_814 = tpu.scan <sum>, %add3A_809 masked %reduce_sum3A_813 : vector<16xf32>, vector<16xi1> -> vector<16xf32>
        %reduce_sum3A_815 = vector.extract %reduce_sum3A_814[15] : f32 from vector<16xf32>
        %jit3A_816 = arith.constant 0.000000e+00 : f32
        %broadcast_in_dim3A_817 = vector.broadcast %reduce_sum3A_815 : f32 to vector<16xf32>
        %broadcast_in_dim3A_818 = vector.broadcast %jit3A_816 : f32 to vector<16xf32>
        %select_n3A_819 = arith.select %eq3A_811, %broadcast_in_dim3A_817, %broadcast_in_dim3A_818 : vector<16xi1>, vector<16xf32>
        %add3A_820 = arith.addf %add3A_728, %select_n3A_819 : vector<16xf32>
        %mul3A_821 = arith.constant 8 : i32
        %mul3A_822 = arith.muli %scan3A_180, %mul3A_821 : i32
        %add3A_823 = arith.constant 7 : i32
        %add3A_824 = arith.addi %mul3A_822, %add3A_823 : i32
        %mul3A_825 = arith.constant 16 : i32
        %mul3A_826 = arith.muli %scan3A_157, %mul3A_825 : i32
        %add3A_827 = arith.addi %mul3A_826, %add3A_824 : i32
        %broadcast_in_dim3A_828 = arith.constant 0.000000e+00 : f32
        %broadcast_in_dim3A_829 = vector.broadcast %broadcast_in_dim3A_828 : f32 to vector<16xf32>
        %get3A_830 = arith.index_cast %add3A_827 : i32 to index
        %get3A_831 = arith.constant 0 : index
        %get3A_832 = tpu.vector_load %arg18[%get3A_830, %get3A_831] {strides = array<i32>} : memref<128x128xf32, #tpu.memory_space<vmem>>, vector<16xf32>,
        %get3A_833 = arith.index_cast %add3A_827 : i32 to index
        %get3A_834 = arith.constant 0 : index
        %get3A_835 = tpu.vector_load %arg20[%get3A_833, %get3A_834] {strides = array<i32>} : memref<128x128xf32, #tpu.memory_space<vmem>>, vector<16xf32>,
        %sub3A_836 = arith.subf %get3A_832, %get3A_835 : vector<16xf32>
        %mul3A_837 = arith.mulf %sub3A_836, %sub3A_836 : vector<16xf32>
        %add3A_838 = arith.addf %broadcast_in_dim3A_829, %mul3A_837 : vector<16xf32>
        %get3A_839 = arith.index_cast %add3A_827 : i32 to index
        %get3A_840 = arith.constant 16 : index
        %get3A_841 = tpu.vector_load %arg18[%get3A_839, %get3A_840] {strides = array<i32>} : memref<128x128xf32, #tpu.memory_space<vmem>>, vector<16xf32>,
        %get3A_842 = arith.index_cast %add3A_827 : i32 to index
        %get3A_843 = arith.constant 16 : index
        %get3A_844 = tpu.vector_load %arg20[%get3A_842, %get3A_843] {strides = array<i32>} : memref<128x128xf32, #tpu.memory_space<vmem>>, vector<16xf32>,
        %sub3A_845 = arith.subf %get3A_841, %get3A_844 : vector<16xf32>
        %mul3A_846 = arith.mulf %sub3A_845, %sub3A_845 : vector<16xf32>
        %add3A_847 = arith.addf %add3A_838, %mul3A_846 : vector<16xf32>
        %get3A_848 = arith.index_cast %add3A_827 : i32 to index
        %get3A_849 = arith.constant 32 : index
        %get3A_850 = tpu.vector_load %arg18[%get3A_848, %get3A_849] {strides = array<i32>} : memref<128x128xf32, #tpu.memory_space<vmem>>, vector<16xf32>,
        %get3A_851 = arith.index_cast %add3A_827 : i32 to index
        %get3A_852 = arith.constant 32 : index
        %get3A_853 = tpu.vector_load %arg20[%get3A_851, %get3A_852] {strides = array<i32>} : memref<128x128xf32, #tpu.memory_space<vmem>>, vector<16xf32>,
        %sub3A_854 = arith.subf %get3A_850, %get3A_853 : vector<16xf32>
        %mul3A_855 = arith.mulf %sub3A_854, %sub3A_854 : vector<16xf32>
        %add3A_856 = arith.addf %add3A_847, %mul3A_855 : vector<16xf32>
        %get3A_857 = arith.index_cast %add3A_827 : i32 to index
        %get3A_858 = arith.constant 48 : index
        %get3A_859 = tpu.vector_load %arg18[%get3A_857, %get3A_858] {strides = array<i32>} : memref<128x128xf32, #tpu.memory_space<vmem>>, vector<16xf32>,
        %get3A_860 = arith.index_cast %add3A_827 : i32 to index
        %get3A_861 = arith.constant 48 : index
        %get3A_862 = tpu.vector_load %arg20[%get3A_860, %get3A_861] {strides = array<i32>} : memref<128x128xf32, #tpu.memory_space<vmem>>, vector<16xf32>,
        %sub3A_863 = arith.subf %get3A_859, %get3A_862 : vector<16xf32>
        %mul3A_864 = arith.mulf %sub3A_863, %sub3A_863 : vector<16xf32>
        %add3A_865 = arith.addf %add3A_856, %mul3A_864 : vector<16xf32>
        %get3A_866 = arith.index_cast %add3A_827 : i32 to index
        %get3A_867 = arith.constant 64 : index
        %get3A_868 = tpu.vector_load %arg18[%get3A_866, %get3A_867] {strides = array<i32>} : memref<128x128xf32, #tpu.memory_space<vmem>>, vector<16xf32>,
        %get3A_869 = arith.index_cast %add3A_827 : i32 to index
        %get3A_870 = arith.constant 64 : index
        %get3A_871 = tpu.vector_load %arg20[%get3A_869, %get3A_870] {strides = array<i32>} : memref<128x128xf32, #tpu.memory_space<vmem>>, vector<16xf32>,
        %sub3A_872 = arith.subf %get3A_868, %get3A_871 : vector<16xf32>
        %mul3A_873 = arith.mulf %sub3A_872, %sub3A_872 : vector<16xf32>
        %add3A_874 = arith.addf %add3A_865, %mul3A_873 : vector<16xf32>
        %get3A_875 = arith.index_cast %add3A_827 : i32 to index
        %get3A_876 = arith.constant 80 : index
        %get3A_877 = tpu.vector_load %arg18[%get3A_875, %get3A_876] {strides = array<i32>} : memref<128x128xf32, #tpu.memory_space<vmem>>, vector<16xf32>,
        %get3A_878 = arith.index_cast %add3A_827 : i32 to index
        %get3A_879 = arith.constant 80 : index
        %get3A_880 = tpu.vector_load %arg20[%get3A_878, %get3A_879] {strides = array<i32>} : memref<128x128xf32, #tpu.memory_space<vmem>>, vector<16xf32>,
        %sub3A_881 = arith.subf %get3A_877, %get3A_880 : vector<16xf32>
        %mul3A_882 = arith.mulf %sub3A_881, %sub3A_881 : vector<16xf32>
        %add3A_883 = arith.addf %add3A_874, %mul3A_882 : vector<16xf32>
        %get3A_884 = arith.index_cast %add3A_827 : i32 to index
        %get3A_885 = arith.constant 96 : index
        %get3A_886 = tpu.vector_load %arg18[%get3A_884, %get3A_885] {strides = array<i32>} : memref<128x128xf32, #tpu.memory_space<vmem>>, vector<16xf32>,
        %get3A_887 = arith.index_cast %add3A_827 : i32 to index
        %get3A_888 = arith.constant 96 : index
        %get3A_889 = tpu.vector_load %arg20[%get3A_887, %get3A_888] {strides = array<i32>} : memref<128x128xf32, #tpu.memory_space<vmem>>, vector<16xf32>,
        %sub3A_890 = arith.subf %get3A_886, %get3A_889 : vector<16xf32>
        %mul3A_891 = arith.mulf %sub3A_890, %sub3A_890 : vector<16xf32>
        %add3A_892 = arith.addf %add3A_883, %mul3A_891 : vector<16xf32>
        %get3A_893 = arith.index_cast %add3A_827 : i32 to index
        %get3A_894 = arith.constant 112 : index
        %get3A_895 = tpu.vector_load %arg18[%get3A_893, %get3A_894] {strides = array<i32>} : memref<128x128xf32, #tpu.memory_space<vmem>>, vector<16xf32>,
        %get3A_896 = arith.index_cast %add3A_827 : i32 to index
        %get3A_897 = arith.constant 112 : index
        %get3A_898 = tpu.vector_load %arg20[%get3A_896, %get3A_897] {strides = array<i32>} : memref<128x128xf32, #tpu.memory_space<vmem>>, vector<16xf32>,
        %sub3A_899 = arith.subf %get3A_895, %get3A_898 : vector<16xf32>
        %mul3A_900 = arith.mulf %sub3A_899, %sub3A_899 : vector<16xf32>
        %add3A_901 = arith.addf %add3A_892, %mul3A_900 : vector<16xf32>
        %eq3A_902 = vector.broadcast %add3A_824 : i32 to vector<16xi32>
        %eq3A_903 = arith.cmpi eq, %iota3A, %eq3A_902 : vector<16xi32>
        %reduce_sum3A_904 = arith.constant true
        %reduce_sum3A_905 = vector.broadcast %reduce_sum3A_904 : i1 to vector<16xi1>
        %reduce_sum3A_906 = tpu.scan <sum>, %add3A_901 masked %reduce_sum3A_905 : vector<16xf32>, vector<16xi1> -> vector<16xf32>
        %reduce_sum3A_907 = vector.extract %reduce_sum3A_906[15] : f32 from vector<16xf32>
        %jit3A_908 = arith.constant 0.000000e+00 : f32
        %broadcast_in_dim3A_909 = vector.broadcast %reduce_sum3A_907 : f32 to vector<16xf32>
        %broadcast_in_dim3A_910 = vector.broadcast %jit3A_908 : f32 to vector<16xf32>
        %select_n3A_911 = arith.select %eq3A_903, %broadcast_in_dim3A_909, %broadcast_in_dim3A_910 : vector<16xi1>, vector<16xf32>
        %add3A_912 = arith.addf %add3A_820, %select_n3A_911 : vector<16xf32>
        scf.yield %add3A_912 : vector<16xf32>
      }
      %scan3A_165 = arith.constant 2 : i32
      %mul3A_166 = arith.constant 16 : i32
      %mul3A_167 = arith.muli %scan3A_157, %mul3A_166 : i32
      %add3A_168 = arith.constant 256 : i32
      %add3A_169 = arith.addi %add3A_168, %mul3A_167 : i32
      %get3A_170 = arith.index_cast %add3A_169 : i32 to index
      %get3A_171 = tpu.vector_load %arg22[%get3A_170] {strides = array<i32>} : memref<512xf32, #tpu.memory_space<vmem>>, vector<16xf32>,
      %get3A_172 = arith.constant 0 : index
      %get3A_173 = tpu.vector_load %arg27[%get3A_172] {strides = array<i32>} : memref<16xf32, #tpu.memory_space<vmem>>, vector<16xf32>,
      %mul3A_174 = arith.mulf %get3A_21, %get3A_171 : vector<16xf32>
      %mul3A_175 = arith.mulf %mul3A_174, %scan3A_164 : vector<16xf32>
      %add3A_176 = arith.addf %get3A_21, %scan3A_164 : vector<16xf32>
      %div3A = arith.divf %mul3A_175, %add3A_176 : vector<16xf32>
      %add3A_177 = arith.addf %get3A_173, %div3A : vector<16xf32>
      %swap3A_178 = arith.constant 0 : index
      %swap3A_179 = tpu.vector_load %arg27[%swap3A_178] {strides = array<i32>} : memref<16xf32, #tpu.memory_space<vmem>>, vector<16xf32>,
      tpu.vector_store %arg27[%swap3A_178], %add3A_177 {strides = array<i32>} : memref<16xf32, #tpu.memory_space<vmem>>, vector<16xf32>,
    }
    %scan3A_116 = arith.constant 8 : i32
    %dma_wait3A_117 = tpu.memref_slice %arg13[%add3A_93] : memref<16384xi32, #tpu.memory_space<vmem>> -> memref<128xi32, #tpu.memory_space<vmem>>
    %dma_wait3A_118 = arith.constant 0 : i32
    %dma_wait3A_119 = arith.constant 0 : i32
    %dma_wait3A_120 = tpu.memref_slice %arg2[%dma_wait3A_118, %dma_wait3A_119] : memref<100000x128xf32, #tpu.memory_space<hbm>> -> memref<100000x128xf32, #tpu.memory_space<hbm>>
    tpu.wait_indirect_dma semaphore(%arg29 : memref<!tpu.dma_semaphore, #tpu.memory_space<semaphore_mem>>) src(%dma_wait3A_120 : memref<100000x128xf32, #tpu.memory_space<hbm>>) dst(%arg19 : memref<128x128xf32, #tpu.memory_space<vmem>>)
    %dma_wait3A_121 = arith.constant 0 : i32
    %dma_wait3A_122 = tpu.memref_slice %arg3[%add3A_99, %dma_wait3A_121] : memref<16384x128xf32, #tpu.memory_space<hbm>> -> memref<128x128xf32, #tpu.memory_space<hbm>>
    %dma_wait3A_123 = arith.constant 0 : i32
    %dma_wait3A_124 = tpu.memref_slice %arg3[%add3A_99, %dma_wait3A_123] : memref<16384x128xf32, #tpu.memory_space<hbm>> -> memref<128x128xf32, #tpu.memory_space<hbm>>
    tpu.wait_dma2 semaphore(%arg31 : memref<!tpu.dma_semaphore, #tpu.memory_space<semaphore_mem>>) src(%dma_wait3A_124 : memref<128x128xf32, #tpu.memory_space<hbm>>) dst(%arg21 : memref<128x128xf32, #tpu.memory_space<vmem>>)
    %scan3A_125 = arith.constant 0 : i32
    %scan3A_126 = arith.constant 8 : i32
    %scan3A_127 = arith.addi %scan3A_125, %scan3A_126 : i32
    %scan3A_128 = arith.constant 1 : i32
    scf.for %scan3A_157 = %scan3A_125 to %scan3A_127 step %scan3A_128  : i32 {
      %broadcast_in_dim3A_158 = arith.constant 0.000000e+00 : f32
      %broadcast_in_dim3A_159 = vector.broadcast %broadcast_in_dim3A_158 : f32 to vector<16xf32>
      %scan3A_160 = arith.constant 0 : i32
      %scan3A_161 = arith.constant 2 : i32
      %scan3A_162 = arith.addi %scan3A_160, %scan3A_161 : i32
      %scan3A_163 = arith.constant 1 : i32
      %scan3A_164 = scf.for %scan3A_180 = %scan3A_160 to %scan3A_162 step %scan3A_163 iter_args(%scan3A_181 = %broadcast_in_dim3A_159) -> (vector<16xf32>)  : i32 {
        %mul3A_182 = arith.constant 8 : i32
        %mul3A_183 = arith.muli %scan3A_180, %mul3A_182 : i32
        %add3A_184 = arith.constant 0 : i32
        %add3A_185 = arith.addi %mul3A_183, %add3A_184 : i32
        %mul3A_186 = arith.constant 16 : i32
        %mul3A_187 = arith.muli %scan3A_157, %mul3A_186 : i32
        %add3A_188 = arith.addi %mul3A_187, %add3A_185 : i32
        %broadcast_in_dim3A_189 = arith.constant 0.000000e+00 : f32
        %broadcast_in_dim3A_190 = vector.broadcast %broadcast_in_dim3A_189 : f32 to vector<16xf32>
        %get3A_191 = arith.index_cast %add3A_188 : i32 to index
        %get3A_192 = arith.constant 0 : index
        %get3A_193 = tpu.vector_load %arg19[%get3A_191, %get3A_192] {strides = array<i32>} : memref<128x128xf32, #tpu.memory_space<vmem>>, vector<16xf32>,
        %get3A_194 = arith.index_cast %add3A_188 : i32 to index
        %get3A_195 = arith.constant 0 : index
        %get3A_196 = tpu.vector_load %arg21[%get3A_194, %get3A_195] {strides = array<i32>} : memref<128x128xf32, #tpu.memory_space<vmem>>, vector<16xf32>,
        %sub3A = arith.subf %get3A_193, %get3A_196 : vector<16xf32>
        %mul3A_197 = arith.mulf %sub3A, %sub3A : vector<16xf32>
        %add3A_198 = arith.addf %broadcast_in_dim3A_190, %mul3A_197 : vector<16xf32>
        %get3A_199 = arith.index_cast %add3A_188 : i32 to index
        %get3A_200 = arith.constant 16 : index
        %get3A_201 = tpu.vector_load %arg19[%get3A_199, %get3A_200] {strides = array<i32>} : memref<128x128xf32, #tpu.memory_space<vmem>>, vector<16xf32>,
        %get3A_202 = arith.index_cast %add3A_188 : i32 to index
        %get3A_203 = arith.constant 16 : index
        %get3A_204 = tpu.vector_load %arg21[%get3A_202, %get3A_203] {strides = array<i32>} : memref<128x128xf32, #tpu.memory_space<vmem>>, vector<16xf32>,
        %sub3A_205 = arith.subf %get3A_201, %get3A_204 : vector<16xf32>
        %mul3A_206 = arith.mulf %sub3A_205, %sub3A_205 : vector<16xf32>
        %add3A_207 = arith.addf %add3A_198, %mul3A_206 : vector<16xf32>
        %get3A_208 = arith.index_cast %add3A_188 : i32 to index
        %get3A_209 = arith.constant 32 : index
        %get3A_210 = tpu.vector_load %arg19[%get3A_208, %get3A_209] {strides = array<i32>} : memref<128x128xf32, #tpu.memory_space<vmem>>, vector<16xf32>,
        %get3A_211 = arith.index_cast %add3A_188 : i32 to index
        %get3A_212 = arith.constant 32 : index
        %get3A_213 = tpu.vector_load %arg21[%get3A_211, %get3A_212] {strides = array<i32>} : memref<128x128xf32, #tpu.memory_space<vmem>>, vector<16xf32>,
        %sub3A_214 = arith.subf %get3A_210, %get3A_213 : vector<16xf32>
        %mul3A_215 = arith.mulf %sub3A_214, %sub3A_214 : vector<16xf32>
        %add3A_216 = arith.addf %add3A_207, %mul3A_215 : vector<16xf32>
        %get3A_217 = arith.index_cast %add3A_188 : i32 to index
        %get3A_218 = arith.constant 48 : index
        %get3A_219 = tpu.vector_load %arg19[%get3A_217, %get3A_218] {strides = array<i32>} : memref<128x128xf32, #tpu.memory_space<vmem>>, vector<16xf32>,
        %get3A_220 = arith.index_cast %add3A_188 : i32 to index
        %get3A_221 = arith.constant 48 : index
        %get3A_222 = tpu.vector_load %arg21[%get3A_220, %get3A_221] {strides = array<i32>} : memref<128x128xf32, #tpu.memory_space<vmem>>, vector<16xf32>,
        %sub3A_223 = arith.subf %get3A_219, %get3A_222 : vector<16xf32>
        %mul3A_224 = arith.mulf %sub3A_223, %sub3A_223 : vector<16xf32>
        %add3A_225 = arith.addf %add3A_216, %mul3A_224 : vector<16xf32>
        %get3A_226 = arith.index_cast %add3A_188 : i32 to index
        %get3A_227 = arith.constant 64 : index
        %get3A_228 = tpu.vector_load %arg19[%get3A_226, %get3A_227] {strides = array<i32>} : memref<128x128xf32, #tpu.memory_space<vmem>>, vector<16xf32>,
        %get3A_229 = arith.index_cast %add3A_188 : i32 to index
        %get3A_230 = arith.constant 64 : index
        %get3A_231 = tpu.vector_load %arg21[%get3A_229, %get3A_230] {strides = array<i32>} : memref<128x128xf32, #tpu.memory_space<vmem>>, vector<16xf32>,
        %sub3A_232 = arith.subf %get3A_228, %get3A_231 : vector<16xf32>
        %mul3A_233 = arith.mulf %sub3A_232, %sub3A_232 : vector<16xf32>
        %add3A_234 = arith.addf %add3A_225, %mul3A_233 : vector<16xf32>
        %get3A_235 = arith.index_cast %add3A_188 : i32 to index
        %get3A_236 = arith.constant 80 : index
        %get3A_237 = tpu.vector_load %arg19[%get3A_235, %get3A_236] {strides = array<i32>} : memref<128x128xf32, #tpu.memory_space<vmem>>, vector<16xf32>,
        %get3A_238 = arith.index_cast %add3A_188 : i32 to index
        %get3A_239 = arith.constant 80 : index
        %get3A_240 = tpu.vector_load %arg21[%get3A_238, %get3A_239] {strides = array<i32>} : memref<128x128xf32, #tpu.memory_space<vmem>>, vector<16xf32>,
        %sub3A_241 = arith.subf %get3A_237, %get3A_240 : vector<16xf32>
        %mul3A_242 = arith.mulf %sub3A_241, %sub3A_241 : vector<16xf32>
        %add3A_243 = arith.addf %add3A_234, %mul3A_242 : vector<16xf32>
        %get3A_244 = arith.index_cast %add3A_188 : i32 to index
        %get3A_245 = arith.constant 96 : index
        %get3A_246 = tpu.vector_load %arg19[%get3A_244, %get3A_245] {strides = array<i32>} : memref<128x128xf32, #tpu.memory_space<vmem>>, vector<16xf32>,
        %get3A_247 = arith.index_cast %add3A_188 : i32 to index
        %get3A_248 = arith.constant 96 : index
        %get3A_249 = tpu.vector_load %arg21[%get3A_247, %get3A_248] {strides = array<i32>} : memref<128x128xf32, #tpu.memory_space<vmem>>, vector<16xf32>,
        %sub3A_250 = arith.subf %get3A_246, %get3A_249 : vector<16xf32>
        %mul3A_251 = arith.mulf %sub3A_250, %sub3A_250 : vector<16xf32>
        %add3A_252 = arith.addf %add3A_243, %mul3A_251 : vector<16xf32>
        %get3A_253 = arith.index_cast %add3A_188 : i32 to index
        %get3A_254 = arith.constant 112 : index
        %get3A_255 = tpu.vector_load %arg19[%get3A_253, %get3A_254] {strides = array<i32>} : memref<128x128xf32, #tpu.memory_space<vmem>>, vector<16xf32>,
        %get3A_256 = arith.index_cast %add3A_188 : i32 to index
        %get3A_257 = arith.constant 112 : index
        %get3A_258 = tpu.vector_load %arg21[%get3A_256, %get3A_257] {strides = array<i32>} : memref<128x128xf32, #tpu.memory_space<vmem>>, vector<16xf32>,
        %sub3A_259 = arith.subf %get3A_255, %get3A_258 : vector<16xf32>
        %mul3A_260 = arith.mulf %sub3A_259, %sub3A_259 : vector<16xf32>
        %add3A_261 = arith.addf %add3A_252, %mul3A_260 : vector<16xf32>
        %eq3A = vector.broadcast %add3A_185 : i32 to vector<16xi32>
        %eq3A_262 = arith.cmpi eq, %iota3A, %eq3A : vector<16xi32>
        %reduce_sum3A = arith.constant true
        %reduce_sum3A_263 = vector.broadcast %reduce_sum3A : i1 to vector<16xi1>
        %reduce_sum3A_264 = tpu.scan <sum>, %add3A_261 masked %reduce_sum3A_263 : vector<16xf32>, vector<16xi1> -> vector<16xf32>
        %reduce_sum3A_265 = vector.extract %reduce_sum3A_264[15] : f32 from vector<16xf32>
        %jit3A = arith.constant 0.000000e+00 : f32
        %broadcast_in_dim3A_266 = vector.broadcast %reduce_sum3A_265 : f32 to vector<16xf32>
        %broadcast_in_dim3A_267 = vector.broadcast %jit3A : f32 to vector<16xf32>
        %select_n3A = arith.select %eq3A_262, %broadcast_in_dim3A_266, %broadcast_in_dim3A_267 : vector<16xi1>, vector<16xf32>
        %add3A_268 = arith.addf %scan3A_181, %select_n3A : vector<16xf32>
        %mul3A_269 = arith.constant 8 : i32
        %mul3A_270 = arith.muli %scan3A_180, %mul3A_269 : i32
        %add3A_271 = arith.constant 1 : i32
        %add3A_272 = arith.addi %mul3A_270, %add3A_271 : i32
        %mul3A_273 = arith.constant 16 : i32
        %mul3A_274 = arith.muli %scan3A_157, %mul3A_273 : i32
        %add3A_275 = arith.addi %mul3A_274, %add3A_272 : i32
        %broadcast_in_dim3A_276 = arith.constant 0.000000e+00 : f32
        %broadcast_in_dim3A_277 = vector.broadcast %broadcast_in_dim3A_276 : f32 to vector<16xf32>
        %get3A_278 = arith.index_cast %add3A_275 : i32 to index
        %get3A_279 = arith.constant 0 : index
        %get3A_280 = tpu.vector_load %arg19[%get3A_278, %get3A_279] {strides = array<i32>} : memref<128x128xf32, #tpu.memory_space<vmem>>, vector<16xf32>,
        %get3A_281 = arith.index_cast %add3A_275 : i32 to index
        %get3A_282 = arith.constant 0 : index
        %get3A_283 = tpu.vector_load %arg21[%get3A_281, %get3A_282] {strides = array<i32>} : memref<128x128xf32, #tpu.memory_space<vmem>>, vector<16xf32>,
        %sub3A_284 = arith.subf %get3A_280, %get3A_283 : vector<16xf32>
        %mul3A_285 = arith.mulf %sub3A_284, %sub3A_284 : vector<16xf32>
        %add3A_286 = arith.addf %broadcast_in_dim3A_277, %mul3A_285 : vector<16xf32>
        %get3A_287 = arith.index_cast %add3A_275 : i32 to index
        %get3A_288 = arith.constant 16 : index
        %get3A_289 = tpu.vector_load %arg19[%get3A_287, %get3A_288] {strides = array<i32>} : memref<128x128xf32, #tpu.memory_space<vmem>>, vector<16xf32>,
        %get3A_290 = arith.index_cast %add3A_275 : i32 to index
        %get3A_291 = arith.constant 16 : index
        %get3A_292 = tpu.vector_load %arg21[%get3A_290, %get3A_291] {strides = array<i32>} : memref<128x128xf32, #tpu.memory_space<vmem>>, vector<16xf32>,
        %sub3A_293 = arith.subf %get3A_289, %get3A_292 : vector<16xf32>
        %mul3A_294 = arith.mulf %sub3A_293, %sub3A_293 : vector<16xf32>
        %add3A_295 = arith.addf %add3A_286, %mul3A_294 : vector<16xf32>
        %get3A_296 = arith.index_cast %add3A_275 : i32 to index
        %get3A_297 = arith.constant 32 : index
        %get3A_298 = tpu.vector_load %arg19[%get3A_296, %get3A_297] {strides = array<i32>} : memref<128x128xf32, #tpu.memory_space<vmem>>, vector<16xf32>,
        %get3A_299 = arith.index_cast %add3A_275 : i32 to index
        %get3A_300 = arith.constant 32 : index
        %get3A_301 = tpu.vector_load %arg21[%get3A_299, %get3A_300] {strides = array<i32>} : memref<128x128xf32, #tpu.memory_space<vmem>>, vector<16xf32>,
        %sub3A_302 = arith.subf %get3A_298, %get3A_301 : vector<16xf32>
        %mul3A_303 = arith.mulf %sub3A_302, %sub3A_302 : vector<16xf32>
        %add3A_304 = arith.addf %add3A_295, %mul3A_303 : vector<16xf32>
        %get3A_305 = arith.index_cast %add3A_275 : i32 to index
        %get3A_306 = arith.constant 48 : index
        %get3A_307 = tpu.vector_load %arg19[%get3A_305, %get3A_306] {strides = array<i32>} : memref<128x128xf32, #tpu.memory_space<vmem>>, vector<16xf32>,
        %get3A_308 = arith.index_cast %add3A_275 : i32 to index
        %get3A_309 = arith.constant 48 : index
        %get3A_310 = tpu.vector_load %arg21[%get3A_308, %get3A_309] {strides = array<i32>} : memref<128x128xf32, #tpu.memory_space<vmem>>, vector<16xf32>,
        %sub3A_311 = arith.subf %get3A_307, %get3A_310 : vector<16xf32>
        %mul3A_312 = arith.mulf %sub3A_311, %sub3A_311 : vector<16xf32>
        %add3A_313 = arith.addf %add3A_304, %mul3A_312 : vector<16xf32>
        %get3A_314 = arith.index_cast %add3A_275 : i32 to index
        %get3A_315 = arith.constant 64 : index
        %get3A_316 = tpu.vector_load %arg19[%get3A_314, %get3A_315] {strides = array<i32>} : memref<128x128xf32, #tpu.memory_space<vmem>>, vector<16xf32>,
        %get3A_317 = arith.index_cast %add3A_275 : i32 to index
        %get3A_318 = arith.constant 64 : index
        %get3A_319 = tpu.vector_load %arg21[%get3A_317, %get3A_318] {strides = array<i32>} : memref<128x128xf32, #tpu.memory_space<vmem>>, vector<16xf32>,
        %sub3A_320 = arith.subf %get3A_316, %get3A_319 : vector<16xf32>
        %mul3A_321 = arith.mulf %sub3A_320, %sub3A_320 : vector<16xf32>
        %add3A_322 = arith.addf %add3A_313, %mul3A_321 : vector<16xf32>
        %get3A_323 = arith.index_cast %add3A_275 : i32 to index
        %get3A_324 = arith.constant 80 : index
        %get3A_325 = tpu.vector_load %arg19[%get3A_323, %get3A_324] {strides = array<i32>} : memref<128x128xf32, #tpu.memory_space<vmem>>, vector<16xf32>,
        %get3A_326 = arith.index_cast %add3A_275 : i32 to index
        %get3A_327 = arith.constant 80 : index
        %get3A_328 = tpu.vector_load %arg21[%get3A_326, %get3A_327] {strides = array<i32>} : memref<128x128xf32, #tpu.memory_space<vmem>>, vector<16xf32>,
        %sub3A_329 = arith.subf %get3A_325, %get3A_328 : vector<16xf32>
        %mul3A_330 = arith.mulf %sub3A_329, %sub3A_329 : vector<16xf32>
        %add3A_331 = arith.addf %add3A_322, %mul3A_330 : vector<16xf32>
        %get3A_332 = arith.index_cast %add3A_275 : i32 to index
        %get3A_333 = arith.constant 96 : index
        %get3A_334 = tpu.vector_load %arg19[%get3A_332, %get3A_333] {strides = array<i32>} : memref<128x128xf32, #tpu.memory_space<vmem>>, vector<16xf32>,
        %get3A_335 = arith.index_cast %add3A_275 : i32 to index
        %get3A_336 = arith.constant 96 : index
        %get3A_337 = tpu.vector_load %arg21[%get3A_335, %get3A_336] {strides = array<i32>} : memref<128x128xf32, #tpu.memory_space<vmem>>, vector<16xf32>,
        %sub3A_338 = arith.subf %get3A_334, %get3A_337 : vector<16xf32>
        %mul3A_339 = arith.mulf %sub3A_338, %sub3A_338 : vector<16xf32>
        %add3A_340 = arith.addf %add3A_331, %mul3A_339 : vector<16xf32>
        %get3A_341 = arith.index_cast %add3A_275 : i32 to index
        %get3A_342 = arith.constant 112 : index
        %get3A_343 = tpu.vector_load %arg19[%get3A_341, %get3A_342] {strides = array<i32>} : memref<128x128xf32, #tpu.memory_space<vmem>>, vector<16xf32>,
        %get3A_344 = arith.index_cast %add3A_275 : i32 to index
        %get3A_345 = arith.constant 112 : index
        %get3A_346 = tpu.vector_load %arg21[%get3A_344, %get3A_345] {strides = array<i32>} : memref<128x128xf32, #tpu.memory_space<vmem>>, vector<16xf32>,
        %sub3A_347 = arith.subf %get3A_343, %get3A_346 : vector<16xf32>
        %mul3A_348 = arith.mulf %sub3A_347, %sub3A_347 : vector<16xf32>
        %add3A_349 = arith.addf %add3A_340, %mul3A_348 : vector<16xf32>
        %eq3A_350 = vector.broadcast %add3A_272 : i32 to vector<16xi32>
        %eq3A_351 = arith.cmpi eq, %iota3A, %eq3A_350 : vector<16xi32>
        %reduce_sum3A_352 = arith.constant true
        %reduce_sum3A_353 = vector.broadcast %reduce_sum3A_352 : i1 to vector<16xi1>
        %reduce_sum3A_354 = tpu.scan <sum>, %add3A_349 masked %reduce_sum3A_353 : vector<16xf32>, vector<16xi1> -> vector<16xf32>
        %reduce_sum3A_355 = vector.extract %reduce_sum3A_354[15] : f32 from vector<16xf32>
        %jit3A_356 = arith.constant 0.000000e+00 : f32
        %broadcast_in_dim3A_357 = vector.broadcast %reduce_sum3A_355 : f32 to vector<16xf32>
        %broadcast_in_dim3A_358 = vector.broadcast %jit3A_356 : f32 to vector<16xf32>
        %select_n3A_359 = arith.select %eq3A_351, %broadcast_in_dim3A_357, %broadcast_in_dim3A_358 : vector<16xi1>, vector<16xf32>
        %add3A_360 = arith.addf %add3A_268, %select_n3A_359 : vector<16xf32>
        %mul3A_361 = arith.constant 8 : i32
        %mul3A_362 = arith.muli %scan3A_180, %mul3A_361 : i32
        %add3A_363 = arith.constant 2 : i32
        %add3A_364 = arith.addi %mul3A_362, %add3A_363 : i32
        %mul3A_365 = arith.constant 16 : i32
        %mul3A_366 = arith.muli %scan3A_157, %mul3A_365 : i32
        %add3A_367 = arith.addi %mul3A_366, %add3A_364 : i32
        %broadcast_in_dim3A_368 = arith.constant 0.000000e+00 : f32
        %broadcast_in_dim3A_369 = vector.broadcast %broadcast_in_dim3A_368 : f32 to vector<16xf32>
        %get3A_370 = arith.index_cast %add3A_367 : i32 to index
        %get3A_371 = arith.constant 0 : index
        %get3A_372 = tpu.vector_load %arg19[%get3A_370, %get3A_371] {strides = array<i32>} : memref<128x128xf32, #tpu.memory_space<vmem>>, vector<16xf32>,
        %get3A_373 = arith.index_cast %add3A_367 : i32 to index
        %get3A_374 = arith.constant 0 : index
        %get3A_375 = tpu.vector_load %arg21[%get3A_373, %get3A_374] {strides = array<i32>} : memref<128x128xf32, #tpu.memory_space<vmem>>, vector<16xf32>,
        %sub3A_376 = arith.subf %get3A_372, %get3A_375 : vector<16xf32>
        %mul3A_377 = arith.mulf %sub3A_376, %sub3A_376 : vector<16xf32>
        %add3A_378 = arith.addf %broadcast_in_dim3A_369, %mul3A_377 : vector<16xf32>
        %get3A_379 = arith.index_cast %add3A_367 : i32 to index
        %get3A_380 = arith.constant 16 : index
        %get3A_381 = tpu.vector_load %arg19[%get3A_379, %get3A_380] {strides = array<i32>} : memref<128x128xf32, #tpu.memory_space<vmem>>, vector<16xf32>,
        %get3A_382 = arith.index_cast %add3A_367 : i32 to index
        %get3A_383 = arith.constant 16 : index
        %get3A_384 = tpu.vector_load %arg21[%get3A_382, %get3A_383] {strides = array<i32>} : memref<128x128xf32, #tpu.memory_space<vmem>>, vector<16xf32>,
        %sub3A_385 = arith.subf %get3A_381, %get3A_384 : vector<16xf32>
        %mul3A_386 = arith.mulf %sub3A_385, %sub3A_385 : vector<16xf32>
        %add3A_387 = arith.addf %add3A_378, %mul3A_386 : vector<16xf32>
        %get3A_388 = arith.index_cast %add3A_367 : i32 to index
        %get3A_389 = arith.constant 32 : index
        %get3A_390 = tpu.vector_load %arg19[%get3A_388, %get3A_389] {strides = array<i32>} : memref<128x128xf32, #tpu.memory_space<vmem>>, vector<16xf32>,
        %get3A_391 = arith.index_cast %add3A_367 : i32 to index
        %get3A_392 = arith.constant 32 : index
        %get3A_393 = tpu.vector_load %arg21[%get3A_391, %get3A_392] {strides = array<i32>} : memref<128x128xf32, #tpu.memory_space<vmem>>, vector<16xf32>,
        %sub3A_394 = arith.subf %get3A_390, %get3A_393 : vector<16xf32>
        %mul3A_395 = arith.mulf %sub3A_394, %sub3A_394 : vector<16xf32>
        %add3A_396 = arith.addf %add3A_387, %mul3A_395 : vector<16xf32>
        %get3A_397 = arith.index_cast %add3A_367 : i32 to index
        %get3A_398 = arith.constant 48 : index
        %get3A_399 = tpu.vector_load %arg19[%get3A_397, %get3A_398] {strides = array<i32>} : memref<128x128xf32, #tpu.memory_space<vmem>>, vector<16xf32>,
        %get3A_400 = arith.index_cast %add3A_367 : i32 to index
        %get3A_401 = arith.constant 48 : index
        %get3A_402 = tpu.vector_load %arg21[%get3A_400, %get3A_401] {strides = array<i32>} : memref<128x128xf32, #tpu.memory_space<vmem>>, vector<16xf32>,
        %sub3A_403 = arith.subf %get3A_399, %get3A_402 : vector<16xf32>
        %mul3A_404 = arith.mulf %sub3A_403, %sub3A_403 : vector<16xf32>
        %add3A_405 = arith.addf %add3A_396, %mul3A_404 : vector<16xf32>
        %get3A_406 = arith.index_cast %add3A_367 : i32 to index
        %get3A_407 = arith.constant 64 : index
        %get3A_408 = tpu.vector_load %arg19[%get3A_406, %get3A_407] {strides = array<i32>} : memref<128x128xf32, #tpu.memory_space<vmem>>, vector<16xf32>,
        %get3A_409 = arith.index_cast %add3A_367 : i32 to index
        %get3A_410 = arith.constant 64 : index
        %get3A_411 = tpu.vector_load %arg21[%get3A_409, %get3A_410] {strides = array<i32>} : memref<128x128xf32, #tpu.memory_space<vmem>>, vector<16xf32>,
        %sub3A_412 = arith.subf %get3A_408, %get3A_411 : vector<16xf32>
        %mul3A_413 = arith.mulf %sub3A_412, %sub3A_412 : vector<16xf32>
        %add3A_414 = arith.addf %add3A_405, %mul3A_413 : vector<16xf32>
        %get3A_415 = arith.index_cast %add3A_367 : i32 to index
        %get3A_416 = arith.constant 80 : index
        %get3A_417 = tpu.vector_load %arg19[%get3A_415, %get3A_416] {strides = array<i32>} : memref<128x128xf32, #tpu.memory_space<vmem>>, vector<16xf32>,
        %get3A_418 = arith.index_cast %add3A_367 : i32 to index
        %get3A_419 = arith.constant 80 : index
        %get3A_420 = tpu.vector_load %arg21[%get3A_418, %get3A_419] {strides = array<i32>} : memref<128x128xf32, #tpu.memory_space<vmem>>, vector<16xf32>,
        %sub3A_421 = arith.subf %get3A_417, %get3A_420 : vector<16xf32>
        %mul3A_422 = arith.mulf %sub3A_421, %sub3A_421 : vector<16xf32>
        %add3A_423 = arith.addf %add3A_414, %mul3A_422 : vector<16xf32>
        %get3A_424 = arith.index_cast %add3A_367 : i32 to index
        %get3A_425 = arith.constant 96 : index
        %get3A_426 = tpu.vector_load %arg19[%get3A_424, %get3A_425] {strides = array<i32>} : memref<128x128xf32, #tpu.memory_space<vmem>>, vector<16xf32>,
        %get3A_427 = arith.index_cast %add3A_367 : i32 to index
        %get3A_428 = arith.constant 96 : index
        %get3A_429 = tpu.vector_load %arg21[%get3A_427, %get3A_428] {strides = array<i32>} : memref<128x128xf32, #tpu.memory_space<vmem>>, vector<16xf32>,
        %sub3A_430 = arith.subf %get3A_426, %get3A_429 : vector<16xf32>
        %mul3A_431 = arith.mulf %sub3A_430, %sub3A_430 : vector<16xf32>
        %add3A_432 = arith.addf %add3A_423, %mul3A_431 : vector<16xf32>
        %get3A_433 = arith.index_cast %add3A_367 : i32 to index
        %get3A_434 = arith.constant 112 : index
        %get3A_435 = tpu.vector_load %arg19[%get3A_433, %get3A_434] {strides = array<i32>} : memref<128x128xf32, #tpu.memory_space<vmem>>, vector<16xf32>,
        %get3A_436 = arith.index_cast %add3A_367 : i32 to index
        %get3A_437 = arith.constant 112 : index
        %get3A_438 = tpu.vector_load %arg21[%get3A_436, %get3A_437] {strides = array<i32>} : memref<128x128xf32, #tpu.memory_space<vmem>>, vector<16xf32>,
        %sub3A_439 = arith.subf %get3A_435, %get3A_438 : vector<16xf32>
        %mul3A_440 = arith.mulf %sub3A_439, %sub3A_439 : vector<16xf32>
        %add3A_441 = arith.addf %add3A_432, %mul3A_440 : vector<16xf32>
        %eq3A_442 = vector.broadcast %add3A_364 : i32 to vector<16xi32>
        %eq3A_443 = arith.cmpi eq, %iota3A, %eq3A_442 : vector<16xi32>
        %reduce_sum3A_444 = arith.constant true
        %reduce_sum3A_445 = vector.broadcast %reduce_sum3A_444 : i1 to vector<16xi1>
        %reduce_sum3A_446 = tpu.scan <sum>, %add3A_441 masked %reduce_sum3A_445 : vector<16xf32>, vector<16xi1> -> vector<16xf32>
        %reduce_sum3A_447 = vector.extract %reduce_sum3A_446[15] : f32 from vector<16xf32>
        %jit3A_448 = arith.constant 0.000000e+00 : f32
        %broadcast_in_dim3A_449 = vector.broadcast %reduce_sum3A_447 : f32 to vector<16xf32>
        %broadcast_in_dim3A_450 = vector.broadcast %jit3A_448 : f32 to vector<16xf32>
        %select_n3A_451 = arith.select %eq3A_443, %broadcast_in_dim3A_449, %broadcast_in_dim3A_450 : vector<16xi1>, vector<16xf32>
        %add3A_452 = arith.addf %add3A_360, %select_n3A_451 : vector<16xf32>
        %mul3A_453 = arith.constant 8 : i32
        %mul3A_454 = arith.muli %scan3A_180, %mul3A_453 : i32
        %add3A_455 = arith.constant 3 : i32
        %add3A_456 = arith.addi %mul3A_454, %add3A_455 : i32
        %mul3A_457 = arith.constant 16 : i32
        %mul3A_458 = arith.muli %scan3A_157, %mul3A_457 : i32
        %add3A_459 = arith.addi %mul3A_458, %add3A_456 : i32
        %broadcast_in_dim3A_460 = arith.constant 0.000000e+00 : f32
        %broadcast_in_dim3A_461 = vector.broadcast %broadcast_in_dim3A_460 : f32 to vector<16xf32>
        %get3A_462 = arith.index_cast %add3A_459 : i32 to index
        %get3A_463 = arith.constant 0 : index
        %get3A_464 = tpu.vector_load %arg19[%get3A_462, %get3A_463] {strides = array<i32>} : memref<128x128xf32, #tpu.memory_space<vmem>>, vector<16xf32>,
        %get3A_465 = arith.index_cast %add3A_459 : i32 to index
        %get3A_466 = arith.constant 0 : index
        %get3A_467 = tpu.vector_load %arg21[%get3A_465, %get3A_466] {strides = array<i32>} : memref<128x128xf32, #tpu.memory_space<vmem>>, vector<16xf32>,
        %sub3A_468 = arith.subf %get3A_464, %get3A_467 : vector<16xf32>
        %mul3A_469 = arith.mulf %sub3A_468, %sub3A_468 : vector<16xf32>
        %add3A_470 = arith.addf %broadcast_in_dim3A_461, %mul3A_469 : vector<16xf32>
        %get3A_471 = arith.index_cast %add3A_459 : i32 to index
        %get3A_472 = arith.constant 16 : index
        %get3A_473 = tpu.vector_load %arg19[%get3A_471, %get3A_472] {strides = array<i32>} : memref<128x128xf32, #tpu.memory_space<vmem>>, vector<16xf32>,
        %get3A_474 = arith.index_cast %add3A_459 : i32 to index
        %get3A_475 = arith.constant 16 : index
        %get3A_476 = tpu.vector_load %arg21[%get3A_474, %get3A_475] {strides = array<i32>} : memref<128x128xf32, #tpu.memory_space<vmem>>, vector<16xf32>,
        %sub3A_477 = arith.subf %get3A_473, %get3A_476 : vector<16xf32>
        %mul3A_478 = arith.mulf %sub3A_477, %sub3A_477 : vector<16xf32>
        %add3A_479 = arith.addf %add3A_470, %mul3A_478 : vector<16xf32>
        %get3A_480 = arith.index_cast %add3A_459 : i32 to index
        %get3A_481 = arith.constant 32 : index
        %get3A_482 = tpu.vector_load %arg19[%get3A_480, %get3A_481] {strides = array<i32>} : memref<128x128xf32, #tpu.memory_space<vmem>>, vector<16xf32>,
        %get3A_483 = arith.index_cast %add3A_459 : i32 to index
        %get3A_484 = arith.constant 32 : index
        %get3A_485 = tpu.vector_load %arg21[%get3A_483, %get3A_484] {strides = array<i32>} : memref<128x128xf32, #tpu.memory_space<vmem>>, vector<16xf32>,
        %sub3A_486 = arith.subf %get3A_482, %get3A_485 : vector<16xf32>
        %mul3A_487 = arith.mulf %sub3A_486, %sub3A_486 : vector<16xf32>
        %add3A_488 = arith.addf %add3A_479, %mul3A_487 : vector<16xf32>
        %get3A_489 = arith.index_cast %add3A_459 : i32 to index
        %get3A_490 = arith.constant 48 : index
        %get3A_491 = tpu.vector_load %arg19[%get3A_489, %get3A_490] {strides = array<i32>} : memref<128x128xf32, #tpu.memory_space<vmem>>, vector<16xf32>,
        %get3A_492 = arith.index_cast %add3A_459 : i32 to index
        %get3A_493 = arith.constant 48 : index
        %get3A_494 = tpu.vector_load %arg21[%get3A_492, %get3A_493] {strides = array<i32>} : memref<128x128xf32, #tpu.memory_space<vmem>>, vector<16xf32>,
        %sub3A_495 = arith.subf %get3A_491, %get3A_494 : vector<16xf32>
        %mul3A_496 = arith.mulf %sub3A_495, %sub3A_495 : vector<16xf32>
        %add3A_497 = arith.addf %add3A_488, %mul3A_496 : vector<16xf32>
        %get3A_498 = arith.index_cast %add3A_459 : i32 to index
        %get3A_499 = arith.constant 64 : index
        %get3A_500 = tpu.vector_load %arg19[%get3A_498, %get3A_499] {strides = array<i32>} : memref<128x128xf32, #tpu.memory_space<vmem>>, vector<16xf32>,
        %get3A_501 = arith.index_cast %add3A_459 : i32 to index
        %get3A_502 = arith.constant 64 : index
        %get3A_503 = tpu.vector_load %arg21[%get3A_501, %get3A_502] {strides = array<i32>} : memref<128x128xf32, #tpu.memory_space<vmem>>, vector<16xf32>,
        %sub3A_504 = arith.subf %get3A_500, %get3A_503 : vector<16xf32>
        %mul3A_505 = arith.mulf %sub3A_504, %sub3A_504 : vector<16xf32>
        %add3A_506 = arith.addf %add3A_497, %mul3A_505 : vector<16xf32>
        %get3A_507 = arith.index_cast %add3A_459 : i32 to index
        %get3A_508 = arith.constant 80 : index
        %get3A_509 = tpu.vector_load %arg19[%get3A_507, %get3A_508] {strides = array<i32>} : memref<128x128xf32, #tpu.memory_space<vmem>>, vector<16xf32>,
        %get3A_510 = arith.index_cast %add3A_459 : i32 to index
        %get3A_511 = arith.constant 80 : index
        %get3A_512 = tpu.vector_load %arg21[%get3A_510, %get3A_511] {strides = array<i32>} : memref<128x128xf32, #tpu.memory_space<vmem>>, vector<16xf32>,
        %sub3A_513 = arith.subf %get3A_509, %get3A_512 : vector<16xf32>
        %mul3A_514 = arith.mulf %sub3A_513, %sub3A_513 : vector<16xf32>
        %add3A_515 = arith.addf %add3A_506, %mul3A_514 : vector<16xf32>
        %get3A_516 = arith.index_cast %add3A_459 : i32 to index
        %get3A_517 = arith.constant 96 : index
        %get3A_518 = tpu.vector_load %arg19[%get3A_516, %get3A_517] {strides = array<i32>} : memref<128x128xf32, #tpu.memory_space<vmem>>, vector<16xf32>,
        %get3A_519 = arith.index_cast %add3A_459 : i32 to index
        %get3A_520 = arith.constant 96 : index
        %get3A_521 = tpu.vector_load %arg21[%get3A_519, %get3A_520] {strides = array<i32>} : memref<128x128xf32, #tpu.memory_space<vmem>>, vector<16xf32>,
        %sub3A_522 = arith.subf %get3A_518, %get3A_521 : vector<16xf32>
        %mul3A_523 = arith.mulf %sub3A_522, %sub3A_522 : vector<16xf32>
        %add3A_524 = arith.addf %add3A_515, %mul3A_523 : vector<16xf32>
        %get3A_525 = arith.index_cast %add3A_459 : i32 to index
        %get3A_526 = arith.constant 112 : index
        %get3A_527 = tpu.vector_load %arg19[%get3A_525, %get3A_526] {strides = array<i32>} : memref<128x128xf32, #tpu.memory_space<vmem>>, vector<16xf32>,
        %get3A_528 = arith.index_cast %add3A_459 : i32 to index
        %get3A_529 = arith.constant 112 : index
        %get3A_530 = tpu.vector_load %arg21[%get3A_528, %get3A_529] {strides = array<i32>} : memref<128x128xf32, #tpu.memory_space<vmem>>, vector<16xf32>,
        %sub3A_531 = arith.subf %get3A_527, %get3A_530 : vector<16xf32>
        %mul3A_532 = arith.mulf %sub3A_531, %sub3A_531 : vector<16xf32>
        %add3A_533 = arith.addf %add3A_524, %mul3A_532 : vector<16xf32>
        %eq3A_534 = vector.broadcast %add3A_456 : i32 to vector<16xi32>
        %eq3A_535 = arith.cmpi eq, %iota3A, %eq3A_534 : vector<16xi32>
        %reduce_sum3A_536 = arith.constant true
        %reduce_sum3A_537 = vector.broadcast %reduce_sum3A_536 : i1 to vector<16xi1>
        %reduce_sum3A_538 = tpu.scan <sum>, %add3A_533 masked %reduce_sum3A_537 : vector<16xf32>, vector<16xi1> -> vector<16xf32>
        %reduce_sum3A_539 = vector.extract %reduce_sum3A_538[15] : f32 from vector<16xf32>
        %jit3A_540 = arith.constant 0.000000e+00 : f32
        %broadcast_in_dim3A_541 = vector.broadcast %reduce_sum3A_539 : f32 to vector<16xf32>
        %broadcast_in_dim3A_542 = vector.broadcast %jit3A_540 : f32 to vector<16xf32>
        %select_n3A_543 = arith.select %eq3A_535, %broadcast_in_dim3A_541, %broadcast_in_dim3A_542 : vector<16xi1>, vector<16xf32>
        %add3A_544 = arith.addf %add3A_452, %select_n3A_543 : vector<16xf32>
        %mul3A_545 = arith.constant 8 : i32
        %mul3A_546 = arith.muli %scan3A_180, %mul3A_545 : i32
        %add3A_547 = arith.constant 4 : i32
        %add3A_548 = arith.addi %mul3A_546, %add3A_547 : i32
        %mul3A_549 = arith.constant 16 : i32
        %mul3A_550 = arith.muli %scan3A_157, %mul3A_549 : i32
        %add3A_551 = arith.addi %mul3A_550, %add3A_548 : i32
        %broadcast_in_dim3A_552 = arith.constant 0.000000e+00 : f32
        %broadcast_in_dim3A_553 = vector.broadcast %broadcast_in_dim3A_552 : f32 to vector<16xf32>
        %get3A_554 = arith.index_cast %add3A_551 : i32 to index
        %get3A_555 = arith.constant 0 : index
        %get3A_556 = tpu.vector_load %arg19[%get3A_554, %get3A_555] {strides = array<i32>} : memref<128x128xf32, #tpu.memory_space<vmem>>, vector<16xf32>,
        %get3A_557 = arith.index_cast %add3A_551 : i32 to index
        %get3A_558 = arith.constant 0 : index
        %get3A_559 = tpu.vector_load %arg21[%get3A_557, %get3A_558] {strides = array<i32>} : memref<128x128xf32, #tpu.memory_space<vmem>>, vector<16xf32>,
        %sub3A_560 = arith.subf %get3A_556, %get3A_559 : vector<16xf32>
        %mul3A_561 = arith.mulf %sub3A_560, %sub3A_560 : vector<16xf32>
        %add3A_562 = arith.addf %broadcast_in_dim3A_553, %mul3A_561 : vector<16xf32>
        %get3A_563 = arith.index_cast %add3A_551 : i32 to index
        %get3A_564 = arith.constant 16 : index
        %get3A_565 = tpu.vector_load %arg19[%get3A_563, %get3A_564] {strides = array<i32>} : memref<128x128xf32, #tpu.memory_space<vmem>>, vector<16xf32>,
        %get3A_566 = arith.index_cast %add3A_551 : i32 to index
        %get3A_567 = arith.constant 16 : index
        %get3A_568 = tpu.vector_load %arg21[%get3A_566, %get3A_567] {strides = array<i32>} : memref<128x128xf32, #tpu.memory_space<vmem>>, vector<16xf32>,
        %sub3A_569 = arith.subf %get3A_565, %get3A_568 : vector<16xf32>
        %mul3A_570 = arith.mulf %sub3A_569, %sub3A_569 : vector<16xf32>
        %add3A_571 = arith.addf %add3A_562, %mul3A_570 : vector<16xf32>
        %get3A_572 = arith.index_cast %add3A_551 : i32 to index
        %get3A_573 = arith.constant 32 : index
        %get3A_574 = tpu.vector_load %arg19[%get3A_572, %get3A_573] {strides = array<i32>} : memref<128x128xf32, #tpu.memory_space<vmem>>, vector<16xf32>,
        %get3A_575 = arith.index_cast %add3A_551 : i32 to index
        %get3A_576 = arith.constant 32 : index
        %get3A_577 = tpu.vector_load %arg21[%get3A_575, %get3A_576] {strides = array<i32>} : memref<128x128xf32, #tpu.memory_space<vmem>>, vector<16xf32>,
        %sub3A_578 = arith.subf %get3A_574, %get3A_577 : vector<16xf32>
        %mul3A_579 = arith.mulf %sub3A_578, %sub3A_578 : vector<16xf32>
        %add3A_580 = arith.addf %add3A_571, %mul3A_579 : vector<16xf32>
        %get3A_581 = arith.index_cast %add3A_551 : i32 to index
        %get3A_582 = arith.constant 48 : index
        %get3A_583 = tpu.vector_load %arg19[%get3A_581, %get3A_582] {strides = array<i32>} : memref<128x128xf32, #tpu.memory_space<vmem>>, vector<16xf32>,
        %get3A_584 = arith.index_cast %add3A_551 : i32 to index
        %get3A_585 = arith.constant 48 : index
        %get3A_586 = tpu.vector_load %arg21[%get3A_584, %get3A_585] {strides = array<i32>} : memref<128x128xf32, #tpu.memory_space<vmem>>, vector<16xf32>,
        %sub3A_587 = arith.subf %get3A_583, %get3A_586 : vector<16xf32>
        %mul3A_588 = arith.mulf %sub3A_587, %sub3A_587 : vector<16xf32>
        %add3A_589 = arith.addf %add3A_580, %mul3A_588 : vector<16xf32>
        %get3A_590 = arith.index_cast %add3A_551 : i32 to index
        %get3A_591 = arith.constant 64 : index
        %get3A_592 = tpu.vector_load %arg19[%get3A_590, %get3A_591] {strides = array<i32>} : memref<128x128xf32, #tpu.memory_space<vmem>>, vector<16xf32>,
        %get3A_593 = arith.index_cast %add3A_551 : i32 to index
        %get3A_594 = arith.constant 64 : index
        %get3A_595 = tpu.vector_load %arg21[%get3A_593, %get3A_594] {strides = array<i32>} : memref<128x128xf32, #tpu.memory_space<vmem>>, vector<16xf32>,
        %sub3A_596 = arith.subf %get3A_592, %get3A_595 : vector<16xf32>
        %mul3A_597 = arith.mulf %sub3A_596, %sub3A_596 : vector<16xf32>
        %add3A_598 = arith.addf %add3A_589, %mul3A_597 : vector<16xf32>
        %get3A_599 = arith.index_cast %add3A_551 : i32 to index
        %get3A_600 = arith.constant 80 : index
        %get3A_601 = tpu.vector_load %arg19[%get3A_599, %get3A_600] {strides = array<i32>} : memref<128x128xf32, #tpu.memory_space<vmem>>, vector<16xf32>,
        %get3A_602 = arith.index_cast %add3A_551 : i32 to index
        %get3A_603 = arith.constant 80 : index
        %get3A_604 = tpu.vector_load %arg21[%get3A_602, %get3A_603] {strides = array<i32>} : memref<128x128xf32, #tpu.memory_space<vmem>>, vector<16xf32>,
        %sub3A_605 = arith.subf %get3A_601, %get3A_604 : vector<16xf32>
        %mul3A_606 = arith.mulf %sub3A_605, %sub3A_605 : vector<16xf32>
        %add3A_607 = arith.addf %add3A_598, %mul3A_606 : vector<16xf32>
        %get3A_608 = arith.index_cast %add3A_551 : i32 to index
        %get3A_609 = arith.constant 96 : index
        %get3A_610 = tpu.vector_load %arg19[%get3A_608, %get3A_609] {strides = array<i32>} : memref<128x128xf32, #tpu.memory_space<vmem>>, vector<16xf32>,
        %get3A_611 = arith.index_cast %add3A_551 : i32 to index
        %get3A_612 = arith.constant 96 : index
        %get3A_613 = tpu.vector_load %arg21[%get3A_611, %get3A_612] {strides = array<i32>} : memref<128x128xf32, #tpu.memory_space<vmem>>, vector<16xf32>,
        %sub3A_614 = arith.subf %get3A_610, %get3A_613 : vector<16xf32>
        %mul3A_615 = arith.mulf %sub3A_614, %sub3A_614 : vector<16xf32>
        %add3A_616 = arith.addf %add3A_607, %mul3A_615 : vector<16xf32>
        %get3A_617 = arith.index_cast %add3A_551 : i32 to index
        %get3A_618 = arith.constant 112 : index
        %get3A_619 = tpu.vector_load %arg19[%get3A_617, %get3A_618] {strides = array<i32>} : memref<128x128xf32, #tpu.memory_space<vmem>>, vector<16xf32>,
        %get3A_620 = arith.index_cast %add3A_551 : i32 to index
        %get3A_621 = arith.constant 112 : index
        %get3A_622 = tpu.vector_load %arg21[%get3A_620, %get3A_621] {strides = array<i32>} : memref<128x128xf32, #tpu.memory_space<vmem>>, vector<16xf32>,
        %sub3A_623 = arith.subf %get3A_619, %get3A_622 : vector<16xf32>
        %mul3A_624 = arith.mulf %sub3A_623, %sub3A_623 : vector<16xf32>
        %add3A_625 = arith.addf %add3A_616, %mul3A_624 : vector<16xf32>
        %eq3A_626 = vector.broadcast %add3A_548 : i32 to vector<16xi32>
        %eq3A_627 = arith.cmpi eq, %iota3A, %eq3A_626 : vector<16xi32>
        %reduce_sum3A_628 = arith.constant true
        %reduce_sum3A_629 = vector.broadcast %reduce_sum3A_628 : i1 to vector<16xi1>
        %reduce_sum3A_630 = tpu.scan <sum>, %add3A_625 masked %reduce_sum3A_629 : vector<16xf32>, vector<16xi1> -> vector<16xf32>
        %reduce_sum3A_631 = vector.extract %reduce_sum3A_630[15] : f32 from vector<16xf32>
        %jit3A_632 = arith.constant 0.000000e+00 : f32
        %broadcast_in_dim3A_633 = vector.broadcast %reduce_sum3A_631 : f32 to vector<16xf32>
        %broadcast_in_dim3A_634 = vector.broadcast %jit3A_632 : f32 to vector<16xf32>
        %select_n3A_635 = arith.select %eq3A_627, %broadcast_in_dim3A_633, %broadcast_in_dim3A_634 : vector<16xi1>, vector<16xf32>
        %add3A_636 = arith.addf %add3A_544, %select_n3A_635 : vector<16xf32>
        %mul3A_637 = arith.constant 8 : i32
        %mul3A_638 = arith.muli %scan3A_180, %mul3A_637 : i32
        %add3A_639 = arith.constant 5 : i32
        %add3A_640 = arith.addi %mul3A_638, %add3A_639 : i32
        %mul3A_641 = arith.constant 16 : i32
        %mul3A_642 = arith.muli %scan3A_157, %mul3A_641 : i32
        %add3A_643 = arith.addi %mul3A_642, %add3A_640 : i32
        %broadcast_in_dim3A_644 = arith.constant 0.000000e+00 : f32
        %broadcast_in_dim3A_645 = vector.broadcast %broadcast_in_dim3A_644 : f32 to vector<16xf32>
        %get3A_646 = arith.index_cast %add3A_643 : i32 to index
        %get3A_647 = arith.constant 0 : index
        %get3A_648 = tpu.vector_load %arg19[%get3A_646, %get3A_647] {strides = array<i32>} : memref<128x128xf32, #tpu.memory_space<vmem>>, vector<16xf32>,
        %get3A_649 = arith.index_cast %add3A_643 : i32 to index
        %get3A_650 = arith.constant 0 : index
        %get3A_651 = tpu.vector_load %arg21[%get3A_649, %get3A_650] {strides = array<i32>} : memref<128x128xf32, #tpu.memory_space<vmem>>, vector<16xf32>,
        %sub3A_652 = arith.subf %get3A_648, %get3A_651 : vector<16xf32>
        %mul3A_653 = arith.mulf %sub3A_652, %sub3A_652 : vector<16xf32>
        %add3A_654 = arith.addf %broadcast_in_dim3A_645, %mul3A_653 : vector<16xf32>
        %get3A_655 = arith.index_cast %add3A_643 : i32 to index
        %get3A_656 = arith.constant 16 : index
        %get3A_657 = tpu.vector_load %arg19[%get3A_655, %get3A_656] {strides = array<i32>} : memref<128x128xf32, #tpu.memory_space<vmem>>, vector<16xf32>,
        %get3A_658 = arith.index_cast %add3A_643 : i32 to index
        %get3A_659 = arith.constant 16 : index
        %get3A_660 = tpu.vector_load %arg21[%get3A_658, %get3A_659] {strides = array<i32>} : memref<128x128xf32, #tpu.memory_space<vmem>>, vector<16xf32>,
        %sub3A_661 = arith.subf %get3A_657, %get3A_660 : vector<16xf32>
        %mul3A_662 = arith.mulf %sub3A_661, %sub3A_661 : vector<16xf32>
        %add3A_663 = arith.addf %add3A_654, %mul3A_662 : vector<16xf32>
        %get3A_664 = arith.index_cast %add3A_643 : i32 to index
        %get3A_665 = arith.constant 32 : index
        %get3A_666 = tpu.vector_load %arg19[%get3A_664, %get3A_665] {strides = array<i32>} : memref<128x128xf32, #tpu.memory_space<vmem>>, vector<16xf32>,
        %get3A_667 = arith.index_cast %add3A_643 : i32 to index
        %get3A_668 = arith.constant 32 : index
        %get3A_669 = tpu.vector_load %arg21[%get3A_667, %get3A_668] {strides = array<i32>} : memref<128x128xf32, #tpu.memory_space<vmem>>, vector<16xf32>,
        %sub3A_670 = arith.subf %get3A_666, %get3A_669 : vector<16xf32>
        %mul3A_671 = arith.mulf %sub3A_670, %sub3A_670 : vector<16xf32>
        %add3A_672 = arith.addf %add3A_663, %mul3A_671 : vector<16xf32>
        %get3A_673 = arith.index_cast %add3A_643 : i32 to index
        %get3A_674 = arith.constant 48 : index
        %get3A_675 = tpu.vector_load %arg19[%get3A_673, %get3A_674] {strides = array<i32>} : memref<128x128xf32, #tpu.memory_space<vmem>>, vector<16xf32>,
        %get3A_676 = arith.index_cast %add3A_643 : i32 to index
        %get3A_677 = arith.constant 48 : index
        %get3A_678 = tpu.vector_load %arg21[%get3A_676, %get3A_677] {strides = array<i32>} : memref<128x128xf32, #tpu.memory_space<vmem>>, vector<16xf32>,
        %sub3A_679 = arith.subf %get3A_675, %get3A_678 : vector<16xf32>
        %mul3A_680 = arith.mulf %sub3A_679, %sub3A_679 : vector<16xf32>
        %add3A_681 = arith.addf %add3A_672, %mul3A_680 : vector<16xf32>
        %get3A_682 = arith.index_cast %add3A_643 : i32 to index
        %get3A_683 = arith.constant 64 : index
        %get3A_684 = tpu.vector_load %arg19[%get3A_682, %get3A_683] {strides = array<i32>} : memref<128x128xf32, #tpu.memory_space<vmem>>, vector<16xf32>,
        %get3A_685 = arith.index_cast %add3A_643 : i32 to index
        %get3A_686 = arith.constant 64 : index
        %get3A_687 = tpu.vector_load %arg21[%get3A_685, %get3A_686] {strides = array<i32>} : memref<128x128xf32, #tpu.memory_space<vmem>>, vector<16xf32>,
        %sub3A_688 = arith.subf %get3A_684, %get3A_687 : vector<16xf32>
        %mul3A_689 = arith.mulf %sub3A_688, %sub3A_688 : vector<16xf32>
        %add3A_690 = arith.addf %add3A_681, %mul3A_689 : vector<16xf32>
        %get3A_691 = arith.index_cast %add3A_643 : i32 to index
        %get3A_692 = arith.constant 80 : index
        %get3A_693 = tpu.vector_load %arg19[%get3A_691, %get3A_692] {strides = array<i32>} : memref<128x128xf32, #tpu.memory_space<vmem>>, vector<16xf32>,
        %get3A_694 = arith.index_cast %add3A_643 : i32 to index
        %get3A_695 = arith.constant 80 : index
        %get3A_696 = tpu.vector_load %arg21[%get3A_694, %get3A_695] {strides = array<i32>} : memref<128x128xf32, #tpu.memory_space<vmem>>, vector<16xf32>,
        %sub3A_697 = arith.subf %get3A_693, %get3A_696 : vector<16xf32>
        %mul3A_698 = arith.mulf %sub3A_697, %sub3A_697 : vector<16xf32>
        %add3A_699 = arith.addf %add3A_690, %mul3A_698 : vector<16xf32>
        %get3A_700 = arith.index_cast %add3A_643 : i32 to index
        %get3A_701 = arith.constant 96 : index
        %get3A_702 = tpu.vector_load %arg19[%get3A_700, %get3A_701] {strides = array<i32>} : memref<128x128xf32, #tpu.memory_space<vmem>>, vector<16xf32>,
        %get3A_703 = arith.index_cast %add3A_643 : i32 to index
        %get3A_704 = arith.constant 96 : index
        %get3A_705 = tpu.vector_load %arg21[%get3A_703, %get3A_704] {strides = array<i32>} : memref<128x128xf32, #tpu.memory_space<vmem>>, vector<16xf32>,
        %sub3A_706 = arith.subf %get3A_702, %get3A_705 : vector<16xf32>
        %mul3A_707 = arith.mulf %sub3A_706, %sub3A_706 : vector<16xf32>
        %add3A_708 = arith.addf %add3A_699, %mul3A_707 : vector<16xf32>
        %get3A_709 = arith.index_cast %add3A_643 : i32 to index
        %get3A_710 = arith.constant 112 : index
        %get3A_711 = tpu.vector_load %arg19[%get3A_709, %get3A_710] {strides = array<i32>} : memref<128x128xf32, #tpu.memory_space<vmem>>, vector<16xf32>,
        %get3A_712 = arith.index_cast %add3A_643 : i32 to index
        %get3A_713 = arith.constant 112 : index
        %get3A_714 = tpu.vector_load %arg21[%get3A_712, %get3A_713] {strides = array<i32>} : memref<128x128xf32, #tpu.memory_space<vmem>>, vector<16xf32>,
        %sub3A_715 = arith.subf %get3A_711, %get3A_714 : vector<16xf32>
        %mul3A_716 = arith.mulf %sub3A_715, %sub3A_715 : vector<16xf32>
        %add3A_717 = arith.addf %add3A_708, %mul3A_716 : vector<16xf32>
        %eq3A_718 = vector.broadcast %add3A_640 : i32 to vector<16xi32>
        %eq3A_719 = arith.cmpi eq, %iota3A, %eq3A_718 : vector<16xi32>
        %reduce_sum3A_720 = arith.constant true
        %reduce_sum3A_721 = vector.broadcast %reduce_sum3A_720 : i1 to vector<16xi1>
        %reduce_sum3A_722 = tpu.scan <sum>, %add3A_717 masked %reduce_sum3A_721 : vector<16xf32>, vector<16xi1> -> vector<16xf32>
        %reduce_sum3A_723 = vector.extract %reduce_sum3A_722[15] : f32 from vector<16xf32>
        %jit3A_724 = arith.constant 0.000000e+00 : f32
        %broadcast_in_dim3A_725 = vector.broadcast %reduce_sum3A_723 : f32 to vector<16xf32>
        %broadcast_in_dim3A_726 = vector.broadcast %jit3A_724 : f32 to vector<16xf32>
        %select_n3A_727 = arith.select %eq3A_719, %broadcast_in_dim3A_725, %broadcast_in_dim3A_726 : vector<16xi1>, vector<16xf32>
        %add3A_728 = arith.addf %add3A_636, %select_n3A_727 : vector<16xf32>
        %mul3A_729 = arith.constant 8 : i32
        %mul3A_730 = arith.muli %scan3A_180, %mul3A_729 : i32
        %add3A_731 = arith.constant 6 : i32
        %add3A_732 = arith.addi %mul3A_730, %add3A_731 : i32
        %mul3A_733 = arith.constant 16 : i32
        %mul3A_734 = arith.muli %scan3A_157, %mul3A_733 : i32
        %add3A_735 = arith.addi %mul3A_734, %add3A_732 : i32
        %broadcast_in_dim3A_736 = arith.constant 0.000000e+00 : f32
        %broadcast_in_dim3A_737 = vector.broadcast %broadcast_in_dim3A_736 : f32 to vector<16xf32>
        %get3A_738 = arith.index_cast %add3A_735 : i32 to index
        %get3A_739 = arith.constant 0 : index
        %get3A_740 = tpu.vector_load %arg19[%get3A_738, %get3A_739] {strides = array<i32>} : memref<128x128xf32, #tpu.memory_space<vmem>>, vector<16xf32>,
        %get3A_741 = arith.index_cast %add3A_735 : i32 to index
        %get3A_742 = arith.constant 0 : index
        %get3A_743 = tpu.vector_load %arg21[%get3A_741, %get3A_742] {strides = array<i32>} : memref<128x128xf32, #tpu.memory_space<vmem>>, vector<16xf32>,
        %sub3A_744 = arith.subf %get3A_740, %get3A_743 : vector<16xf32>
        %mul3A_745 = arith.mulf %sub3A_744, %sub3A_744 : vector<16xf32>
        %add3A_746 = arith.addf %broadcast_in_dim3A_737, %mul3A_745 : vector<16xf32>
        %get3A_747 = arith.index_cast %add3A_735 : i32 to index
        %get3A_748 = arith.constant 16 : index
        %get3A_749 = tpu.vector_load %arg19[%get3A_747, %get3A_748] {strides = array<i32>} : memref<128x128xf32, #tpu.memory_space<vmem>>, vector<16xf32>,
        %get3A_750 = arith.index_cast %add3A_735 : i32 to index
        %get3A_751 = arith.constant 16 : index
        %get3A_752 = tpu.vector_load %arg21[%get3A_750, %get3A_751] {strides = array<i32>} : memref<128x128xf32, #tpu.memory_space<vmem>>, vector<16xf32>,
        %sub3A_753 = arith.subf %get3A_749, %get3A_752 : vector<16xf32>
        %mul3A_754 = arith.mulf %sub3A_753, %sub3A_753 : vector<16xf32>
        %add3A_755 = arith.addf %add3A_746, %mul3A_754 : vector<16xf32>
        %get3A_756 = arith.index_cast %add3A_735 : i32 to index
        %get3A_757 = arith.constant 32 : index
        %get3A_758 = tpu.vector_load %arg19[%get3A_756, %get3A_757] {strides = array<i32>} : memref<128x128xf32, #tpu.memory_space<vmem>>, vector<16xf32>,
        %get3A_759 = arith.index_cast %add3A_735 : i32 to index
        %get3A_760 = arith.constant 32 : index
        %get3A_761 = tpu.vector_load %arg21[%get3A_759, %get3A_760] {strides = array<i32>} : memref<128x128xf32, #tpu.memory_space<vmem>>, vector<16xf32>,
        %sub3A_762 = arith.subf %get3A_758, %get3A_761 : vector<16xf32>
        %mul3A_763 = arith.mulf %sub3A_762, %sub3A_762 : vector<16xf32>
        %add3A_764 = arith.addf %add3A_755, %mul3A_763 : vector<16xf32>
        %get3A_765 = arith.index_cast %add3A_735 : i32 to index
        %get3A_766 = arith.constant 48 : index
        %get3A_767 = tpu.vector_load %arg19[%get3A_765, %get3A_766] {strides = array<i32>} : memref<128x128xf32, #tpu.memory_space<vmem>>, vector<16xf32>,
        %get3A_768 = arith.index_cast %add3A_735 : i32 to index
        %get3A_769 = arith.constant 48 : index
        %get3A_770 = tpu.vector_load %arg21[%get3A_768, %get3A_769] {strides = array<i32>} : memref<128x128xf32, #tpu.memory_space<vmem>>, vector<16xf32>,
        %sub3A_771 = arith.subf %get3A_767, %get3A_770 : vector<16xf32>
        %mul3A_772 = arith.mulf %sub3A_771, %sub3A_771 : vector<16xf32>
        %add3A_773 = arith.addf %add3A_764, %mul3A_772 : vector<16xf32>
        %get3A_774 = arith.index_cast %add3A_735 : i32 to index
        %get3A_775 = arith.constant 64 : index
        %get3A_776 = tpu.vector_load %arg19[%get3A_774, %get3A_775] {strides = array<i32>} : memref<128x128xf32, #tpu.memory_space<vmem>>, vector<16xf32>,
        %get3A_777 = arith.index_cast %add3A_735 : i32 to index
        %get3A_778 = arith.constant 64 : index
        %get3A_779 = tpu.vector_load %arg21[%get3A_777, %get3A_778] {strides = array<i32>} : memref<128x128xf32, #tpu.memory_space<vmem>>, vector<16xf32>,
        %sub3A_780 = arith.subf %get3A_776, %get3A_779 : vector<16xf32>
        %mul3A_781 = arith.mulf %sub3A_780, %sub3A_780 : vector<16xf32>
        %add3A_782 = arith.addf %add3A_773, %mul3A_781 : vector<16xf32>
        %get3A_783 = arith.index_cast %add3A_735 : i32 to index
        %get3A_784 = arith.constant 80 : index
        %get3A_785 = tpu.vector_load %arg19[%get3A_783, %get3A_784] {strides = array<i32>} : memref<128x128xf32, #tpu.memory_space<vmem>>, vector<16xf32>,
        %get3A_786 = arith.index_cast %add3A_735 : i32 to index
        %get3A_787 = arith.constant 80 : index
        %get3A_788 = tpu.vector_load %arg21[%get3A_786, %get3A_787] {strides = array<i32>} : memref<128x128xf32, #tpu.memory_space<vmem>>, vector<16xf32>,
        %sub3A_789 = arith.subf %get3A_785, %get3A_788 : vector<16xf32>
        %mul3A_790 = arith.mulf %sub3A_789, %sub3A_789 : vector<16xf32>
        %add3A_791 = arith.addf %add3A_782, %mul3A_790 : vector<16xf32>
        %get3A_792 = arith.index_cast %add3A_735 : i32 to index
        %get3A_793 = arith.constant 96 : index
        %get3A_794 = tpu.vector_load %arg19[%get3A_792, %get3A_793] {strides = array<i32>} : memref<128x128xf32, #tpu.memory_space<vmem>>, vector<16xf32>,
        %get3A_795 = arith.index_cast %add3A_735 : i32 to index
        %get3A_796 = arith.constant 96 : index
        %get3A_797 = tpu.vector_load %arg21[%get3A_795, %get3A_796] {strides = array<i32>} : memref<128x128xf32, #tpu.memory_space<vmem>>, vector<16xf32>,
        %sub3A_798 = arith.subf %get3A_794, %get3A_797 : vector<16xf32>
        %mul3A_799 = arith.mulf %sub3A_798, %sub3A_798 : vector<16xf32>
        %add3A_800 = arith.addf %add3A_791, %mul3A_799 : vector<16xf32>
        %get3A_801 = arith.index_cast %add3A_735 : i32 to index
        %get3A_802 = arith.constant 112 : index
        %get3A_803 = tpu.vector_load %arg19[%get3A_801, %get3A_802] {strides = array<i32>} : memref<128x128xf32, #tpu.memory_space<vmem>>, vector<16xf32>,
        %get3A_804 = arith.index_cast %add3A_735 : i32 to index
        %get3A_805 = arith.constant 112 : index
        %get3A_806 = tpu.vector_load %arg21[%get3A_804, %get3A_805] {strides = array<i32>} : memref<128x128xf32, #tpu.memory_space<vmem>>, vector<16xf32>,
        %sub3A_807 = arith.subf %get3A_803, %get3A_806 : vector<16xf32>
        %mul3A_808 = arith.mulf %sub3A_807, %sub3A_807 : vector<16xf32>
        %add3A_809 = arith.addf %add3A_800, %mul3A_808 : vector<16xf32>
        %eq3A_810 = vector.broadcast %add3A_732 : i32 to vector<16xi32>
        %eq3A_811 = arith.cmpi eq, %iota3A, %eq3A_810 : vector<16xi32>
        %reduce_sum3A_812 = arith.constant true
        %reduce_sum3A_813 = vector.broadcast %reduce_sum3A_812 : i1 to vector<16xi1>
        %reduce_sum3A_814 = tpu.scan <sum>, %add3A_809 masked %reduce_sum3A_813 : vector<16xf32>, vector<16xi1> -> vector<16xf32>
        %reduce_sum3A_815 = vector.extract %reduce_sum3A_814[15] : f32 from vector<16xf32>
        %jit3A_816 = arith.constant 0.000000e+00 : f32
        %broadcast_in_dim3A_817 = vector.broadcast %reduce_sum3A_815 : f32 to vector<16xf32>
        %broadcast_in_dim3A_818 = vector.broadcast %jit3A_816 : f32 to vector<16xf32>
        %select_n3A_819 = arith.select %eq3A_811, %broadcast_in_dim3A_817, %broadcast_in_dim3A_818 : vector<16xi1>, vector<16xf32>
        %add3A_820 = arith.addf %add3A_728, %select_n3A_819 : vector<16xf32>
        %mul3A_821 = arith.constant 8 : i32
        %mul3A_822 = arith.muli %scan3A_180, %mul3A_821 : i32
        %add3A_823 = arith.constant 7 : i32
        %add3A_824 = arith.addi %mul3A_822, %add3A_823 : i32
        %mul3A_825 = arith.constant 16 : i32
        %mul3A_826 = arith.muli %scan3A_157, %mul3A_825 : i32
        %add3A_827 = arith.addi %mul3A_826, %add3A_824 : i32
        %broadcast_in_dim3A_828 = arith.constant 0.000000e+00 : f32
        %broadcast_in_dim3A_829 = vector.broadcast %broadcast_in_dim3A_828 : f32 to vector<16xf32>
        %get3A_830 = arith.index_cast %add3A_827 : i32 to index
        %get3A_831 = arith.constant 0 : index
        %get3A_832 = tpu.vector_load %arg19[%get3A_830, %get3A_831] {strides = array<i32>} : memref<128x128xf32, #tpu.memory_space<vmem>>, vector<16xf32>,
        %get3A_833 = arith.index_cast %add3A_827 : i32 to index
        %get3A_834 = arith.constant 0 : index
        %get3A_835 = tpu.vector_load %arg21[%get3A_833, %get3A_834] {strides = array<i32>} : memref<128x128xf32, #tpu.memory_space<vmem>>, vector<16xf32>,
        %sub3A_836 = arith.subf %get3A_832, %get3A_835 : vector<16xf32>
        %mul3A_837 = arith.mulf %sub3A_836, %sub3A_836 : vector<16xf32>
        %add3A_838 = arith.addf %broadcast_in_dim3A_829, %mul3A_837 : vector<16xf32>
        %get3A_839 = arith.index_cast %add3A_827 : i32 to index
        %get3A_840 = arith.constant 16 : index
        %get3A_841 = tpu.vector_load %arg19[%get3A_839, %get3A_840] {strides = array<i32>} : memref<128x128xf32, #tpu.memory_space<vmem>>, vector<16xf32>,
        %get3A_842 = arith.index_cast %add3A_827 : i32 to index
        %get3A_843 = arith.constant 16 : index
        %get3A_844 = tpu.vector_load %arg21[%get3A_842, %get3A_843] {strides = array<i32>} : memref<128x128xf32, #tpu.memory_space<vmem>>, vector<16xf32>,
        %sub3A_845 = arith.subf %get3A_841, %get3A_844 : vector<16xf32>
        %mul3A_846 = arith.mulf %sub3A_845, %sub3A_845 : vector<16xf32>
        %add3A_847 = arith.addf %add3A_838, %mul3A_846 : vector<16xf32>
        %get3A_848 = arith.index_cast %add3A_827 : i32 to index
        %get3A_849 = arith.constant 32 : index
        %get3A_850 = tpu.vector_load %arg19[%get3A_848, %get3A_849] {strides = array<i32>} : memref<128x128xf32, #tpu.memory_space<vmem>>, vector<16xf32>,
        %get3A_851 = arith.index_cast %add3A_827 : i32 to index
        %get3A_852 = arith.constant 32 : index
        %get3A_853 = tpu.vector_load %arg21[%get3A_851, %get3A_852] {strides = array<i32>} : memref<128x128xf32, #tpu.memory_space<vmem>>, vector<16xf32>,
        %sub3A_854 = arith.subf %get3A_850, %get3A_853 : vector<16xf32>
        %mul3A_855 = arith.mulf %sub3A_854, %sub3A_854 : vector<16xf32>
        %add3A_856 = arith.addf %add3A_847, %mul3A_855 : vector<16xf32>
        %get3A_857 = arith.index_cast %add3A_827 : i32 to index
        %get3A_858 = arith.constant 48 : index
        %get3A_859 = tpu.vector_load %arg19[%get3A_857, %get3A_858] {strides = array<i32>} : memref<128x128xf32, #tpu.memory_space<vmem>>, vector<16xf32>,
        %get3A_860 = arith.index_cast %add3A_827 : i32 to index
        %get3A_861 = arith.constant 48 : index
        %get3A_862 = tpu.vector_load %arg21[%get3A_860, %get3A_861] {strides = array<i32>} : memref<128x128xf32, #tpu.memory_space<vmem>>, vector<16xf32>,
        %sub3A_863 = arith.subf %get3A_859, %get3A_862 : vector<16xf32>
        %mul3A_864 = arith.mulf %sub3A_863, %sub3A_863 : vector<16xf32>
        %add3A_865 = arith.addf %add3A_856, %mul3A_864 : vector<16xf32>
        %get3A_866 = arith.index_cast %add3A_827 : i32 to index
        %get3A_867 = arith.constant 64 : index
        %get3A_868 = tpu.vector_load %arg19[%get3A_866, %get3A_867] {strides = array<i32>} : memref<128x128xf32, #tpu.memory_space<vmem>>, vector<16xf32>,
        %get3A_869 = arith.index_cast %add3A_827 : i32 to index
        %get3A_870 = arith.constant 64 : index
        %get3A_871 = tpu.vector_load %arg21[%get3A_869, %get3A_870] {strides = array<i32>} : memref<128x128xf32, #tpu.memory_space<vmem>>, vector<16xf32>,
        %sub3A_872 = arith.subf %get3A_868, %get3A_871 : vector<16xf32>
        %mul3A_873 = arith.mulf %sub3A_872, %sub3A_872 : vector<16xf32>
        %add3A_874 = arith.addf %add3A_865, %mul3A_873 : vector<16xf32>
        %get3A_875 = arith.index_cast %add3A_827 : i32 to index
        %get3A_876 = arith.constant 80 : index
        %get3A_877 = tpu.vector_load %arg19[%get3A_875, %get3A_876] {strides = array<i32>} : memref<128x128xf32, #tpu.memory_space<vmem>>, vector<16xf32>,
        %get3A_878 = arith.index_cast %add3A_827 : i32 to index
        %get3A_879 = arith.constant 80 : index
        %get3A_880 = tpu.vector_load %arg21[%get3A_878, %get3A_879] {strides = array<i32>} : memref<128x128xf32, #tpu.memory_space<vmem>>, vector<16xf32>,
        %sub3A_881 = arith.subf %get3A_877, %get3A_880 : vector<16xf32>
        %mul3A_882 = arith.mulf %sub3A_881, %sub3A_881 : vector<16xf32>
        %add3A_883 = arith.addf %add3A_874, %mul3A_882 : vector<16xf32>
        %get3A_884 = arith.index_cast %add3A_827 : i32 to index
        %get3A_885 = arith.constant 96 : index
        %get3A_886 = tpu.vector_load %arg19[%get3A_884, %get3A_885] {strides = array<i32>} : memref<128x128xf32, #tpu.memory_space<vmem>>, vector<16xf32>,
        %get3A_887 = arith.index_cast %add3A_827 : i32 to index
        %get3A_888 = arith.constant 96 : index
        %get3A_889 = tpu.vector_load %arg21[%get3A_887, %get3A_888] {strides = array<i32>} : memref<128x128xf32, #tpu.memory_space<vmem>>, vector<16xf32>,
        %sub3A_890 = arith.subf %get3A_886, %get3A_889 : vector<16xf32>
        %mul3A_891 = arith.mulf %sub3A_890, %sub3A_890 : vector<16xf32>
        %add3A_892 = arith.addf %add3A_883, %mul3A_891 : vector<16xf32>
        %get3A_893 = arith.index_cast %add3A_827 : i32 to index
        %get3A_894 = arith.constant 112 : index
        %get3A_895 = tpu.vector_load %arg19[%get3A_893, %get3A_894] {strides = array<i32>} : memref<128x128xf32, #tpu.memory_space<vmem>>, vector<16xf32>,
        %get3A_896 = arith.index_cast %add3A_827 : i32 to index
        %get3A_897 = arith.constant 112 : index
        %get3A_898 = tpu.vector_load %arg21[%get3A_896, %get3A_897] {strides = array<i32>} : memref<128x128xf32, #tpu.memory_space<vmem>>, vector<16xf32>,
        %sub3A_899 = arith.subf %get3A_895, %get3A_898 : vector<16xf32>
        %mul3A_900 = arith.mulf %sub3A_899, %sub3A_899 : vector<16xf32>
        %add3A_901 = arith.addf %add3A_892, %mul3A_900 : vector<16xf32>
        %eq3A_902 = vector.broadcast %add3A_824 : i32 to vector<16xi32>
        %eq3A_903 = arith.cmpi eq, %iota3A, %eq3A_902 : vector<16xi32>
        %reduce_sum3A_904 = arith.constant true
        %reduce_sum3A_905 = vector.broadcast %reduce_sum3A_904 : i1 to vector<16xi1>
        %reduce_sum3A_906 = tpu.scan <sum>, %add3A_901 masked %reduce_sum3A_905 : vector<16xf32>, vector<16xi1> -> vector<16xf32>
        %reduce_sum3A_907 = vector.extract %reduce_sum3A_906[15] : f32 from vector<16xf32>
        %jit3A_908 = arith.constant 0.000000e+00 : f32
        %broadcast_in_dim3A_909 = vector.broadcast %reduce_sum3A_907 : f32 to vector<16xf32>
        %broadcast_in_dim3A_910 = vector.broadcast %jit3A_908 : f32 to vector<16xf32>
        %select_n3A_911 = arith.select %eq3A_903, %broadcast_in_dim3A_909, %broadcast_in_dim3A_910 : vector<16xi1>, vector<16xf32>
        %add3A_912 = arith.addf %add3A_820, %select_n3A_911 : vector<16xf32>
        scf.yield %add3A_912 : vector<16xf32>
      }
      %scan3A_165 = arith.constant 2 : i32
      %mul3A_166 = arith.constant 16 : i32
      %mul3A_167 = arith.muli %scan3A_157, %mul3A_166 : i32
      %add3A_168 = arith.constant 384 : i32
      %add3A_169 = arith.addi %add3A_168, %mul3A_167 : i32
      %get3A_170 = arith.index_cast %add3A_169 : i32 to index
      %get3A_171 = tpu.vector_load %arg22[%get3A_170] {strides = array<i32>} : memref<512xf32, #tpu.memory_space<vmem>>, vector<16xf32>,
      %get3A_172 = arith.constant 0 : index
      %get3A_173 = tpu.vector_load %arg27[%get3A_172] {strides = array<i32>} : memref<16xf32, #tpu.memory_space<vmem>>, vector<16xf32>,
      %mul3A_174 = arith.mulf %get3A_21, %get3A_171 : vector<16xf32>
      %mul3A_175 = arith.mulf %mul3A_174, %scan3A_164 : vector<16xf32>
      %add3A_176 = arith.addf %get3A_21, %scan3A_164 : vector<16xf32>
      %div3A = arith.divf %mul3A_175, %add3A_176 : vector<16xf32>
      %add3A_177 = arith.addf %get3A_173, %div3A : vector<16xf32>
      %swap3A_178 = arith.constant 0 : index
      %swap3A_179 = tpu.vector_load %arg27[%swap3A_178] {strides = array<i32>} : memref<16xf32, #tpu.memory_space<vmem>>, vector<16xf32>,
      tpu.vector_store %arg27[%swap3A_178], %add3A_177 {strides = array<i32>} : memref<16xf32, #tpu.memory_space<vmem>>, vector<16xf32>,
    }
    %scan3A_129 = arith.constant 8 : i32
    %dma_start3A_130 = arith.constant 0 : i32
    %dma_start3A_131 = tpu.memref_slice %arg16[%dma_start3A_130] : memref<4096xi32, #tpu.memory_space<vmem>> -> memref<128xi32, #tpu.memory_space<vmem>>
    %dma_start3A_132 = arith.constant 0 : i32
    %dma_start3A_133 = arith.constant 0 : i32
    %dma_start3A_134 = tpu.memref_slice %arg2[%dma_start3A_132, %dma_start3A_133] : memref<100000x128xf32, #tpu.memory_space<hbm>> -> memref<100000x128xf32, #tpu.memory_space<hbm>>
    tpu.enqueue_indirect_dma source(%dma_start3A_134 : memref<100000x128xf32, #tpu.memory_space<hbm>>) target(%arg18 : memref<128x128xf32, #tpu.memory_space<vmem>>) offsets(%dma_start3A_131 : memref<128xi32, #tpu.memory_space<vmem>>) semaphore(%arg28 : memref<!tpu.dma_semaphore, #tpu.memory_space<semaphore_mem>>)
    %dma_start3A_135 = arith.constant 0 : i32
    %dma_start3A_136 = tpu.memref_slice %arg17[%dma_start3A_135] : memref<4096xi32, #tpu.memory_space<vmem>> -> memref<128xi32, #tpu.memory_space<vmem>>
    %dma_start3A_137 = arith.constant 0 : i32
    %dma_start3A_138 = arith.constant 0 : i32
    %dma_start3A_139 = tpu.memref_slice %arg2[%dma_start3A_137, %dma_start3A_138] : memref<100000x128xf32, #tpu.memory_space<hbm>> -> memref<100000x128xf32, #tpu.memory_space<hbm>>
    tpu.enqueue_indirect_dma source(%dma_start3A_139 : memref<100000x128xf32, #tpu.memory_space<hbm>>) target(%arg20 : memref<128x128xf32, #tpu.memory_space<vmem>>) offsets(%dma_start3A_136 : memref<128xi32, #tpu.memory_space<vmem>>) semaphore(%arg30 : memref<!tpu.dma_semaphore, #tpu.memory_space<semaphore_mem>>)
    %dma_start3A_140 = arith.constant 128 : i32
    %dma_start3A_141 = tpu.memref_slice %arg16[%dma_start3A_140] : memref<4096xi32, #tpu.memory_space<vmem>> -> memref<128xi32, #tpu.memory_space<vmem>>
    %dma_start3A_142 = arith.constant 0 : i32
    %dma_start3A_143 = arith.constant 0 : i32
    %dma_start3A_144 = tpu.memref_slice %arg2[%dma_start3A_142, %dma_start3A_143] : memref<100000x128xf32, #tpu.memory_space<hbm>> -> memref<100000x128xf32, #tpu.memory_space<hbm>>
    tpu.enqueue_indirect_dma source(%dma_start3A_144 : memref<100000x128xf32, #tpu.memory_space<hbm>>) target(%arg19 : memref<128x128xf32, #tpu.memory_space<vmem>>) offsets(%dma_start3A_141 : memref<128xi32, #tpu.memory_space<vmem>>) semaphore(%arg29 : memref<!tpu.dma_semaphore, #tpu.memory_space<semaphore_mem>>)
    %dma_start3A_145 = arith.constant 128 : i32
    %dma_start3A_146 = tpu.memref_slice %arg17[%dma_start3A_145] : memref<4096xi32, #tpu.memory_space<vmem>> -> memref<128xi32, #tpu.memory_space<vmem>>
    %dma_start3A_147 = arith.constant 0 : i32
    %dma_start3A_148 = arith.constant 0 : i32
    %dma_start3A_149 = tpu.memref_slice %arg2[%dma_start3A_147, %dma_start3A_148] : memref<100000x128xf32, #tpu.memory_space<hbm>> -> memref<100000x128xf32, #tpu.memory_space<hbm>>
    tpu.enqueue_indirect_dma source(%dma_start3A_149 : memref<100000x128xf32, #tpu.memory_space<hbm>>) target(%arg21 : memref<128x128xf32, #tpu.memory_space<vmem>>) offsets(%dma_start3A_146 : memref<128xi32, #tpu.memory_space<vmem>>) semaphore(%arg31 : memref<!tpu.dma_semaphore, #tpu.memory_space<semaphore_mem>>)
    %scan3A_150 = arith.constant 0 : i32
    %scan3A_151 = arith.constant 16 : i32
    %scan3A_152 = arith.addi %scan3A_150, %scan3A_151 : i32
    %scan3A_153 = arith.constant 1 : i32
    scf.for %scan3A_157 = %scan3A_150 to %scan3A_152 step %scan3A_153  : i32 {
      %mul3A_158 = arith.constant 2 : i32
      %mul3A_159 = arith.muli %mul3A_158, %scan3A_157 : i32
      %dma_wait3A_160 = arith.constant 0 : i32
      %dma_wait3A_161 = tpu.memref_slice %arg16[%dma_wait3A_160] : memref<4096xi32, #tpu.memory_space<vmem>> -> memref<128xi32, #tpu.memory_space<vmem>>
      %dma_wait3A_162 = arith.constant 0 : i32
      %dma_wait3A_163 = arith.constant 0 : i32
      %dma_wait3A_164 = tpu.memref_slice %arg2[%dma_wait3A_162, %dma_wait3A_163] : memref<100000x128xf32, #tpu.memory_space<hbm>> -> memref<100000x128xf32, #tpu.memory_space<hbm>>
      tpu.wait_indirect_dma semaphore(%arg28 : memref<!tpu.dma_semaphore, #tpu.memory_space<semaphore_mem>>) src(%dma_wait3A_164 : memref<100000x128xf32, #tpu.memory_space<hbm>>) dst(%arg18 : memref<128x128xf32, #tpu.memory_space<vmem>>)
      %dma_wait3A_165 = arith.constant 0 : i32
      %dma_wait3A_166 = tpu.memref_slice %arg17[%dma_wait3A_165] : memref<4096xi32, #tpu.memory_space<vmem>> -> memref<128xi32, #tpu.memory_space<vmem>>
      %dma_wait3A_167 = arith.constant 0 : i32
      %dma_wait3A_168 = arith.constant 0 : i32
      %dma_wait3A_169 = tpu.memref_slice %arg2[%dma_wait3A_167, %dma_wait3A_168] : memref<100000x128xf32, #tpu.memory_space<hbm>> -> memref<100000x128xf32, #tpu.memory_space<hbm>>
      tpu.wait_indirect_dma semaphore(%arg30 : memref<!tpu.dma_semaphore, #tpu.memory_space<semaphore_mem>>) src(%dma_wait3A_169 : memref<100000x128xf32, #tpu.memory_space<hbm>>) dst(%arg20 : memref<128x128xf32, #tpu.memory_space<vmem>>)
      %scan3A_170 = arith.constant 0 : i32
      %scan3A_171 = arith.constant 8 : i32
      %scan3A_172 = arith.addi %scan3A_170, %scan3A_171 : i32
      %scan3A_173 = arith.constant 1 : i32
      scf.for %scan3A_199 = %scan3A_170 to %scan3A_172 step %scan3A_173  : i32 {
        %broadcast_in_dim3A_200 = arith.constant 0.000000e+00 : f32
        %broadcast_in_dim3A_201 = vector.broadcast %broadcast_in_dim3A_200 : f32 to vector<16xf32>
        %scan3A_202 = arith.constant 0 : i32
        %scan3A_203 = arith.constant 2 : i32
        %scan3A_204 = arith.addi %scan3A_202, %scan3A_203 : i32
        %scan3A_205 = arith.constant 1 : i32
        %scan3A_206 = scf.for %scan3A_224 = %scan3A_202 to %scan3A_204 step %scan3A_205 iter_args(%scan3A_225 = %broadcast_in_dim3A_201) -> (vector<16xf32>)  : i32 {
          %mul3A_226 = arith.constant 8 : i32
          %mul3A_227 = arith.muli %scan3A_224, %mul3A_226 : i32
          %add3A_228 = arith.constant 0 : i32
          %add3A_229 = arith.addi %mul3A_227, %add3A_228 : i32
          %mul3A_230 = arith.constant 16 : i32
          %mul3A_231 = arith.muli %scan3A_199, %mul3A_230 : i32
          %add3A_232 = arith.addi %mul3A_231, %add3A_229 : i32
          %broadcast_in_dim3A_233 = arith.constant 0.000000e+00 : f32
          %broadcast_in_dim3A_234 = vector.broadcast %broadcast_in_dim3A_233 : f32 to vector<16xf32>
          %get3A_235 = arith.index_cast %add3A_232 : i32 to index
          %get3A_236 = arith.constant 0 : index
          %get3A_237 = tpu.vector_load %arg18[%get3A_235, %get3A_236] {strides = array<i32>} : memref<128x128xf32, #tpu.memory_space<vmem>>, vector<16xf32>,
          %get3A_238 = arith.index_cast %add3A_232 : i32 to index
          %get3A_239 = arith.constant 0 : index
          %get3A_240 = tpu.vector_load %arg20[%get3A_238, %get3A_239] {strides = array<i32>} : memref<128x128xf32, #tpu.memory_space<vmem>>, vector<16xf32>,
          %sub3A = arith.subf %get3A_237, %get3A_240 : vector<16xf32>
          %mul3A_241 = arith.mulf %sub3A, %sub3A : vector<16xf32>
          %add3A_242 = arith.addf %broadcast_in_dim3A_234, %mul3A_241 : vector<16xf32>
          %get3A_243 = arith.index_cast %add3A_232 : i32 to index
          %get3A_244 = arith.constant 16 : index
          %get3A_245 = tpu.vector_load %arg18[%get3A_243, %get3A_244] {strides = array<i32>} : memref<128x128xf32, #tpu.memory_space<vmem>>, vector<16xf32>,
          %get3A_246 = arith.index_cast %add3A_232 : i32 to index
          %get3A_247 = arith.constant 16 : index
          %get3A_248 = tpu.vector_load %arg20[%get3A_246, %get3A_247] {strides = array<i32>} : memref<128x128xf32, #tpu.memory_space<vmem>>, vector<16xf32>,
          %sub3A_249 = arith.subf %get3A_245, %get3A_248 : vector<16xf32>
          %mul3A_250 = arith.mulf %sub3A_249, %sub3A_249 : vector<16xf32>
          %add3A_251 = arith.addf %add3A_242, %mul3A_250 : vector<16xf32>
          %get3A_252 = arith.index_cast %add3A_232 : i32 to index
          %get3A_253 = arith.constant 32 : index
          %get3A_254 = tpu.vector_load %arg18[%get3A_252, %get3A_253] {strides = array<i32>} : memref<128x128xf32, #tpu.memory_space<vmem>>, vector<16xf32>,
          %get3A_255 = arith.index_cast %add3A_232 : i32 to index
          %get3A_256 = arith.constant 32 : index
          %get3A_257 = tpu.vector_load %arg20[%get3A_255, %get3A_256] {strides = array<i32>} : memref<128x128xf32, #tpu.memory_space<vmem>>, vector<16xf32>,
          %sub3A_258 = arith.subf %get3A_254, %get3A_257 : vector<16xf32>
          %mul3A_259 = arith.mulf %sub3A_258, %sub3A_258 : vector<16xf32>
          %add3A_260 = arith.addf %add3A_251, %mul3A_259 : vector<16xf32>
          %get3A_261 = arith.index_cast %add3A_232 : i32 to index
          %get3A_262 = arith.constant 48 : index
          %get3A_263 = tpu.vector_load %arg18[%get3A_261, %get3A_262] {strides = array<i32>} : memref<128x128xf32, #tpu.memory_space<vmem>>, vector<16xf32>,
          %get3A_264 = arith.index_cast %add3A_232 : i32 to index
          %get3A_265 = arith.constant 48 : index
          %get3A_266 = tpu.vector_load %arg20[%get3A_264, %get3A_265] {strides = array<i32>} : memref<128x128xf32, #tpu.memory_space<vmem>>, vector<16xf32>,
          %sub3A_267 = arith.subf %get3A_263, %get3A_266 : vector<16xf32>
          %mul3A_268 = arith.mulf %sub3A_267, %sub3A_267 : vector<16xf32>
          %add3A_269 = arith.addf %add3A_260, %mul3A_268 : vector<16xf32>
          %get3A_270 = arith.index_cast %add3A_232 : i32 to index
          %get3A_271 = arith.constant 64 : index
          %get3A_272 = tpu.vector_load %arg18[%get3A_270, %get3A_271] {strides = array<i32>} : memref<128x128xf32, #tpu.memory_space<vmem>>, vector<16xf32>,
          %get3A_273 = arith.index_cast %add3A_232 : i32 to index
          %get3A_274 = arith.constant 64 : index
          %get3A_275 = tpu.vector_load %arg20[%get3A_273, %get3A_274] {strides = array<i32>} : memref<128x128xf32, #tpu.memory_space<vmem>>, vector<16xf32>,
          %sub3A_276 = arith.subf %get3A_272, %get3A_275 : vector<16xf32>
          %mul3A_277 = arith.mulf %sub3A_276, %sub3A_276 : vector<16xf32>
          %add3A_278 = arith.addf %add3A_269, %mul3A_277 : vector<16xf32>
          %get3A_279 = arith.index_cast %add3A_232 : i32 to index
          %get3A_280 = arith.constant 80 : index
          %get3A_281 = tpu.vector_load %arg18[%get3A_279, %get3A_280] {strides = array<i32>} : memref<128x128xf32, #tpu.memory_space<vmem>>, vector<16xf32>,
          %get3A_282 = arith.index_cast %add3A_232 : i32 to index
          %get3A_283 = arith.constant 80 : index
          %get3A_284 = tpu.vector_load %arg20[%get3A_282, %get3A_283] {strides = array<i32>} : memref<128x128xf32, #tpu.memory_space<vmem>>, vector<16xf32>,
          %sub3A_285 = arith.subf %get3A_281, %get3A_284 : vector<16xf32>
          %mul3A_286 = arith.mulf %sub3A_285, %sub3A_285 : vector<16xf32>
          %add3A_287 = arith.addf %add3A_278, %mul3A_286 : vector<16xf32>
          %get3A_288 = arith.index_cast %add3A_232 : i32 to index
          %get3A_289 = arith.constant 96 : index
          %get3A_290 = tpu.vector_load %arg18[%get3A_288, %get3A_289] {strides = array<i32>} : memref<128x128xf32, #tpu.memory_space<vmem>>, vector<16xf32>,
          %get3A_291 = arith.index_cast %add3A_232 : i32 to index
          %get3A_292 = arith.constant 96 : index
          %get3A_293 = tpu.vector_load %arg20[%get3A_291, %get3A_292] {strides = array<i32>} : memref<128x128xf32, #tpu.memory_space<vmem>>, vector<16xf32>,
          %sub3A_294 = arith.subf %get3A_290, %get3A_293 : vector<16xf32>
          %mul3A_295 = arith.mulf %sub3A_294, %sub3A_294 : vector<16xf32>
          %add3A_296 = arith.addf %add3A_287, %mul3A_295 : vector<16xf32>
          %get3A_297 = arith.index_cast %add3A_232 : i32 to index
          %get3A_298 = arith.constant 112 : index
          %get3A_299 = tpu.vector_load %arg18[%get3A_297, %get3A_298] {strides = array<i32>} : memref<128x128xf32, #tpu.memory_space<vmem>>, vector<16xf32>,
          %get3A_300 = arith.index_cast %add3A_232 : i32 to index
          %get3A_301 = arith.constant 112 : index
          %get3A_302 = tpu.vector_load %arg20[%get3A_300, %get3A_301] {strides = array<i32>} : memref<128x128xf32, #tpu.memory_space<vmem>>, vector<16xf32>,
          %sub3A_303 = arith.subf %get3A_299, %get3A_302 : vector<16xf32>
          %mul3A_304 = arith.mulf %sub3A_303, %sub3A_303 : vector<16xf32>
          %add3A_305 = arith.addf %add3A_296, %mul3A_304 : vector<16xf32>
          %eq3A = vector.broadcast %add3A_229 : i32 to vector<16xi32>
          %eq3A_306 = arith.cmpi eq, %iota3A, %eq3A : vector<16xi32>
          %reduce_sum3A = arith.constant true
          %reduce_sum3A_307 = vector.broadcast %reduce_sum3A : i1 to vector<16xi1>
          %reduce_sum3A_308 = tpu.scan <sum>, %add3A_305 masked %reduce_sum3A_307 : vector<16xf32>, vector<16xi1> -> vector<16xf32>
          %reduce_sum3A_309 = vector.extract %reduce_sum3A_308[15] : f32 from vector<16xf32>
          %jit3A = arith.constant 0.000000e+00 : f32
          %broadcast_in_dim3A_310 = vector.broadcast %reduce_sum3A_309 : f32 to vector<16xf32>
          %broadcast_in_dim3A_311 = vector.broadcast %jit3A : f32 to vector<16xf32>
          %select_n3A = arith.select %eq3A_306, %broadcast_in_dim3A_310, %broadcast_in_dim3A_311 : vector<16xi1>, vector<16xf32>
          %add3A_312 = arith.addf %scan3A_225, %select_n3A : vector<16xf32>
          %mul3A_313 = arith.constant 8 : i32
          %mul3A_314 = arith.muli %scan3A_224, %mul3A_313 : i32
          %add3A_315 = arith.constant 1 : i32
          %add3A_316 = arith.addi %mul3A_314, %add3A_315 : i32
          %mul3A_317 = arith.constant 16 : i32
          %mul3A_318 = arith.muli %scan3A_199, %mul3A_317 : i32
          %add3A_319 = arith.addi %mul3A_318, %add3A_316 : i32
          %broadcast_in_dim3A_320 = arith.constant 0.000000e+00 : f32
          %broadcast_in_dim3A_321 = vector.broadcast %broadcast_in_dim3A_320 : f32 to vector<16xf32>
          %get3A_322 = arith.index_cast %add3A_319 : i32 to index
          %get3A_323 = arith.constant 0 : index
          %get3A_324 = tpu.vector_load %arg18[%get3A_322, %get3A_323] {strides = array<i32>} : memref<128x128xf32, #tpu.memory_space<vmem>>, vector<16xf32>,
          %get3A_325 = arith.index_cast %add3A_319 : i32 to index
          %get3A_326 = arith.constant 0 : index
          %get3A_327 = tpu.vector_load %arg20[%get3A_325, %get3A_326] {strides = array<i32>} : memref<128x128xf32, #tpu.memory_space<vmem>>, vector<16xf32>,
          %sub3A_328 = arith.subf %get3A_324, %get3A_327 : vector<16xf32>
          %mul3A_329 = arith.mulf %sub3A_328, %sub3A_328 : vector<16xf32>
          %add3A_330 = arith.addf %broadcast_in_dim3A_321, %mul3A_329 : vector<16xf32>
          %get3A_331 = arith.index_cast %add3A_319 : i32 to index
          %get3A_332 = arith.constant 16 : index
          %get3A_333 = tpu.vector_load %arg18[%get3A_331, %get3A_332] {strides = array<i32>} : memref<128x128xf32, #tpu.memory_space<vmem>>, vector<16xf32>,
          %get3A_334 = arith.index_cast %add3A_319 : i32 to index
          %get3A_335 = arith.constant 16 : index
          %get3A_336 = tpu.vector_load %arg20[%get3A_334, %get3A_335] {strides = array<i32>} : memref<128x128xf32, #tpu.memory_space<vmem>>, vector<16xf32>,
          %sub3A_337 = arith.subf %get3A_333, %get3A_336 : vector<16xf32>
          %mul3A_338 = arith.mulf %sub3A_337, %sub3A_337 : vector<16xf32>
          %add3A_339 = arith.addf %add3A_330, %mul3A_338 : vector<16xf32>
          %get3A_340 = arith.index_cast %add3A_319 : i32 to index
          %get3A_341 = arith.constant 32 : index
          %get3A_342 = tpu.vector_load %arg18[%get3A_340, %get3A_341] {strides = array<i32>} : memref<128x128xf32, #tpu.memory_space<vmem>>, vector<16xf32>,
          %get3A_343 = arith.index_cast %add3A_319 : i32 to index
          %get3A_344 = arith.constant 32 : index
          %get3A_345 = tpu.vector_load %arg20[%get3A_343, %get3A_344] {strides = array<i32>} : memref<128x128xf32, #tpu.memory_space<vmem>>, vector<16xf32>,
          %sub3A_346 = arith.subf %get3A_342, %get3A_345 : vector<16xf32>
          %mul3A_347 = arith.mulf %sub3A_346, %sub3A_346 : vector<16xf32>
          %add3A_348 = arith.addf %add3A_339, %mul3A_347 : vector<16xf32>
          %get3A_349 = arith.index_cast %add3A_319 : i32 to index
          %get3A_350 = arith.constant 48 : index
          %get3A_351 = tpu.vector_load %arg18[%get3A_349, %get3A_350] {strides = array<i32>} : memref<128x128xf32, #tpu.memory_space<vmem>>, vector<16xf32>,
          %get3A_352 = arith.index_cast %add3A_319 : i32 to index
          %get3A_353 = arith.constant 48 : index
          %get3A_354 = tpu.vector_load %arg20[%get3A_352, %get3A_353] {strides = array<i32>} : memref<128x128xf32, #tpu.memory_space<vmem>>, vector<16xf32>,
          %sub3A_355 = arith.subf %get3A_351, %get3A_354 : vector<16xf32>
          %mul3A_356 = arith.mulf %sub3A_355, %sub3A_355 : vector<16xf32>
          %add3A_357 = arith.addf %add3A_348, %mul3A_356 : vector<16xf32>
          %get3A_358 = arith.index_cast %add3A_319 : i32 to index
          %get3A_359 = arith.constant 64 : index
          %get3A_360 = tpu.vector_load %arg18[%get3A_358, %get3A_359] {strides = array<i32>} : memref<128x128xf32, #tpu.memory_space<vmem>>, vector<16xf32>,
          %get3A_361 = arith.index_cast %add3A_319 : i32 to index
          %get3A_362 = arith.constant 64 : index
          %get3A_363 = tpu.vector_load %arg20[%get3A_361, %get3A_362] {strides = array<i32>} : memref<128x128xf32, #tpu.memory_space<vmem>>, vector<16xf32>,
          %sub3A_364 = arith.subf %get3A_360, %get3A_363 : vector<16xf32>
          %mul3A_365 = arith.mulf %sub3A_364, %sub3A_364 : vector<16xf32>
          %add3A_366 = arith.addf %add3A_357, %mul3A_365 : vector<16xf32>
          %get3A_367 = arith.index_cast %add3A_319 : i32 to index
          %get3A_368 = arith.constant 80 : index
          %get3A_369 = tpu.vector_load %arg18[%get3A_367, %get3A_368] {strides = array<i32>} : memref<128x128xf32, #tpu.memory_space<vmem>>, vector<16xf32>,
          %get3A_370 = arith.index_cast %add3A_319 : i32 to index
          %get3A_371 = arith.constant 80 : index
          %get3A_372 = tpu.vector_load %arg20[%get3A_370, %get3A_371] {strides = array<i32>} : memref<128x128xf32, #tpu.memory_space<vmem>>, vector<16xf32>,
          %sub3A_373 = arith.subf %get3A_369, %get3A_372 : vector<16xf32>
          %mul3A_374 = arith.mulf %sub3A_373, %sub3A_373 : vector<16xf32>
          %add3A_375 = arith.addf %add3A_366, %mul3A_374 : vector<16xf32>
          %get3A_376 = arith.index_cast %add3A_319 : i32 to index
          %get3A_377 = arith.constant 96 : index
          %get3A_378 = tpu.vector_load %arg18[%get3A_376, %get3A_377] {strides = array<i32>} : memref<128x128xf32, #tpu.memory_space<vmem>>, vector<16xf32>,
          %get3A_379 = arith.index_cast %add3A_319 : i32 to index
          %get3A_380 = arith.constant 96 : index
          %get3A_381 = tpu.vector_load %arg20[%get3A_379, %get3A_380] {strides = array<i32>} : memref<128x128xf32, #tpu.memory_space<vmem>>, vector<16xf32>,
          %sub3A_382 = arith.subf %get3A_378, %get3A_381 : vector<16xf32>
          %mul3A_383 = arith.mulf %sub3A_382, %sub3A_382 : vector<16xf32>
          %add3A_384 = arith.addf %add3A_375, %mul3A_383 : vector<16xf32>
          %get3A_385 = arith.index_cast %add3A_319 : i32 to index
          %get3A_386 = arith.constant 112 : index
          %get3A_387 = tpu.vector_load %arg18[%get3A_385, %get3A_386] {strides = array<i32>} : memref<128x128xf32, #tpu.memory_space<vmem>>, vector<16xf32>,
          %get3A_388 = arith.index_cast %add3A_319 : i32 to index
          %get3A_389 = arith.constant 112 : index
          %get3A_390 = tpu.vector_load %arg20[%get3A_388, %get3A_389] {strides = array<i32>} : memref<128x128xf32, #tpu.memory_space<vmem>>, vector<16xf32>,
          %sub3A_391 = arith.subf %get3A_387, %get3A_390 : vector<16xf32>
          %mul3A_392 = arith.mulf %sub3A_391, %sub3A_391 : vector<16xf32>
          %add3A_393 = arith.addf %add3A_384, %mul3A_392 : vector<16xf32>
          %eq3A_394 = vector.broadcast %add3A_316 : i32 to vector<16xi32>
          %eq3A_395 = arith.cmpi eq, %iota3A, %eq3A_394 : vector<16xi32>
          %reduce_sum3A_396 = arith.constant true
          %reduce_sum3A_397 = vector.broadcast %reduce_sum3A_396 : i1 to vector<16xi1>
          %reduce_sum3A_398 = tpu.scan <sum>, %add3A_393 masked %reduce_sum3A_397 : vector<16xf32>, vector<16xi1> -> vector<16xf32>
          %reduce_sum3A_399 = vector.extract %reduce_sum3A_398[15] : f32 from vector<16xf32>
          %jit3A_400 = arith.constant 0.000000e+00 : f32
          %broadcast_in_dim3A_401 = vector.broadcast %reduce_sum3A_399 : f32 to vector<16xf32>
          %broadcast_in_dim3A_402 = vector.broadcast %jit3A_400 : f32 to vector<16xf32>
          %select_n3A_403 = arith.select %eq3A_395, %broadcast_in_dim3A_401, %broadcast_in_dim3A_402 : vector<16xi1>, vector<16xf32>
          %add3A_404 = arith.addf %add3A_312, %select_n3A_403 : vector<16xf32>
          %mul3A_405 = arith.constant 8 : i32
          %mul3A_406 = arith.muli %scan3A_224, %mul3A_405 : i32
          %add3A_407 = arith.constant 2 : i32
          %add3A_408 = arith.addi %mul3A_406, %add3A_407 : i32
          %mul3A_409 = arith.constant 16 : i32
          %mul3A_410 = arith.muli %scan3A_199, %mul3A_409 : i32
          %add3A_411 = arith.addi %mul3A_410, %add3A_408 : i32
          %broadcast_in_dim3A_412 = arith.constant 0.000000e+00 : f32
          %broadcast_in_dim3A_413 = vector.broadcast %broadcast_in_dim3A_412 : f32 to vector<16xf32>
          %get3A_414 = arith.index_cast %add3A_411 : i32 to index
          %get3A_415 = arith.constant 0 : index
          %get3A_416 = tpu.vector_load %arg18[%get3A_414, %get3A_415] {strides = array<i32>} : memref<128x128xf32, #tpu.memory_space<vmem>>, vector<16xf32>,
          %get3A_417 = arith.index_cast %add3A_411 : i32 to index
          %get3A_418 = arith.constant 0 : index
          %get3A_419 = tpu.vector_load %arg20[%get3A_417, %get3A_418] {strides = array<i32>} : memref<128x128xf32, #tpu.memory_space<vmem>>, vector<16xf32>,
          %sub3A_420 = arith.subf %get3A_416, %get3A_419 : vector<16xf32>
          %mul3A_421 = arith.mulf %sub3A_420, %sub3A_420 : vector<16xf32>
          %add3A_422 = arith.addf %broadcast_in_dim3A_413, %mul3A_421 : vector<16xf32>
          %get3A_423 = arith.index_cast %add3A_411 : i32 to index
          %get3A_424 = arith.constant 16 : index
          %get3A_425 = tpu.vector_load %arg18[%get3A_423, %get3A_424] {strides = array<i32>} : memref<128x128xf32, #tpu.memory_space<vmem>>, vector<16xf32>,
          %get3A_426 = arith.index_cast %add3A_411 : i32 to index
          %get3A_427 = arith.constant 16 : index
          %get3A_428 = tpu.vector_load %arg20[%get3A_426, %get3A_427] {strides = array<i32>} : memref<128x128xf32, #tpu.memory_space<vmem>>, vector<16xf32>,
          %sub3A_429 = arith.subf %get3A_425, %get3A_428 : vector<16xf32>
          %mul3A_430 = arith.mulf %sub3A_429, %sub3A_429 : vector<16xf32>
          %add3A_431 = arith.addf %add3A_422, %mul3A_430 : vector<16xf32>
          %get3A_432 = arith.index_cast %add3A_411 : i32 to index
          %get3A_433 = arith.constant 32 : index
          %get3A_434 = tpu.vector_load %arg18[%get3A_432, %get3A_433] {strides = array<i32>} : memref<128x128xf32, #tpu.memory_space<vmem>>, vector<16xf32>,
          %get3A_435 = arith.index_cast %add3A_411 : i32 to index
          %get3A_436 = arith.constant 32 : index
          %get3A_437 = tpu.vector_load %arg20[%get3A_435, %get3A_436] {strides = array<i32>} : memref<128x128xf32, #tpu.memory_space<vmem>>, vector<16xf32>,
          %sub3A_438 = arith.subf %get3A_434, %get3A_437 : vector<16xf32>
          %mul3A_439 = arith.mulf %sub3A_438, %sub3A_438 : vector<16xf32>
          %add3A_440 = arith.addf %add3A_431, %mul3A_439 : vector<16xf32>
          %get3A_441 = arith.index_cast %add3A_411 : i32 to index
          %get3A_442 = arith.constant 48 : index
          %get3A_443 = tpu.vector_load %arg18[%get3A_441, %get3A_442] {strides = array<i32>} : memref<128x128xf32, #tpu.memory_space<vmem>>, vector<16xf32>,
          %get3A_444 = arith.index_cast %add3A_411 : i32 to index
          %get3A_445 = arith.constant 48 : index
          %get3A_446 = tpu.vector_load %arg20[%get3A_444, %get3A_445] {strides = array<i32>} : memref<128x128xf32, #tpu.memory_space<vmem>>, vector<16xf32>,
          %sub3A_447 = arith.subf %get3A_443, %get3A_446 : vector<16xf32>
          %mul3A_448 = arith.mulf %sub3A_447, %sub3A_447 : vector<16xf32>
          %add3A_449 = arith.addf %add3A_440, %mul3A_448 : vector<16xf32>
          %get3A_450 = arith.index_cast %add3A_411 : i32 to index
          %get3A_451 = arith.constant 64 : index
          %get3A_452 = tpu.vector_load %arg18[%get3A_450, %get3A_451] {strides = array<i32>} : memref<128x128xf32, #tpu.memory_space<vmem>>, vector<16xf32>,
          %get3A_453 = arith.index_cast %add3A_411 : i32 to index
          %get3A_454 = arith.constant 64 : index
          %get3A_455 = tpu.vector_load %arg20[%get3A_453, %get3A_454] {strides = array<i32>} : memref<128x128xf32, #tpu.memory_space<vmem>>, vector<16xf32>,
          %sub3A_456 = arith.subf %get3A_452, %get3A_455 : vector<16xf32>
          %mul3A_457 = arith.mulf %sub3A_456, %sub3A_456 : vector<16xf32>
          %add3A_458 = arith.addf %add3A_449, %mul3A_457 : vector<16xf32>
          %get3A_459 = arith.index_cast %add3A_411 : i32 to index
          %get3A_460 = arith.constant 80 : index
          %get3A_461 = tpu.vector_load %arg18[%get3A_459, %get3A_460] {strides = array<i32>} : memref<128x128xf32, #tpu.memory_space<vmem>>, vector<16xf32>,
          %get3A_462 = arith.index_cast %add3A_411 : i32 to index
          %get3A_463 = arith.constant 80 : index
          %get3A_464 = tpu.vector_load %arg20[%get3A_462, %get3A_463] {strides = array<i32>} : memref<128x128xf32, #tpu.memory_space<vmem>>, vector<16xf32>,
          %sub3A_465 = arith.subf %get3A_461, %get3A_464 : vector<16xf32>
          %mul3A_466 = arith.mulf %sub3A_465, %sub3A_465 : vector<16xf32>
          %add3A_467 = arith.addf %add3A_458, %mul3A_466 : vector<16xf32>
          %get3A_468 = arith.index_cast %add3A_411 : i32 to index
          %get3A_469 = arith.constant 96 : index
          %get3A_470 = tpu.vector_load %arg18[%get3A_468, %get3A_469] {strides = array<i32>} : memref<128x128xf32, #tpu.memory_space<vmem>>, vector<16xf32>,
          %get3A_471 = arith.index_cast %add3A_411 : i32 to index
          %get3A_472 = arith.constant 96 : index
          %get3A_473 = tpu.vector_load %arg20[%get3A_471, %get3A_472] {strides = array<i32>} : memref<128x128xf32, #tpu.memory_space<vmem>>, vector<16xf32>,
          %sub3A_474 = arith.subf %get3A_470, %get3A_473 : vector<16xf32>
          %mul3A_475 = arith.mulf %sub3A_474, %sub3A_474 : vector<16xf32>
          %add3A_476 = arith.addf %add3A_467, %mul3A_475 : vector<16xf32>
          %get3A_477 = arith.index_cast %add3A_411 : i32 to index
          %get3A_478 = arith.constant 112 : index
          %get3A_479 = tpu.vector_load %arg18[%get3A_477, %get3A_478] {strides = array<i32>} : memref<128x128xf32, #tpu.memory_space<vmem>>, vector<16xf32>,
          %get3A_480 = arith.index_cast %add3A_411 : i32 to index
          %get3A_481 = arith.constant 112 : index
          %get3A_482 = tpu.vector_load %arg20[%get3A_480, %get3A_481] {strides = array<i32>} : memref<128x128xf32, #tpu.memory_space<vmem>>, vector<16xf32>,
          %sub3A_483 = arith.subf %get3A_479, %get3A_482 : vector<16xf32>
          %mul3A_484 = arith.mulf %sub3A_483, %sub3A_483 : vector<16xf32>
          %add3A_485 = arith.addf %add3A_476, %mul3A_484 : vector<16xf32>
          %eq3A_486 = vector.broadcast %add3A_408 : i32 to vector<16xi32>
          %eq3A_487 = arith.cmpi eq, %iota3A, %eq3A_486 : vector<16xi32>
          %reduce_sum3A_488 = arith.constant true
          %reduce_sum3A_489 = vector.broadcast %reduce_sum3A_488 : i1 to vector<16xi1>
          %reduce_sum3A_490 = tpu.scan <sum>, %add3A_485 masked %reduce_sum3A_489 : vector<16xf32>, vector<16xi1> -> vector<16xf32>
          %reduce_sum3A_491 = vector.extract %reduce_sum3A_490[15] : f32 from vector<16xf32>
          %jit3A_492 = arith.constant 0.000000e+00 : f32
          %broadcast_in_dim3A_493 = vector.broadcast %reduce_sum3A_491 : f32 to vector<16xf32>
          %broadcast_in_dim3A_494 = vector.broadcast %jit3A_492 : f32 to vector<16xf32>
          %select_n3A_495 = arith.select %eq3A_487, %broadcast_in_dim3A_493, %broadcast_in_dim3A_494 : vector<16xi1>, vector<16xf32>
          %add3A_496 = arith.addf %add3A_404, %select_n3A_495 : vector<16xf32>
          %mul3A_497 = arith.constant 8 : i32
          %mul3A_498 = arith.muli %scan3A_224, %mul3A_497 : i32
          %add3A_499 = arith.constant 3 : i32
          %add3A_500 = arith.addi %mul3A_498, %add3A_499 : i32
          %mul3A_501 = arith.constant 16 : i32
          %mul3A_502 = arith.muli %scan3A_199, %mul3A_501 : i32
          %add3A_503 = arith.addi %mul3A_502, %add3A_500 : i32
          %broadcast_in_dim3A_504 = arith.constant 0.000000e+00 : f32
          %broadcast_in_dim3A_505 = vector.broadcast %broadcast_in_dim3A_504 : f32 to vector<16xf32>
          %get3A_506 = arith.index_cast %add3A_503 : i32 to index
          %get3A_507 = arith.constant 0 : index
          %get3A_508 = tpu.vector_load %arg18[%get3A_506, %get3A_507] {strides = array<i32>} : memref<128x128xf32, #tpu.memory_space<vmem>>, vector<16xf32>,
          %get3A_509 = arith.index_cast %add3A_503 : i32 to index
          %get3A_510 = arith.constant 0 : index
          %get3A_511 = tpu.vector_load %arg20[%get3A_509, %get3A_510] {strides = array<i32>} : memref<128x128xf32, #tpu.memory_space<vmem>>, vector<16xf32>,
          %sub3A_512 = arith.subf %get3A_508, %get3A_511 : vector<16xf32>
          %mul3A_513 = arith.mulf %sub3A_512, %sub3A_512 : vector<16xf32>
          %add3A_514 = arith.addf %broadcast_in_dim3A_505, %mul3A_513 : vector<16xf32>
          %get3A_515 = arith.index_cast %add3A_503 : i32 to index
          %get3A_516 = arith.constant 16 : index
          %get3A_517 = tpu.vector_load %arg18[%get3A_515, %get3A_516] {strides = array<i32>} : memref<128x128xf32, #tpu.memory_space<vmem>>, vector<16xf32>,
          %get3A_518 = arith.index_cast %add3A_503 : i32 to index
          %get3A_519 = arith.constant 16 : index
          %get3A_520 = tpu.vector_load %arg20[%get3A_518, %get3A_519] {strides = array<i32>} : memref<128x128xf32, #tpu.memory_space<vmem>>, vector<16xf32>,
          %sub3A_521 = arith.subf %get3A_517, %get3A_520 : vector<16xf32>
          %mul3A_522 = arith.mulf %sub3A_521, %sub3A_521 : vector<16xf32>
          %add3A_523 = arith.addf %add3A_514, %mul3A_522 : vector<16xf32>
          %get3A_524 = arith.index_cast %add3A_503 : i32 to index
          %get3A_525 = arith.constant 32 : index
          %get3A_526 = tpu.vector_load %arg18[%get3A_524, %get3A_525] {strides = array<i32>} : memref<128x128xf32, #tpu.memory_space<vmem>>, vector<16xf32>,
          %get3A_527 = arith.index_cast %add3A_503 : i32 to index
          %get3A_528 = arith.constant 32 : index
          %get3A_529 = tpu.vector_load %arg20[%get3A_527, %get3A_528] {strides = array<i32>} : memref<128x128xf32, #tpu.memory_space<vmem>>, vector<16xf32>,
          %sub3A_530 = arith.subf %get3A_526, %get3A_529 : vector<16xf32>
          %mul3A_531 = arith.mulf %sub3A_530, %sub3A_530 : vector<16xf32>
          %add3A_532 = arith.addf %add3A_523, %mul3A_531 : vector<16xf32>
          %get3A_533 = arith.index_cast %add3A_503 : i32 to index
          %get3A_534 = arith.constant 48 : index
          %get3A_535 = tpu.vector_load %arg18[%get3A_533, %get3A_534] {strides = array<i32>} : memref<128x128xf32, #tpu.memory_space<vmem>>, vector<16xf32>,
          %get3A_536 = arith.index_cast %add3A_503 : i32 to index
          %get3A_537 = arith.constant 48 : index
          %get3A_538 = tpu.vector_load %arg20[%get3A_536, %get3A_537] {strides = array<i32>} : memref<128x128xf32, #tpu.memory_space<vmem>>, vector<16xf32>,
          %sub3A_539 = arith.subf %get3A_535, %get3A_538 : vector<16xf32>
          %mul3A_540 = arith.mulf %sub3A_539, %sub3A_539 : vector<16xf32>
          %add3A_541 = arith.addf %add3A_532, %mul3A_540 : vector<16xf32>
          %get3A_542 = arith.index_cast %add3A_503 : i32 to index
          %get3A_543 = arith.constant 64 : index
          %get3A_544 = tpu.vector_load %arg18[%get3A_542, %get3A_543] {strides = array<i32>} : memref<128x128xf32, #tpu.memory_space<vmem>>, vector<16xf32>,
          %get3A_545 = arith.index_cast %add3A_503 : i32 to index
          %get3A_546 = arith.constant 64 : index
          %get3A_547 = tpu.vector_load %arg20[%get3A_545, %get3A_546] {strides = array<i32>} : memref<128x128xf32, #tpu.memory_space<vmem>>, vector<16xf32>,
          %sub3A_548 = arith.subf %get3A_544, %get3A_547 : vector<16xf32>
          %mul3A_549 = arith.mulf %sub3A_548, %sub3A_548 : vector<16xf32>
          %add3A_550 = arith.addf %add3A_541, %mul3A_549 : vector<16xf32>
          %get3A_551 = arith.index_cast %add3A_503 : i32 to index
          %get3A_552 = arith.constant 80 : index
          %get3A_553 = tpu.vector_load %arg18[%get3A_551, %get3A_552] {strides = array<i32>} : memref<128x128xf32, #tpu.memory_space<vmem>>, vector<16xf32>,
          %get3A_554 = arith.index_cast %add3A_503 : i32 to index
          %get3A_555 = arith.constant 80 : index
          %get3A_556 = tpu.vector_load %arg20[%get3A_554, %get3A_555] {strides = array<i32>} : memref<128x128xf32, #tpu.memory_space<vmem>>, vector<16xf32>,
          %sub3A_557 = arith.subf %get3A_553, %get3A_556 : vector<16xf32>
          %mul3A_558 = arith.mulf %sub3A_557, %sub3A_557 : vector<16xf32>
          %add3A_559 = arith.addf %add3A_550, %mul3A_558 : vector<16xf32>
          %get3A_560 = arith.index_cast %add3A_503 : i32 to index
          %get3A_561 = arith.constant 96 : index
          %get3A_562 = tpu.vector_load %arg18[%get3A_560, %get3A_561] {strides = array<i32>} : memref<128x128xf32, #tpu.memory_space<vmem>>, vector<16xf32>,
          %get3A_563 = arith.index_cast %add3A_503 : i32 to index
          %get3A_564 = arith.constant 96 : index
          %get3A_565 = tpu.vector_load %arg20[%get3A_563, %get3A_564] {strides = array<i32>} : memref<128x128xf32, #tpu.memory_space<vmem>>, vector<16xf32>,
          %sub3A_566 = arith.subf %get3A_562, %get3A_565 : vector<16xf32>
          %mul3A_567 = arith.mulf %sub3A_566, %sub3A_566 : vector<16xf32>
          %add3A_568 = arith.addf %add3A_559, %mul3A_567 : vector<16xf32>
          %get3A_569 = arith.index_cast %add3A_503 : i32 to index
          %get3A_570 = arith.constant 112 : index
          %get3A_571 = tpu.vector_load %arg18[%get3A_569, %get3A_570] {strides = array<i32>} : memref<128x128xf32, #tpu.memory_space<vmem>>, vector<16xf32>,
          %get3A_572 = arith.index_cast %add3A_503 : i32 to index
          %get3A_573 = arith.constant 112 : index
          %get3A_574 = tpu.vector_load %arg20[%get3A_572, %get3A_573] {strides = array<i32>} : memref<128x128xf32, #tpu.memory_space<vmem>>, vector<16xf32>,
          %sub3A_575 = arith.subf %get3A_571, %get3A_574 : vector<16xf32>
          %mul3A_576 = arith.mulf %sub3A_575, %sub3A_575 : vector<16xf32>
          %add3A_577 = arith.addf %add3A_568, %mul3A_576 : vector<16xf32>
          %eq3A_578 = vector.broadcast %add3A_500 : i32 to vector<16xi32>
          %eq3A_579 = arith.cmpi eq, %iota3A, %eq3A_578 : vector<16xi32>
          %reduce_sum3A_580 = arith.constant true
          %reduce_sum3A_581 = vector.broadcast %reduce_sum3A_580 : i1 to vector<16xi1>
          %reduce_sum3A_582 = tpu.scan <sum>, %add3A_577 masked %reduce_sum3A_581 : vector<16xf32>, vector<16xi1> -> vector<16xf32>
          %reduce_sum3A_583 = vector.extract %reduce_sum3A_582[15] : f32 from vector<16xf32>
          %jit3A_584 = arith.constant 0.000000e+00 : f32
          %broadcast_in_dim3A_585 = vector.broadcast %reduce_sum3A_583 : f32 to vector<16xf32>
          %broadcast_in_dim3A_586 = vector.broadcast %jit3A_584 : f32 to vector<16xf32>
          %select_n3A_587 = arith.select %eq3A_579, %broadcast_in_dim3A_585, %broadcast_in_dim3A_586 : vector<16xi1>, vector<16xf32>
          %add3A_588 = arith.addf %add3A_496, %select_n3A_587 : vector<16xf32>
          %mul3A_589 = arith.constant 8 : i32
          %mul3A_590 = arith.muli %scan3A_224, %mul3A_589 : i32
          %add3A_591 = arith.constant 4 : i32
          %add3A_592 = arith.addi %mul3A_590, %add3A_591 : i32
          %mul3A_593 = arith.constant 16 : i32
          %mul3A_594 = arith.muli %scan3A_199, %mul3A_593 : i32
          %add3A_595 = arith.addi %mul3A_594, %add3A_592 : i32
          %broadcast_in_dim3A_596 = arith.constant 0.000000e+00 : f32
          %broadcast_in_dim3A_597 = vector.broadcast %broadcast_in_dim3A_596 : f32 to vector<16xf32>
          %get3A_598 = arith.index_cast %add3A_595 : i32 to index
          %get3A_599 = arith.constant 0 : index
          %get3A_600 = tpu.vector_load %arg18[%get3A_598, %get3A_599] {strides = array<i32>} : memref<128x128xf32, #tpu.memory_space<vmem>>, vector<16xf32>,
          %get3A_601 = arith.index_cast %add3A_595 : i32 to index
          %get3A_602 = arith.constant 0 : index
          %get3A_603 = tpu.vector_load %arg20[%get3A_601, %get3A_602] {strides = array<i32>} : memref<128x128xf32, #tpu.memory_space<vmem>>, vector<16xf32>,
          %sub3A_604 = arith.subf %get3A_600, %get3A_603 : vector<16xf32>
          %mul3A_605 = arith.mulf %sub3A_604, %sub3A_604 : vector<16xf32>
          %add3A_606 = arith.addf %broadcast_in_dim3A_597, %mul3A_605 : vector<16xf32>
          %get3A_607 = arith.index_cast %add3A_595 : i32 to index
          %get3A_608 = arith.constant 16 : index
          %get3A_609 = tpu.vector_load %arg18[%get3A_607, %get3A_608] {strides = array<i32>} : memref<128x128xf32, #tpu.memory_space<vmem>>, vector<16xf32>,
          %get3A_610 = arith.index_cast %add3A_595 : i32 to index
          %get3A_611 = arith.constant 16 : index
          %get3A_612 = tpu.vector_load %arg20[%get3A_610, %get3A_611] {strides = array<i32>} : memref<128x128xf32, #tpu.memory_space<vmem>>, vector<16xf32>,
          %sub3A_613 = arith.subf %get3A_609, %get3A_612 : vector<16xf32>
          %mul3A_614 = arith.mulf %sub3A_613, %sub3A_613 : vector<16xf32>
          %add3A_615 = arith.addf %add3A_606, %mul3A_614 : vector<16xf32>
          %get3A_616 = arith.index_cast %add3A_595 : i32 to index
          %get3A_617 = arith.constant 32 : index
          %get3A_618 = tpu.vector_load %arg18[%get3A_616, %get3A_617] {strides = array<i32>} : memref<128x128xf32, #tpu.memory_space<vmem>>, vector<16xf32>,
          %get3A_619 = arith.index_cast %add3A_595 : i32 to index
          %get3A_620 = arith.constant 32 : index
          %get3A_621 = tpu.vector_load %arg20[%get3A_619, %get3A_620] {strides = array<i32>} : memref<128x128xf32, #tpu.memory_space<vmem>>, vector<16xf32>,
          %sub3A_622 = arith.subf %get3A_618, %get3A_621 : vector<16xf32>
          %mul3A_623 = arith.mulf %sub3A_622, %sub3A_622 : vector<16xf32>
          %add3A_624 = arith.addf %add3A_615, %mul3A_623 : vector<16xf32>
          %get3A_625 = arith.index_cast %add3A_595 : i32 to index
          %get3A_626 = arith.constant 48 : index
          %get3A_627 = tpu.vector_load %arg18[%get3A_625, %get3A_626] {strides = array<i32>} : memref<128x128xf32, #tpu.memory_space<vmem>>, vector<16xf32>,
          %get3A_628 = arith.index_cast %add3A_595 : i32 to index
          %get3A_629 = arith.constant 48 : index
          %get3A_630 = tpu.vector_load %arg20[%get3A_628, %get3A_629] {strides = array<i32>} : memref<128x128xf32, #tpu.memory_space<vmem>>, vector<16xf32>,
          %sub3A_631 = arith.subf %get3A_627, %get3A_630 : vector<16xf32>
          %mul3A_632 = arith.mulf %sub3A_631, %sub3A_631 : vector<16xf32>
          %add3A_633 = arith.addf %add3A_624, %mul3A_632 : vector<16xf32>
          %get3A_634 = arith.index_cast %add3A_595 : i32 to index
          %get3A_635 = arith.constant 64 : index
          %get3A_636 = tpu.vector_load %arg18[%get3A_634, %get3A_635] {strides = array<i32>} : memref<128x128xf32, #tpu.memory_space<vmem>>, vector<16xf32>,
          %get3A_637 = arith.index_cast %add3A_595 : i32 to index
          %get3A_638 = arith.constant 64 : index
          %get3A_639 = tpu.vector_load %arg20[%get3A_637, %get3A_638] {strides = array<i32>} : memref<128x128xf32, #tpu.memory_space<vmem>>, vector<16xf32>,
          %sub3A_640 = arith.subf %get3A_636, %get3A_639 : vector<16xf32>
          %mul3A_641 = arith.mulf %sub3A_640, %sub3A_640 : vector<16xf32>
          %add3A_642 = arith.addf %add3A_633, %mul3A_641 : vector<16xf32>
          %get3A_643 = arith.index_cast %add3A_595 : i32 to index
          %get3A_644 = arith.constant 80 : index
          %get3A_645 = tpu.vector_load %arg18[%get3A_643, %get3A_644] {strides = array<i32>} : memref<128x128xf32, #tpu.memory_space<vmem>>, vector<16xf32>,
          %get3A_646 = arith.index_cast %add3A_595 : i32 to index
          %get3A_647 = arith.constant 80 : index
          %get3A_648 = tpu.vector_load %arg20[%get3A_646, %get3A_647] {strides = array<i32>} : memref<128x128xf32, #tpu.memory_space<vmem>>, vector<16xf32>,
          %sub3A_649 = arith.subf %get3A_645, %get3A_648 : vector<16xf32>
          %mul3A_650 = arith.mulf %sub3A_649, %sub3A_649 : vector<16xf32>
          %add3A_651 = arith.addf %add3A_642, %mul3A_650 : vector<16xf32>
          %get3A_652 = arith.index_cast %add3A_595 : i32 to index
          %get3A_653 = arith.constant 96 : index
          %get3A_654 = tpu.vector_load %arg18[%get3A_652, %get3A_653] {strides = array<i32>} : memref<128x128xf32, #tpu.memory_space<vmem>>, vector<16xf32>,
          %get3A_655 = arith.index_cast %add3A_595 : i32 to index
          %get3A_656 = arith.constant 96 : index
          %get3A_657 = tpu.vector_load %arg20[%get3A_655, %get3A_656] {strides = array<i32>} : memref<128x128xf32, #tpu.memory_space<vmem>>, vector<16xf32>,
          %sub3A_658 = arith.subf %get3A_654, %get3A_657 : vector<16xf32>
          %mul3A_659 = arith.mulf %sub3A_658, %sub3A_658 : vector<16xf32>
          %add3A_660 = arith.addf %add3A_651, %mul3A_659 : vector<16xf32>
          %get3A_661 = arith.index_cast %add3A_595 : i32 to index
          %get3A_662 = arith.constant 112 : index
          %get3A_663 = tpu.vector_load %arg18[%get3A_661, %get3A_662] {strides = array<i32>} : memref<128x128xf32, #tpu.memory_space<vmem>>, vector<16xf32>,
          %get3A_664 = arith.index_cast %add3A_595 : i32 to index
          %get3A_665 = arith.constant 112 : index
          %get3A_666 = tpu.vector_load %arg20[%get3A_664, %get3A_665] {strides = array<i32>} : memref<128x128xf32, #tpu.memory_space<vmem>>, vector<16xf32>,
          %sub3A_667 = arith.subf %get3A_663, %get3A_666 : vector<16xf32>
          %mul3A_668 = arith.mulf %sub3A_667, %sub3A_667 : vector<16xf32>
          %add3A_669 = arith.addf %add3A_660, %mul3A_668 : vector<16xf32>
          %eq3A_670 = vector.broadcast %add3A_592 : i32 to vector<16xi32>
          %eq3A_671 = arith.cmpi eq, %iota3A, %eq3A_670 : vector<16xi32>
          %reduce_sum3A_672 = arith.constant true
          %reduce_sum3A_673 = vector.broadcast %reduce_sum3A_672 : i1 to vector<16xi1>
          %reduce_sum3A_674 = tpu.scan <sum>, %add3A_669 masked %reduce_sum3A_673 : vector<16xf32>, vector<16xi1> -> vector<16xf32>
          %reduce_sum3A_675 = vector.extract %reduce_sum3A_674[15] : f32 from vector<16xf32>
          %jit3A_676 = arith.constant 0.000000e+00 : f32
          %broadcast_in_dim3A_677 = vector.broadcast %reduce_sum3A_675 : f32 to vector<16xf32>
          %broadcast_in_dim3A_678 = vector.broadcast %jit3A_676 : f32 to vector<16xf32>
          %select_n3A_679 = arith.select %eq3A_671, %broadcast_in_dim3A_677, %broadcast_in_dim3A_678 : vector<16xi1>, vector<16xf32>
          %add3A_680 = arith.addf %add3A_588, %select_n3A_679 : vector<16xf32>
          %mul3A_681 = arith.constant 8 : i32
          %mul3A_682 = arith.muli %scan3A_224, %mul3A_681 : i32
          %add3A_683 = arith.constant 5 : i32
          %add3A_684 = arith.addi %mul3A_682, %add3A_683 : i32
          %mul3A_685 = arith.constant 16 : i32
          %mul3A_686 = arith.muli %scan3A_199, %mul3A_685 : i32
          %add3A_687 = arith.addi %mul3A_686, %add3A_684 : i32
          %broadcast_in_dim3A_688 = arith.constant 0.000000e+00 : f32
          %broadcast_in_dim3A_689 = vector.broadcast %broadcast_in_dim3A_688 : f32 to vector<16xf32>
          %get3A_690 = arith.index_cast %add3A_687 : i32 to index
          %get3A_691 = arith.constant 0 : index
          %get3A_692 = tpu.vector_load %arg18[%get3A_690, %get3A_691] {strides = array<i32>} : memref<128x128xf32, #tpu.memory_space<vmem>>, vector<16xf32>,
          %get3A_693 = arith.index_cast %add3A_687 : i32 to index
          %get3A_694 = arith.constant 0 : index
          %get3A_695 = tpu.vector_load %arg20[%get3A_693, %get3A_694] {strides = array<i32>} : memref<128x128xf32, #tpu.memory_space<vmem>>, vector<16xf32>,
          %sub3A_696 = arith.subf %get3A_692, %get3A_695 : vector<16xf32>
          %mul3A_697 = arith.mulf %sub3A_696, %sub3A_696 : vector<16xf32>
          %add3A_698 = arith.addf %broadcast_in_dim3A_689, %mul3A_697 : vector<16xf32>
          %get3A_699 = arith.index_cast %add3A_687 : i32 to index
          %get3A_700 = arith.constant 16 : index
          %get3A_701 = tpu.vector_load %arg18[%get3A_699, %get3A_700] {strides = array<i32>} : memref<128x128xf32, #tpu.memory_space<vmem>>, vector<16xf32>,
          %get3A_702 = arith.index_cast %add3A_687 : i32 to index
          %get3A_703 = arith.constant 16 : index
          %get3A_704 = tpu.vector_load %arg20[%get3A_702, %get3A_703] {strides = array<i32>} : memref<128x128xf32, #tpu.memory_space<vmem>>, vector<16xf32>,
          %sub3A_705 = arith.subf %get3A_701, %get3A_704 : vector<16xf32>
          %mul3A_706 = arith.mulf %sub3A_705, %sub3A_705 : vector<16xf32>
          %add3A_707 = arith.addf %add3A_698, %mul3A_706 : vector<16xf32>
          %get3A_708 = arith.index_cast %add3A_687 : i32 to index
          %get3A_709 = arith.constant 32 : index
          %get3A_710 = tpu.vector_load %arg18[%get3A_708, %get3A_709] {strides = array<i32>} : memref<128x128xf32, #tpu.memory_space<vmem>>, vector<16xf32>,
          %get3A_711 = arith.index_cast %add3A_687 : i32 to index
          %get3A_712 = arith.constant 32 : index
          %get3A_713 = tpu.vector_load %arg20[%get3A_711, %get3A_712] {strides = array<i32>} : memref<128x128xf32, #tpu.memory_space<vmem>>, vector<16xf32>,
          %sub3A_714 = arith.subf %get3A_710, %get3A_713 : vector<16xf32>
          %mul3A_715 = arith.mulf %sub3A_714, %sub3A_714 : vector<16xf32>
          %add3A_716 = arith.addf %add3A_707, %mul3A_715 : vector<16xf32>
          %get3A_717 = arith.index_cast %add3A_687 : i32 to index
          %get3A_718 = arith.constant 48 : index
          %get3A_719 = tpu.vector_load %arg18[%get3A_717, %get3A_718] {strides = array<i32>} : memref<128x128xf32, #tpu.memory_space<vmem>>, vector<16xf32>,
          %get3A_720 = arith.index_cast %add3A_687 : i32 to index
          %get3A_721 = arith.constant 48 : index
          %get3A_722 = tpu.vector_load %arg20[%get3A_720, %get3A_721] {strides = array<i32>} : memref<128x128xf32, #tpu.memory_space<vmem>>, vector<16xf32>,
          %sub3A_723 = arith.subf %get3A_719, %get3A_722 : vector<16xf32>
          %mul3A_724 = arith.mulf %sub3A_723, %sub3A_723 : vector<16xf32>
          %add3A_725 = arith.addf %add3A_716, %mul3A_724 : vector<16xf32>
          %get3A_726 = arith.index_cast %add3A_687 : i32 to index
          %get3A_727 = arith.constant 64 : index
          %get3A_728 = tpu.vector_load %arg18[%get3A_726, %get3A_727] {strides = array<i32>} : memref<128x128xf32, #tpu.memory_space<vmem>>, vector<16xf32>,
          %get3A_729 = arith.index_cast %add3A_687 : i32 to index
          %get3A_730 = arith.constant 64 : index
          %get3A_731 = tpu.vector_load %arg20[%get3A_729, %get3A_730] {strides = array<i32>} : memref<128x128xf32, #tpu.memory_space<vmem>>, vector<16xf32>,
          %sub3A_732 = arith.subf %get3A_728, %get3A_731 : vector<16xf32>
          %mul3A_733 = arith.mulf %sub3A_732, %sub3A_732 : vector<16xf32>
          %add3A_734 = arith.addf %add3A_725, %mul3A_733 : vector<16xf32>
          %get3A_735 = arith.index_cast %add3A_687 : i32 to index
          %get3A_736 = arith.constant 80 : index
          %get3A_737 = tpu.vector_load %arg18[%get3A_735, %get3A_736] {strides = array<i32>} : memref<128x128xf32, #tpu.memory_space<vmem>>, vector<16xf32>,
          %get3A_738 = arith.index_cast %add3A_687 : i32 to index
          %get3A_739 = arith.constant 80 : index
          %get3A_740 = tpu.vector_load %arg20[%get3A_738, %get3A_739] {strides = array<i32>} : memref<128x128xf32, #tpu.memory_space<vmem>>, vector<16xf32>,
          %sub3A_741 = arith.subf %get3A_737, %get3A_740 : vector<16xf32>
          %mul3A_742 = arith.mulf %sub3A_741, %sub3A_741 : vector<16xf32>
          %add3A_743 = arith.addf %add3A_734, %mul3A_742 : vector<16xf32>
          %get3A_744 = arith.index_cast %add3A_687 : i32 to index
          %get3A_745 = arith.constant 96 : index
          %get3A_746 = tpu.vector_load %arg18[%get3A_744, %get3A_745] {strides = array<i32>} : memref<128x128xf32, #tpu.memory_space<vmem>>, vector<16xf32>,
          %get3A_747 = arith.index_cast %add3A_687 : i32 to index
          %get3A_748 = arith.constant 96 : index
          %get3A_749 = tpu.vector_load %arg20[%get3A_747, %get3A_748] {strides = array<i32>} : memref<128x128xf32, #tpu.memory_space<vmem>>, vector<16xf32>,
          %sub3A_750 = arith.subf %get3A_746, %get3A_749 : vector<16xf32>
          %mul3A_751 = arith.mulf %sub3A_750, %sub3A_750 : vector<16xf32>
          %add3A_752 = arith.addf %add3A_743, %mul3A_751 : vector<16xf32>
          %get3A_753 = arith.index_cast %add3A_687 : i32 to index
          %get3A_754 = arith.constant 112 : index
          %get3A_755 = tpu.vector_load %arg18[%get3A_753, %get3A_754] {strides = array<i32>} : memref<128x128xf32, #tpu.memory_space<vmem>>, vector<16xf32>,
          %get3A_756 = arith.index_cast %add3A_687 : i32 to index
          %get3A_757 = arith.constant 112 : index
          %get3A_758 = tpu.vector_load %arg20[%get3A_756, %get3A_757] {strides = array<i32>} : memref<128x128xf32, #tpu.memory_space<vmem>>, vector<16xf32>,
          %sub3A_759 = arith.subf %get3A_755, %get3A_758 : vector<16xf32>
          %mul3A_760 = arith.mulf %sub3A_759, %sub3A_759 : vector<16xf32>
          %add3A_761 = arith.addf %add3A_752, %mul3A_760 : vector<16xf32>
          %eq3A_762 = vector.broadcast %add3A_684 : i32 to vector<16xi32>
          %eq3A_763 = arith.cmpi eq, %iota3A, %eq3A_762 : vector<16xi32>
          %reduce_sum3A_764 = arith.constant true
          %reduce_sum3A_765 = vector.broadcast %reduce_sum3A_764 : i1 to vector<16xi1>
          %reduce_sum3A_766 = tpu.scan <sum>, %add3A_761 masked %reduce_sum3A_765 : vector<16xf32>, vector<16xi1> -> vector<16xf32>
          %reduce_sum3A_767 = vector.extract %reduce_sum3A_766[15] : f32 from vector<16xf32>
          %jit3A_768 = arith.constant 0.000000e+00 : f32
          %broadcast_in_dim3A_769 = vector.broadcast %reduce_sum3A_767 : f32 to vector<16xf32>
          %broadcast_in_dim3A_770 = vector.broadcast %jit3A_768 : f32 to vector<16xf32>
          %select_n3A_771 = arith.select %eq3A_763, %broadcast_in_dim3A_769, %broadcast_in_dim3A_770 : vector<16xi1>, vector<16xf32>
          %add3A_772 = arith.addf %add3A_680, %select_n3A_771 : vector<16xf32>
          %mul3A_773 = arith.constant 8 : i32
          %mul3A_774 = arith.muli %scan3A_224, %mul3A_773 : i32
          %add3A_775 = arith.constant 6 : i32
          %add3A_776 = arith.addi %mul3A_774, %add3A_775 : i32
          %mul3A_777 = arith.constant 16 : i32
          %mul3A_778 = arith.muli %scan3A_199, %mul3A_777 : i32
          %add3A_779 = arith.addi %mul3A_778, %add3A_776 : i32
          %broadcast_in_dim3A_780 = arith.constant 0.000000e+00 : f32
          %broadcast_in_dim3A_781 = vector.broadcast %broadcast_in_dim3A_780 : f32 to vector<16xf32>
          %get3A_782 = arith.index_cast %add3A_779 : i32 to index
          %get3A_783 = arith.constant 0 : index
          %get3A_784 = tpu.vector_load %arg18[%get3A_782, %get3A_783] {strides = array<i32>} : memref<128x128xf32, #tpu.memory_space<vmem>>, vector<16xf32>,
          %get3A_785 = arith.index_cast %add3A_779 : i32 to index
          %get3A_786 = arith.constant 0 : index
          %get3A_787 = tpu.vector_load %arg20[%get3A_785, %get3A_786] {strides = array<i32>} : memref<128x128xf32, #tpu.memory_space<vmem>>, vector<16xf32>,
          %sub3A_788 = arith.subf %get3A_784, %get3A_787 : vector<16xf32>
          %mul3A_789 = arith.mulf %sub3A_788, %sub3A_788 : vector<16xf32>
          %add3A_790 = arith.addf %broadcast_in_dim3A_781, %mul3A_789 : vector<16xf32>
          %get3A_791 = arith.index_cast %add3A_779 : i32 to index
          %get3A_792 = arith.constant 16 : index
          %get3A_793 = tpu.vector_load %arg18[%get3A_791, %get3A_792] {strides = array<i32>} : memref<128x128xf32, #tpu.memory_space<vmem>>, vector<16xf32>,
          %get3A_794 = arith.index_cast %add3A_779 : i32 to index
          %get3A_795 = arith.constant 16 : index
          %get3A_796 = tpu.vector_load %arg20[%get3A_794, %get3A_795] {strides = array<i32>} : memref<128x128xf32, #tpu.memory_space<vmem>>, vector<16xf32>,
          %sub3A_797 = arith.subf %get3A_793, %get3A_796 : vector<16xf32>
          %mul3A_798 = arith.mulf %sub3A_797, %sub3A_797 : vector<16xf32>
          %add3A_799 = arith.addf %add3A_790, %mul3A_798 : vector<16xf32>
          %get3A_800 = arith.index_cast %add3A_779 : i32 to index
          %get3A_801 = arith.constant 32 : index
          %get3A_802 = tpu.vector_load %arg18[%get3A_800, %get3A_801] {strides = array<i32>} : memref<128x128xf32, #tpu.memory_space<vmem>>, vector<16xf32>,
          %get3A_803 = arith.index_cast %add3A_779 : i32 to index
          %get3A_804 = arith.constant 32 : index
          %get3A_805 = tpu.vector_load %arg20[%get3A_803, %get3A_804] {strides = array<i32>} : memref<128x128xf32, #tpu.memory_space<vmem>>, vector<16xf32>,
          %sub3A_806 = arith.subf %get3A_802, %get3A_805 : vector<16xf32>
          %mul3A_807 = arith.mulf %sub3A_806, %sub3A_806 : vector<16xf32>
          %add3A_808 = arith.addf %add3A_799, %mul3A_807 : vector<16xf32>
          %get3A_809 = arith.index_cast %add3A_779 : i32 to index
          %get3A_810 = arith.constant 48 : index
          %get3A_811 = tpu.vector_load %arg18[%get3A_809, %get3A_810] {strides = array<i32>} : memref<128x128xf32, #tpu.memory_space<vmem>>, vector<16xf32>,
          %get3A_812 = arith.index_cast %add3A_779 : i32 to index
          %get3A_813 = arith.constant 48 : index
          %get3A_814 = tpu.vector_load %arg20[%get3A_812, %get3A_813] {strides = array<i32>} : memref<128x128xf32, #tpu.memory_space<vmem>>, vector<16xf32>,
          %sub3A_815 = arith.subf %get3A_811, %get3A_814 : vector<16xf32>
          %mul3A_816 = arith.mulf %sub3A_815, %sub3A_815 : vector<16xf32>
          %add3A_817 = arith.addf %add3A_808, %mul3A_816 : vector<16xf32>
          %get3A_818 = arith.index_cast %add3A_779 : i32 to index
          %get3A_819 = arith.constant 64 : index
          %get3A_820 = tpu.vector_load %arg18[%get3A_818, %get3A_819] {strides = array<i32>} : memref<128x128xf32, #tpu.memory_space<vmem>>, vector<16xf32>,
          %get3A_821 = arith.index_cast %add3A_779 : i32 to index
          %get3A_822 = arith.constant 64 : index
          %get3A_823 = tpu.vector_load %arg20[%get3A_821, %get3A_822] {strides = array<i32>} : memref<128x128xf32, #tpu.memory_space<vmem>>, vector<16xf32>,
          %sub3A_824 = arith.subf %get3A_820, %get3A_823 : vector<16xf32>
          %mul3A_825 = arith.mulf %sub3A_824, %sub3A_824 : vector<16xf32>
          %add3A_826 = arith.addf %add3A_817, %mul3A_825 : vector<16xf32>
          %get3A_827 = arith.index_cast %add3A_779 : i32 to index
          %get3A_828 = arith.constant 80 : index
          %get3A_829 = tpu.vector_load %arg18[%get3A_827, %get3A_828] {strides = array<i32>} : memref<128x128xf32, #tpu.memory_space<vmem>>, vector<16xf32>,
          %get3A_830 = arith.index_cast %add3A_779 : i32 to index
          %get3A_831 = arith.constant 80 : index
          %get3A_832 = tpu.vector_load %arg20[%get3A_830, %get3A_831] {strides = array<i32>} : memref<128x128xf32, #tpu.memory_space<vmem>>, vector<16xf32>,
          %sub3A_833 = arith.subf %get3A_829, %get3A_832 : vector<16xf32>
          %mul3A_834 = arith.mulf %sub3A_833, %sub3A_833 : vector<16xf32>
          %add3A_835 = arith.addf %add3A_826, %mul3A_834 : vector<16xf32>
          %get3A_836 = arith.index_cast %add3A_779 : i32 to index
          %get3A_837 = arith.constant 96 : index
          %get3A_838 = tpu.vector_load %arg18[%get3A_836, %get3A_837] {strides = array<i32>} : memref<128x128xf32, #tpu.memory_space<vmem>>, vector<16xf32>,
          %get3A_839 = arith.index_cast %add3A_779 : i32 to index
          %get3A_840 = arith.constant 96 : index
          %get3A_841 = tpu.vector_load %arg20[%get3A_839, %get3A_840] {strides = array<i32>} : memref<128x128xf32, #tpu.memory_space<vmem>>, vector<16xf32>,
          %sub3A_842 = arith.subf %get3A_838, %get3A_841 : vector<16xf32>
          %mul3A_843 = arith.mulf %sub3A_842, %sub3A_842 : vector<16xf32>
          %add3A_844 = arith.addf %add3A_835, %mul3A_843 : vector<16xf32>
          %get3A_845 = arith.index_cast %add3A_779 : i32 to index
          %get3A_846 = arith.constant 112 : index
          %get3A_847 = tpu.vector_load %arg18[%get3A_845, %get3A_846] {strides = array<i32>} : memref<128x128xf32, #tpu.memory_space<vmem>>, vector<16xf32>,
          %get3A_848 = arith.index_cast %add3A_779 : i32 to index
          %get3A_849 = arith.constant 112 : index
          %get3A_850 = tpu.vector_load %arg20[%get3A_848, %get3A_849] {strides = array<i32>} : memref<128x128xf32, #tpu.memory_space<vmem>>, vector<16xf32>,
          %sub3A_851 = arith.subf %get3A_847, %get3A_850 : vector<16xf32>
          %mul3A_852 = arith.mulf %sub3A_851, %sub3A_851 : vector<16xf32>
          %add3A_853 = arith.addf %add3A_844, %mul3A_852 : vector<16xf32>
          %eq3A_854 = vector.broadcast %add3A_776 : i32 to vector<16xi32>
          %eq3A_855 = arith.cmpi eq, %iota3A, %eq3A_854 : vector<16xi32>
          %reduce_sum3A_856 = arith.constant true
          %reduce_sum3A_857 = vector.broadcast %reduce_sum3A_856 : i1 to vector<16xi1>
          %reduce_sum3A_858 = tpu.scan <sum>, %add3A_853 masked %reduce_sum3A_857 : vector<16xf32>, vector<16xi1> -> vector<16xf32>
          %reduce_sum3A_859 = vector.extract %reduce_sum3A_858[15] : f32 from vector<16xf32>
          %jit3A_860 = arith.constant 0.000000e+00 : f32
          %broadcast_in_dim3A_861 = vector.broadcast %reduce_sum3A_859 : f32 to vector<16xf32>
          %broadcast_in_dim3A_862 = vector.broadcast %jit3A_860 : f32 to vector<16xf32>
          %select_n3A_863 = arith.select %eq3A_855, %broadcast_in_dim3A_861, %broadcast_in_dim3A_862 : vector<16xi1>, vector<16xf32>
          %add3A_864 = arith.addf %add3A_772, %select_n3A_863 : vector<16xf32>
          %mul3A_865 = arith.constant 8 : i32
          %mul3A_866 = arith.muli %scan3A_224, %mul3A_865 : i32
          %add3A_867 = arith.constant 7 : i32
          %add3A_868 = arith.addi %mul3A_866, %add3A_867 : i32
          %mul3A_869 = arith.constant 16 : i32
          %mul3A_870 = arith.muli %scan3A_199, %mul3A_869 : i32
          %add3A_871 = arith.addi %mul3A_870, %add3A_868 : i32
          %broadcast_in_dim3A_872 = arith.constant 0.000000e+00 : f32
          %broadcast_in_dim3A_873 = vector.broadcast %broadcast_in_dim3A_872 : f32 to vector<16xf32>
          %get3A_874 = arith.index_cast %add3A_871 : i32 to index
          %get3A_875 = arith.constant 0 : index
          %get3A_876 = tpu.vector_load %arg18[%get3A_874, %get3A_875] {strides = array<i32>} : memref<128x128xf32, #tpu.memory_space<vmem>>, vector<16xf32>,
          %get3A_877 = arith.index_cast %add3A_871 : i32 to index
          %get3A_878 = arith.constant 0 : index
          %get3A_879 = tpu.vector_load %arg20[%get3A_877, %get3A_878] {strides = array<i32>} : memref<128x128xf32, #tpu.memory_space<vmem>>, vector<16xf32>,
          %sub3A_880 = arith.subf %get3A_876, %get3A_879 : vector<16xf32>
          %mul3A_881 = arith.mulf %sub3A_880, %sub3A_880 : vector<16xf32>
          %add3A_882 = arith.addf %broadcast_in_dim3A_873, %mul3A_881 : vector<16xf32>
          %get3A_883 = arith.index_cast %add3A_871 : i32 to index
          %get3A_884 = arith.constant 16 : index
          %get3A_885 = tpu.vector_load %arg18[%get3A_883, %get3A_884] {strides = array<i32>} : memref<128x128xf32, #tpu.memory_space<vmem>>, vector<16xf32>,
          %get3A_886 = arith.index_cast %add3A_871 : i32 to index
          %get3A_887 = arith.constant 16 : index
          %get3A_888 = tpu.vector_load %arg20[%get3A_886, %get3A_887] {strides = array<i32>} : memref<128x128xf32, #tpu.memory_space<vmem>>, vector<16xf32>,
          %sub3A_889 = arith.subf %get3A_885, %get3A_888 : vector<16xf32>
          %mul3A_890 = arith.mulf %sub3A_889, %sub3A_889 : vector<16xf32>
          %add3A_891 = arith.addf %add3A_882, %mul3A_890 : vector<16xf32>
          %get3A_892 = arith.index_cast %add3A_871 : i32 to index
          %get3A_893 = arith.constant 32 : index
          %get3A_894 = tpu.vector_load %arg18[%get3A_892, %get3A_893] {strides = array<i32>} : memref<128x128xf32, #tpu.memory_space<vmem>>, vector<16xf32>,
          %get3A_895 = arith.index_cast %add3A_871 : i32 to index
          %get3A_896 = arith.constant 32 : index
          %get3A_897 = tpu.vector_load %arg20[%get3A_895, %get3A_896] {strides = array<i32>} : memref<128x128xf32, #tpu.memory_space<vmem>>, vector<16xf32>,
          %sub3A_898 = arith.subf %get3A_894, %get3A_897 : vector<16xf32>
          %mul3A_899 = arith.mulf %sub3A_898, %sub3A_898 : vector<16xf32>
          %add3A_900 = arith.addf %add3A_891, %mul3A_899 : vector<16xf32>
          %get3A_901 = arith.index_cast %add3A_871 : i32 to index
          %get3A_902 = arith.constant 48 : index
          %get3A_903 = tpu.vector_load %arg18[%get3A_901, %get3A_902] {strides = array<i32>} : memref<128x128xf32, #tpu.memory_space<vmem>>, vector<16xf32>,
          %get3A_904 = arith.index_cast %add3A_871 : i32 to index
          %get3A_905 = arith.constant 48 : index
          %get3A_906 = tpu.vector_load %arg20[%get3A_904, %get3A_905] {strides = array<i32>} : memref<128x128xf32, #tpu.memory_space<vmem>>, vector<16xf32>,
          %sub3A_907 = arith.subf %get3A_903, %get3A_906 : vector<16xf32>
          %mul3A_908 = arith.mulf %sub3A_907, %sub3A_907 : vector<16xf32>
          %add3A_909 = arith.addf %add3A_900, %mul3A_908 : vector<16xf32>
          %get3A_910 = arith.index_cast %add3A_871 : i32 to index
          %get3A_911 = arith.constant 64 : index
          %get3A_912 = tpu.vector_load %arg18[%get3A_910, %get3A_911] {strides = array<i32>} : memref<128x128xf32, #tpu.memory_space<vmem>>, vector<16xf32>,
          %get3A_913 = arith.index_cast %add3A_871 : i32 to index
          %get3A_914 = arith.constant 64 : index
          %get3A_915 = tpu.vector_load %arg20[%get3A_913, %get3A_914] {strides = array<i32>} : memref<128x128xf32, #tpu.memory_space<vmem>>, vector<16xf32>,
          %sub3A_916 = arith.subf %get3A_912, %get3A_915 : vector<16xf32>
          %mul3A_917 = arith.mulf %sub3A_916, %sub3A_916 : vector<16xf32>
          %add3A_918 = arith.addf %add3A_909, %mul3A_917 : vector<16xf32>
          %get3A_919 = arith.index_cast %add3A_871 : i32 to index
          %get3A_920 = arith.constant 80 : index
          %get3A_921 = tpu.vector_load %arg18[%get3A_919, %get3A_920] {strides = array<i32>} : memref<128x128xf32, #tpu.memory_space<vmem>>, vector<16xf32>,
          %get3A_922 = arith.index_cast %add3A_871 : i32 to index
          %get3A_923 = arith.constant 80 : index
          %get3A_924 = tpu.vector_load %arg20[%get3A_922, %get3A_923] {strides = array<i32>} : memref<128x128xf32, #tpu.memory_space<vmem>>, vector<16xf32>,
          %sub3A_925 = arith.subf %get3A_921, %get3A_924 : vector<16xf32>
          %mul3A_926 = arith.mulf %sub3A_925, %sub3A_925 : vector<16xf32>
          %add3A_927 = arith.addf %add3A_918, %mul3A_926 : vector<16xf32>
          %get3A_928 = arith.index_cast %add3A_871 : i32 to index
          %get3A_929 = arith.constant 96 : index
          %get3A_930 = tpu.vector_load %arg18[%get3A_928, %get3A_929] {strides = array<i32>} : memref<128x128xf32, #tpu.memory_space<vmem>>, vector<16xf32>,
          %get3A_931 = arith.index_cast %add3A_871 : i32 to index
          %get3A_932 = arith.constant 96 : index
          %get3A_933 = tpu.vector_load %arg20[%get3A_931, %get3A_932] {strides = array<i32>} : memref<128x128xf32, #tpu.memory_space<vmem>>, vector<16xf32>,
          %sub3A_934 = arith.subf %get3A_930, %get3A_933 : vector<16xf32>
          %mul3A_935 = arith.mulf %sub3A_934, %sub3A_934 : vector<16xf32>
          %add3A_936 = arith.addf %add3A_927, %mul3A_935 : vector<16xf32>
          %get3A_937 = arith.index_cast %add3A_871 : i32 to index
          %get3A_938 = arith.constant 112 : index
          %get3A_939 = tpu.vector_load %arg18[%get3A_937, %get3A_938] {strides = array<i32>} : memref<128x128xf32, #tpu.memory_space<vmem>>, vector<16xf32>,
          %get3A_940 = arith.index_cast %add3A_871 : i32 to index
          %get3A_941 = arith.constant 112 : index
          %get3A_942 = tpu.vector_load %arg20[%get3A_940, %get3A_941] {strides = array<i32>} : memref<128x128xf32, #tpu.memory_space<vmem>>, vector<16xf32>,
          %sub3A_943 = arith.subf %get3A_939, %get3A_942 : vector<16xf32>
          %mul3A_944 = arith.mulf %sub3A_943, %sub3A_943 : vector<16xf32>
          %add3A_945 = arith.addf %add3A_936, %mul3A_944 : vector<16xf32>
          %eq3A_946 = vector.broadcast %add3A_868 : i32 to vector<16xi32>
          %eq3A_947 = arith.cmpi eq, %iota3A, %eq3A_946 : vector<16xi32>
          %reduce_sum3A_948 = arith.constant true
          %reduce_sum3A_949 = vector.broadcast %reduce_sum3A_948 : i1 to vector<16xi1>
          %reduce_sum3A_950 = tpu.scan <sum>, %add3A_945 masked %reduce_sum3A_949 : vector<16xf32>, vector<16xi1> -> vector<16xf32>
          %reduce_sum3A_951 = vector.extract %reduce_sum3A_950[15] : f32 from vector<16xf32>
          %jit3A_952 = arith.constant 0.000000e+00 : f32
          %broadcast_in_dim3A_953 = vector.broadcast %reduce_sum3A_951 : f32 to vector<16xf32>
          %broadcast_in_dim3A_954 = vector.broadcast %jit3A_952 : f32 to vector<16xf32>
          %select_n3A_955 = arith.select %eq3A_947, %broadcast_in_dim3A_953, %broadcast_in_dim3A_954 : vector<16xi1>, vector<16xf32>
          %add3A_956 = arith.addf %add3A_864, %select_n3A_955 : vector<16xf32>
          scf.yield %add3A_956 : vector<16xf32>
        }
        %scan3A_207 = arith.constant 2 : i32
        %mul3A_208 = arith.constant 128 : i32
        %mul3A_209 = arith.muli %mul3A_159, %mul3A_208 : i32
        %mul3A_210 = arith.constant 16 : i32
        %mul3A_211 = arith.muli %scan3A_199, %mul3A_210 : i32
        %add3A_212 = arith.addi %mul3A_209, %mul3A_211 : i32
        %get3A_213 = arith.index_cast %add3A_212 : i32 to index
        %get3A_214 = tpu.vector_load %arg23[%get3A_213] {strides = array<i32>} : memref<4096xf32, #tpu.memory_space<vmem>>, vector<16xf32>,
        %get3A_215 = arith.constant 0 : index
        %get3A_216 = tpu.vector_load %arg27[%get3A_215] {strides = array<i32>} : memref<16xf32, #tpu.memory_space<vmem>>, vector<16xf32>,
        %mul3A_217 = arith.mulf %get3A_25, %get3A_23 : vector<16xf32>
        %mul3A_218 = arith.mulf %mul3A_217, %get3A_214 : vector<16xf32>
        %mul3A_219 = arith.mulf %mul3A_218, %scan3A_206 : vector<16xf32>
        %add3A_220 = arith.addf %get3A_23, %scan3A_206 : vector<16xf32>
        %div3A = arith.divf %mul3A_219, %add3A_220 : vector<16xf32>
        %add3A_221 = arith.addf %get3A_216, %div3A : vector<16xf32>
        %swap3A_222 = arith.constant 0 : index
        %swap3A_223 = tpu.vector_load %arg27[%swap3A_222] {strides = array<i32>} : memref<16xf32, #tpu.memory_space<vmem>>, vector<16xf32>,
        tpu.vector_store %arg27[%swap3A_222], %add3A_221 {strides = array<i32>} : memref<16xf32, #tpu.memory_space<vmem>>, vector<16xf32>,
      }
      %scan3A_174 = arith.constant 8 : i32
      %lt3A = arith.constant 15 : i32
      %lt3A_175 = arith.cmpi slt, %scan3A_157, %lt3A : i32
      %convert_element_type3A = arith.extui %lt3A_175 : i1 to i32
      %cond3A = arith.constant 0 : i32
      %cond3A_176 = arith.cmpi ne, %convert_element_type3A, %cond3A : i32
      scf.if %cond3A_176 {
        %add3A_199 = arith.constant 2 : i32
        %add3A_200 = arith.addi %mul3A_159, %add3A_199 : i32
        %mul3A_201 = arith.constant 128 : i32
        %mul3A_202 = arith.muli %add3A_200, %mul3A_201 : i32
        %dma_start3A_203 = tpu.memref_slice %arg16[%mul3A_202] : memref<4096xi32, #tpu.memory_space<vmem>> -> memref<128xi32, #tpu.memory_space<vmem>>
        %dma_start3A_204 = arith.constant 0 : i32
        %dma_start3A_205 = arith.constant 0 : i32
        %dma_start3A_206 = tpu.memref_slice %arg2[%dma_start3A_204, %dma_start3A_205] : memref<100000x128xf32, #tpu.memory_space<hbm>> -> memref<100000x128xf32, #tpu.memory_space<hbm>>
        tpu.enqueue_indirect_dma source(%dma_start3A_206 : memref<100000x128xf32, #tpu.memory_space<hbm>>) target(%arg18 : memref<128x128xf32, #tpu.memory_space<vmem>>) offsets(%dma_start3A_203 : memref<128xi32, #tpu.memory_space<vmem>>) semaphore(%arg28 : memref<!tpu.dma_semaphore, #tpu.memory_space<semaphore_mem>>)
        %mul3A_207 = arith.constant 128 : i32
        %mul3A_208 = arith.muli %add3A_200, %mul3A_207 : i32
        %dma_start3A_209 = tpu.memref_slice %arg17[%mul3A_208] : memref<4096xi32, #tpu.memory_space<vmem>> -> memref<128xi32, #tpu.memory_space<vmem>>
        %dma_start3A_210 = arith.constant 0 : i32
        %dma_start3A_211 = arith.constant 0 : i32
        %dma_start3A_212 = tpu.memref_slice %arg2[%dma_start3A_210, %dma_start3A_211] : memref<100000x128xf32, #tpu.memory_space<hbm>> -> memref<100000x128xf32, #tpu.memory_space<hbm>>
        tpu.enqueue_indirect_dma source(%dma_start3A_212 : memref<100000x128xf32, #tpu.memory_space<hbm>>) target(%arg20 : memref<128x128xf32, #tpu.memory_space<vmem>>) offsets(%dma_start3A_209 : memref<128xi32, #tpu.memory_space<vmem>>) semaphore(%arg30 : memref<!tpu.dma_semaphore, #tpu.memory_space<semaphore_mem>>)
      } else {
      }
      %dma_wait3A_177 = arith.constant 0 : i32
      %dma_wait3A_178 = tpu.memref_slice %arg16[%dma_wait3A_177] : memref<4096xi32, #tpu.memory_space<vmem>> -> memref<128xi32, #tpu.memory_space<vmem>>
      %dma_wait3A_179 = arith.constant 0 : i32
      %dma_wait3A_180 = arith.constant 0 : i32
      %dma_wait3A_181 = tpu.memref_slice %arg2[%dma_wait3A_179, %dma_wait3A_180] : memref<100000x128xf32, #tpu.memory_space<hbm>> -> memref<100000x128xf32, #tpu.memory_space<hbm>>
      tpu.wait_indirect_dma semaphore(%arg29 : memref<!tpu.dma_semaphore, #tpu.memory_space<semaphore_mem>>) src(%dma_wait3A_181 : memref<100000x128xf32, #tpu.memory_space<hbm>>) dst(%arg19 : memref<128x128xf32, #tpu.memory_space<vmem>>)
      %dma_wait3A_182 = arith.constant 0 : i32
      %dma_wait3A_183 = tpu.memref_slice %arg17[%dma_wait3A_182] : memref<4096xi32, #tpu.memory_space<vmem>> -> memref<128xi32, #tpu.memory_space<vmem>>
      %dma_wait3A_184 = arith.constant 0 : i32
      %dma_wait3A_185 = arith.constant 0 : i32
      %dma_wait3A_186 = tpu.memref_slice %arg2[%dma_wait3A_184, %dma_wait3A_185] : memref<100000x128xf32, #tpu.memory_space<hbm>> -> memref<100000x128xf32, #tpu.memory_space<hbm>>
      tpu.wait_indirect_dma semaphore(%arg31 : memref<!tpu.dma_semaphore, #tpu.memory_space<semaphore_mem>>) src(%dma_wait3A_186 : memref<100000x128xf32, #tpu.memory_space<hbm>>) dst(%arg21 : memref<128x128xf32, #tpu.memory_space<vmem>>)
      %add3A_187 = arith.constant 1 : i32
      %add3A_188 = arith.addi %mul3A_159, %add3A_187 : i32
      %scan3A_189 = arith.constant 0 : i32
      %scan3A_190 = arith.constant 8 : i32
      %scan3A_191 = arith.addi %scan3A_189, %scan3A_190 : i32
      %scan3A_192 = arith.constant 1 : i32
      scf.for %scan3A_199 = %scan3A_189 to %scan3A_191 step %scan3A_192  : i32 {
        %broadcast_in_dim3A_200 = arith.constant 0.000000e+00 : f32
        %broadcast_in_dim3A_201 = vector.broadcast %broadcast_in_dim3A_200 : f32 to vector<16xf32>
        %scan3A_202 = arith.constant 0 : i32
        %scan3A_203 = arith.constant 2 : i32
        %scan3A_204 = arith.addi %scan3A_202, %scan3A_203 : i32
        %scan3A_205 = arith.constant 1 : i32
        %scan3A_206 = scf.for %scan3A_224 = %scan3A_202 to %scan3A_204 step %scan3A_205 iter_args(%scan3A_225 = %broadcast_in_dim3A_201) -> (vector<16xf32>)  : i32 {
          %mul3A_226 = arith.constant 8 : i32
          %mul3A_227 = arith.muli %scan3A_224, %mul3A_226 : i32
          %add3A_228 = arith.constant 0 : i32
          %add3A_229 = arith.addi %mul3A_227, %add3A_228 : i32
          %mul3A_230 = arith.constant 16 : i32
          %mul3A_231 = arith.muli %scan3A_199, %mul3A_230 : i32
          %add3A_232 = arith.addi %mul3A_231, %add3A_229 : i32
          %broadcast_in_dim3A_233 = arith.constant 0.000000e+00 : f32
          %broadcast_in_dim3A_234 = vector.broadcast %broadcast_in_dim3A_233 : f32 to vector<16xf32>
          %get3A_235 = arith.index_cast %add3A_232 : i32 to index
          %get3A_236 = arith.constant 0 : index
          %get3A_237 = tpu.vector_load %arg19[%get3A_235, %get3A_236] {strides = array<i32>} : memref<128x128xf32, #tpu.memory_space<vmem>>, vector<16xf32>,
          %get3A_238 = arith.index_cast %add3A_232 : i32 to index
          %get3A_239 = arith.constant 0 : index
          %get3A_240 = tpu.vector_load %arg21[%get3A_238, %get3A_239] {strides = array<i32>} : memref<128x128xf32, #tpu.memory_space<vmem>>, vector<16xf32>,
          %sub3A = arith.subf %get3A_237, %get3A_240 : vector<16xf32>
          %mul3A_241 = arith.mulf %sub3A, %sub3A : vector<16xf32>
          %add3A_242 = arith.addf %broadcast_in_dim3A_234, %mul3A_241 : vector<16xf32>
          %get3A_243 = arith.index_cast %add3A_232 : i32 to index
          %get3A_244 = arith.constant 16 : index
          %get3A_245 = tpu.vector_load %arg19[%get3A_243, %get3A_244] {strides = array<i32>} : memref<128x128xf32, #tpu.memory_space<vmem>>, vector<16xf32>,
          %get3A_246 = arith.index_cast %add3A_232 : i32 to index
          %get3A_247 = arith.constant 16 : index
          %get3A_248 = tpu.vector_load %arg21[%get3A_246, %get3A_247] {strides = array<i32>} : memref<128x128xf32, #tpu.memory_space<vmem>>, vector<16xf32>,
          %sub3A_249 = arith.subf %get3A_245, %get3A_248 : vector<16xf32>
          %mul3A_250 = arith.mulf %sub3A_249, %sub3A_249 : vector<16xf32>
          %add3A_251 = arith.addf %add3A_242, %mul3A_250 : vector<16xf32>
          %get3A_252 = arith.index_cast %add3A_232 : i32 to index
          %get3A_253 = arith.constant 32 : index
          %get3A_254 = tpu.vector_load %arg19[%get3A_252, %get3A_253] {strides = array<i32>} : memref<128x128xf32, #tpu.memory_space<vmem>>, vector<16xf32>,
          %get3A_255 = arith.index_cast %add3A_232 : i32 to index
          %get3A_256 = arith.constant 32 : index
          %get3A_257 = tpu.vector_load %arg21[%get3A_255, %get3A_256] {strides = array<i32>} : memref<128x128xf32, #tpu.memory_space<vmem>>, vector<16xf32>,
          %sub3A_258 = arith.subf %get3A_254, %get3A_257 : vector<16xf32>
          %mul3A_259 = arith.mulf %sub3A_258, %sub3A_258 : vector<16xf32>
          %add3A_260 = arith.addf %add3A_251, %mul3A_259 : vector<16xf32>
          %get3A_261 = arith.index_cast %add3A_232 : i32 to index
          %get3A_262 = arith.constant 48 : index
          %get3A_263 = tpu.vector_load %arg19[%get3A_261, %get3A_262] {strides = array<i32>} : memref<128x128xf32, #tpu.memory_space<vmem>>, vector<16xf32>,
          %get3A_264 = arith.index_cast %add3A_232 : i32 to index
          %get3A_265 = arith.constant 48 : index
          %get3A_266 = tpu.vector_load %arg21[%get3A_264, %get3A_265] {strides = array<i32>} : memref<128x128xf32, #tpu.memory_space<vmem>>, vector<16xf32>,
          %sub3A_267 = arith.subf %get3A_263, %get3A_266 : vector<16xf32>
          %mul3A_268 = arith.mulf %sub3A_267, %sub3A_267 : vector<16xf32>
          %add3A_269 = arith.addf %add3A_260, %mul3A_268 : vector<16xf32>
          %get3A_270 = arith.index_cast %add3A_232 : i32 to index
          %get3A_271 = arith.constant 64 : index
          %get3A_272 = tpu.vector_load %arg19[%get3A_270, %get3A_271] {strides = array<i32>} : memref<128x128xf32, #tpu.memory_space<vmem>>, vector<16xf32>,
          %get3A_273 = arith.index_cast %add3A_232 : i32 to index
          %get3A_274 = arith.constant 64 : index
          %get3A_275 = tpu.vector_load %arg21[%get3A_273, %get3A_274] {strides = array<i32>} : memref<128x128xf32, #tpu.memory_space<vmem>>, vector<16xf32>,
          %sub3A_276 = arith.subf %get3A_272, %get3A_275 : vector<16xf32>
          %mul3A_277 = arith.mulf %sub3A_276, %sub3A_276 : vector<16xf32>
          %add3A_278 = arith.addf %add3A_269, %mul3A_277 : vector<16xf32>
          %get3A_279 = arith.index_cast %add3A_232 : i32 to index
          %get3A_280 = arith.constant 80 : index
          %get3A_281 = tpu.vector_load %arg19[%get3A_279, %get3A_280] {strides = array<i32>} : memref<128x128xf32, #tpu.memory_space<vmem>>, vector<16xf32>,
          %get3A_282 = arith.index_cast %add3A_232 : i32 to index
          %get3A_283 = arith.constant 80 : index
          %get3A_284 = tpu.vector_load %arg21[%get3A_282, %get3A_283] {strides = array<i32>} : memref<128x128xf32, #tpu.memory_space<vmem>>, vector<16xf32>,
          %sub3A_285 = arith.subf %get3A_281, %get3A_284 : vector<16xf32>
          %mul3A_286 = arith.mulf %sub3A_285, %sub3A_285 : vector<16xf32>
          %add3A_287 = arith.addf %add3A_278, %mul3A_286 : vector<16xf32>
          %get3A_288 = arith.index_cast %add3A_232 : i32 to index
          %get3A_289 = arith.constant 96 : index
          %get3A_290 = tpu.vector_load %arg19[%get3A_288, %get3A_289] {strides = array<i32>} : memref<128x128xf32, #tpu.memory_space<vmem>>, vector<16xf32>,
          %get3A_291 = arith.index_cast %add3A_232 : i32 to index
          %get3A_292 = arith.constant 96 : index
          %get3A_293 = tpu.vector_load %arg21[%get3A_291, %get3A_292] {strides = array<i32>} : memref<128x128xf32, #tpu.memory_space<vmem>>, vector<16xf32>,
          %sub3A_294 = arith.subf %get3A_290, %get3A_293 : vector<16xf32>
          %mul3A_295 = arith.mulf %sub3A_294, %sub3A_294 : vector<16xf32>
          %add3A_296 = arith.addf %add3A_287, %mul3A_295 : vector<16xf32>
          %get3A_297 = arith.index_cast %add3A_232 : i32 to index
          %get3A_298 = arith.constant 112 : index
          %get3A_299 = tpu.vector_load %arg19[%get3A_297, %get3A_298] {strides = array<i32>} : memref<128x128xf32, #tpu.memory_space<vmem>>, vector<16xf32>,
          %get3A_300 = arith.index_cast %add3A_232 : i32 to index
          %get3A_301 = arith.constant 112 : index
          %get3A_302 = tpu.vector_load %arg21[%get3A_300, %get3A_301] {strides = array<i32>} : memref<128x128xf32, #tpu.memory_space<vmem>>, vector<16xf32>,
          %sub3A_303 = arith.subf %get3A_299, %get3A_302 : vector<16xf32>
          %mul3A_304 = arith.mulf %sub3A_303, %sub3A_303 : vector<16xf32>
          %add3A_305 = arith.addf %add3A_296, %mul3A_304 : vector<16xf32>
          %eq3A = vector.broadcast %add3A_229 : i32 to vector<16xi32>
          %eq3A_306 = arith.cmpi eq, %iota3A, %eq3A : vector<16xi32>
          %reduce_sum3A = arith.constant true
          %reduce_sum3A_307 = vector.broadcast %reduce_sum3A : i1 to vector<16xi1>
          %reduce_sum3A_308 = tpu.scan <sum>, %add3A_305 masked %reduce_sum3A_307 : vector<16xf32>, vector<16xi1> -> vector<16xf32>
          %reduce_sum3A_309 = vector.extract %reduce_sum3A_308[15] : f32 from vector<16xf32>
          %jit3A = arith.constant 0.000000e+00 : f32
          %broadcast_in_dim3A_310 = vector.broadcast %reduce_sum3A_309 : f32 to vector<16xf32>
          %broadcast_in_dim3A_311 = vector.broadcast %jit3A : f32 to vector<16xf32>
          %select_n3A = arith.select %eq3A_306, %broadcast_in_dim3A_310, %broadcast_in_dim3A_311 : vector<16xi1>, vector<16xf32>
          %add3A_312 = arith.addf %scan3A_225, %select_n3A : vector<16xf32>
          %mul3A_313 = arith.constant 8 : i32
          %mul3A_314 = arith.muli %scan3A_224, %mul3A_313 : i32
          %add3A_315 = arith.constant 1 : i32
          %add3A_316 = arith.addi %mul3A_314, %add3A_315 : i32
          %mul3A_317 = arith.constant 16 : i32
          %mul3A_318 = arith.muli %scan3A_199, %mul3A_317 : i32
          %add3A_319 = arith.addi %mul3A_318, %add3A_316 : i32
          %broadcast_in_dim3A_320 = arith.constant 0.000000e+00 : f32
          %broadcast_in_dim3A_321 = vector.broadcast %broadcast_in_dim3A_320 : f32 to vector<16xf32>
          %get3A_322 = arith.index_cast %add3A_319 : i32 to index
          %get3A_323 = arith.constant 0 : index
          %get3A_324 = tpu.vector_load %arg19[%get3A_322, %get3A_323] {strides = array<i32>} : memref<128x128xf32, #tpu.memory_space<vmem>>, vector<16xf32>,
          %get3A_325 = arith.index_cast %add3A_319 : i32 to index
          %get3A_326 = arith.constant 0 : index
          %get3A_327 = tpu.vector_load %arg21[%get3A_325, %get3A_326] {strides = array<i32>} : memref<128x128xf32, #tpu.memory_space<vmem>>, vector<16xf32>,
          %sub3A_328 = arith.subf %get3A_324, %get3A_327 : vector<16xf32>
          %mul3A_329 = arith.mulf %sub3A_328, %sub3A_328 : vector<16xf32>
          %add3A_330 = arith.addf %broadcast_in_dim3A_321, %mul3A_329 : vector<16xf32>
          %get3A_331 = arith.index_cast %add3A_319 : i32 to index
          %get3A_332 = arith.constant 16 : index
          %get3A_333 = tpu.vector_load %arg19[%get3A_331, %get3A_332] {strides = array<i32>} : memref<128x128xf32, #tpu.memory_space<vmem>>, vector<16xf32>,
          %get3A_334 = arith.index_cast %add3A_319 : i32 to index
          %get3A_335 = arith.constant 16 : index
          %get3A_336 = tpu.vector_load %arg21[%get3A_334, %get3A_335] {strides = array<i32>} : memref<128x128xf32, #tpu.memory_space<vmem>>, vector<16xf32>,
          %sub3A_337 = arith.subf %get3A_333, %get3A_336 : vector<16xf32>
          %mul3A_338 = arith.mulf %sub3A_337, %sub3A_337 : vector<16xf32>
          %add3A_339 = arith.addf %add3A_330, %mul3A_338 : vector<16xf32>
          %get3A_340 = arith.index_cast %add3A_319 : i32 to index
          %get3A_341 = arith.constant 32 : index
          %get3A_342 = tpu.vector_load %arg19[%get3A_340, %get3A_341] {strides = array<i32>} : memref<128x128xf32, #tpu.memory_space<vmem>>, vector<16xf32>,
          %get3A_343 = arith.index_cast %add3A_319 : i32 to index
          %get3A_344 = arith.constant 32 : index
          %get3A_345 = tpu.vector_load %arg21[%get3A_343, %get3A_344] {strides = array<i32>} : memref<128x128xf32, #tpu.memory_space<vmem>>, vector<16xf32>,
          %sub3A_346 = arith.subf %get3A_342, %get3A_345 : vector<16xf32>
          %mul3A_347 = arith.mulf %sub3A_346, %sub3A_346 : vector<16xf32>
          %add3A_348 = arith.addf %add3A_339, %mul3A_347 : vector<16xf32>
          %get3A_349 = arith.index_cast %add3A_319 : i32 to index
          %get3A_350 = arith.constant 48 : index
          %get3A_351 = tpu.vector_load %arg19[%get3A_349, %get3A_350] {strides = array<i32>} : memref<128x128xf32, #tpu.memory_space<vmem>>, vector<16xf32>,
          %get3A_352 = arith.index_cast %add3A_319 : i32 to index
          %get3A_353 = arith.constant 48 : index
          %get3A_354 = tpu.vector_load %arg21[%get3A_352, %get3A_353] {strides = array<i32>} : memref<128x128xf32, #tpu.memory_space<vmem>>, vector<16xf32>,
          %sub3A_355 = arith.subf %get3A_351, %get3A_354 : vector<16xf32>
          %mul3A_356 = arith.mulf %sub3A_355, %sub3A_355 : vector<16xf32>
          %add3A_357 = arith.addf %add3A_348, %mul3A_356 : vector<16xf32>
          %get3A_358 = arith.index_cast %add3A_319 : i32 to index
          %get3A_359 = arith.constant 64 : index
          %get3A_360 = tpu.vector_load %arg19[%get3A_358, %get3A_359] {strides = array<i32>} : memref<128x128xf32, #tpu.memory_space<vmem>>, vector<16xf32>,
          %get3A_361 = arith.index_cast %add3A_319 : i32 to index
          %get3A_362 = arith.constant 64 : index
          %get3A_363 = tpu.vector_load %arg21[%get3A_361, %get3A_362] {strides = array<i32>} : memref<128x128xf32, #tpu.memory_space<vmem>>, vector<16xf32>,
          %sub3A_364 = arith.subf %get3A_360, %get3A_363 : vector<16xf32>
          %mul3A_365 = arith.mulf %sub3A_364, %sub3A_364 : vector<16xf32>
          %add3A_366 = arith.addf %add3A_357, %mul3A_365 : vector<16xf32>
          %get3A_367 = arith.index_cast %add3A_319 : i32 to index
          %get3A_368 = arith.constant 80 : index
          %get3A_369 = tpu.vector_load %arg19[%get3A_367, %get3A_368] {strides = array<i32>} : memref<128x128xf32, #tpu.memory_space<vmem>>, vector<16xf32>,
          %get3A_370 = arith.index_cast %add3A_319 : i32 to index
          %get3A_371 = arith.constant 80 : index
          %get3A_372 = tpu.vector_load %arg21[%get3A_370, %get3A_371] {strides = array<i32>} : memref<128x128xf32, #tpu.memory_space<vmem>>, vector<16xf32>,
          %sub3A_373 = arith.subf %get3A_369, %get3A_372 : vector<16xf32>
          %mul3A_374 = arith.mulf %sub3A_373, %sub3A_373 : vector<16xf32>
          %add3A_375 = arith.addf %add3A_366, %mul3A_374 : vector<16xf32>
          %get3A_376 = arith.index_cast %add3A_319 : i32 to index
          %get3A_377 = arith.constant 96 : index
          %get3A_378 = tpu.vector_load %arg19[%get3A_376, %get3A_377] {strides = array<i32>} : memref<128x128xf32, #tpu.memory_space<vmem>>, vector<16xf32>,
          %get3A_379 = arith.index_cast %add3A_319 : i32 to index
          %get3A_380 = arith.constant 96 : index
          %get3A_381 = tpu.vector_load %arg21[%get3A_379, %get3A_380] {strides = array<i32>} : memref<128x128xf32, #tpu.memory_space<vmem>>, vector<16xf32>,
          %sub3A_382 = arith.subf %get3A_378, %get3A_381 : vector<16xf32>
          %mul3A_383 = arith.mulf %sub3A_382, %sub3A_382 : vector<16xf32>
          %add3A_384 = arith.addf %add3A_375, %mul3A_383 : vector<16xf32>
          %get3A_385 = arith.index_cast %add3A_319 : i32 to index
          %get3A_386 = arith.constant 112 : index
          %get3A_387 = tpu.vector_load %arg19[%get3A_385, %get3A_386] {strides = array<i32>} : memref<128x128xf32, #tpu.memory_space<vmem>>, vector<16xf32>,
          %get3A_388 = arith.index_cast %add3A_319 : i32 to index
          %get3A_389 = arith.constant 112 : index
          %get3A_390 = tpu.vector_load %arg21[%get3A_388, %get3A_389] {strides = array<i32>} : memref<128x128xf32, #tpu.memory_space<vmem>>, vector<16xf32>,
          %sub3A_391 = arith.subf %get3A_387, %get3A_390 : vector<16xf32>
          %mul3A_392 = arith.mulf %sub3A_391, %sub3A_391 : vector<16xf32>
          %add3A_393 = arith.addf %add3A_384, %mul3A_392 : vector<16xf32>
          %eq3A_394 = vector.broadcast %add3A_316 : i32 to vector<16xi32>
          %eq3A_395 = arith.cmpi eq, %iota3A, %eq3A_394 : vector<16xi32>
          %reduce_sum3A_396 = arith.constant true
          %reduce_sum3A_397 = vector.broadcast %reduce_sum3A_396 : i1 to vector<16xi1>
          %reduce_sum3A_398 = tpu.scan <sum>, %add3A_393 masked %reduce_sum3A_397 : vector<16xf32>, vector<16xi1> -> vector<16xf32>
          %reduce_sum3A_399 = vector.extract %reduce_sum3A_398[15] : f32 from vector<16xf32>
          %jit3A_400 = arith.constant 0.000000e+00 : f32
          %broadcast_in_dim3A_401 = vector.broadcast %reduce_sum3A_399 : f32 to vector<16xf32>
          %broadcast_in_dim3A_402 = vector.broadcast %jit3A_400 : f32 to vector<16xf32>
          %select_n3A_403 = arith.select %eq3A_395, %broadcast_in_dim3A_401, %broadcast_in_dim3A_402 : vector<16xi1>, vector<16xf32>
          %add3A_404 = arith.addf %add3A_312, %select_n3A_403 : vector<16xf32>
          %mul3A_405 = arith.constant 8 : i32
          %mul3A_406 = arith.muli %scan3A_224, %mul3A_405 : i32
          %add3A_407 = arith.constant 2 : i32
          %add3A_408 = arith.addi %mul3A_406, %add3A_407 : i32
          %mul3A_409 = arith.constant 16 : i32
          %mul3A_410 = arith.muli %scan3A_199, %mul3A_409 : i32
          %add3A_411 = arith.addi %mul3A_410, %add3A_408 : i32
          %broadcast_in_dim3A_412 = arith.constant 0.000000e+00 : f32
          %broadcast_in_dim3A_413 = vector.broadcast %broadcast_in_dim3A_412 : f32 to vector<16xf32>
          %get3A_414 = arith.index_cast %add3A_411 : i32 to index
          %get3A_415 = arith.constant 0 : index
          %get3A_416 = tpu.vector_load %arg19[%get3A_414, %get3A_415] {strides = array<i32>} : memref<128x128xf32, #tpu.memory_space<vmem>>, vector<16xf32>,
          %get3A_417 = arith.index_cast %add3A_411 : i32 to index
          %get3A_418 = arith.constant 0 : index
          %get3A_419 = tpu.vector_load %arg21[%get3A_417, %get3A_418] {strides = array<i32>} : memref<128x128xf32, #tpu.memory_space<vmem>>, vector<16xf32>,
          %sub3A_420 = arith.subf %get3A_416, %get3A_419 : vector<16xf32>
          %mul3A_421 = arith.mulf %sub3A_420, %sub3A_420 : vector<16xf32>
          %add3A_422 = arith.addf %broadcast_in_dim3A_413, %mul3A_421 : vector<16xf32>
          %get3A_423 = arith.index_cast %add3A_411 : i32 to index
          %get3A_424 = arith.constant 16 : index
          %get3A_425 = tpu.vector_load %arg19[%get3A_423, %get3A_424] {strides = array<i32>} : memref<128x128xf32, #tpu.memory_space<vmem>>, vector<16xf32>,
          %get3A_426 = arith.index_cast %add3A_411 : i32 to index
          %get3A_427 = arith.constant 16 : index
          %get3A_428 = tpu.vector_load %arg21[%get3A_426, %get3A_427] {strides = array<i32>} : memref<128x128xf32, #tpu.memory_space<vmem>>, vector<16xf32>,
          %sub3A_429 = arith.subf %get3A_425, %get3A_428 : vector<16xf32>
          %mul3A_430 = arith.mulf %sub3A_429, %sub3A_429 : vector<16xf32>
          %add3A_431 = arith.addf %add3A_422, %mul3A_430 : vector<16xf32>
          %get3A_432 = arith.index_cast %add3A_411 : i32 to index
          %get3A_433 = arith.constant 32 : index
          %get3A_434 = tpu.vector_load %arg19[%get3A_432, %get3A_433] {strides = array<i32>} : memref<128x128xf32, #tpu.memory_space<vmem>>, vector<16xf32>,
          %get3A_435 = arith.index_cast %add3A_411 : i32 to index
          %get3A_436 = arith.constant 32 : index
          %get3A_437 = tpu.vector_load %arg21[%get3A_435, %get3A_436] {strides = array<i32>} : memref<128x128xf32, #tpu.memory_space<vmem>>, vector<16xf32>,
          %sub3A_438 = arith.subf %get3A_434, %get3A_437 : vector<16xf32>
          %mul3A_439 = arith.mulf %sub3A_438, %sub3A_438 : vector<16xf32>
          %add3A_440 = arith.addf %add3A_431, %mul3A_439 : vector<16xf32>
          %get3A_441 = arith.index_cast %add3A_411 : i32 to index
          %get3A_442 = arith.constant 48 : index
          %get3A_443 = tpu.vector_load %arg19[%get3A_441, %get3A_442] {strides = array<i32>} : memref<128x128xf32, #tpu.memory_space<vmem>>, vector<16xf32>,
          %get3A_444 = arith.index_cast %add3A_411 : i32 to index
          %get3A_445 = arith.constant 48 : index
          %get3A_446 = tpu.vector_load %arg21[%get3A_444, %get3A_445] {strides = array<i32>} : memref<128x128xf32, #tpu.memory_space<vmem>>, vector<16xf32>,
          %sub3A_447 = arith.subf %get3A_443, %get3A_446 : vector<16xf32>
          %mul3A_448 = arith.mulf %sub3A_447, %sub3A_447 : vector<16xf32>
          %add3A_449 = arith.addf %add3A_440, %mul3A_448 : vector<16xf32>
          %get3A_450 = arith.index_cast %add3A_411 : i32 to index
          %get3A_451 = arith.constant 64 : index
          %get3A_452 = tpu.vector_load %arg19[%get3A_450, %get3A_451] {strides = array<i32>} : memref<128x128xf32, #tpu.memory_space<vmem>>, vector<16xf32>,
          %get3A_453 = arith.index_cast %add3A_411 : i32 to index
          %get3A_454 = arith.constant 64 : index
          %get3A_455 = tpu.vector_load %arg21[%get3A_453, %get3A_454] {strides = array<i32>} : memref<128x128xf32, #tpu.memory_space<vmem>>, vector<16xf32>,
          %sub3A_456 = arith.subf %get3A_452, %get3A_455 : vector<16xf32>
          %mul3A_457 = arith.mulf %sub3A_456, %sub3A_456 : vector<16xf32>
          %add3A_458 = arith.addf %add3A_449, %mul3A_457 : vector<16xf32>
          %get3A_459 = arith.index_cast %add3A_411 : i32 to index
          %get3A_460 = arith.constant 80 : index
          %get3A_461 = tpu.vector_load %arg19[%get3A_459, %get3A_460] {strides = array<i32>} : memref<128x128xf32, #tpu.memory_space<vmem>>, vector<16xf32>,
          %get3A_462 = arith.index_cast %add3A_411 : i32 to index
          %get3A_463 = arith.constant 80 : index
          %get3A_464 = tpu.vector_load %arg21[%get3A_462, %get3A_463] {strides = array<i32>} : memref<128x128xf32, #tpu.memory_space<vmem>>, vector<16xf32>,
          %sub3A_465 = arith.subf %get3A_461, %get3A_464 : vector<16xf32>
          %mul3A_466 = arith.mulf %sub3A_465, %sub3A_465 : vector<16xf32>
          %add3A_467 = arith.addf %add3A_458, %mul3A_466 : vector<16xf32>
          %get3A_468 = arith.index_cast %add3A_411 : i32 to index
          %get3A_469 = arith.constant 96 : index
          %get3A_470 = tpu.vector_load %arg19[%get3A_468, %get3A_469] {strides = array<i32>} : memref<128x128xf32, #tpu.memory_space<vmem>>, vector<16xf32>,
          %get3A_471 = arith.index_cast %add3A_411 : i32 to index
          %get3A_472 = arith.constant 96 : index
          %get3A_473 = tpu.vector_load %arg21[%get3A_471, %get3A_472] {strides = array<i32>} : memref<128x128xf32, #tpu.memory_space<vmem>>, vector<16xf32>,
          %sub3A_474 = arith.subf %get3A_470, %get3A_473 : vector<16xf32>
          %mul3A_475 = arith.mulf %sub3A_474, %sub3A_474 : vector<16xf32>
          %add3A_476 = arith.addf %add3A_467, %mul3A_475 : vector<16xf32>
          %get3A_477 = arith.index_cast %add3A_411 : i32 to index
          %get3A_478 = arith.constant 112 : index
          %get3A_479 = tpu.vector_load %arg19[%get3A_477, %get3A_478] {strides = array<i32>} : memref<128x128xf32, #tpu.memory_space<vmem>>, vector<16xf32>,
          %get3A_480 = arith.index_cast %add3A_411 : i32 to index
          %get3A_481 = arith.constant 112 : index
          %get3A_482 = tpu.vector_load %arg21[%get3A_480, %get3A_481] {strides = array<i32>} : memref<128x128xf32, #tpu.memory_space<vmem>>, vector<16xf32>,
          %sub3A_483 = arith.subf %get3A_479, %get3A_482 : vector<16xf32>
          %mul3A_484 = arith.mulf %sub3A_483, %sub3A_483 : vector<16xf32>
          %add3A_485 = arith.addf %add3A_476, %mul3A_484 : vector<16xf32>
          %eq3A_486 = vector.broadcast %add3A_408 : i32 to vector<16xi32>
          %eq3A_487 = arith.cmpi eq, %iota3A, %eq3A_486 : vector<16xi32>
          %reduce_sum3A_488 = arith.constant true
          %reduce_sum3A_489 = vector.broadcast %reduce_sum3A_488 : i1 to vector<16xi1>
          %reduce_sum3A_490 = tpu.scan <sum>, %add3A_485 masked %reduce_sum3A_489 : vector<16xf32>, vector<16xi1> -> vector<16xf32>
          %reduce_sum3A_491 = vector.extract %reduce_sum3A_490[15] : f32 from vector<16xf32>
          %jit3A_492 = arith.constant 0.000000e+00 : f32
          %broadcast_in_dim3A_493 = vector.broadcast %reduce_sum3A_491 : f32 to vector<16xf32>
          %broadcast_in_dim3A_494 = vector.broadcast %jit3A_492 : f32 to vector<16xf32>
          %select_n3A_495 = arith.select %eq3A_487, %broadcast_in_dim3A_493, %broadcast_in_dim3A_494 : vector<16xi1>, vector<16xf32>
          %add3A_496 = arith.addf %add3A_404, %select_n3A_495 : vector<16xf32>
          %mul3A_497 = arith.constant 8 : i32
          %mul3A_498 = arith.muli %scan3A_224, %mul3A_497 : i32
          %add3A_499 = arith.constant 3 : i32
          %add3A_500 = arith.addi %mul3A_498, %add3A_499 : i32
          %mul3A_501 = arith.constant 16 : i32
          %mul3A_502 = arith.muli %scan3A_199, %mul3A_501 : i32
          %add3A_503 = arith.addi %mul3A_502, %add3A_500 : i32
          %broadcast_in_dim3A_504 = arith.constant 0.000000e+00 : f32
          %broadcast_in_dim3A_505 = vector.broadcast %broadcast_in_dim3A_504 : f32 to vector<16xf32>
          %get3A_506 = arith.index_cast %add3A_503 : i32 to index
          %get3A_507 = arith.constant 0 : index
          %get3A_508 = tpu.vector_load %arg19[%get3A_506, %get3A_507] {strides = array<i32>} : memref<128x128xf32, #tpu.memory_space<vmem>>, vector<16xf32>,
          %get3A_509 = arith.index_cast %add3A_503 : i32 to index
          %get3A_510 = arith.constant 0 : index
          %get3A_511 = tpu.vector_load %arg21[%get3A_509, %get3A_510] {strides = array<i32>} : memref<128x128xf32, #tpu.memory_space<vmem>>, vector<16xf32>,
          %sub3A_512 = arith.subf %get3A_508, %get3A_511 : vector<16xf32>
          %mul3A_513 = arith.mulf %sub3A_512, %sub3A_512 : vector<16xf32>
          %add3A_514 = arith.addf %broadcast_in_dim3A_505, %mul3A_513 : vector<16xf32>
          %get3A_515 = arith.index_cast %add3A_503 : i32 to index
          %get3A_516 = arith.constant 16 : index
          %get3A_517 = tpu.vector_load %arg19[%get3A_515, %get3A_516] {strides = array<i32>} : memref<128x128xf32, #tpu.memory_space<vmem>>, vector<16xf32>,
          %get3A_518 = arith.index_cast %add3A_503 : i32 to index
          %get3A_519 = arith.constant 16 : index
          %get3A_520 = tpu.vector_load %arg21[%get3A_518, %get3A_519] {strides = array<i32>} : memref<128x128xf32, #tpu.memory_space<vmem>>, vector<16xf32>,
          %sub3A_521 = arith.subf %get3A_517, %get3A_520 : vector<16xf32>
          %mul3A_522 = arith.mulf %sub3A_521, %sub3A_521 : vector<16xf32>
          %add3A_523 = arith.addf %add3A_514, %mul3A_522 : vector<16xf32>
          %get3A_524 = arith.index_cast %add3A_503 : i32 to index
          %get3A_525 = arith.constant 32 : index
          %get3A_526 = tpu.vector_load %arg19[%get3A_524, %get3A_525] {strides = array<i32>} : memref<128x128xf32, #tpu.memory_space<vmem>>, vector<16xf32>,
          %get3A_527 = arith.index_cast %add3A_503 : i32 to index
          %get3A_528 = arith.constant 32 : index
          %get3A_529 = tpu.vector_load %arg21[%get3A_527, %get3A_528] {strides = array<i32>} : memref<128x128xf32, #tpu.memory_space<vmem>>, vector<16xf32>,
          %sub3A_530 = arith.subf %get3A_526, %get3A_529 : vector<16xf32>
          %mul3A_531 = arith.mulf %sub3A_530, %sub3A_530 : vector<16xf32>
          %add3A_532 = arith.addf %add3A_523, %mul3A_531 : vector<16xf32>
          %get3A_533 = arith.index_cast %add3A_503 : i32 to index
          %get3A_534 = arith.constant 48 : index
          %get3A_535 = tpu.vector_load %arg19[%get3A_533, %get3A_534] {strides = array<i32>} : memref<128x128xf32, #tpu.memory_space<vmem>>, vector<16xf32>,
          %get3A_536 = arith.index_cast %add3A_503 : i32 to index
          %get3A_537 = arith.constant 48 : index
          %get3A_538 = tpu.vector_load %arg21[%get3A_536, %get3A_537] {strides = array<i32>} : memref<128x128xf32, #tpu.memory_space<vmem>>, vector<16xf32>,
          %sub3A_539 = arith.subf %get3A_535, %get3A_538 : vector<16xf32>
          %mul3A_540 = arith.mulf %sub3A_539, %sub3A_539 : vector<16xf32>
          %add3A_541 = arith.addf %add3A_532, %mul3A_540 : vector<16xf32>
          %get3A_542 = arith.index_cast %add3A_503 : i32 to index
          %get3A_543 = arith.constant 64 : index
          %get3A_544 = tpu.vector_load %arg19[%get3A_542, %get3A_543] {strides = array<i32>} : memref<128x128xf32, #tpu.memory_space<vmem>>, vector<16xf32>,
          %get3A_545 = arith.index_cast %add3A_503 : i32 to index
          %get3A_546 = arith.constant 64 : index
          %get3A_547 = tpu.vector_load %arg21[%get3A_545, %get3A_546] {strides = array<i32>} : memref<128x128xf32, #tpu.memory_space<vmem>>, vector<16xf32>,
          %sub3A_548 = arith.subf %get3A_544, %get3A_547 : vector<16xf32>
          %mul3A_549 = arith.mulf %sub3A_548, %sub3A_548 : vector<16xf32>
          %add3A_550 = arith.addf %add3A_541, %mul3A_549 : vector<16xf32>
          %get3A_551 = arith.index_cast %add3A_503 : i32 to index
          %get3A_552 = arith.constant 80 : index
          %get3A_553 = tpu.vector_load %arg19[%get3A_551, %get3A_552] {strides = array<i32>} : memref<128x128xf32, #tpu.memory_space<vmem>>, vector<16xf32>,
          %get3A_554 = arith.index_cast %add3A_503 : i32 to index
          %get3A_555 = arith.constant 80 : index
          %get3A_556 = tpu.vector_load %arg21[%get3A_554, %get3A_555] {strides = array<i32>} : memref<128x128xf32, #tpu.memory_space<vmem>>, vector<16xf32>,
          %sub3A_557 = arith.subf %get3A_553, %get3A_556 : vector<16xf32>
          %mul3A_558 = arith.mulf %sub3A_557, %sub3A_557 : vector<16xf32>
          %add3A_559 = arith.addf %add3A_550, %mul3A_558 : vector<16xf32>
          %get3A_560 = arith.index_cast %add3A_503 : i32 to index
          %get3A_561 = arith.constant 96 : index
          %get3A_562 = tpu.vector_load %arg19[%get3A_560, %get3A_561] {strides = array<i32>} : memref<128x128xf32, #tpu.memory_space<vmem>>, vector<16xf32>,
          %get3A_563 = arith.index_cast %add3A_503 : i32 to index
          %get3A_564 = arith.constant 96 : index
          %get3A_565 = tpu.vector_load %arg21[%get3A_563, %get3A_564] {strides = array<i32>} : memref<128x128xf32, #tpu.memory_space<vmem>>, vector<16xf32>,
          %sub3A_566 = arith.subf %get3A_562, %get3A_565 : vector<16xf32>
          %mul3A_567 = arith.mulf %sub3A_566, %sub3A_566 : vector<16xf32>
          %add3A_568 = arith.addf %add3A_559, %mul3A_567 : vector<16xf32>
          %get3A_569 = arith.index_cast %add3A_503 : i32 to index
          %get3A_570 = arith.constant 112 : index
          %get3A_571 = tpu.vector_load %arg19[%get3A_569, %get3A_570] {strides = array<i32>} : memref<128x128xf32, #tpu.memory_space<vmem>>, vector<16xf32>,
          %get3A_572 = arith.index_cast %add3A_503 : i32 to index
          %get3A_573 = arith.constant 112 : index
          %get3A_574 = tpu.vector_load %arg21[%get3A_572, %get3A_573] {strides = array<i32>} : memref<128x128xf32, #tpu.memory_space<vmem>>, vector<16xf32>,
          %sub3A_575 = arith.subf %get3A_571, %get3A_574 : vector<16xf32>
          %mul3A_576 = arith.mulf %sub3A_575, %sub3A_575 : vector<16xf32>
          %add3A_577 = arith.addf %add3A_568, %mul3A_576 : vector<16xf32>
          %eq3A_578 = vector.broadcast %add3A_500 : i32 to vector<16xi32>
          %eq3A_579 = arith.cmpi eq, %iota3A, %eq3A_578 : vector<16xi32>
          %reduce_sum3A_580 = arith.constant true
          %reduce_sum3A_581 = vector.broadcast %reduce_sum3A_580 : i1 to vector<16xi1>
          %reduce_sum3A_582 = tpu.scan <sum>, %add3A_577 masked %reduce_sum3A_581 : vector<16xf32>, vector<16xi1> -> vector<16xf32>
          %reduce_sum3A_583 = vector.extract %reduce_sum3A_582[15] : f32 from vector<16xf32>
          %jit3A_584 = arith.constant 0.000000e+00 : f32
          %broadcast_in_dim3A_585 = vector.broadcast %reduce_sum3A_583 : f32 to vector<16xf32>
          %broadcast_in_dim3A_586 = vector.broadcast %jit3A_584 : f32 to vector<16xf32>
          %select_n3A_587 = arith.select %eq3A_579, %broadcast_in_dim3A_585, %broadcast_in_dim3A_586 : vector<16xi1>, vector<16xf32>
          %add3A_588 = arith.addf %add3A_496, %select_n3A_587 : vector<16xf32>
          %mul3A_589 = arith.constant 8 : i32
          %mul3A_590 = arith.muli %scan3A_224, %mul3A_589 : i32
          %add3A_591 = arith.constant 4 : i32
          %add3A_592 = arith.addi %mul3A_590, %add3A_591 : i32
          %mul3A_593 = arith.constant 16 : i32
          %mul3A_594 = arith.muli %scan3A_199, %mul3A_593 : i32
          %add3A_595 = arith.addi %mul3A_594, %add3A_592 : i32
          %broadcast_in_dim3A_596 = arith.constant 0.000000e+00 : f32
          %broadcast_in_dim3A_597 = vector.broadcast %broadcast_in_dim3A_596 : f32 to vector<16xf32>
          %get3A_598 = arith.index_cast %add3A_595 : i32 to index
          %get3A_599 = arith.constant 0 : index
          %get3A_600 = tpu.vector_load %arg19[%get3A_598, %get3A_599] {strides = array<i32>} : memref<128x128xf32, #tpu.memory_space<vmem>>, vector<16xf32>,
          %get3A_601 = arith.index_cast %add3A_595 : i32 to index
          %get3A_602 = arith.constant 0 : index
          %get3A_603 = tpu.vector_load %arg21[%get3A_601, %get3A_602] {strides = array<i32>} : memref<128x128xf32, #tpu.memory_space<vmem>>, vector<16xf32>,
          %sub3A_604 = arith.subf %get3A_600, %get3A_603 : vector<16xf32>
          %mul3A_605 = arith.mulf %sub3A_604, %sub3A_604 : vector<16xf32>
          %add3A_606 = arith.addf %broadcast_in_dim3A_597, %mul3A_605 : vector<16xf32>
          %get3A_607 = arith.index_cast %add3A_595 : i32 to index
          %get3A_608 = arith.constant 16 : index
          %get3A_609 = tpu.vector_load %arg19[%get3A_607, %get3A_608] {strides = array<i32>} : memref<128x128xf32, #tpu.memory_space<vmem>>, vector<16xf32>,
          %get3A_610 = arith.index_cast %add3A_595 : i32 to index
          %get3A_611 = arith.constant 16 : index
          %get3A_612 = tpu.vector_load %arg21[%get3A_610, %get3A_611] {strides = array<i32>} : memref<128x128xf32, #tpu.memory_space<vmem>>, vector<16xf32>,
          %sub3A_613 = arith.subf %get3A_609, %get3A_612 : vector<16xf32>
          %mul3A_614 = arith.mulf %sub3A_613, %sub3A_613 : vector<16xf32>
          %add3A_615 = arith.addf %add3A_606, %mul3A_614 : vector<16xf32>
          %get3A_616 = arith.index_cast %add3A_595 : i32 to index
          %get3A_617 = arith.constant 32 : index
          %get3A_618 = tpu.vector_load %arg19[%get3A_616, %get3A_617] {strides = array<i32>} : memref<128x128xf32, #tpu.memory_space<vmem>>, vector<16xf32>,
          %get3A_619 = arith.index_cast %add3A_595 : i32 to index
          %get3A_620 = arith.constant 32 : index
          %get3A_621 = tpu.vector_load %arg21[%get3A_619, %get3A_620] {strides = array<i32>} : memref<128x128xf32, #tpu.memory_space<vmem>>, vector<16xf32>,
          %sub3A_622 = arith.subf %get3A_618, %get3A_621 : vector<16xf32>
          %mul3A_623 = arith.mulf %sub3A_622, %sub3A_622 : vector<16xf32>
          %add3A_624 = arith.addf %add3A_615, %mul3A_623 : vector<16xf32>
          %get3A_625 = arith.index_cast %add3A_595 : i32 to index
          %get3A_626 = arith.constant 48 : index
          %get3A_627 = tpu.vector_load %arg19[%get3A_625, %get3A_626] {strides = array<i32>} : memref<128x128xf32, #tpu.memory_space<vmem>>, vector<16xf32>,
          %get3A_628 = arith.index_cast %add3A_595 : i32 to index
          %get3A_629 = arith.constant 48 : index
          %get3A_630 = tpu.vector_load %arg21[%get3A_628, %get3A_629] {strides = array<i32>} : memref<128x128xf32, #tpu.memory_space<vmem>>, vector<16xf32>,
          %sub3A_631 = arith.subf %get3A_627, %get3A_630 : vector<16xf32>
          %mul3A_632 = arith.mulf %sub3A_631, %sub3A_631 : vector<16xf32>
          %add3A_633 = arith.addf %add3A_624, %mul3A_632 : vector<16xf32>
          %get3A_634 = arith.index_cast %add3A_595 : i32 to index
          %get3A_635 = arith.constant 64 : index
          %get3A_636 = tpu.vector_load %arg19[%get3A_634, %get3A_635] {strides = array<i32>} : memref<128x128xf32, #tpu.memory_space<vmem>>, vector<16xf32>,
          %get3A_637 = arith.index_cast %add3A_595 : i32 to index
          %get3A_638 = arith.constant 64 : index
          %get3A_639 = tpu.vector_load %arg21[%get3A_637, %get3A_638] {strides = array<i32>} : memref<128x128xf32, #tpu.memory_space<vmem>>, vector<16xf32>,
          %sub3A_640 = arith.subf %get3A_636, %get3A_639 : vector<16xf32>
          %mul3A_641 = arith.mulf %sub3A_640, %sub3A_640 : vector<16xf32>
          %add3A_642 = arith.addf %add3A_633, %mul3A_641 : vector<16xf32>
          %get3A_643 = arith.index_cast %add3A_595 : i32 to index
          %get3A_644 = arith.constant 80 : index
          %get3A_645 = tpu.vector_load %arg19[%get3A_643, %get3A_644] {strides = array<i32>} : memref<128x128xf32, #tpu.memory_space<vmem>>, vector<16xf32>,
          %get3A_646 = arith.index_cast %add3A_595 : i32 to index
          %get3A_647 = arith.constant 80 : index
          %get3A_648 = tpu.vector_load %arg21[%get3A_646, %get3A_647] {strides = array<i32>} : memref<128x128xf32, #tpu.memory_space<vmem>>, vector<16xf32>,
          %sub3A_649 = arith.subf %get3A_645, %get3A_648 : vector<16xf32>
          %mul3A_650 = arith.mulf %sub3A_649, %sub3A_649 : vector<16xf32>
          %add3A_651 = arith.addf %add3A_642, %mul3A_650 : vector<16xf32>
          %get3A_652 = arith.index_cast %add3A_595 : i32 to index
          %get3A_653 = arith.constant 96 : index
          %get3A_654 = tpu.vector_load %arg19[%get3A_652, %get3A_653] {strides = array<i32>} : memref<128x128xf32, #tpu.memory_space<vmem>>, vector<16xf32>,
          %get3A_655 = arith.index_cast %add3A_595 : i32 to index
          %get3A_656 = arith.constant 96 : index
          %get3A_657 = tpu.vector_load %arg21[%get3A_655, %get3A_656] {strides = array<i32>} : memref<128x128xf32, #tpu.memory_space<vmem>>, vector<16xf32>,
          %sub3A_658 = arith.subf %get3A_654, %get3A_657 : vector<16xf32>
          %mul3A_659 = arith.mulf %sub3A_658, %sub3A_658 : vector<16xf32>
          %add3A_660 = arith.addf %add3A_651, %mul3A_659 : vector<16xf32>
          %get3A_661 = arith.index_cast %add3A_595 : i32 to index
          %get3A_662 = arith.constant 112 : index
          %get3A_663 = tpu.vector_load %arg19[%get3A_661, %get3A_662] {strides = array<i32>} : memref<128x128xf32, #tpu.memory_space<vmem>>, vector<16xf32>,
          %get3A_664 = arith.index_cast %add3A_595 : i32 to index
          %get3A_665 = arith.constant 112 : index
          %get3A_666 = tpu.vector_load %arg21[%get3A_664, %get3A_665] {strides = array<i32>} : memref<128x128xf32, #tpu.memory_space<vmem>>, vector<16xf32>,
          %sub3A_667 = arith.subf %get3A_663, %get3A_666 : vector<16xf32>
          %mul3A_668 = arith.mulf %sub3A_667, %sub3A_667 : vector<16xf32>
          %add3A_669 = arith.addf %add3A_660, %mul3A_668 : vector<16xf32>
          %eq3A_670 = vector.broadcast %add3A_592 : i32 to vector<16xi32>
          %eq3A_671 = arith.cmpi eq, %iota3A, %eq3A_670 : vector<16xi32>
          %reduce_sum3A_672 = arith.constant true
          %reduce_sum3A_673 = vector.broadcast %reduce_sum3A_672 : i1 to vector<16xi1>
          %reduce_sum3A_674 = tpu.scan <sum>, %add3A_669 masked %reduce_sum3A_673 : vector<16xf32>, vector<16xi1> -> vector<16xf32>
          %reduce_sum3A_675 = vector.extract %reduce_sum3A_674[15] : f32 from vector<16xf32>
          %jit3A_676 = arith.constant 0.000000e+00 : f32
          %broadcast_in_dim3A_677 = vector.broadcast %reduce_sum3A_675 : f32 to vector<16xf32>
          %broadcast_in_dim3A_678 = vector.broadcast %jit3A_676 : f32 to vector<16xf32>
          %select_n3A_679 = arith.select %eq3A_671, %broadcast_in_dim3A_677, %broadcast_in_dim3A_678 : vector<16xi1>, vector<16xf32>
          %add3A_680 = arith.addf %add3A_588, %select_n3A_679 : vector<16xf32>
          %mul3A_681 = arith.constant 8 : i32
          %mul3A_682 = arith.muli %scan3A_224, %mul3A_681 : i32
          %add3A_683 = arith.constant 5 : i32
          %add3A_684 = arith.addi %mul3A_682, %add3A_683 : i32
          %mul3A_685 = arith.constant 16 : i32
          %mul3A_686 = arith.muli %scan3A_199, %mul3A_685 : i32
          %add3A_687 = arith.addi %mul3A_686, %add3A_684 : i32
          %broadcast_in_dim3A_688 = arith.constant 0.000000e+00 : f32
          %broadcast_in_dim3A_689 = vector.broadcast %broadcast_in_dim3A_688 : f32 to vector<16xf32>
          %get3A_690 = arith.index_cast %add3A_687 : i32 to index
          %get3A_691 = arith.constant 0 : index
          %get3A_692 = tpu.vector_load %arg19[%get3A_690, %get3A_691] {strides = array<i32>} : memref<128x128xf32, #tpu.memory_space<vmem>>, vector<16xf32>,
          %get3A_693 = arith.index_cast %add3A_687 : i32 to index
          %get3A_694 = arith.constant 0 : index
          %get3A_695 = tpu.vector_load %arg21[%get3A_693, %get3A_694] {strides = array<i32>} : memref<128x128xf32, #tpu.memory_space<vmem>>, vector<16xf32>,
          %sub3A_696 = arith.subf %get3A_692, %get3A_695 : vector<16xf32>
          %mul3A_697 = arith.mulf %sub3A_696, %sub3A_696 : vector<16xf32>
          %add3A_698 = arith.addf %broadcast_in_dim3A_689, %mul3A_697 : vector<16xf32>
          %get3A_699 = arith.index_cast %add3A_687 : i32 to index
          %get3A_700 = arith.constant 16 : index
          %get3A_701 = tpu.vector_load %arg19[%get3A_699, %get3A_700] {strides = array<i32>} : memref<128x128xf32, #tpu.memory_space<vmem>>, vector<16xf32>,
          %get3A_702 = arith.index_cast %add3A_687 : i32 to index
          %get3A_703 = arith.constant 16 : index
          %get3A_704 = tpu.vector_load %arg21[%get3A_702, %get3A_703] {strides = array<i32>} : memref<128x128xf32, #tpu.memory_space<vmem>>, vector<16xf32>,
          %sub3A_705 = arith.subf %get3A_701, %get3A_704 : vector<16xf32>
          %mul3A_706 = arith.mulf %sub3A_705, %sub3A_705 : vector<16xf32>
          %add3A_707 = arith.addf %add3A_698, %mul3A_706 : vector<16xf32>
          %get3A_708 = arith.index_cast %add3A_687 : i32 to index
          %get3A_709 = arith.constant 32 : index
          %get3A_710 = tpu.vector_load %arg19[%get3A_708, %get3A_709] {strides = array<i32>} : memref<128x128xf32, #tpu.memory_space<vmem>>, vector<16xf32>,
          %get3A_711 = arith.index_cast %add3A_687 : i32 to index
          %get3A_712 = arith.constant 32 : index
          %get3A_713 = tpu.vector_load %arg21[%get3A_711, %get3A_712] {strides = array<i32>} : memref<128x128xf32, #tpu.memory_space<vmem>>, vector<16xf32>,
          %sub3A_714 = arith.subf %get3A_710, %get3A_713 : vector<16xf32>
          %mul3A_715 = arith.mulf %sub3A_714, %sub3A_714 : vector<16xf32>
          %add3A_716 = arith.addf %add3A_707, %mul3A_715 : vector<16xf32>
          %get3A_717 = arith.index_cast %add3A_687 : i32 to index
          %get3A_718 = arith.constant 48 : index
          %get3A_719 = tpu.vector_load %arg19[%get3A_717, %get3A_718] {strides = array<i32>} : memref<128x128xf32, #tpu.memory_space<vmem>>, vector<16xf32>,
          %get3A_720 = arith.index_cast %add3A_687 : i32 to index
          %get3A_721 = arith.constant 48 : index
          %get3A_722 = tpu.vector_load %arg21[%get3A_720, %get3A_721] {strides = array<i32>} : memref<128x128xf32, #tpu.memory_space<vmem>>, vector<16xf32>,
          %sub3A_723 = arith.subf %get3A_719, %get3A_722 : vector<16xf32>
          %mul3A_724 = arith.mulf %sub3A_723, %sub3A_723 : vector<16xf32>
          %add3A_725 = arith.addf %add3A_716, %mul3A_724 : vector<16xf32>
          %get3A_726 = arith.index_cast %add3A_687 : i32 to index
          %get3A_727 = arith.constant 64 : index
          %get3A_728 = tpu.vector_load %arg19[%get3A_726, %get3A_727] {strides = array<i32>} : memref<128x128xf32, #tpu.memory_space<vmem>>, vector<16xf32>,
          %get3A_729 = arith.index_cast %add3A_687 : i32 to index
          %get3A_730 = arith.constant 64 : index
          %get3A_731 = tpu.vector_load %arg21[%get3A_729, %get3A_730] {strides = array<i32>} : memref<128x128xf32, #tpu.memory_space<vmem>>, vector<16xf32>,
          %sub3A_732 = arith.subf %get3A_728, %get3A_731 : vector<16xf32>
          %mul3A_733 = arith.mulf %sub3A_732, %sub3A_732 : vector<16xf32>
          %add3A_734 = arith.addf %add3A_725, %mul3A_733 : vector<16xf32>
          %get3A_735 = arith.index_cast %add3A_687 : i32 to index
          %get3A_736 = arith.constant 80 : index
          %get3A_737 = tpu.vector_load %arg19[%get3A_735, %get3A_736] {strides = array<i32>} : memref<128x128xf32, #tpu.memory_space<vmem>>, vector<16xf32>,
          %get3A_738 = arith.index_cast %add3A_687 : i32 to index
          %get3A_739 = arith.constant 80 : index
          %get3A_740 = tpu.vector_load %arg21[%get3A_738, %get3A_739] {strides = array<i32>} : memref<128x128xf32, #tpu.memory_space<vmem>>, vector<16xf32>,
          %sub3A_741 = arith.subf %get3A_737, %get3A_740 : vector<16xf32>
          %mul3A_742 = arith.mulf %sub3A_741, %sub3A_741 : vector<16xf32>
          %add3A_743 = arith.addf %add3A_734, %mul3A_742 : vector<16xf32>
          %get3A_744 = arith.index_cast %add3A_687 : i32 to index
          %get3A_745 = arith.constant 96 : index
          %get3A_746 = tpu.vector_load %arg19[%get3A_744, %get3A_745] {strides = array<i32>} : memref<128x128xf32, #tpu.memory_space<vmem>>, vector<16xf32>,
          %get3A_747 = arith.index_cast %add3A_687 : i32 to index
          %get3A_748 = arith.constant 96 : index
          %get3A_749 = tpu.vector_load %arg21[%get3A_747, %get3A_748] {strides = array<i32>} : memref<128x128xf32, #tpu.memory_space<vmem>>, vector<16xf32>,
          %sub3A_750 = arith.subf %get3A_746, %get3A_749 : vector<16xf32>
          %mul3A_751 = arith.mulf %sub3A_750, %sub3A_750 : vector<16xf32>
          %add3A_752 = arith.addf %add3A_743, %mul3A_751 : vector<16xf32>
          %get3A_753 = arith.index_cast %add3A_687 : i32 to index
          %get3A_754 = arith.constant 112 : index
          %get3A_755 = tpu.vector_load %arg19[%get3A_753, %get3A_754] {strides = array<i32>} : memref<128x128xf32, #tpu.memory_space<vmem>>, vector<16xf32>,
          %get3A_756 = arith.index_cast %add3A_687 : i32 to index
          %get3A_757 = arith.constant 112 : index
          %get3A_758 = tpu.vector_load %arg21[%get3A_756, %get3A_757] {strides = array<i32>} : memref<128x128xf32, #tpu.memory_space<vmem>>, vector<16xf32>,
          %sub3A_759 = arith.subf %get3A_755, %get3A_758 : vector<16xf32>
          %mul3A_760 = arith.mulf %sub3A_759, %sub3A_759 : vector<16xf32>
          %add3A_761 = arith.addf %add3A_752, %mul3A_760 : vector<16xf32>
          %eq3A_762 = vector.broadcast %add3A_684 : i32 to vector<16xi32>
          %eq3A_763 = arith.cmpi eq, %iota3A, %eq3A_762 : vector<16xi32>
          %reduce_sum3A_764 = arith.constant true
          %reduce_sum3A_765 = vector.broadcast %reduce_sum3A_764 : i1 to vector<16xi1>
          %reduce_sum3A_766 = tpu.scan <sum>, %add3A_761 masked %reduce_sum3A_765 : vector<16xf32>, vector<16xi1> -> vector<16xf32>
          %reduce_sum3A_767 = vector.extract %reduce_sum3A_766[15] : f32 from vector<16xf32>
          %jit3A_768 = arith.constant 0.000000e+00 : f32
          %broadcast_in_dim3A_769 = vector.broadcast %reduce_sum3A_767 : f32 to vector<16xf32>
          %broadcast_in_dim3A_770 = vector.broadcast %jit3A_768 : f32 to vector<16xf32>
          %select_n3A_771 = arith.select %eq3A_763, %broadcast_in_dim3A_769, %broadcast_in_dim3A_770 : vector<16xi1>, vector<16xf32>
          %add3A_772 = arith.addf %add3A_680, %select_n3A_771 : vector<16xf32>
          %mul3A_773 = arith.constant 8 : i32
          %mul3A_774 = arith.muli %scan3A_224, %mul3A_773 : i32
          %add3A_775 = arith.constant 6 : i32
          %add3A_776 = arith.addi %mul3A_774, %add3A_775 : i32
          %mul3A_777 = arith.constant 16 : i32
          %mul3A_778 = arith.muli %scan3A_199, %mul3A_777 : i32
          %add3A_779 = arith.addi %mul3A_778, %add3A_776 : i32
          %broadcast_in_dim3A_780 = arith.constant 0.000000e+00 : f32
          %broadcast_in_dim3A_781 = vector.broadcast %broadcast_in_dim3A_780 : f32 to vector<16xf32>
          %get3A_782 = arith.index_cast %add3A_779 : i32 to index
          %get3A_783 = arith.constant 0 : index
          %get3A_784 = tpu.vector_load %arg19[%get3A_782, %get3A_783] {strides = array<i32>} : memref<128x128xf32, #tpu.memory_space<vmem>>, vector<16xf32>,
          %get3A_785 = arith.index_cast %add3A_779 : i32 to index
          %get3A_786 = arith.constant 0 : index
          %get3A_787 = tpu.vector_load %arg21[%get3A_785, %get3A_786] {strides = array<i32>} : memref<128x128xf32, #tpu.memory_space<vmem>>, vector<16xf32>,
          %sub3A_788 = arith.subf %get3A_784, %get3A_787 : vector<16xf32>
          %mul3A_789 = arith.mulf %sub3A_788, %sub3A_788 : vector<16xf32>
          %add3A_790 = arith.addf %broadcast_in_dim3A_781, %mul3A_789 : vector<16xf32>
          %get3A_791 = arith.index_cast %add3A_779 : i32 to index
          %get3A_792 = arith.constant 16 : index
          %get3A_793 = tpu.vector_load %arg19[%get3A_791, %get3A_792] {strides = array<i32>} : memref<128x128xf32, #tpu.memory_space<vmem>>, vector<16xf32>,
          %get3A_794 = arith.index_cast %add3A_779 : i32 to index
          %get3A_795 = arith.constant 16 : index
          %get3A_796 = tpu.vector_load %arg21[%get3A_794, %get3A_795] {strides = array<i32>} : memref<128x128xf32, #tpu.memory_space<vmem>>, vector<16xf32>,
          %sub3A_797 = arith.subf %get3A_793, %get3A_796 : vector<16xf32>
          %mul3A_798 = arith.mulf %sub3A_797, %sub3A_797 : vector<16xf32>
          %add3A_799 = arith.addf %add3A_790, %mul3A_798 : vector<16xf32>
          %get3A_800 = arith.index_cast %add3A_779 : i32 to index
          %get3A_801 = arith.constant 32 : index
          %get3A_802 = tpu.vector_load %arg19[%get3A_800, %get3A_801] {strides = array<i32>} : memref<128x128xf32, #tpu.memory_space<vmem>>, vector<16xf32>,
          %get3A_803 = arith.index_cast %add3A_779 : i32 to index
          %get3A_804 = arith.constant 32 : index
          %get3A_805 = tpu.vector_load %arg21[%get3A_803, %get3A_804] {strides = array<i32>} : memref<128x128xf32, #tpu.memory_space<vmem>>, vector<16xf32>,
          %sub3A_806 = arith.subf %get3A_802, %get3A_805 : vector<16xf32>
          %mul3A_807 = arith.mulf %sub3A_806, %sub3A_806 : vector<16xf32>
          %add3A_808 = arith.addf %add3A_799, %mul3A_807 : vector<16xf32>
          %get3A_809 = arith.index_cast %add3A_779 : i32 to index
          %get3A_810 = arith.constant 48 : index
          %get3A_811 = tpu.vector_load %arg19[%get3A_809, %get3A_810] {strides = array<i32>} : memref<128x128xf32, #tpu.memory_space<vmem>>, vector<16xf32>,
          %get3A_812 = arith.index_cast %add3A_779 : i32 to index
          %get3A_813 = arith.constant 48 : index
          %get3A_814 = tpu.vector_load %arg21[%get3A_812, %get3A_813] {strides = array<i32>} : memref<128x128xf32, #tpu.memory_space<vmem>>, vector<16xf32>,
          %sub3A_815 = arith.subf %get3A_811, %get3A_814 : vector<16xf32>
          %mul3A_816 = arith.mulf %sub3A_815, %sub3A_815 : vector<16xf32>
          %add3A_817 = arith.addf %add3A_808, %mul3A_816 : vector<16xf32>
          %get3A_818 = arith.index_cast %add3A_779 : i32 to index
          %get3A_819 = arith.constant 64 : index
          %get3A_820 = tpu.vector_load %arg19[%get3A_818, %get3A_819] {strides = array<i32>} : memref<128x128xf32, #tpu.memory_space<vmem>>, vector<16xf32>,
          %get3A_821 = arith.index_cast %add3A_779 : i32 to index
          %get3A_822 = arith.constant 64 : index
          %get3A_823 = tpu.vector_load %arg21[%get3A_821, %get3A_822] {strides = array<i32>} : memref<128x128xf32, #tpu.memory_space<vmem>>, vector<16xf32>,
          %sub3A_824 = arith.subf %get3A_820, %get3A_823 : vector<16xf32>
          %mul3A_825 = arith.mulf %sub3A_824, %sub3A_824 : vector<16xf32>
          %add3A_826 = arith.addf %add3A_817, %mul3A_825 : vector<16xf32>
          %get3A_827 = arith.index_cast %add3A_779 : i32 to index
          %get3A_828 = arith.constant 80 : index
          %get3A_829 = tpu.vector_load %arg19[%get3A_827, %get3A_828] {strides = array<i32>} : memref<128x128xf32, #tpu.memory_space<vmem>>, vector<16xf32>,
          %get3A_830 = arith.index_cast %add3A_779 : i32 to index
          %get3A_831 = arith.constant 80 : index
          %get3A_832 = tpu.vector_load %arg21[%get3A_830, %get3A_831] {strides = array<i32>} : memref<128x128xf32, #tpu.memory_space<vmem>>, vector<16xf32>,
          %sub3A_833 = arith.subf %get3A_829, %get3A_832 : vector<16xf32>
          %mul3A_834 = arith.mulf %sub3A_833, %sub3A_833 : vector<16xf32>
          %add3A_835 = arith.addf %add3A_826, %mul3A_834 : vector<16xf32>
          %get3A_836 = arith.index_cast %add3A_779 : i32 to index
          %get3A_837 = arith.constant 96 : index
          %get3A_838 = tpu.vector_load %arg19[%get3A_836, %get3A_837] {strides = array<i32>} : memref<128x128xf32, #tpu.memory_space<vmem>>, vector<16xf32>,
          %get3A_839 = arith.index_cast %add3A_779 : i32 to index
          %get3A_840 = arith.constant 96 : index
          %get3A_841 = tpu.vector_load %arg21[%get3A_839, %get3A_840] {strides = array<i32>} : memref<128x128xf32, #tpu.memory_space<vmem>>, vector<16xf32>,
          %sub3A_842 = arith.subf %get3A_838, %get3A_841 : vector<16xf32>
          %mul3A_843 = arith.mulf %sub3A_842, %sub3A_842 : vector<16xf32>
          %add3A_844 = arith.addf %add3A_835, %mul3A_843 : vector<16xf32>
          %get3A_845 = arith.index_cast %add3A_779 : i32 to index
          %get3A_846 = arith.constant 112 : index
          %get3A_847 = tpu.vector_load %arg19[%get3A_845, %get3A_846] {strides = array<i32>} : memref<128x128xf32, #tpu.memory_space<vmem>>, vector<16xf32>,
          %get3A_848 = arith.index_cast %add3A_779 : i32 to index
          %get3A_849 = arith.constant 112 : index
          %get3A_850 = tpu.vector_load %arg21[%get3A_848, %get3A_849] {strides = array<i32>} : memref<128x128xf32, #tpu.memory_space<vmem>>, vector<16xf32>,
          %sub3A_851 = arith.subf %get3A_847, %get3A_850 : vector<16xf32>
          %mul3A_852 = arith.mulf %sub3A_851, %sub3A_851 : vector<16xf32>
          %add3A_853 = arith.addf %add3A_844, %mul3A_852 : vector<16xf32>
          %eq3A_854 = vector.broadcast %add3A_776 : i32 to vector<16xi32>
          %eq3A_855 = arith.cmpi eq, %iota3A, %eq3A_854 : vector<16xi32>
          %reduce_sum3A_856 = arith.constant true
          %reduce_sum3A_857 = vector.broadcast %reduce_sum3A_856 : i1 to vector<16xi1>
          %reduce_sum3A_858 = tpu.scan <sum>, %add3A_853 masked %reduce_sum3A_857 : vector<16xf32>, vector<16xi1> -> vector<16xf32>
          %reduce_sum3A_859 = vector.extract %reduce_sum3A_858[15] : f32 from vector<16xf32>
          %jit3A_860 = arith.constant 0.000000e+00 : f32
          %broadcast_in_dim3A_861 = vector.broadcast %reduce_sum3A_859 : f32 to vector<16xf32>
          %broadcast_in_dim3A_862 = vector.broadcast %jit3A_860 : f32 to vector<16xf32>
          %select_n3A_863 = arith.select %eq3A_855, %broadcast_in_dim3A_861, %broadcast_in_dim3A_862 : vector<16xi1>, vector<16xf32>
          %add3A_864 = arith.addf %add3A_772, %select_n3A_863 : vector<16xf32>
          %mul3A_865 = arith.constant 8 : i32
          %mul3A_866 = arith.muli %scan3A_224, %mul3A_865 : i32
          %add3A_867 = arith.constant 7 : i32
          %add3A_868 = arith.addi %mul3A_866, %add3A_867 : i32
          %mul3A_869 = arith.constant 16 : i32
          %mul3A_870 = arith.muli %scan3A_199, %mul3A_869 : i32
          %add3A_871 = arith.addi %mul3A_870, %add3A_868 : i32
          %broadcast_in_dim3A_872 = arith.constant 0.000000e+00 : f32
          %broadcast_in_dim3A_873 = vector.broadcast %broadcast_in_dim3A_872 : f32 to vector<16xf32>
          %get3A_874 = arith.index_cast %add3A_871 : i32 to index
          %get3A_875 = arith.constant 0 : index
          %get3A_876 = tpu.vector_load %arg19[%get3A_874, %get3A_875] {strides = array<i32>} : memref<128x128xf32, #tpu.memory_space<vmem>>, vector<16xf32>,
          %get3A_877 = arith.index_cast %add3A_871 : i32 to index
          %get3A_878 = arith.constant 0 : index
          %get3A_879 = tpu.vector_load %arg21[%get3A_877, %get3A_878] {strides = array<i32>} : memref<128x128xf32, #tpu.memory_space<vmem>>, vector<16xf32>,
          %sub3A_880 = arith.subf %get3A_876, %get3A_879 : vector<16xf32>
          %mul3A_881 = arith.mulf %sub3A_880, %sub3A_880 : vector<16xf32>
          %add3A_882 = arith.addf %broadcast_in_dim3A_873, %mul3A_881 : vector<16xf32>
          %get3A_883 = arith.index_cast %add3A_871 : i32 to index
          %get3A_884 = arith.constant 16 : index
          %get3A_885 = tpu.vector_load %arg19[%get3A_883, %get3A_884] {strides = array<i32>} : memref<128x128xf32, #tpu.memory_space<vmem>>, vector<16xf32>,
          %get3A_886 = arith.index_cast %add3A_871 : i32 to index
          %get3A_887 = arith.constant 16 : index
          %get3A_888 = tpu.vector_load %arg21[%get3A_886, %get3A_887] {strides = array<i32>} : memref<128x128xf32, #tpu.memory_space<vmem>>, vector<16xf32>,
          %sub3A_889 = arith.subf %get3A_885, %get3A_888 : vector<16xf32>
          %mul3A_890 = arith.mulf %sub3A_889, %sub3A_889 : vector<16xf32>
          %add3A_891 = arith.addf %add3A_882, %mul3A_890 : vector<16xf32>
          %get3A_892 = arith.index_cast %add3A_871 : i32 to index
          %get3A_893 = arith.constant 32 : index
          %get3A_894 = tpu.vector_load %arg19[%get3A_892, %get3A_893] {strides = array<i32>} : memref<128x128xf32, #tpu.memory_space<vmem>>, vector<16xf32>,
          %get3A_895 = arith.index_cast %add3A_871 : i32 to index
          %get3A_896 = arith.constant 32 : index
          %get3A_897 = tpu.vector_load %arg21[%get3A_895, %get3A_896] {strides = array<i32>} : memref<128x128xf32, #tpu.memory_space<vmem>>, vector<16xf32>,
          %sub3A_898 = arith.subf %get3A_894, %get3A_897 : vector<16xf32>
          %mul3A_899 = arith.mulf %sub3A_898, %sub3A_898 : vector<16xf32>
          %add3A_900 = arith.addf %add3A_891, %mul3A_899 : vector<16xf32>
          %get3A_901 = arith.index_cast %add3A_871 : i32 to index
          %get3A_902 = arith.constant 48 : index
          %get3A_903 = tpu.vector_load %arg19[%get3A_901, %get3A_902] {strides = array<i32>} : memref<128x128xf32, #tpu.memory_space<vmem>>, vector<16xf32>,
          %get3A_904 = arith.index_cast %add3A_871 : i32 to index
          %get3A_905 = arith.constant 48 : index
          %get3A_906 = tpu.vector_load %arg21[%get3A_904, %get3A_905] {strides = array<i32>} : memref<128x128xf32, #tpu.memory_space<vmem>>, vector<16xf32>,
          %sub3A_907 = arith.subf %get3A_903, %get3A_906 : vector<16xf32>
          %mul3A_908 = arith.mulf %sub3A_907, %sub3A_907 : vector<16xf32>
          %add3A_909 = arith.addf %add3A_900, %mul3A_908 : vector<16xf32>
          %get3A_910 = arith.index_cast %add3A_871 : i32 to index
          %get3A_911 = arith.constant 64 : index
          %get3A_912 = tpu.vector_load %arg19[%get3A_910, %get3A_911] {strides = array<i32>} : memref<128x128xf32, #tpu.memory_space<vmem>>, vector<16xf32>,
          %get3A_913 = arith.index_cast %add3A_871 : i32 to index
          %get3A_914 = arith.constant 64 : index
          %get3A_915 = tpu.vector_load %arg21[%get3A_913, %get3A_914] {strides = array<i32>} : memref<128x128xf32, #tpu.memory_space<vmem>>, vector<16xf32>,
          %sub3A_916 = arith.subf %get3A_912, %get3A_915 : vector<16xf32>
          %mul3A_917 = arith.mulf %sub3A_916, %sub3A_916 : vector<16xf32>
          %add3A_918 = arith.addf %add3A_909, %mul3A_917 : vector<16xf32>
          %get3A_919 = arith.index_cast %add3A_871 : i32 to index
          %get3A_920 = arith.constant 80 : index
          %get3A_921 = tpu.vector_load %arg19[%get3A_919, %get3A_920] {strides = array<i32>} : memref<128x128xf32, #tpu.memory_space<vmem>>, vector<16xf32>,
          %get3A_922 = arith.index_cast %add3A_871 : i32 to index
          %get3A_923 = arith.constant 80 : index
          %get3A_924 = tpu.vector_load %arg21[%get3A_922, %get3A_923] {strides = array<i32>} : memref<128x128xf32, #tpu.memory_space<vmem>>, vector<16xf32>,
          %sub3A_925 = arith.subf %get3A_921, %get3A_924 : vector<16xf32>
          %mul3A_926 = arith.mulf %sub3A_925, %sub3A_925 : vector<16xf32>
          %add3A_927 = arith.addf %add3A_918, %mul3A_926 : vector<16xf32>
          %get3A_928 = arith.index_cast %add3A_871 : i32 to index
          %get3A_929 = arith.constant 96 : index
          %get3A_930 = tpu.vector_load %arg19[%get3A_928, %get3A_929] {strides = array<i32>} : memref<128x128xf32, #tpu.memory_space<vmem>>, vector<16xf32>,
          %get3A_931 = arith.index_cast %add3A_871 : i32 to index
          %get3A_932 = arith.constant 96 : index
          %get3A_933 = tpu.vector_load %arg21[%get3A_931, %get3A_932] {strides = array<i32>} : memref<128x128xf32, #tpu.memory_space<vmem>>, vector<16xf32>,
          %sub3A_934 = arith.subf %get3A_930, %get3A_933 : vector<16xf32>
          %mul3A_935 = arith.mulf %sub3A_934, %sub3A_934 : vector<16xf32>
          %add3A_936 = arith.addf %add3A_927, %mul3A_935 : vector<16xf32>
          %get3A_937 = arith.index_cast %add3A_871 : i32 to index
          %get3A_938 = arith.constant 112 : index
          %get3A_939 = tpu.vector_load %arg19[%get3A_937, %get3A_938] {strides = array<i32>} : memref<128x128xf32, #tpu.memory_space<vmem>>, vector<16xf32>,
          %get3A_940 = arith.index_cast %add3A_871 : i32 to index
          %get3A_941 = arith.constant 112 : index
          %get3A_942 = tpu.vector_load %arg21[%get3A_940, %get3A_941] {strides = array<i32>} : memref<128x128xf32, #tpu.memory_space<vmem>>, vector<16xf32>,
          %sub3A_943 = arith.subf %get3A_939, %get3A_942 : vector<16xf32>
          %mul3A_944 = arith.mulf %sub3A_943, %sub3A_943 : vector<16xf32>
          %add3A_945 = arith.addf %add3A_936, %mul3A_944 : vector<16xf32>
          %eq3A_946 = vector.broadcast %add3A_868 : i32 to vector<16xi32>
          %eq3A_947 = arith.cmpi eq, %iota3A, %eq3A_946 : vector<16xi32>
          %reduce_sum3A_948 = arith.constant true
          %reduce_sum3A_949 = vector.broadcast %reduce_sum3A_948 : i1 to vector<16xi1>
          %reduce_sum3A_950 = tpu.scan <sum>, %add3A_945 masked %reduce_sum3A_949 : vector<16xf32>, vector<16xi1> -> vector<16xf32>
          %reduce_sum3A_951 = vector.extract %reduce_sum3A_950[15] : f32 from vector<16xf32>
          %jit3A_952 = arith.constant 0.000000e+00 : f32
          %broadcast_in_dim3A_953 = vector.broadcast %reduce_sum3A_951 : f32 to vector<16xf32>
          %broadcast_in_dim3A_954 = vector.broadcast %jit3A_952 : f32 to vector<16xf32>
          %select_n3A_955 = arith.select %eq3A_947, %broadcast_in_dim3A_953, %broadcast_in_dim3A_954 : vector<16xi1>, vector<16xf32>
          %add3A_956 = arith.addf %add3A_864, %select_n3A_955 : vector<16xf32>
          scf.yield %add3A_956 : vector<16xf32>
        }
        %scan3A_207 = arith.constant 2 : i32
        %mul3A_208 = arith.constant 128 : i32
        %mul3A_209 = arith.muli %add3A_188, %mul3A_208 : i32
        %mul3A_210 = arith.constant 16 : i32
        %mul3A_211 = arith.muli %scan3A_199, %mul3A_210 : i32
        %add3A_212 = arith.addi %mul3A_209, %mul3A_211 : i32
        %get3A_213 = arith.index_cast %add3A_212 : i32 to index
        %get3A_214 = tpu.vector_load %arg23[%get3A_213] {strides = array<i32>} : memref<4096xf32, #tpu.memory_space<vmem>>, vector<16xf32>,
        %get3A_215 = arith.constant 0 : index
        %get3A_216 = tpu.vector_load %arg27[%get3A_215] {strides = array<i32>} : memref<16xf32, #tpu.memory_space<vmem>>, vector<16xf32>,
        %mul3A_217 = arith.mulf %get3A_25, %get3A_23 : vector<16xf32>
        %mul3A_218 = arith.mulf %mul3A_217, %get3A_214 : vector<16xf32>
        %mul3A_219 = arith.mulf %mul3A_218, %scan3A_206 : vector<16xf32>
        %add3A_220 = arith.addf %get3A_23, %scan3A_206 : vector<16xf32>
        %div3A = arith.divf %mul3A_219, %add3A_220 : vector<16xf32>
        %add3A_221 = arith.addf %get3A_216, %div3A : vector<16xf32>
        %swap3A_222 = arith.constant 0 : index
        %swap3A_223 = tpu.vector_load %arg27[%swap3A_222] {strides = array<i32>} : memref<16xf32, #tpu.memory_space<vmem>>, vector<16xf32>,
        tpu.vector_store %arg27[%swap3A_222], %add3A_221 {strides = array<i32>} : memref<16xf32, #tpu.memory_space<vmem>>, vector<16xf32>,
      }
      %scan3A_193 = arith.constant 8 : i32
      %lt3A_194 = arith.constant 15 : i32
      %lt3A_195 = arith.cmpi slt, %scan3A_157, %lt3A_194 : i32
      %convert_element_type3A_196 = arith.extui %lt3A_195 : i1 to i32
      %cond3A_197 = arith.constant 0 : i32
      %cond3A_198 = arith.cmpi ne, %convert_element_type3A_196, %cond3A_197 : i32
      scf.if %cond3A_198 {
        %add3A_199 = arith.constant 3 : i32
        %add3A_200 = arith.addi %mul3A_159, %add3A_199 : i32
        %mul3A_201 = arith.constant 128 : i32
        %mul3A_202 = arith.muli %add3A_200, %mul3A_201 : i32
        %dma_start3A_203 = tpu.memref_slice %arg16[%mul3A_202] : memref<4096xi32, #tpu.memory_space<vmem>> -> memref<128xi32, #tpu.memory_space<vmem>>
        %dma_start3A_204 = arith.constant 0 : i32
        %dma_start3A_205 = arith.constant 0 : i32
        %dma_start3A_206 = tpu.memref_slice %arg2[%dma_start3A_204, %dma_start3A_205] : memref<100000x128xf32, #tpu.memory_space<hbm>> -> memref<100000x128xf32, #tpu.memory_space<hbm>>
        tpu.enqueue_indirect_dma source(%dma_start3A_206 : memref<100000x128xf32, #tpu.memory_space<hbm>>) target(%arg19 : memref<128x128xf32, #tpu.memory_space<vmem>>) offsets(%dma_start3A_203 : memref<128xi32, #tpu.memory_space<vmem>>) semaphore(%arg29 : memref<!tpu.dma_semaphore, #tpu.memory_space<semaphore_mem>>)
        %mul3A_207 = arith.constant 128 : i32
        %mul3A_208 = arith.muli %add3A_200, %mul3A_207 : i32
        %dma_start3A_209 = tpu.memref_slice %arg17[%mul3A_208] : memref<4096xi32, #tpu.memory_space<vmem>> -> memref<128xi32, #tpu.memory_space<vmem>>
        %dma_start3A_210 = arith.constant 0 : i32
        %dma_start3A_211 = arith.constant 0 : i32
        %dma_start3A_212 = tpu.memref_slice %arg2[%dma_start3A_210, %dma_start3A_211] : memref<100000x128xf32, #tpu.memory_space<hbm>> -> memref<100000x128xf32, #tpu.memory_space<hbm>>
        tpu.enqueue_indirect_dma source(%dma_start3A_212 : memref<100000x128xf32, #tpu.memory_space<hbm>>) target(%arg21 : memref<128x128xf32, #tpu.memory_space<vmem>>) offsets(%dma_start3A_209 : memref<128xi32, #tpu.memory_space<vmem>>) semaphore(%arg31 : memref<!tpu.dma_semaphore, #tpu.memory_space<semaphore_mem>>)
      } else {
      }
    }
    %scan3A_154 = arith.constant 16 : i32
    %mul3A_155 = arith.constant 16 : i32
    %mul3A_156 = arith.muli %add3A, %mul3A_155 : i32
    "tpu.region"() ({
      %run_scoped3A = tpu.sem_alloc : memref<!tpu.dma_semaphore, #tpu.memory_space<semaphore_mem>>
      %dma_start3A_157 = tpu.memref_slice %arg12[%mul3A_156] : memref<512xf32, #tpu.memory_space<hbm>> -> memref<16xf32, #tpu.memory_space<hbm>>
      %dma_start3A_158 = tpu.memref_slice %arg12[%mul3A_156] : memref<512xf32, #tpu.memory_space<hbm>> -> memref<16xf32, #tpu.memory_space<hbm>>
      tpu.enqueue_dma source(%arg27 : memref<16xf32, #tpu.memory_space<vmem>>) target(%dma_start3A_158 : memref<16xf32, #tpu.memory_space<hbm>>) target_semaphore(%run_scoped3A : memref<!tpu.dma_semaphore, #tpu.memory_space<semaphore_mem>>)
      %dma_wait3A_159 = tpu.memref_slice %arg12[%mul3A_156] : memref<512xf32, #tpu.memory_space<hbm>> -> memref<16xf32, #tpu.memory_space<hbm>>
      %dma_wait3A_160 = tpu.memref_slice %arg12[%mul3A_156] : memref<512xf32, #tpu.memory_space<hbm>> -> memref<16xf32, #tpu.memory_space<hbm>>
      tpu.wait_dma2 semaphore(%run_scoped3A : memref<!tpu.dma_semaphore, #tpu.memory_space<semaphore_mem>>) src(%arg27 : memref<16xf32, #tpu.memory_space<vmem>>) dst(%dma_wait3A_160 : memref<16xf32, #tpu.memory_space<hbm>>)
      tpu.yield
    }) : () -> ()
    return
  }
}

</mosaic_0001>

<sc_bundles>
// kernel: kernel.3.cloned.1.call-start
scs
__scs_entry_jumppad:
0x0: {  	(pc) =	sbr.rel $0x88, $3  }
0x1: {  	(tag) =	ssettag $0x0;
	lr =	simm.s32 $0x1  }
0x2: {  	[smem:$0x3F98] =	sst lr;
	_ =	strace $0xD0000000  }
0x3: {  	_ = 	snop  }
0x4: {  	_ = 	snop  }
0x5: {  	_ = 	snop  }
0x6: {  	_ = 	snop  }
0x7: {  	_ = 	snop  }
__scs_overlays_trampoline_lowered:
0x8: {  	[smem:$0x3FA7] =	sst s0  }
0x9: {  	[smem:$0x3FA8] =	sst s1  }
0xa: {  	[smem:$0x3FA9] =	sst s2  }
0xb: {  	[smem:$0x3FAA] =	sst s3  }
0xc: {  	[smem:$0x3FAB] =	sst s4  }
0xd: {  	[smem:$0x3FAC] =	sst s5  }
0xe: {  	[smem:$0x3FAD] =	sst s6  }
0xf: {  	[smem:$0x3FAE] =	sst s7  }
0x10: {  	[smem:$0x3FAF] =	sst s8  }
0x11: {  	[smem:$0x3FB0] =	sst s9;
	s0 =	simm.s32 @!p0 $0x0  }
0x12: {  	s1 =	sld [smem:$0x3F96];
	s0 =	simm.s32 @p0 $0x1  }
0x13: {  	[smem:$0x3FB1] =	sst s0;
	s0 =	simm.s32 @!p1 $0x0  }
0x14: {  	s2 =	sld [smem:$0x3F95];
	s0 =	simm.s32 @p1 $0x1  }
0x15: {  	[smem:$0x3FB2] =	sst s0;
	s0 =	simm.s32 @!p2 $0x0  }
0x16: {  	s3 =	sld [smem:$0x3FDB];
	s0 =	simm.s32 @p2 $0x1  }
0x17: {  	s4 =	simm.s32 $0x1BF5;
	[smem:$0x3FB4] =	sst s0  }
0x18: {  	s0 =	sld [smem:$0x3F97];
	_ =	swait.ge [sflag:s4], $0x0  }
0x19: {  	s7 =	sld [smem:$0x3F98]  }
0x1a: {  	s8 =	sadd.s32 $0xFFFFE003, lr  }
0x1b: {  	s9 =	sadd.s32 $0xFFFFFEF7, lr;
	s5 =	simm.s32 $0xFFFFFFFF;
	p2 =	slt.u32 s8, $0xFFFFF086  }
0x1c: {  	p1 =	slt.u32 s9, $0xF7A;
	s5 =	simm.s32 @!p2 $0x0  }
0x1d: {  	s5 =	simm.s32 @p1 $0x1;
	p0 =	seq.s32 s7, s2  }
0x1e: {  	s7 =	smul.u32 @!p0 $0xF7A, s2;
	p2 =	seq.s32 @!p0 s5, $0x0  }
0x1f: {  	s9 =	smul.u32 $0xF7A, s1;
	s8 =	simm.s32 @!p0 $0x1BF5;
	p2 =	por !p2, p0  }
0x20: {  	[sflag:s8] =	ssyncset.s32 @!p0 $0xFFFFF086;
	s6 =	sadd.s32 @!p0 s3, s7;
	s7 =	simm.s32 @!p0 $0x108  }
0x21: {  	s3 =	sadd.s32 s3, s9;
	s6 =	sadd.s32 @!p0 $0x88, s6;
	s7 =	simm.s32 @p2 $0x1082  }
0x22: {  	[simem:s7], [sflag:s8] =	dma.local @!p0 [hbm:s6], $0xF7A  }
0x23: {  	s9 =	sor.u32 $0xD0000000, s2;
	s6 =	simm.s32 $0x108;
	_ =	swait.ge @!p0 [sflag:s8], $0x0  }
0x24: {  	s3 =	sadd.s32 $0x88, s3;
	s6 =	simm.s32 @!p1 $0x1082;
	[sflag:s4] =	ssyncset.s32 $0xFFFFF086  }
0x25: {  	[simem:s6], [sflag:s4] =	dma.local [hbm:s3], $0xF7A  }
0x26: {  	[smem:$0x3F98] =	sst s1;
	(tag) =	ssettag s2;
	_ =	strace s9  }
0x27: {  	s1 =	sld [smem:$0x3FA8]  }
0x28: {  	s2 =	sld [smem:$0x3FA9]  }
0x29: {  	s4 =	sld [smem:$0x3FAB]  }
0x2a: {  	p0 =	seq.s32 s5, $0x0;
	s5 =	sld [smem:$0x3FAC]  }
0x2b: {  	s6 =	sld [smem:$0x3FAD]  }
0x2c: {  	s7 =	sld [smem:$0x3FAE]  }
0x2d: {  	s3 =	simm.s32 $0x108;
	s8 =	sld [smem:$0x3FAF]  }
0x2e: {  	s3 =	simm.s32 @!p0 $0x1082;
	s9 =	sld [smem:$0x3FB0]  }
0x2f: {  	lr =	sadd.s32 s0, s3;
	s0 =	sld [smem:$0x3FA7]  }
0x30: {  	s3 =	sld [smem:$0x3FAA]  }
0x31: {  	[smem:$0x3FB3] =	sst s10  }
0x32: {  	s10 =	sld [smem:$0x3FB1];
	_ =	sdelay $0x3  }
0x33: {  	p0 =	seq.s32 s10, $0x1;
	s10 =	sld [smem:$0x3FB3];
	_ =	sdelay $0x3  }
0x34: {  	[smem:$0x3FB3] =	sst s10  }
0x35: {  	s10 =	sld [smem:$0x3FB2];
	_ =	sdelay $0x3  }
0x36: {  	p1 =	seq.s32 s10, $0x1;
	s10 =	sld [smem:$0x3FB3];
	_ =	sdelay $0x3  }
0x37: {  	[smem:$0x3FB3] =	sst s10  }
0x38: {  	s10 =	sld [smem:$0x3FB4]  }
0x39: {  	_ = 	snop;
	(pc) =	sbr.ind lr, $3  }
0x3a: {  	_ = 	snop  }
0x3b: {  	_ = 	snop  }
0x3c: {  	p2 =	seq.s32 s10, $0x1;
	s10 =	sld [smem:$0x3FB3]  }
0x3d: {  	_ =	shalt  }
0x3e: {  	_ =	shalt  }
0x3f: {  	_ =	shalt  }
0x40: {  	_ =	shalt  }
0x41: {  	_ =	shalt  }
0x42: {  	_ =	shalt  }
0x43: {  	_ =	shalt  }
0x44: {  	_ =	shalt  }
0x45: {  	_ =	shalt  }
0x46: {  	_ =	shalt  }
0x47: {  	_ =	shalt  }
0x48: {  	_ =	shalt  }
0x49: {  	_ =	shalt  }
0x4a: {  	_ =	shalt  }
0x4b: {  	_ =	shalt  }
0x4c: {  	_ =	shalt  }
0x4d: {  	_ =	shalt  }
0x4e: {  	_ =	shalt  }
0x4f: {  	_ =	shalt  }
0x50: {  	_ =	shalt  }
0x51: {  	_ =	shalt  }
0x52: {  	_ =	shalt  }
0x53: {  	_ =	shalt  }
0x54: {  	_ =	shalt  }
0x55: {  	_ =	shalt  }
0x56: {  	_ =	shalt  }
0x57: {  	_ =	shalt  }
0x58: {  	_ =	shalt  }
0x59: {  	_ =	shalt  }
0x5a: {  	_ =	shalt  }
0x5b: {  	_ =	shalt  }
0x5c: {  	_ =	shalt  }
0x5d: {  	_ =	shalt  }
0x5e: {  	_ =	shalt  }
0x5f: {  	_ =	shalt  }
0x60: {  	_ =	shalt  }
0x61: {  	_ =	shalt  }
0x62: {  	_ =	shalt  }
0x63: {  	_ =	shalt  }
0x64: {  	_ =	shalt  }
0x65: {  	_ =	shalt  }
0x66: {  	_ =	shalt  }
0x67: {  	_ =	shalt  }
0x68: {  	_ =	shalt  }
0x69: {  	_ =	shalt  }
0x6a: {  	_ =	shalt  }
0x6b: {  	_ =	shalt  }
0x6c: {  	_ =	shalt  }
0x6d: {  	_ =	shalt  }
0x6e: {  	_ =	shalt  }
0x6f: {  	_ =	shalt  }
0x70: {  	_ =	shalt  }
0x71: {  	_ =	shalt  }
0x72: {  	_ =	shalt  }
0x73: {  	_ =	shalt  }
0x74: {  	_ =	shalt  }
0x75: {  	_ =	shalt  }
0x76: {  	_ =	shalt  }
0x77: {  	_ =	shalt  }
0x78: {  	_ =	shalt  }
0x79: {  	_ =	shalt  }
0x7a: {  	_ =	shalt  }
0x7b: {  	_ =	shalt  }
0x7c: {  	_ =	shalt  }
0x7d: {  	_ =	shalt  }
0x7e: {  	_ =	shalt  }
0x7f: {  	_ =	shalt  }
0x80: {  	_ =	shalt  }
0x81: {  	_ =	shalt  }
0x82: {  	_ =	shalt  }
0x83: {  	_ =	shalt  }
0x84: {  	_ =	shalt  }
0x85: {  	_ =	shalt  }
0x86: {  	_ =	shalt  }
0x87: {  	_ =	shalt  }
.Lfunc_end0:
.L_simem_size_0:
called_computation_lowered:
.L_overlay_start_0:
0x88: {  	s2 =	sld [smem:$0x3FD9]  }
0x89: {  	s3 =	sld [smem:$0x3FFE];
	_ =	sdelay $0x1  }
0x8a: {  	s1 =	srdreg.scid  }
0x8b: {  	s0 =	sand.u32 $0x1, s1  }
0x8c: {  	s17 =	sshll.u32 s0, $0xA;
	s2 =	sadd.s32 s3, s2  }
0x8d: {  	s2 =	sadd.s32 s2, s17  }
0x8e: {  	[smem:$0x3FBF] =	sst s2  }
0x8f: {  	_ = 	snop  }
0x90: {  	s2 =	sld [smem:$0x3FC9]  }
0x91: {  	s18 =	sld [smem:$0x3FC8]  }
0x92: {  	s4 =	sld [smem:$0x3FC7]  }
0x93: {  	s5 =	sld [smem:$0x3FC5]  }
0x94: {  	s6 =	sld [smem:$0x3FC1]  }
0x95: {  	s7 =	sld [smem:$0x3FD0];
	(tm) =	ssettm $0x1  }
0x96: {  	s8 =	sld [smem:$0x3FFB];
	_ =	sdelay $0x3  }
0x97: {  	_ =	strace s8  }
0x98: {  	s8 =	sld [smem:$0x3FFC];
	_ =	sdelay $0x3  }
0x99: {  	_ =	strace s8  }
0x9a: {  	s8 =	sld [smem:$0x3FFD];
	_ =	sdelay $0x3  }
0x9b: {  	_ =	strace s8  }
0x9c: {  	_ =	strace $0x8FFFFFFF  }
0x9d: {  	s19 =	sld [smem:$0x3FDB];
	_ =	sdelay $0x1  }
0x9e: {  	s9 =	simm.s32 $_scs_section_size  }
0x9f: {  	s10 =	simm.s32 $_size__tile_overlayer_lowered;
	s11 =	simm.s32 $_tile_overlayer_lowered  }
0xa0: {  	s22 =	simm.s32 $0x1BFF;
	s21 =	sshll.u32 s11, $0x1;
	s8 =	sadd.s32 s9, s19  }
0xa1: {  	s12 =	simm.s32 $0x0;
	s20 =	sshll.u32 s10, $0x1;
	s10 =	sadd.s32 s21, s8  }
0xa2: {  	[timem:s12], [sflag:s22] =	dma.local [hbm:s10], s20  }
0xa3: {  	_ =	swait.ge [sflag:s22], s20  }
0xa4: {  	s9 =	ssub.s32 $0x0, s20;
	[sflag:s22] =	ssyncset.done $0x0  }
0xa5: {  	[sflag:s22] =	ssyncadd.s32 s9;
	_ =	sdelay $0x1  }
0xa6: {  	s23 =	simm.s32 $0x1B8B  }
0xa7: {  	_ =	swait.ge [sflag:s23], $0x1  }
0xa8: {  	[sflag:s23] =	ssyncset.done $0x0  }
0xa9: {  	s25 =	simm.s32 $0x1B8E;
	s24 =	sld [smem:$0x3FFE];
	[sflag:s23] =	ssyncadd.s32 $0xFFFFFFFF  }
0xaa: {  	s26 =	simm.s32 $execute0_lowered;
	[smem:$0x3FD2] =	sst s25  }
0xab: {  	s10 =	sshll.u32 s26, $0x1;
	_ =	strace $0x80000046;
	[dreg:$0x1] =	wrdreg $0xFFFFFFFF  }
0xac: {  	s28 =	simm.s32 $_size_execute0_lowered;
	s8 =	sadd.s32 s8, s10;
	[dreg:$0x0] =	wrdreg $0x0  }
0xad: {  	s10 =	sshll.u32 s28, $0x1;
	[dreg:$0x2] =	wrdreg s8  }
0xae: {  	[dreg:$0x3] =	wrdreg s10  }
0xaf: {  	[dreg:$0x4] =	wrdreg $0xC0  }
0xb0: {  	_ =	task [dreg:s12], $0x5FFFF  }
0xb1: {  	[dreg:$0x1] =	wrdreg $0xFFFFFFFF  }
0xb2: {  	[dreg:$0x0] =	wrdreg $0x60  }
0xb3: {  	[dreg:$0x2] =	wrdreg s6  }
0xb4: {  	[dreg:$0x3] =	wrdreg s2  }
0xb5: {  	[dreg:$0x4] =	wrdreg s18  }
0xb6: {  	[dreg:$0x5] =	wrdreg s4  }
0xb7: {  	[dreg:$0x6] =	wrdreg s24  }
0xb8: {  	[dreg:$0x7] =	wrdreg s5  }
0xb9: {  	[dreg:$0x8] =	wrdreg s7  }
0xba: {  	[dreg:$0x9] =	wrdreg $0x9  }
0xbb: {  	_ =	task.clear_ibuf [dreg:s12], $0xAFFFF;
	_ =	strace $0x90000046  }
0xbc: {  	s29 =	simm.s32 $0x9;
	_ =	strace $0x80000048  }
0xbd: {  	_ =	swait.ge [sflag:s29], $0x1  }
0xbe: {  	[sflag:s29] =	ssyncadd.s32 $0xFFFFFFFF  }
0xbf: {  	_ =	strace $0x90000048  }
0xc0: {  	_ =	sfence  }
0xc1: {  	s30 =	sld [smem:$0x0];
	_ =	sdelay $0x2  }
0xc2: {  	s31 =	sshll.u32 s1, $0xD;
	s1 =	sshrl.u32 s1, $0x2  }
0xc3: {  	s3 =	sand.u32 $0x4000, s31;
	s1 =	sadd.s32 s1, s30  }
0xc4: {  	s0 =	sor.u32 s3, s0;
	s1 =	sshll.u32 s1, $0x11  }
0xc5: {  	s0 =	sor.u32 s1, s0  }
0xc6: {  	s0 =	sadd.s32 $0x8F2B, s0  }
0xc7: {  	[sflag:s0] =	ssyncadd.remote.s32 $0x1  }
0xc8: {  	_ =	sfence.sel $0xFFFF  }
0xc9: {  	[dreg:$0x0] =	wrdreg $0xFFFFFFFF;
	(pc) =	sbr.abs _section_cstart, $3  }
0xca: {  	[dreg:$0x1] =	wrdreg $0xFFFFFFFF  }
0xcb: {  	_ =	task.clear_ibuf [dreg:s12], $0x2FFFF;
	_ =	strace $0x9FFFFFFF  }
0xcc: {  	(tm) =	ssettm $0x7FFFFFFF  }
0xcd: {  	_ =	shalt  }
tec
execute0_lowered:
.L_overlay_start_1:
0x0: {  	(tag) =	ssettag $0x1  }
0x1: {  	s0 =	rddreg [dreg:$0x0]  }
0x2: {  	s1 =	rddreg [dreg:$0x1]  }
0x3: {  	s2 =	rddreg [dreg:$0x2]  }
0x4: {  	s3 =	rddreg [dreg:$0x3]  }
0x5: {  	s4 =	rddreg [dreg:$0x4]  }
0x6: {  	s5 =	srdreg.scid;
	s6 =	stileid.u32;
	s28 =	simm.s32 $0x3  }
0x7: {  	s29 =	simm.s32 $0x4;
	s31 =	simm.s32 $0x5;
	s7 =	sand.u32 $0x1, s5  }
0x8: {  	s6 =	sshll.u32 s6, $0x1;
	s5 =	simm.s32 $0x0;
	s10 =	sadd.s32 $0x8200, s4  }
0x9: {  	s11 =	sadd.s32 $0x8400, s4;
	s8 =	sor.u32 s7, s6;
	[smem:$0x7FF] =	sst s5  }
0xa: {  	s7 =	ssub.s32 $0x2, s7;
	_ =	strace $0x80000047;
	[dreg:$0x8] =	wrdreg s10  }
0xb: {  	s6 =	sshll.u32 s8, $0x9;
	s18 =	sshll.u32 s8, $0x1;
	[dreg:$0x9] =	wrdreg s11  }
0xc: {  	s19 =	sshrl.u32 s7, $0x1;
	s21 =	sshll.u32 s8, $0x6;
	s22 =	sshll.u32 s8, $0xD  }
0xd: {  	s9 =	sadd.s32 s6, s4;
	s4 =	sadd.s32 s18, s4;
	s7 =	ssub.s32 s7, s19  }
0xe: {  	s2 =	sadd.s32 s2, s21;
	s3 =	sadd.s32 s3, s6;
	s23 =	sor.u32 $0x80, s6  }
0xf: {  	s15 =	sor.u32 $0x100, s6;
	s16 =	sor.u32 $0x180, s6;
	[dreg:$0xc] =	wrdreg s2  }
0x10: {  	s20 =	sadd.s32 $0x4200, s9;
	s9 =	sadd.s32 $0x200, s9;
	[dreg:$0xd] =	wrdreg s3  }
0x11: {  	s2 =	sadd.s32 s1, s22;
	[dreg:$0xf] =	wrdreg s23;
	s24 =	sshll.u32 s15, $0x4  }
0x12: {  	s25 =	sshll.u32 s16, $0x4;
	s26 =	sadd.s32 $0x8600, s4;
	[dreg:$0xa] =	wrdreg s20  }
0x13: {  	s30 =	smax.u32 s7, $0x1;
	s3 =	simm.s32 $0x80;
	[dreg:$0xb] =	wrdreg s9  }
0x14: {  	s4 =	simm.s32 $0x8000;
	s22 =	simm.s32 $0x10000;
	[dreg:$0xe] =	wrdreg s2  }
.Ltmp0:
0x15: {  	s2 =	sshll.u32 s23, $0x4;
	[dreg:$0x13] =	wrdreg s26;
	(pc) =	sbr.rel .LBB2_1-.Ltmp0, $4  }
0x16: {  	[dreg:$0x14] =	wrdreg s30;
	s26 =	simm.s32 $0x2;
	s2 =	sadd.s32 s1, s2  }
0x17: {  	s23 =	simm.s32 $0xC000;
	[dreg:$0x10] =	wrdreg s2;
	s2 =	sadd.s32 s1, s24  }
0x18: {  	s1 =	sadd.s32 s1, s25;
	s25 =	simm.s32 $0x1;
	[dreg:$0x11] =	wrdreg s2  }
0x19: {  	v1 =	vlaneseq.u32;
	s24 =	simm.s32 $0x14000;
	[dreg:$0x12] =	wrdreg s1;
	s2 =	simm.s32 $0x0  }
.LBB2_30:
0x1a: {  	s1 =	rddreg [dreg:$0x13];
	s7 =	simm.s32 $0x19380  }
0x1b: {  	[hbm4b:s1+s5] =	stream.linear.scatter [tilespmem:s7], [sflag:$0x5], $0x10, $0x38;
	[tilespmem:$0x19400] =	vst v63  }
0x1c: {  	_ =	swait.ge [sflag:s31], $0x10  }
0x1d: {  	s2 =	sadd.s32 $0x1, s2;
	s30 =	rddreg [dreg:$0x14]  }
0x1e: {  	p0 =	sne.s32 s2, s30  }
.Ltmp1:
0x1f: {  	_ = 	snop;
	(pc) =	sbr.rel @!p0 .LBB2_31-.Ltmp1, $3  }
0x20: {  	_ =	sdelay $0x1  }
0x21: {  	[sflag:s31] =	ssyncset.done $0x0  }
0x22: {  	v1 =	vlaneseq.u32;
	[sflag:s31] =	ssyncadd.s32 $0xFFFFFFF0  }
.LBB2_1:
0x23: {  	s1 =	rddreg [dreg:$0x5]  }
0x24: {  	[tilespmem:s5], [sflag:$0x1] =	stream.linear.gather [hbm4b:s1+s5], $0x4000, $0x38;
	[tilespmem:$0x19400] =	vst v63  }
0x25: {  	s30 =	rddreg [dreg:$0xa];
	s7 =	simm.s32 $0x4000  }
0x26: {  	[tilespmem:s7], [sflag:$0x2] =	stream.linear.gather [hbm4b:s30+s5], $0x1000, $0x38;
	[tilespmem:$0x19400] =	vst v63  }
0x27: {  	s8 =	rddreg [dreg:$0xb];
	s9 =	simm.s32 $0x5000  }
0x28: {  	[tilespmem:s9], [sflag:$0x3] =	stream.linear.gather [hbm4b:s8+s5], $0x1000, $0x38;
	[tilespmem:$0x19400] =	vst v63  }
0x29: {  	s10 =	rddreg [dreg:$0xc];
	s11 =	simm.s32 $0x18000  }
0x2a: {  	[tilespmem:s11], [sflag:$0x4] =	stream.linear.gather [hbm4b:s10+s5], $0x200, $0x38;
	[tilespmem:$0x19400] =	vst v63  }
0x2b: {  	_ =	swait.ge [sflag:s25], $0x4000  }
0x2c: {  	[sflag:s25] =	ssyncset.done $0x0  }
0x2d: {  	[sflag:s25] =	ssyncadd.s32 $0xFFFFC000  }
0x2e: {  	_ =	swait.ge [sflag:s26], $0x1000  }
0x2f: {  	[sflag:s26] =	ssyncset.done $0x0  }
0x30: {  	[sflag:s26] =	ssyncadd.s32 $0xFFFFF000  }
0x31: {  	_ =	swait.ge [sflag:s28], $0x1000  }
0x32: {  	[sflag:s28] =	ssyncset.done $0x0  }
0x33: {  	[sflag:s28] =	ssyncadd.s32 $0xFFFFF000  }
0x34: {  	_ =	swait.ge [sflag:s29], $0x200  }
0x35: {  	[sflag:s29] =	ssyncset.done $0x0  }
0x36: {  	s13 =	simm.s32 $0x18200;
	s12 =	rddreg [dreg:$0xd];
	[sflag:s29] =	ssyncadd.s32 $0xFFFFFE00  }
0x37: {  	[tilespmem:s13], [sflag:$0x1] =	stream.linear.gather [hbm4b:s12+s5], $0x1000, $0x38;
	[tilespmem:$0x19400] =	vst v63  }
0x38: {  	s17 =	simm.s32 $0x19200;
	s14 =	rddreg [dreg:$0x6]  }
0x39: {  	[tilespmem:s17], [sflag:$0x2] =	stream.linear.gather [hbm4b:s14+s5], $0x80, $0x38;
	[tilespmem:$0x19400] =	vst v63  }
0x3a: {  	s19 =	simm.s32 $0x19280;
	s18 =	rddreg [dreg:$0x8]  }
0x3b: {  	[tilespmem:s19], [sflag:$0x3] =	stream.linear.gather [hbm4b:s18+s5], $0x80, $0x38;
	[tilespmem:$0x19400] =	vst v63  }
0x3c: {  	s21 =	simm.s32 $0x19300;
	s20 =	rddreg [dreg:$0x9]  }
0x3d: {  	[tilespmem:s21], [sflag:$0x4] =	stream.linear.gather [hbm4b:s20+s5], $0x80, $0x38;
	[tilespmem:$0x19400] =	vst v63  }
0x3e: {  	_ =	swait.ge [sflag:s25], $0x1000  }
0x3f: {  	[sflag:s25] =	ssyncset.done $0x0  }
0x40: {  	[sflag:s25] =	ssyncadd.s32 $0xFFFFF000  }
0x41: {  	_ =	swait.ge [sflag:s26], $0x80  }
0x42: {  	[sflag:s26] =	ssyncset.done $0x0  }
0x43: {  	[sflag:s26] =	ssyncadd.s32 $0xFFFFFF80  }
0x44: {  	_ =	swait.ge [sflag:s28], $0x80  }
0x45: {  	[sflag:s28] =	ssyncset.done $0x0  }
0x46: {  	[sflag:s28] =	ssyncadd.s32 $0xFFFFFF80  }
0x47: {  	_ =	swait.ge [sflag:s29], $0x80  }
0x48: {  	[sflag:s29] =	ssyncset.done $0x0  }
0x49: {  	[sflag:s29] =	ssyncadd.s32 $0xFFFFFF80  }
0x4a: {  	v0 =	vld [tilespmem:$0x19200];
	_ =	sdelay $0x4  }
0x4b: {  	[tilespmem:$0x1FFD0] =	vst v0;
	v0 =	vld [tilespmem:$0x19280];
	_ =	sdelay $0x4  }
0x4c: {  	[tilespmem:$0x1FFE0] =	vst v0;
	v0 =	vimm.f32 $0.0e+00  }
0x4d: {  	[tilespmem:$0x19380] =	vst v0  }
0x4e: {  	v0 =	vld [tilespmem:$0x19300];
	[tilespmem:s4], [sflag:$0x1] =	stream.indirect.gather [hbm4b:s0+s3], $0x80, s6, s3, $0xb8  }
0x4f: {  	s1 =	simm.s32 $0x0;
	s30 =	rddreg [dreg:$0xe]  }
0x50: {  	[tilespmem:s22], [sflag:$0x3] =	stream.linear.gather [hbm4b:s30+s5], $0x4000, $0x38;
	[tilespmem:$0x19400] =	vst v63  }
0x51: {  	v6 =	vld [tilespmem:s1+$0x4000];
	_ =	sdelay $0x5  }
0x52: {  	v5 =	vld [tilespmem:s1+$0x5000];
	_ =	sdelay $0x1  }
0x53: {  	v6 =	vld.idx.msk [tilespmem:v6+s5+$0x0], $0xffff;
	_ =	sdelay $0x3  }
0x54: {  	s7 =	simm.s32 $0x10;
	s8 =	simm.s32 $0x80;
	[tilespmem:$0x1FFF0] =	vst v0  }
.LBB2_2:
0x55: {  	p0 =	sne.s32 s8, $0x3FC0;
	v7 =	vld [tilespmem:s7+$0x4000];
	[tilespmem:s1+$0x6000] =	vst v6  }
0x56: {  	v6 =	vld.idx.msk [tilespmem:v5+s5+$0x0], $0xffff;
	_ =	sdelay $0x5  }
0x57: {  	v5 =	vld [tilespmem:s7+$0x5000];
	[tilespmem:s1+$0x7000] =	vst v6;
	s1 =	smov.u32 s7  }
0x58: {  	v6 =	vld.idx.msk [tilespmem:v7+s5+$0x0], $0xffff  }
.Ltmp2:
0x59: {  	(pc) =	sbr.rel @p0 .LBB2_2-.Ltmp2, $2  }
0x5a: {  	_ =	sdelay $0x2  }
0x5b: {  	s7 =	sshra.s32 s8, $0x2;
	s8 =	sadd.s32 $0x40, s8  }
0x5c: {  	_ =	sdelay $0x1  }
0x5d: {  	v7 =	vld [tilespmem:s7+$0x4000]  }
0x5e: {  	[tilespmem:s1+$0x6000] =	vst v6  }
0x5f: {  	v5 =	vld.idx.msk [tilespmem:v5+s5+$0x0], $0xffff;
	_ =	sdelay $0x3  }
0x60: {  	v6 =	vld [tilespmem:s7+$0x5000]  }
0x61: {  	[tilespmem:s1+$0x7000] =	vst v5  }
0x62: {  	v5 =	vld.idx.msk [tilespmem:v7+s5+$0x0], $0xffff;
	_ =	sdelay $0x4  }
0x63: {  	[tilespmem:s7+$0x6000] =	vst v5  }
0x64: {  	v5 =	vld.idx.msk [tilespmem:v6+s5+$0x0], $0xffff;
	_ =	sdelay $0x4  }
0x65: {  	s21 =	rddreg [dreg:$0xf];
	[tilespmem:s7+$0x7000] =	vst v5  }
0x66: {  	[tilespmem:s23], [sflag:$0x2] =	stream.indirect.gather [hbm4b:s0+s3], $0x80, s21, s3, $0xb8;
	[tilespmem:$0x19400] =	vst v63  }
0x67: {  	s30 =	rddreg [dreg:$0x10];
	s1 =	simm.s32 $0x0  }
0x68: {  	[tilespmem:s24], [sflag:$0x4] =	stream.linear.gather [hbm4b:s30+s1], $0x4000, $0x38;
	[tilespmem:$0x19400] =	vst v63  }
0x69: {  	_ =	swait.ge [sflag:s25], $0x4000  }
0x6a: {  	[sflag:s25] =	ssyncset.done $0x0  }
0x6b: {  	[sflag:s25] =	ssyncadd.s32 $0xFFFFC000  }
0x6c: {  	_ =	swait.ge [sflag:s28], $0x4000  }
0x6d: {  	[sflag:s28] =	ssyncset.done $0x0  }
0x6e: {  	[sflag:s28] =	ssyncadd.s32 $0xFFFFC000  }
0x6f: {  	v0 =	vld [tilespmem:$0x19380]  }
.LBB2_4:
0x70: {  	_ =	sdelay $0x3  }
0x71: {  	s7 =	sshll.u32 s1, $0x4;
	p0 =	por $0x1, $0x1;
	v3 =	vimm.f32 $0.0e+00;
	s8 =	simm.s32 $0x0;
	[tilespmem:$0x1FFC0] =	vst v0  }
.LBB2_5:
0x72: {  	s9 =	sor.u32 s7, s8  }
0x73: {  	s10 =	sshll.u32 s9, $0x7  }
0x74: {  	v8 =	vld [tilespmem:s10+$0x8000]  }
0x75: {  	v9 =	vld [tilespmem:s10+$0x10000]  }
0x76: {  	v12 =	vld [tilespmem:s10+$0x8010]  }
0x77: {  	v13 =	vld [tilespmem:s10+$0x10010]  }
0x78: {  	v14 =	vld [tilespmem:s10+$0x8020]  }
0x79: {  	v15 =	vld [tilespmem:s10+$0x10020]  }
0x7a: {  	v16 =	vld [tilespmem:s10+$0x8030]  }
0x7b: {  	v17 =	vld [tilespmem:s10+$0x10030]  }
0x7c: {  	v18 =	vld [tilespmem:s10+$0x8040]  }
0x7d: {  	v19 =	vld [tilespmem:s10+$0x10040]  }
0x7e: {  	v20 =	vld [tilespmem:s10+$0x8050]  }
0x7f: {  	v21 =	vld [tilespmem:s10+$0x10050]  }
0x80: {  	v22 =	vld [tilespmem:s10+$0x8060]  }
0x81: {  	s9 =	sor.u32 $0x1, s8;
	v23 =	vld [tilespmem:s10+$0x10060]  }
0x82: {  	v24 =	vld [tilespmem:s10+$0x8070];
	s11 =	sor.u32 s7, s9  }
0x83: {  	v25 =	vld [tilespmem:s10+$0x10070];
	s11 =	sshll.u32 s11, $0x7  }
0x84: {  	v26 =	vld [tilespmem:s11+$0x8000]  }
0x85: {  	v27 =	vld [tilespmem:s11+$0x10000]  }
0x86: {  	v28 =	vld [tilespmem:s11+$0x8010]  }
0x87: {  	v29 =	vld [tilespmem:s11+$0x10010]  }
0x88: {  	v30 =	vld [tilespmem:s11+$0x8020]  }
0x89: {  	v31 =	vld [tilespmem:s11+$0x10020]  }
0x8a: {  	v32 =	vld [tilespmem:s11+$0x8030]  }
0x8b: {  	v33 =	vld [tilespmem:s11+$0x10030]  }
0x8c: {  	v34 =	vld [tilespmem:s11+$0x8040]  }
0x8d: {  	v35 =	vld [tilespmem:s11+$0x10040]  }
0x8e: {  	v36 =	vld [tilespmem:s11+$0x8050]  }
0x8f: {  	v37 =	vld [tilespmem:s11+$0x10050]  }
0x90: {  	v38 =	vld [tilespmem:s11+$0x8060]  }
0x91: {  	s10 =	sor.u32 $0x2, s8;
	v39 =	vld [tilespmem:s11+$0x10060]  }
0x92: {  	s12 =	sor.u32 s7, s10;
	v40 =	vld [tilespmem:s11+$0x8070]  }
0x93: {  	v41 =	vld [tilespmem:s11+$0x10070];
	s12 =	sshll.u32 s12, $0x7  }
0x94: {  	v42 =	vld [tilespmem:s12+$0x8000]  }
0x95: {  	v43 =	vld [tilespmem:s12+$0x10000]  }
0x96: {  	v44 =	vld [tilespmem:s12+$0x8010]  }
0x97: {  	v45 =	vld [tilespmem:s12+$0x10010]  }
0x98: {  	v46 =	vld [tilespmem:s12+$0x8020]  }
0x99: {  	v47 =	vld [tilespmem:s12+$0x10020]  }
0x9a: {  	v48 =	vld [tilespmem:s12+$0x8030]  }
0x9b: {  	v49 =	vld [tilespmem:s12+$0x10030]  }
0x9c: {  	v50 =	vld [tilespmem:s12+$0x8040]  }
0x9d: {  	v51 =	vld [tilespmem:s12+$0x10040]  }
0x9e: {  	v52 =	vld [tilespmem:s12+$0x8050]  }
0x9f: {  	v53 =	vld [tilespmem:s12+$0x10050]  }
0xa0: {  	v54 =	vld [tilespmem:s12+$0x8060]  }
0xa1: {  	s11 =	sor.u32 $0x3, s8;
	v55 =	vld [tilespmem:s12+$0x10060]  }
0xa2: {  	v10 =	vld [tilespmem:s12+$0x8070];
	s13 =	sor.u32 s7, s11  }
0xa3: {  	v11 =	vld [tilespmem:s12+$0x10070];
	s13 =	sshll.u32 s13, $0x7  }
0xa4: {  	v56 =	vld [tilespmem:s13+$0x8000]  }
0xa5: {  	v57 =	vld [tilespmem:s13+$0x10000]  }
0xa6: {  	v58 =	vld [tilespmem:s13+$0x8010]  }
0xa7: {  	v59 =	vld [tilespmem:s13+$0x10010]  }
0xa8: {  	v60 =	vld [tilespmem:s13+$0x8020]  }
0xa9: {  	v61 =	vld [tilespmem:s13+$0x10020]  }
0xaa: {  	v62 =	vld [tilespmem:s13+$0x8030]  }
0xab: {  	v63 =	vld [tilespmem:s13+$0x10030]  }
0xac: {  	v0 =	vld [tilespmem:s13+$0x8040]  }
0xad: {  	[tilespmem:$0x1FFB0] =	vst v3;
	v3 =	vld [tilespmem:s13+$0x10040]  }
0xae: {  	v4 =	vld [tilespmem:s13+$0x8050]  }
0xaf: {  	v5 =	vld [tilespmem:s13+$0x10050]  }
0xb0: {  	v7 =	vld [tilespmem:s13+$0x8060]  }
0xb1: {  	s12 =	sor.u32 $0x4, s8;
	v6 =	vld [tilespmem:s13+$0x10060]  }
0xb2: {  	s14 =	sor.u32 s7, s12;
	v2 =	vld [tilespmem:s13+$0x8070]  }
0xb3: {  	v9 =	vsub.f32 v8, v9;
	v8 =	vld [tilespmem:s13+$0x10070];
	s14 =	sshll.u32 s14, $0x7  }
0xb4: {  	v12 =	vsub.f32 v12, v13;
	s13 =	sor.u32 $0x5, s8;
	v13 =	vld [tilespmem:s14+$0x8000]  }
0xb5: {  	v14 =	vsub.f32 v14, v15;
	v15 =	vld [tilespmem:s14+$0x10000];
	s17 =	sor.u32 s7, s13  }
0xb6: {  	v24 =	vsub.f32 v24, v25;
	v25 =	vld [tilespmem:s14+$0x10060];
	s20 =	sshll.u32 s17, $0x7  }
0xb7: {  	v37 =	vsub.f32 v36, v37;
	v36 =	vld [tilespmem:s20+$0x10010]  }
0xb8: {  	v35 =	vsub.f32 v34, v35;
	v42 =	vsub.f32 v42, v43;
	v34 =	vld [tilespmem:s20+$0x10020]  }
0xb9: {  	v43 =	vsub.f32 v44, v45;
	v45 =	vsub.f32 v38, v39;
	v39 =	vld [tilespmem:s20+$0x8030]  }
0xba: {  	v9 =	vmul.f32 v9, v9;
	v12 =	vmul.f32 v12, v12;
	v40 =	vsub.f32 v40, v41;
	v41 =	vld [tilespmem:s20+$0x8060]  }
0xbb: {  	v10 =	vsub.f32 v10, v11;
	v11 =	vld [tilespmem:s20+$0x10070]  }
0xbc: {  	v9 =	vadd.f32 v12, v9;
	v12 =	vmul.f32 v14, v14;
	v14 =	vsub.f32 v16, v17;
	v16 =	vld [tilespmem:s14+$0x10010]  }
0xbd: {  	s17 =	sor.u32 $0x6, s8;
	v17 =	vld [tilespmem:s14+$0x8020]  }
0xbe: {  	s18 =	sor.u32 s7, s17;
	[tilespmem:$0x1FFA0] =	vst v2;
	v2 =	vld [tilespmem:s14+$0x8010]  }
0xbf: {  	s19 =	sshll.u32 s18, $0x7;
	v4 =	vsub.f32 v4, v5;
	v5 =	vld [tilespmem:s20+$0x8070]  }
0xc0: {  	v6 =	vsub.f32 v7, v6;
	v7 =	vld [tilespmem:s19+$0x8000]  }
0xc1: {  	v9 =	vadd.f32 v12, v9;
	v12 =	vmul.f32 v14, v14;
	v14 =	vsub.f32 v18, v19;
	v18 =	vld [tilespmem:s14+$0x10020]  }
0xc2: {  	v19 =	vsub.f32 v26, v27;
	v27 =	vld [tilespmem:s14+$0x8030]  }
0xc3: {  	v26 =	vsub.f32 v28, v29;
	v28 =	vld [tilespmem:s14+$0x8040]  }
0xc4: {  	v29 =	vld [tilespmem:s14+$0x10050]  }
0xc5: {  	v13 =	vsub.f32 v13, v15;
	v15 =	vld [tilespmem:s19+$0x10000];
	v9 =	vadd.f32 v12, v9  }
0xc6: {  	v12 =	vmul.f32 v14, v14;
	v14 =	vsub.f32 v20, v21;
	v20 =	vld [tilespmem:s14+$0x10030];
	v19 =	vmul.f32 v19, v19  }
0xc7: {  	v21 =	vmul.f32 v26, v26;
	v26 =	vsub.f32 v30, v31;
	v31 =	vsub.f32 v22, v23;
	v22 =	vld [tilespmem:s14+$0x10040]  }
0xc8: {  	v23 =	vld [tilespmem:s20+$0x8010]  }
0xc9: {  	v33 =	vsub.f32 v32, v33;
	v19 =	vadd.f32 v21, v19;
	v21 =	vmul.f32 v26, v26;
	v26 =	vld [tilespmem:s14+$0x8050]  }
0xca: {  	v46 =	vsub.f32 v46, v47;
	v30 =	vmul.f32 v14, v14;
	v14 =	vld [tilespmem:s14+$0x8060]  }
0xcb: {  	v33 =	vmul.f32 v33, v33;
	v9 =	vadd.f32 v12, v9;
	v32 =	vmul.f32 v31, v31;
	v12 =	vld [tilespmem:s14+$0x8070]  }
0xcc: {  	v31 =	vmul.f32 v43, v43;
	v43 =	vsub.f32 v48, v49;
	v48 =	vsub.f32 v58, v59;
	v58 =	vld [tilespmem:s20+$0x10050]  }
0xcd: {  	v9 =	vadd.f32 v30, v9;
	v19 =	vadd.f32 v21, v19;
	v21 =	vmul.f32 v35, v35;
	v35 =	vld [tilespmem:s20+$0x10000]  }
0xce: {  	v30 =	vmul.f32 v42, v42;
	v42 =	vmul.f32 v46, v46;
	v46 =	vsub.f32 v50, v51;
	v50 =	vld [tilespmem:s20+$0x10030]  }
0xcf: {  	v47 =	vmul.f32 v45, v45;
	v45 =	vmul.f32 v43, v43;
	v43 =	vld [tilespmem:s20+$0x10040];
	v19 =	vadd.f32 v33, v19  }
0xd0: {  	v9 =	vadd.f32 v32, v9;
	v32 =	vld [tilespmem:s14+$0x10070]  }
0xd1: {  	v44 =	vmul.f32 v37, v37;
	v33 =	vld [tilespmem:s20+$0x8000];
	v30 =	vadd.f32 v31, v30;
	v19 =	vadd.f32 v21, v19  }
0xd2: {  	v24 =	vmul.f32 v24, v24;
	v52 =	vsub.f32 v52, v53;
	v3 =	vsub.f32 v0, v3;
	v21 =	vld [tilespmem:s20+$0x8020]  }
0xd3: {  	v40 =	vmul.f32 v40, v40;
	v19 =	vadd.f32 v44, v19;
	v44 =	vadd.f32 v42, v30;
	v42 =	vld [tilespmem:s20+$0x8040]  }
0xd4: {  	v2 =	vsub.f32 v2, v16;
	v9 =	vadd.f32 v24, v9;
	v30 =	vmul.f32 v52, v52;
	v52 =	vld [tilespmem:s19+$0x10050]  }
0xd5: {  	v10 =	vmul.f32 v10, v10;
	v19 =	vadd.f32 v47, v19;
	v24 =	vadd.f32 v45, v44;
	v44 =	vld [tilespmem:s20+$0x8050]  }
0xd6: {  	s21 =	sor.u32 $0x7, s8;
	v3 =	vmul.f32 v3, v3;
	v47 =	vsub.f32 v56, v57;
	v56 =	vsub.f32 v62, v63;
	v62 =	vld [tilespmem:s20+$0x10060]  }
0xd7: {  	s30 =	sor.u32 s7, s21;
	v4 =	vmul.f32 v4, v4;
	v5 =	vsub.f32 v5, v11;
	v63 =	vsub.f32 v17, v18;
	v17 =	vld [tilespmem:s19+$0x10010]  }
0xd8: {  	v13 =	vmul.f32 v13, v13;
	v7 =	vsub.f32 v7, v15;
	v51 =	vsub.f32 v60, v61;
	v18 =	vld [tilespmem:s19+$0x10020];
	s20 =	sshll.u32 s30, $0x7  }
0xd9: {  	v27 =	vsub.f32 v27, v20;
	v49 =	vmul.f32 v46, v46;
	v35 =	vsub.f32 v33, v35;
	v33 =	vld [tilespmem:s20+$0x10010]  }
0xda: {  	v2 =	vmul.f32 v2, v2;
	v0 =	vadd.f32 v40, v19;
	v40 =	vsub.f32 v28, v22;
	v22 =	vld [tilespmem:s19+$0x10030]  }
0xdb: {  	v38 =	vmul.f32 v48, v48;
	v24 =	vadd.f32 v49, v24;
	v49 =	vsub.f32 v39, v50;
	v50 =	vld [tilespmem:$0x1FFA0]  }
0xdc: {  	v7 =	vmul.f32 v7, v7;
	v2 =	vadd.f32 v2, v13;
	v12 =	vsub.f32 v12, v32;
	v28 =	vld [tilespmem:s19+$0x8060]  }
0xdd: {  	v57 =	vsub.f32 v54, v55;
	v37 =	vmul.f32 v47, v47;
	v59 =	vmul.f32 v56, v56;
	v56 =	vld [tilespmem:s19+$0x10060]  }
0xde: {  	v53 =	vmul.f32 v51, v51;
	v55 =	vsub.f32 v14, v25;
	v54 =	vsub.f32 v42, v43;
	v42 =	vld [tilespmem:s20+$0x10030]  }
0xdf: {  	v21 =	vsub.f32 v21, v34;
	v37 =	vadd.f32 v38, v37;
	v38 =	vmul.f32 v27, v27;
	v27 =	vld [tilespmem:s19+$0x8050]  }
0xe0: {  	v61 =	vmul.f32 v57, v57;
	v60 =	vadd.f32 v30, v24;
	v24 =	vmul.f32 v63, v63;
	v63 =	vld [tilespmem:s20+$0x8010]  }
0xe1: {  	v47 =	vsub.f32 v26, v29;
	v45 =	vmul.f32 v40, v40;
	v40 =	vld [tilespmem:s20+$0x8030];
	v37 =	vadd.f32 v53, v37  }
0xe2: {  	v12 =	vmul.f32 v12, v12;
	v58 =	vsub.f32 v44, v58;
	v44 =	vld [tilespmem:s20+$0x8040];
	v2 =	vadd.f32 v24, v2  }
0xe3: {  	v13 =	vmul.f32 v55, v55;
	v19 =	vadd.f32 v61, v60;
	v60 =	vld [tilespmem:s20+$0x10000];
	v37 =	vadd.f32 v59, v37  }
0xe4: {  	v48 =	vmul.f32 v21, v21;
	v62 =	vsub.f32 v41, v62;
	v2 =	vadd.f32 v38, v2;
	v59 =	vld [tilespmem:s20+$0x8000]  }
0xe5: {  	v51 =	vmul.f32 v47, v47;
	v3 =	vadd.f32 v3, v37;
	v37 =	vsub.f32 v23, v36;
	v23 =	vld [tilespmem:s19+$0x8030]  }
0xe6: {  	v57 =	vmul.f32 v54, v54;
	v8 =	vsub.f32 v50, v8;
	v56 =	vsub.f32 v28, v56;
	v36 =	vld [tilespmem:s20+$0x8020]  }
0xe7: {  	v2 =	vadd.f32 v45, v2;
	v3 =	vadd.f32 v4, v3;
	v4 =	vmul.f32 v6, v6;
	v6 =	vld [tilespmem:s19+$0x8010]  }
0xe8: {  	v10 =	vadd.f32 v10, v19;
	v19 =	vmul.f32 v35, v35;
	v52 =	vsub.f32 v27, v52;
	v45 =	vld [tilespmem:s20+$0x10040]  }
0xe9: {  	v20 =	vmul.f32 v37, v37;
	v2 =	vadd.f32 v51, v2;
	v3 =	vadd.f32 v4, v3;
	v4 =	vld [tilespmem:s19+$0x8020]  }
0xea: {  	v53 =	vmul.f32 v49, v49;
	v37 =	vld [tilespmem:s20+$0x10020];
	v51 =	vsub.f32 v40, v42;
	v41 =	vsub.f32 v59, v60  }
0xeb: {  	v26 =	vld [tilespmem:s19+$0x10040];
	v8 =	vmul.f32 v8, v8;
	v19 =	vadd.f32 v20, v19;
	v2 =	vadd.f32 v13, v2  }
0xec: {  	v24 =	vld [tilespmem:s19+$0x8040];
	v61 =	vmul.f32 v58, v58;
	v43 =	vsub.f32 v23, v22;
	v6 =	vsub.f32 v6, v17  }
0xed: {  	v39 =	vld [tilespmem:s19+$0x8070];
	v35 =	vmul.f32 v62, v62;
	v3 =	vadd.f32 v8, v3;
	v8 =	vsub.f32 v63, v33  }
0xee: {  	v50 =	vld [tilespmem:s19+$0x10070];
	v54 =	vsub.f32 v44, v45;
	v6 =	vmul.f32 v6, v6;
	v4 =	vsub.f32 v4, v18  }
0xef: {  	v47 =	vld [tilespmem:s20+$0x8050];
	v19 =	vadd.f32 v48, v19;
	v15 =	vsub.f32 v36, v37;
	v8 =	vmul.f32 v8, v8  }
0xf0: {  	(xrf2) =	vadd.scan.msk.f32 $0xffff, v9;
	v49 =	vld [tilespmem:s20+$0x10050];
	v18 =	vmul.f32 v41, v41;
	v6 =	vadd.f32 v6, v7;
	v4 =	vmul.f32 v4, v4  }
0xf1: {  	v55 =	vld [tilespmem:s20+$0x10060];
	(xrf2) =	vadd.scan.msk.f32 $0xffff, v0;
	v48 =	vsub.f32 v24, v26;
	v46 =	vmul.f32 v43, v43;
	v19 =	vadd.f32 v53, v19  }
0xf2: {  	(xrf2) =	vadd.scan.msk.f32 $0xffff, v10;
	v53 =	vld [tilespmem:s20+$0x8060];
	v15 =	vmul.f32 v15, v15;
	v8 =	vadd.f32 v8, v18;
	v4 =	vadd.f32 v4, v6  }
0xf3: {  	v2 =	vadd.f32 v12, v2;
	v11 =	vmul.f32 v48, v48;
	(xrf2) =	vadd.scan.msk.f32 $0xffff, v3;
	v3 =	vsub.f32 v39, v50  }
0xf4: {  	v8 =	vadd.f32 v15, v8;
	v6 =	vmul.f32 v51, v51;
	v4 =	vadd.f32 v46, v4  }
0xf5: {  	v58 =	vld [tilespmem:s20+$0x10070];
	v59 =	vmul.f32 v54, v54;
	v19 =	vadd.f32 v57, v19;
	v7 =	vsub.f32 v47, v49  }
0xf6: {  	v57 =	vld [tilespmem:s20+$0x8070];
	v6 =	vadd.f32 v6, v8;
	v0 =	vadd.f32 v11, v4;
	v4 =	vmul.f32 v52, v52  }
0xf7: {  	v60 =	vmul.f32 v56, v56;
	v34 =	vadd.f32 v61, v19;
	v61 =	vsub.f32 v53, v55  }
0xf8: {  	v7 =	vmul.f32 v7, v7;
	v0 =	vadd.f32 v4, v0;
	v4 =	vadd.f32 v59, v6  }
0xf9: {  	v5 =	vmul.f32 v5, v5;
	(xrf2) =	vadd.scan.msk.f32 $0xffff, v2;
	v2 =	vmul.f32 v3, v3;
	v38 =	vadd.f32 v35, v34  }
0xfa: {  	v3 =	vmul.f32 v61, v61;
	v0 =	vadd.f32 v60, v0;
	v4 =	vadd.f32 v7, v4  }
0xfb: {  	v62 =	vsub.f32 v57, v58;
	v5 =	vadd.f32 v5, v38  }
0xfc: {  	v63, _, _ =	vpop (xrf2);
	v0 =	vadd.f32 v2, v0;
	v2 =	vadd.f32 v3, v4;
	v4 =	vmov s8  }
0xfd: {  	(xrf2) =	vadd.scan.msk.f32 $0xffff, v5;
	v5 =	vbroadcast v63, $0xF;
	v3 =	vmul.f32 v62, v62  }
0xfe: {  	vm0 =	veq.s32 v4, v1  }
0xff: {  	v4, _, _ =	vpop (xrf2);
	(xrf2) =	vadd.scan.msk.f32 $0xffff, v0;
	v0 =	vadd.f32 v3, v2;
	v3 =	vnsel vm0, $0x0, v5;
	v5 =	vld [tilespmem:$0x1FFB0];
	_ =	sdelay $0x1  }
0x100: {  	v2 =	vmov s9;
	_ =	sdelay $0x1  }
0x101: {  	v4 =	vbroadcast v4, $0xF  }
0x102: {  	vm9 =	veq.s32 v2, v1;
	v2, _, _ =	vpop (xrf2);
	v3 =	vadd.f32 v3, v5  }
0x103: {  	(xrf2) =	vadd.scan.msk.f32 $0xffff, v0;
	v0 =	vmov s10;
	v4 =	vnsel vm9, $0x0, v4;
	v2 =	vbroadcast v2, $0xF  }
0x104: {  	vm10 =	veq.s32 v0, v1;
	v5, _, _ =	vpop (xrf2);
	v3 =	vadd.f32 v4, v3  }
0x105: {  	v0 =	vmov s11;
	v2 =	vnsel vm10, $0x0, v2;
	v4 =	vbroadcast v5, $0xF  }
0x106: {  	vm11 =	veq.s32 v0, v1;
	v5, _, _ =	vpop (xrf2);
	v2 =	vadd.f32 v2, v3  }
0x107: {  	v0 =	vmov s12;
	v3 =	vnsel vm11, $0x0, v4;
	v4 =	vbroadcast v5, $0xF  }
0x108: {  	vm12 =	veq.s32 v0, v1;
	v5, _, _ =	vpop (xrf2);
	v2 =	vadd.f32 v3, v2  }
0x109: {  	v0 =	vnsel vm12, $0x0, v4;
	v3 =	vmov s13;
	v4 =	vbroadcast v5, $0xF  }
0x10a: {  	vm13 =	veq.s32 v3, v1  }
0x10b: {  	v0 =	vadd.f32 v0, v2;
	v2 =	vnsel vm13, $0x0, v4  }
0x10c: {  	v5, _, _ =	vpop (xrf2)  }
0x10d: {  	p1 =	por p0, p0;
	v3 =	vmov s17;
	v4 =	vbroadcast v5, $0xF  }
.Ltmp3:
0x10e: {  	vm14 =	veq.s32 v3, v1;
	v0 =	vadd.f32 v2, v0;
	v2, _, _ =	vpop (xrf2);
	(pc) =	sbr.rel @p1 .LBB2_5-.Ltmp3, $4  }
0x10f: {  	v3 =	vnsel vm14, $0x0, v4;
	v4 =	vmov s21;
	v2 =	vbroadcast v2, $0xF  }
0x110: {  	vm15 =	veq.s32 v4, v1;
	v0 =	vadd.f32 v3, v0  }
0x111: {  	v2 =	vnsel vm15, $0x0, v2  }
0x112: {  	p0 =	por $0x0, $0x0;
	s8 =	simm.s32 $0x8;
	v3 =	vadd.f32 v2, v0  }
0x113: {  	v2 =	vld [tilespmem:$0x1FFD0];
	_ =	sdelay $0x4  }
0x114: {  	v0 =	vadd.f32 v3, v2;
	_ =	sdelay $0x1  }
0x115: {  	s7 =	sand.u32 $0x3FFFFFF0, s7;
	(erf) = vrcp.f32 v0  }
0x116: {  	v0 =	vld [tilespmem:s7+$0x18000];
	_ =	sdelay $0x4  }
0x117: {  	v0 =	vmul.f32 v0, v2;
	_ =	sdelay $0x1  }
0x118: {  	v0 =	vmul.f32 v0, v3  }
0x119: {  	v2 =	vpop (erf)  }
0x11a: {  	v0 =	vmul.f32 v0, v2;
	v2 =	vld [tilespmem:$0x1FFC0]  }
0x11b: {  	s1 =	sadd.s32 $0x1, s1  }
0x11c: {  	p0 =	sne.s32 s1, $0x8  }
.Ltmp4:
0x11d: {  	_ = 	snop;
	(pc) =	sbr.rel @p0 .LBB2_4-.Ltmp4, $3  }
0x11e: {  	_ = 	snop  }
0x11f: {  	v0 =	vadd.f32 v0, v2;
	_ =	sdelay $0x1  }
0x120: {  	[tilespmem:$0x19380] =	vst v0  }
0x121: {  	[tilespmem:s4], [sflag:$0x1] =	stream.indirect.gather [hbm4b:s0+s3], $0x80, s15, s3, $0xb8;
	[tilespmem:$0x19400] =	vst v63  }
0x122: {  	s1 =	simm.s32 $0x0;
	s7 =	rddreg [dreg:$0x11]  }
0x123: {  	[tilespmem:s22], [sflag:$0x3] =	stream.linear.gather [hbm4b:s7+s1], $0x4000, $0x38;
	[tilespmem:$0x19400] =	vst v63  }
0x124: {  	_ =	swait.ge [sflag:s26], $0x4000  }
0x125: {  	[sflag:s26] =	ssyncset.done $0x0  }
0x126: {  	[sflag:s26] =	ssyncadd.s32 $0xFFFFC000  }
0x127: {  	_ =	swait.ge [sflag:s29], $0x4000  }
0x128: {  	[sflag:s29] =	ssyncset.done $0x0  }
0x129: {  	[sflag:s29] =	ssyncadd.s32 $0xFFFFC000  }
0x12a: {  	v0 =	vld [tilespmem:$0x19380]  }
.LBB2_8:
0x12b: {  	_ =	sdelay $0x3  }
0x12c: {  	s7 =	sshll.u32 s1, $0x4;
	p0 =	por $0x1, $0x1;
	v3 =	vimm.f32 $0.0e+00;
	s8 =	simm.s32 $0x0;
	[tilespmem:$0x1FF90] =	vst v0  }
.LBB2_9:
0x12d: {  	s9 =	sor.u32 s7, s8  }
0x12e: {  	s10 =	sshll.u32 s9, $0x7  }
0x12f: {  	v0 =	vld [tilespmem:s10+$0xC000]  }
0x130: {  	v2 =	vld [tilespmem:s10+$0x14000]  }
0x131: {  	[tilespmem:$0x1FF80] =	vst v3;
	v3 =	vld [tilespmem:s10+$0xC010]  }
0x132: {  	v4 =	vld [tilespmem:s10+$0x14010]  }
0x133: {  	v9 =	vld [tilespmem:s10+$0xC020]  }
0x134: {  	v12 =	vld [tilespmem:s10+$0x14020]  }
0x135: {  	v13 =	vld [tilespmem:s10+$0xC030]  }
0x136: {  	v14 =	vld [tilespmem:s10+$0x14030]  }
0x137: {  	v15 =	vld [tilespmem:s10+$0xC040]  }
0x138: {  	v16 =	vld [tilespmem:s10+$0x14040]  }
0x139: {  	v17 =	vld [tilespmem:s10+$0xC050]  }
0x13a: {  	v18 =	vld [tilespmem:s10+$0x14050]  }
0x13b: {  	v19 =	vld [tilespmem:s10+$0xC060]  }
0x13c: {  	s9 =	sor.u32 $0x1, s8;
	v20 =	vld [tilespmem:s10+$0x14060]  }
0x13d: {  	v21 =	vld [tilespmem:s10+$0xC070];
	s11 =	sor.u32 s7, s9  }
0x13e: {  	v22 =	vld [tilespmem:s10+$0x14070];
	s11 =	sshll.u32 s11, $0x7  }
0x13f: {  	v23 =	vld [tilespmem:s11+$0xC000]  }
0x140: {  	v24 =	vld [tilespmem:s11+$0x14000]  }
0x141: {  	v25 =	vld [tilespmem:s11+$0xC010]  }
0x142: {  	v26 =	vld [tilespmem:s11+$0x14010]  }
0x143: {  	v27 =	vld [tilespmem:s11+$0xC020]  }
0x144: {  	v28 =	vld [tilespmem:s11+$0x14020]  }
0x145: {  	v29 =	vld [tilespmem:s11+$0xC030]  }
0x146: {  	v30 =	vld [tilespmem:s11+$0x14030]  }
0x147: {  	v31 =	vld [tilespmem:s11+$0xC040]  }
0x148: {  	v32 =	vld [tilespmem:s11+$0x14040]  }
0x149: {  	v33 =	vld [tilespmem:s11+$0xC050]  }
0x14a: {  	v34 =	vld [tilespmem:s11+$0x14050]  }
0x14b: {  	v35 =	vld [tilespmem:s11+$0xC060]  }
0x14c: {  	s10 =	sor.u32 $0x2, s8;
	v36 =	vld [tilespmem:s11+$0x14060]  }
0x14d: {  	s12 =	sor.u32 s7, s10;
	v37 =	vld [tilespmem:s11+$0xC070]  }
0x14e: {  	v38 =	vld [tilespmem:s11+$0x14070];
	s12 =	sshll.u32 s12, $0x7  }
0x14f: {  	v39 =	vld [tilespmem:s12+$0xC000]  }
0x150: {  	v40 =	vld [tilespmem:s12+$0x14000]  }
0x151: {  	v41 =	vld [tilespmem:s12+$0xC010]  }
0x152: {  	v42 =	vld [tilespmem:s12+$0x14010]  }
0x153: {  	v43 =	vld [tilespmem:s12+$0xC020]  }
0x154: {  	v44 =	vld [tilespmem:s12+$0x14020]  }
0x155: {  	v45 =	vld [tilespmem:s12+$0xC030]  }
0x156: {  	v46 =	vld [tilespmem:s12+$0x14030]  }
0x157: {  	v47 =	vld [tilespmem:s12+$0xC040]  }
0x158: {  	v48 =	vld [tilespmem:s12+$0x14040]  }
0x159: {  	v49 =	vld [tilespmem:s12+$0xC050]  }
0x15a: {  	v50 =	vld [tilespmem:s12+$0x14050]  }
0x15b: {  	v51 =	vld [tilespmem:s12+$0xC060]  }
0x15c: {  	s11 =	sor.u32 $0x3, s8;
	v52 =	vld [tilespmem:s12+$0x14060]  }
0x15d: {  	v10 =	vld [tilespmem:s12+$0xC070];
	s13 =	sor.u32 s7, s11  }
0x15e: {  	v11 =	vld [tilespmem:s12+$0x14070];
	s13 =	sshll.u32 s13, $0x7  }
0x15f: {  	v53 =	vld [tilespmem:s13+$0xC000]  }
0x160: {  	v54 =	vld [tilespmem:s13+$0x14000]  }
0x161: {  	v55 =	vld [tilespmem:s13+$0xC010]  }
0x162: {  	v56 =	vld [tilespmem:s13+$0x14010]  }
0x163: {  	v57 =	vld [tilespmem:s13+$0xC020]  }
0x164: {  	v58 =	vld [tilespmem:s13+$0x14020]  }
0x165: {  	v59 =	vld [tilespmem:s13+$0xC030]  }
0x166: {  	v60 =	vld [tilespmem:s13+$0x14030]  }
0x167: {  	v61 =	vld [tilespmem:s13+$0xC040]  }
0x168: {  	v62 =	vld [tilespmem:s13+$0x14040]  }
0x169: {  	v63 =	vld [tilespmem:s13+$0xC050]  }
0x16a: {  	v5 =	vld [tilespmem:s13+$0x14050]  }
0x16b: {  	s12 =	sor.u32 $0x4, s8;
	v6 =	vld [tilespmem:s13+$0xC060]  }
0x16c: {  	s14 =	sor.u32 s7, s12;
	v8 =	vld [tilespmem:s13+$0x14060]  }
0x16d: {  	v7 =	vld [tilespmem:s13+$0xC070];
	s14 =	sshll.u32 s14, $0x7  }
0x16e: {  	v3 =	vsub.f32 v3, v4;
	v4 =	vld [tilespmem:s14+$0xC000]  }
0x16f: {  	v2 =	vsub.f32 v0, v2;
	v0 =	vld [tilespmem:s14+$0x14000]  }
0x170: {  	v9 =	vsub.f32 v9, v12;
	v12 =	vld [tilespmem:s14+$0xC010]  }
0x171: {  	v21 =	vsub.f32 v21, v22;
	v22 =	vld [tilespmem:s14+$0x14060];
	v2 =	vmul.f32 v2, v2;
	v3 =	vmul.f32 v3, v3  }
0x172: {  	v28 =	vsub.f32 v27, v28;
	v27 =	vsub.f32 v19, v20;
	v19 =	vld [tilespmem:s14+$0x14040]  }
0x173: {  	v2 =	vadd.f32 v3, v2;
	v3 =	vmul.f32 v9, v9;
	v9 =	vsub.f32 v13, v14;
	v13 =	vld [tilespmem:s14+$0x14010]  }
0x174: {  	v14 =	vld [tilespmem:s14+$0xC020]  }
0x175: {  	[tilespmem:$0x1FF70] =	vst v7;
	v7 =	vld [tilespmem:s13+$0x14070]  }
0x176: {  	v2 =	vadd.f32 v3, v2;
	v3 =	vmul.f32 v9, v9;
	v9 =	vsub.f32 v15, v16;
	v16 =	vld [tilespmem:s14+$0x14020]  }
0x177: {  	v15 =	vsub.f32 v23, v24;
	v24 =	vld [tilespmem:s14+$0xC030]  }
0x178: {  	v40 =	vsub.f32 v39, v40;
	v23 =	vsub.f32 v25, v26;
	v25 =	vld [tilespmem:s14+$0xC040]  }
0x179: {  	v39 =	vsub.f32 v43, v44;
	v44 =	vsub.f32 v47, v48;
	v26 =	vld [tilespmem:s14+$0x14050]  }
0x17a: {  	s13 =	sor.u32 $0x5, s8;
	v48 =	vsub.f32 v57, v58;
	v57 =	vsub.f32 v51, v52;
	v51 =	vld [tilespmem:$0x1FF70]  }
0x17b: {  	s17 =	sor.u32 s7, s13;
	v2 =	vadd.f32 v3, v2;
	v3 =	vmul.f32 v9, v9;
	v9 =	vsub.f32 v17, v18;
	v17 =	vld [tilespmem:s14+$0x14030]  }
0x17c: {  	v34 =	vsub.f32 v33, v34;
	s20 =	sshll.u32 s17, $0x7;
	v18 =	vmul.f32 v23, v23;
	v23 =	vld [tilespmem:s14+$0xC050]  }
0x17d: {  	v36 =	vsub.f32 v35, v36;
	v33 =	vld [tilespmem:s20+$0xC010]  }
0x17e: {  	v41 =	vsub.f32 v41, v42;
	v42 =	vmul.f32 v34, v34;
	v34 =	vld [tilespmem:s20+$0x14010]  }
0x17f: {  	v20 =	vmul.f32 v36, v36;
	v36 =	vld [tilespmem:s20+$0xC030]  }
0x180: {  	v58 =	vld [tilespmem:s20+$0x14050]  }
0x181: {  	v47 =	vmul.f32 v44, v44;
	s17 =	sor.u32 $0x6, s8;
	v44 =	vld [tilespmem:s20+$0xC060]  }
0x182: {  	v37 =	vsub.f32 v37, v38;
	v38 =	vld [tilespmem:s20+$0xC070];
	s18 =	sor.u32 s7, s17  }
0x183: {  	v10 =	vsub.f32 v10, v11;
	v11 =	vld [tilespmem:s20+$0x14070];
	s19 =	sshll.u32 s18, $0x7  }
0x184: {  	v6 =	vsub.f32 v6, v8;
	v8 =	vld [tilespmem:s19+$0xC000]  }
0x185: {  	v0 =	vsub.f32 v4, v0;
	v15 =	vmul.f32 v15, v15;
	v4 =	vsub.f32 v12, v13;
	v12 =	vld [tilespmem:s19+$0x14000]  }
0x186: {  	v2 =	vadd.f32 v3, v2;
	v3 =	vmul.f32 v9, v9;
	v13 =	vld [tilespmem:s19+$0xC010]  }
0x187: {  	v15 =	vadd.f32 v18, v15;
	v18 =	vmul.f32 v28, v28;
	v28 =	vsub.f32 v29, v30;
	v52 =	vld [tilespmem:s19+$0x14050]  }
0x188: {  	v14 =	vsub.f32 v14, v16;
	v16 =	vld [tilespmem:s19+$0x14010];
	v2 =	vadd.f32 v3, v2  }
0x189: {  	v3 =	vmul.f32 v27, v27;
	v29 =	vadd.f32 v18, v15;
	v30 =	vmul.f32 v28, v28;
	v15 =	vld [tilespmem:s14+$0xC060]  }
0x18a: {  	v27 =	vmul.f32 v40, v40;
	v40 =	vmul.f32 v39, v39;
	v39 =	vld [tilespmem:s20+$0xC040]  }
0x18b: {  	v28 =	vmul.f32 v41, v41;
	v41 =	vsub.f32 v45, v46;
	v45 =	vsub.f32 v53, v54;
	v54 =	vld [tilespmem:s20+$0x14040]  }
0x18c: {  	v46 =	vsub.f32 v55, v56;
	v55 =	vmul.f32 v48, v48;
	v48 =	vld [tilespmem:s19+$0x14040]  }
0x18d: {  	v53 =	vsub.f32 v49, v50;
	v50 =	vld [tilespmem:s19+$0xC050]  }
0x18e: {  	v31 =	vsub.f32 v31, v32;
	v3 =	vadd.f32 v3, v2;
	v2 =	vld [tilespmem:s14+$0xC070]  }
0x18f: {  	v9 =	vadd.f32 v30, v29;
	v29 =	vld [tilespmem:s14+$0x14070]  }
0x190: {  	v21 =	vmul.f32 v21, v21;
	v32 =	vmul.f32 v31, v31;
	v5 =	vsub.f32 v63, v5;
	v30 =	vld [tilespmem:s20+$0xC000]  }
0x191: {  	v0 =	vmul.f32 v0, v0;
	v27 =	vadd.f32 v28, v27;
	v43 =	vmul.f32 v41, v41;
	v28 =	vld [tilespmem:s20+$0x14020]  }
0x192: {  	v7 =	vsub.f32 v51, v7;
	v31 =	vmul.f32 v45, v45;
	v35 =	vmul.f32 v46, v46;
	v41 =	vld [tilespmem:s20+$0xC050]  }
0x193: {  	v4 =	vmul.f32 v4, v4;
	v56 =	vsub.f32 v59, v60;
	v45 =	vld [tilespmem:s19+$0x14030];
	v9 =	vadd.f32 v32, v9  }
0x194: {  	v37 =	vmul.f32 v37, v37;
	v60 =	vsub.f32 v61, v62;
	v46 =	vld [tilespmem:s19+$0xC040];
	v31 =	vadd.f32 v35, v31  }
0x195: {  	v0 =	vadd.f32 v4, v0;
	v59 =	vmul.f32 v56, v56;
	v56 =	vld [tilespmem:s19+$0x14060];
	v18 =	vadd.f32 v42, v9  }
0x196: {  	v10 =	vmul.f32 v10, v10;
	v32 =	vld [tilespmem:s20+$0x14000];
	v9 =	vadd.f32 v21, v3;
	v31 =	vadd.f32 v55, v31  }
0x197: {  	v4 =	vmul.f32 v14, v14;
	v42 =	vadd.f32 v40, v27;
	v27 =	vld [tilespmem:s20+$0x14030];
	v3 =	vadd.f32 v20, v18  }
0x198: {  	v11 =	vsub.f32 v38, v11;
	v62 =	vmul.f32 v60, v60;
	v55 =	vld [tilespmem:s19+$0xC060];
	v31 =	vadd.f32 v59, v31  }
0x199: {  	v5 =	vmul.f32 v5, v5;
	v0 =	vadd.f32 v4, v0;
	v18 =	vld [tilespmem:s20+$0xC020];
	v3 =	vadd.f32 v37, v3  }
0x19a: {  	s21 =	sor.u32 $0x7, s8;
	v6 =	vmul.f32 v6, v6;
	v37 =	vld [tilespmem:s20+$0x14060];
	v63 =	vadd.f32 v62, v31;
	v31 =	vsub.f32 v24, v17  }
0x19b: {  	s30 =	sor.u32 s7, s21;
	v61 =	vmul.f32 v57, v57;
	v8 =	vsub.f32 v8, v12;
	v20 =	vadd.f32 v43, v42;
	v17 =	vld [tilespmem:s19+$0x14020]  }
0x19c: {  	v35 =	vsub.f32 v33, v34;
	v42 =	vsub.f32 v25, v19;
	v24 =	vld [tilespmem:s19+$0xC030];
	s20 =	sshll.u32 s30, $0x7;
	v4 =	vmul.f32 v31, v31  }
0x19d: {  	v7 =	vmul.f32 v7, v7;
	v33 =	vsub.f32 v13, v16;
	v20 =	vadd.f32 v47, v20;
	v59 =	vld [tilespmem:s20+$0xC000]  }
0x19e: {  	v47 =	vsub.f32 v23, v26;
	v60 =	vld [tilespmem:s20+$0x14000];
	v0 =	vadd.f32 v4, v0;
	v4 =	vmul.f32 v42, v42  }
0x19f: {  	v54 =	vsub.f32 v39, v54;
	v8 =	vmul.f32 v8, v8;
	v58 =	vsub.f32 v41, v58;
	v34 =	vld [tilespmem:s20+$0x14020]  }
0x1a0: {  	v49 =	vsub.f32 v36, v27;
	v36 =	vld [tilespmem:s20+$0xC030];
	v0 =	vadd.f32 v4, v0;
	v4 =	vmul.f32 v47, v47  }
0x1a1: {  	v12 =	vmul.f32 v33, v33;
	v2 =	vsub.f32 v2, v29;
	v39 =	vld [tilespmem:s20+$0x14030];
	v5 =	vadd.f32 v5, v63  }
0x1a2: {  	v21 =	vmul.f32 v53, v53;
	v41 =	vld [tilespmem:s20+$0xC040];
	v0 =	vadd.f32 v4, v0;
	v4 =	vsub.f32 v15, v22  }
0x1a3: {  	v11 =	vmul.f32 v11, v11;
	v8 =	vadd.f32 v12, v8;
	v32 =	vsub.f32 v30, v32;
	v63 =	vld [tilespmem:s20+$0xC010]  }
0x1a4: {  	v20 =	vadd.f32 v21, v20;
	v5 =	vadd.f32 v6, v5;
	v6 =	vld [tilespmem:s19+$0xC020];
	v4 =	vmul.f32 v4, v4  }
0x1a5: {  	v57 =	vmul.f32 v54, v54;
	v55 =	vsub.f32 v55, v56;
	v18 =	vsub.f32 v18, v28;
	v42 =	vld [tilespmem:s20+$0x14040]  }
0x1a6: {  	v2 =	vmul.f32 v2, v2;
	v20 =	vadd.f32 v61, v20;
	v0 =	vadd.f32 v4, v0;
	v4 =	vld [tilespmem:s20+$0x14010]  }
0x1a7: {  	v53 =	vmul.f32 v49, v49;
	v49 =	vsub.f32 v50, v52;
	v62 =	vsub.f32 v44, v37;
	v44 =	vld [tilespmem:s20+$0xC050]  }
0x1a8: {  	v40 =	vsub.f32 v24, v45;
	v10 =	vadd.f32 v10, v20;
	v20 =	vmul.f32 v32, v32;
	v32 =	vld [tilespmem:s20+$0xC020]  }
0x1a9: {  	v21 =	vmul.f32 v35, v35;
	v45 =	vsub.f32 v46, v48;
	v46 =	vld [tilespmem:s20+$0x14050];
	v5 =	vadd.f32 v7, v5  }
0x1aa: {  	v35 =	vld [tilespmem:s19+$0xC070];
	v61 =	vmul.f32 v58, v58;
	v37 =	vsub.f32 v59, v60;
	v48 =	vsub.f32 v36, v39  }
0x1ab: {  	v18 =	vmul.f32 v18, v18;
	v47 =	vld [tilespmem:s19+$0x14070];
	v20 =	vadd.f32 v21, v20;
	v4 =	vsub.f32 v63, v4  }
0x1ac: {  	v31 =	vmul.f32 v62, v62;
	v6 =	vsub.f32 v6, v17;
	v17 =	vmul.f32 v37, v37  }
0x1ad: {  	(xrf2) =	vadd.scan.msk.f32 $0xffff, v9;
	v18 =	vadd.f32 v18, v20;
	v13 =	vsub.f32 v32, v34;
	v4 =	vmul.f32 v4, v4  }
0x1ae: {  	v51 =	vld [tilespmem:s20+$0xC060];
	(xrf2) =	vadd.scan.msk.f32 $0xffff, v3;
	v52 =	vsub.f32 v41, v42;
	v58 =	vsub.f32 v44, v46;
	v6 =	vmul.f32 v6, v6  }
0x1af: {  	(xrf2) =	vadd.scan.msk.f32 $0xffff, v10;
	v18 =	vadd.f32 v53, v18;
	v53 =	vld [tilespmem:s20+$0x14060];
	v13 =	vmul.f32 v13, v13;
	v4 =	vadd.f32 v4, v17  }
0x1b0: {  	v43 =	vmul.f32 v40, v40;
	(xrf2) =	vadd.scan.msk.f32 $0xffff, v5;
	v5 =	vsub.f32 v35, v47;
	v6 =	vadd.f32 v6, v8  }
0x1b1: {  	v8 =	vmul.f32 v48, v48;
	v18 =	vadd.f32 v57, v18;
	v4 =	vadd.f32 v13, v4  }
0x1b2: {  	v56 =	vld [tilespmem:s20+$0xC070];
	v50 =	vmul.f32 v45, v45;
	v0 =	vadd.f32 v2, v0;
	v6 =	vadd.f32 v43, v6  }
0x1b3: {  	v59 =	vmul.f32 v52, v52;
	v57 =	vld [tilespmem:s20+$0x14070];
	v30 =	vadd.f32 v61, v18;
	v4 =	vadd.f32 v8, v4  }
0x1b4: {  	v54 =	vmul.f32 v49, v49;
	v3 =	vadd.f32 v50, v6;
	v61 =	vsub.f32 v51, v53  }
0x1b5: {  	v2 =	vadd.f32 v31, v30;
	v8 =	vmul.f32 v58, v58;
	v4 =	vadd.f32 v59, v4  }
0x1b6: {  	v60 =	vmul.f32 v55, v55;
	(xrf2) =	vadd.scan.msk.f32 $0xffff, v0;
	v0 =	vmul.f32 v5, v5;
	v3 =	vadd.f32 v54, v3  }
0x1b7: {  	v5 =	vmul.f32 v61, v61;
	v2 =	vadd.f32 v11, v2;
	v4 =	vadd.f32 v8, v4  }
0x1b8: {  	v62 =	vsub.f32 v56, v57;
	v3 =	vadd.f32 v60, v3  }
0x1b9: {  	v63, _, _ =	vpop (xrf2);
	(xrf2) =	vadd.scan.msk.f32 $0xffff, v2;
	v2 =	vadd.f32 v5, v4;
	v4 =	vmov s8  }
0x1ba: {  	v0 =	vadd.f32 v0, v3;
	v3 =	vmul.f32 v62, v62;
	v5 =	vbroadcast v63, $0xF  }
0x1bb: {  	vm0 =	veq.s32 v4, v1  }
0x1bc: {  	v4, _, _ =	vpop (xrf2);
	(xrf2) =	vadd.scan.msk.f32 $0xffff, v0;
	v0 =	vadd.f32 v3, v2;
	v3 =	vnsel vm0, $0x0, v5;
	v5 =	vld [tilespmem:$0x1FF80];
	_ =	sdelay $0x1  }
0x1bd: {  	v2 =	vmov s9;
	_ =	sdelay $0x1  }
0x1be: {  	v4 =	vbroadcast v4, $0xF  }
0x1bf: {  	vm9 =	veq.s32 v2, v1;
	v2, _, _ =	vpop (xrf2);
	v3 =	vadd.f32 v3, v5  }
0x1c0: {  	(xrf2) =	vadd.scan.msk.f32 $0xffff, v0;
	v0 =	vmov s10;
	v4 =	vnsel vm9, $0x0, v4;
	v2 =	vbroadcast v2, $0xF  }
0x1c1: {  	vm10 =	veq.s32 v0, v1;
	v5, _, _ =	vpop (xrf2);
	v3 =	vadd.f32 v4, v3  }
0x1c2: {  	v0 =	vmov s11;
	v2 =	vnsel vm10, $0x0, v2;
	v4 =	vbroadcast v5, $0xF  }
0x1c3: {  	vm11 =	veq.s32 v0, v1;
	v5, _, _ =	vpop (xrf2);
	v2 =	vadd.f32 v2, v3  }
0x1c4: {  	v0 =	vmov s12;
	v3 =	vnsel vm11, $0x0, v4;
	v4 =	vbroadcast v5, $0xF  }
0x1c5: {  	vm12 =	veq.s32 v0, v1;
	v5, _, _ =	vpop (xrf2);
	v2 =	vadd.f32 v3, v2  }
0x1c6: {  	v0 =	vnsel vm12, $0x0, v4;
	v3 =	vmov s13;
	v4 =	vbroadcast v5, $0xF  }
0x1c7: {  	vm13 =	veq.s32 v3, v1  }
0x1c8: {  	v0 =	vadd.f32 v0, v2;
	v2 =	vnsel vm13, $0x0, v4  }
0x1c9: {  	v5, _, _ =	vpop (xrf2)  }
0x1ca: {  	p1 =	por p0, p0;
	v3 =	vmov s17;
	v4 =	vbroadcast v5, $0xF  }
.Ltmp5:
0x1cb: {  	vm14 =	veq.s32 v3, v1;
	v0 =	vadd.f32 v2, v0;
	v2, _, _ =	vpop (xrf2);
	(pc) =	sbr.rel @p1 .LBB2_9-.Ltmp5, $4  }
0x1cc: {  	v3 =	vnsel vm14, $0x0, v4;
	v4 =	vmov s21;
	v2 =	vbroadcast v2, $0xF  }
0x1cd: {  	vm15 =	veq.s32 v4, v1;
	v0 =	vadd.f32 v3, v0  }
0x1ce: {  	v2 =	vnsel vm15, $0x0, v2  }
0x1cf: {  	p0 =	por $0x0, $0x0;
	s8 =	simm.s32 $0x8;
	v3 =	vadd.f32 v2, v0  }
0x1d0: {  	v2 =	vld [tilespmem:$0x1FFD0];
	_ =	sdelay $0x4  }
0x1d1: {  	v0 =	vadd.f32 v3, v2;
	_ =	sdelay $0x1  }
0x1d2: {  	s7 =	sand.u32 $0x3FFFFFF0, s7;
	(erf) = vrcp.f32 v0  }
0x1d3: {  	v0 =	vld [tilespmem:s7+$0x18080];
	_ =	sdelay $0x4  }
0x1d4: {  	v0 =	vmul.f32 v0, v2;
	_ =	sdelay $0x1  }
0x1d5: {  	v0 =	vmul.f32 v0, v3  }
0x1d6: {  	v2 =	vpop (erf)  }
0x1d7: {  	v0 =	vmul.f32 v0, v2;
	v2 =	vld [tilespmem:$0x1FF90]  }
0x1d8: {  	s1 =	sadd.s32 $0x1, s1  }
0x1d9: {  	p0 =	sne.s32 s1, $0x8  }
.Ltmp6:
0x1da: {  	_ = 	snop;
	(pc) =	sbr.rel @p0 .LBB2_8-.Ltmp6, $3  }
0x1db: {  	_ = 	snop  }
0x1dc: {  	v0 =	vadd.f32 v0, v2;
	_ =	sdelay $0x1  }
0x1dd: {  	[tilespmem:$0x19380] =	vst v0  }
0x1de: {  	[tilespmem:s23], [sflag:$0x2] =	stream.indirect.gather [hbm4b:s0+s3], $0x80, s16, s3, $0xb8;
	[tilespmem:$0x19400] =	vst v63  }
0x1df: {  	s1 =	simm.s32 $0x0;
	s7 =	rddreg [dreg:$0x12]  }
0x1e0: {  	[tilespmem:s24], [sflag:$0x4] =	stream.linear.gather [hbm4b:s7+s1], $0x4000, $0x38;
	[tilespmem:$0x19400] =	vst v63  }
0x1e1: {  	_ =	swait.ge [sflag:s25], $0x4000  }
0x1e2: {  	[sflag:s25] =	ssyncset.done $0x0  }
0x1e3: {  	[sflag:s25] =	ssyncadd.s32 $0xFFFFC000  }
0x1e4: {  	_ =	swait.ge [sflag:s28], $0x4000  }
0x1e5: {  	[sflag:s28] =	ssyncset.done $0x0  }
0x1e6: {  	[sflag:s28] =	ssyncadd.s32 $0xFFFFC000  }
0x1e7: {  	v0 =	vld [tilespmem:$0x19380]  }
.LBB2_12:
0x1e8: {  	_ =	sdelay $0x3  }
0x1e9: {  	s7 =	sshll.u32 s1, $0x4;
	p0 =	por $0x1, $0x1;
	v3 =	vimm.f32 $0.0e+00;
	s8 =	simm.s32 $0x0;
	[tilespmem:$0x1FF60] =	vst v0  }
.LBB2_13:
0x1ea: {  	s9 =	sor.u32 s7, s8  }
0x1eb: {  	s10 =	sshll.u32 s9, $0x7  }
0x1ec: {  	v0 =	vld [tilespmem:s10+$0x8000]  }
0x1ed: {  	v2 =	vld [tilespmem:s10+$0x10000]  }
0x1ee: {  	[tilespmem:$0x1FF50] =	vst v3;
	v3 =	vld [tilespmem:s10+$0x8010]  }
0x1ef: {  	v4 =	vld [tilespmem:s10+$0x10010]  }
0x1f0: {  	v9 =	vld [tilespmem:s10+$0x8020]  }
0x1f1: {  	v12 =	vld [tilespmem:s10+$0x10020]  }
0x1f2: {  	v13 =	vld [tilespmem:s10+$0x8030]  }
0x1f3: {  	v14 =	vld [tilespmem:s10+$0x10030]  }
0x1f4: {  	v15 =	vld [tilespmem:s10+$0x8040]  }
0x1f5: {  	v16 =	vld [tilespmem:s10+$0x10040]  }
0x1f6: {  	v17 =	vld [tilespmem:s10+$0x8050]  }
0x1f7: {  	v18 =	vld [tilespmem:s10+$0x10050]  }
0x1f8: {  	v19 =	vld [tilespmem:s10+$0x8060]  }
0x1f9: {  	s9 =	sor.u32 $0x1, s8;
	v20 =	vld [tilespmem:s10+$0x10060]  }
0x1fa: {  	v21 =	vld [tilespmem:s10+$0x8070];
	s11 =	sor.u32 s7, s9  }
0x1fb: {  	v22 =	vld [tilespmem:s10+$0x10070];
	s11 =	sshll.u32 s11, $0x7  }
0x1fc: {  	v23 =	vld [tilespmem:s11+$0x8000]  }
0x1fd: {  	v24 =	vld [tilespmem:s11+$0x10000]  }
0x1fe: {  	v25 =	vld [tilespmem:s11+$0x8010]  }
0x1ff: {  	v26 =	vld [tilespmem:s11+$0x10010]  }
0x200: {  	v27 =	vld [tilespmem:s11+$0x8020]  }
0x201: {  	v28 =	vld [tilespmem:s11+$0x10020]  }
0x202: {  	v29 =	vld [tilespmem:s11+$0x8030]  }
0x203: {  	v30 =	vld [tilespmem:s11+$0x10030]  }
0x204: {  	v31 =	vld [tilespmem:s11+$0x8040]  }
0x205: {  	v32 =	vld [tilespmem:s11+$0x10040]  }
0x206: {  	v33 =	vld [tilespmem:s11+$0x8050]  }
0x207: {  	v34 =	vld [tilespmem:s11+$0x10050]  }
0x208: {  	v35 =	vld [tilespmem:s11+$0x8060]  }
0x209: {  	s10 =	sor.u32 $0x2, s8;
	v36 =	vld [tilespmem:s11+$0x10060]  }
0x20a: {  	s12 =	sor.u32 s7, s10;
	v37 =	vld [tilespmem:s11+$0x8070]  }
0x20b: {  	v38 =	vld [tilespmem:s11+$0x10070];
	s12 =	sshll.u32 s12, $0x7  }
0x20c: {  	v39 =	vld [tilespmem:s12+$0x8000]  }
0x20d: {  	v40 =	vld [tilespmem:s12+$0x10000]  }
0x20e: {  	v41 =	vld [tilespmem:s12+$0x8010]  }
0x20f: {  	v42 =	vld [tilespmem:s12+$0x10010]  }
0x210: {  	v43 =	vld [tilespmem:s12+$0x8020]  }
0x211: {  	v44 =	vld [tilespmem:s12+$0x10020]  }
0x212: {  	v45 =	vld [tilespmem:s12+$0x8030]  }
0x213: {  	v46 =	vld [tilespmem:s12+$0x10030]  }
0x214: {  	v47 =	vld [tilespmem:s12+$0x8040]  }
0x215: {  	v48 =	vld [tilespmem:s12+$0x10040]  }
0x216: {  	v49 =	vld [tilespmem:s12+$0x8050]  }
0x217: {  	v50 =	vld [tilespmem:s12+$0x10050]  }
0x218: {  	v51 =	vld [tilespmem:s12+$0x8060]  }
0x219: {  	s11 =	sor.u32 $0x3, s8;
	v52 =	vld [tilespmem:s12+$0x10060]  }
0x21a: {  	v10 =	vld [tilespmem:s12+$0x8070];
	s13 =	sor.u32 s7, s11  }
0x21b: {  	v11 =	vld [tilespmem:s12+$0x10070];
	s13 =	sshll.u32 s13, $0x7  }
0x21c: {  	v53 =	vld [tilespmem:s13+$0x8000]  }
0x21d: {  	v54 =	vld [tilespmem:s13+$0x10000]  }
0x21e: {  	v55 =	vld [tilespmem:s13+$0x8010]  }
0x21f: {  	v56 =	vld [tilespmem:s13+$0x10010]  }
0x220: {  	v57 =	vld [tilespmem:s13+$0x8020]  }
0x221: {  	v58 =	vld [tilespmem:s13+$0x10020]  }
0x222: {  	v59 =	vld [tilespmem:s13+$0x8030]  }
0x223: {  	v60 =	vld [tilespmem:s13+$0x10030]  }
0x224: {  	v61 =	vld [tilespmem:s13+$0x8040]  }
0x225: {  	v62 =	vld [tilespmem:s13+$0x10040]  }
0x226: {  	v63 =	vld [tilespmem:s13+$0x8050]  }
0x227: {  	v5 =	vld [tilespmem:s13+$0x10050]  }
0x228: {  	s12 =	sor.u32 $0x4, s8;
	v6 =	vld [tilespmem:s13+$0x8060]  }
0x229: {  	s14 =	sor.u32 s7, s12;
	v8 =	vld [tilespmem:s13+$0x10060]  }
0x22a: {  	v7 =	vld [tilespmem:s13+$0x8070];
	s14 =	sshll.u32 s14, $0x7  }
0x22b: {  	v3 =	vsub.f32 v3, v4;
	v4 =	vld [tilespmem:s14+$0x8000]  }
0x22c: {  	v2 =	vsub.f32 v0, v2;
	v0 =	vld [tilespmem:s14+$0x10000]  }
0x22d: {  	v9 =	vsub.f32 v9, v12;
	v12 =	vld [tilespmem:s14+$0x8010]  }
0x22e: {  	v21 =	vsub.f32 v21, v22;
	v22 =	vld [tilespmem:s14+$0x10060];
	v2 =	vmul.f32 v2, v2;
	v3 =	vmul.f32 v3, v3  }
0x22f: {  	v28 =	vsub.f32 v27, v28;
	v27 =	vsub.f32 v19, v20;
	v19 =	vld [tilespmem:s14+$0x10040]  }
0x230: {  	v2 =	vadd.f32 v3, v2;
	v3 =	vmul.f32 v9, v9;
	v9 =	vsub.f32 v13, v14;
	v13 =	vld [tilespmem:s14+$0x10010]  }
0x231: {  	v14 =	vld [tilespmem:s14+$0x8020]  }
0x232: {  	[tilespmem:$0x1FF40] =	vst v7;
	v7 =	vld [tilespmem:s13+$0x10070]  }
0x233: {  	v2 =	vadd.f32 v3, v2;
	v3 =	vmul.f32 v9, v9;
	v9 =	vsub.f32 v15, v16;
	v16 =	vld [tilespmem:s14+$0x10020]  }
0x234: {  	v15 =	vsub.f32 v23, v24;
	v24 =	vld [tilespmem:s14+$0x8030]  }
0x235: {  	v40 =	vsub.f32 v39, v40;
	v23 =	vsub.f32 v25, v26;
	v25 =	vld [tilespmem:s14+$0x8040]  }
0x236: {  	v39 =	vsub.f32 v43, v44;
	v44 =	vsub.f32 v47, v48;
	v26 =	vld [tilespmem:s14+$0x10050]  }
0x237: {  	s13 =	sor.u32 $0x5, s8;
	v48 =	vsub.f32 v57, v58;
	v57 =	vsub.f32 v51, v52;
	v51 =	vld [tilespmem:$0x1FF40]  }
0x238: {  	s17 =	sor.u32 s7, s13;
	v2 =	vadd.f32 v3, v2;
	v3 =	vmul.f32 v9, v9;
	v9 =	vsub.f32 v17, v18;
	v17 =	vld [tilespmem:s14+$0x10030]  }
0x239: {  	v34 =	vsub.f32 v33, v34;
	s20 =	sshll.u32 s17, $0x7;
	v18 =	vmul.f32 v23, v23;
	v23 =	vld [tilespmem:s14+$0x8050]  }
0x23a: {  	v36 =	vsub.f32 v35, v36;
	v33 =	vld [tilespmem:s20+$0x8010]  }
0x23b: {  	v41 =	vsub.f32 v41, v42;
	v42 =	vmul.f32 v34, v34;
	v34 =	vld [tilespmem:s20+$0x10010]  }
0x23c: {  	v20 =	vmul.f32 v36, v36;
	v36 =	vld [tilespmem:s20+$0x8030]  }
0x23d: {  	v58 =	vld [tilespmem:s20+$0x10050]  }
0x23e: {  	v47 =	vmul.f32 v44, v44;
	s17 =	sor.u32 $0x6, s8;
	v44 =	vld [tilespmem:s20+$0x8060]  }
0x23f: {  	v37 =	vsub.f32 v37, v38;
	v38 =	vld [tilespmem:s20+$0x8070];
	s18 =	sor.u32 s7, s17  }
0x240: {  	v10 =	vsub.f32 v10, v11;
	v11 =	vld [tilespmem:s20+$0x10070];
	s19 =	sshll.u32 s18, $0x7  }
0x241: {  	v6 =	vsub.f32 v6, v8;
	v8 =	vld [tilespmem:s19+$0x8000]  }
0x242: {  	v0 =	vsub.f32 v4, v0;
	v15 =	vmul.f32 v15, v15;
	v4 =	vsub.f32 v12, v13;
	v12 =	vld [tilespmem:s19+$0x10000]  }
0x243: {  	v2 =	vadd.f32 v3, v2;
	v3 =	vmul.f32 v9, v9;
	v13 =	vld [tilespmem:s19+$0x8010]  }
0x244: {  	v15 =	vadd.f32 v18, v15;
	v18 =	vmul.f32 v28, v28;
	v28 =	vsub.f32 v29, v30;
	v52 =	vld [tilespmem:s19+$0x10050]  }
0x245: {  	v14 =	vsub.f32 v14, v16;
	v16 =	vld [tilespmem:s19+$0x10010];
	v2 =	vadd.f32 v3, v2  }
0x246: {  	v3 =	vmul.f32 v27, v27;
	v29 =	vadd.f32 v18, v15;
	v30 =	vmul.f32 v28, v28;
	v15 =	vld [tilespmem:s14+$0x8060]  }
0x247: {  	v27 =	vmul.f32 v40, v40;
	v40 =	vmul.f32 v39, v39;
	v39 =	vld [tilespmem:s20+$0x8040]  }
0x248: {  	v28 =	vmul.f32 v41, v41;
	v41 =	vsub.f32 v45, v46;
	v45 =	vsub.f32 v53, v54;
	v54 =	vld [tilespmem:s20+$0x10040]  }
0x249: {  	v46 =	vsub.f32 v55, v56;
	v55 =	vmul.f32 v48, v48;
	v48 =	vld [tilespmem:s19+$0x10040]  }
0x24a: {  	v53 =	vsub.f32 v49, v50;
	v50 =	vld [tilespmem:s19+$0x8050]  }
0x24b: {  	v31 =	vsub.f32 v31, v32;
	v3 =	vadd.f32 v3, v2;
	v2 =	vld [tilespmem:s14+$0x8070]  }
0x24c: {  	v9 =	vadd.f32 v30, v29;
	v29 =	vld [tilespmem:s14+$0x10070]  }
0x24d: {  	v21 =	vmul.f32 v21, v21;
	v32 =	vmul.f32 v31, v31;
	v5 =	vsub.f32 v63, v5;
	v30 =	vld [tilespmem:s20+$0x8000]  }
0x24e: {  	v0 =	vmul.f32 v0, v0;
	v27 =	vadd.f32 v28, v27;
	v43 =	vmul.f32 v41, v41;
	v28 =	vld [tilespmem:s20+$0x10020]  }
0x24f: {  	v7 =	vsub.f32 v51, v7;
	v31 =	vmul.f32 v45, v45;
	v35 =	vmul.f32 v46, v46;
	v41 =	vld [tilespmem:s20+$0x8050]  }
0x250: {  	v4 =	vmul.f32 v4, v4;
	v56 =	vsub.f32 v59, v60;
	v45 =	vld [tilespmem:s19+$0x10030];
	v9 =	vadd.f32 v32, v9  }
0x251: {  	v37 =	vmul.f32 v37, v37;
	v60 =	vsub.f32 v61, v62;
	v46 =	vld [tilespmem:s19+$0x8040];
	v31 =	vadd.f32 v35, v31  }
0x252: {  	v0 =	vadd.f32 v4, v0;
	v59 =	vmul.f32 v56, v56;
	v56 =	vld [tilespmem:s19+$0x10060];
	v18 =	vadd.f32 v42, v9  }
0x253: {  	v10 =	vmul.f32 v10, v10;
	v32 =	vld [tilespmem:s20+$0x10000];
	v9 =	vadd.f32 v21, v3;
	v31 =	vadd.f32 v55, v31  }
0x254: {  	v4 =	vmul.f32 v14, v14;
	v42 =	vadd.f32 v40, v27;
	v27 =	vld [tilespmem:s20+$0x10030];
	v3 =	vadd.f32 v20, v18  }
0x255: {  	v11 =	vsub.f32 v38, v11;
	v62 =	vmul.f32 v60, v60;
	v55 =	vld [tilespmem:s19+$0x8060];
	v31 =	vadd.f32 v59, v31  }
0x256: {  	v5 =	vmul.f32 v5, v5;
	v0 =	vadd.f32 v4, v0;
	v18 =	vld [tilespmem:s20+$0x8020];
	v3 =	vadd.f32 v37, v3  }
0x257: {  	s21 =	sor.u32 $0x7, s8;
	v6 =	vmul.f32 v6, v6;
	v37 =	vld [tilespmem:s20+$0x10060];
	v63 =	vadd.f32 v62, v31;
	v31 =	vsub.f32 v24, v17  }
0x258: {  	s30 =	sor.u32 s7, s21;
	v61 =	vmul.f32 v57, v57;
	v8 =	vsub.f32 v8, v12;
	v20 =	vadd.f32 v43, v42;
	v17 =	vld [tilespmem:s19+$0x10020]  }
0x259: {  	v35 =	vsub.f32 v33, v34;
	v42 =	vsub.f32 v25, v19;
	v24 =	vld [tilespmem:s19+$0x8030];
	s20 =	sshll.u32 s30, $0x7;
	v4 =	vmul.f32 v31, v31  }
0x25a: {  	v7 =	vmul.f32 v7, v7;
	v33 =	vsub.f32 v13, v16;
	v20 =	vadd.f32 v47, v20;
	v59 =	vld [tilespmem:s20+$0x8000]  }
0x25b: {  	v47 =	vsub.f32 v23, v26;
	v60 =	vld [tilespmem:s20+$0x10000];
	v0 =	vadd.f32 v4, v0;
	v4 =	vmul.f32 v42, v42  }
0x25c: {  	v54 =	vsub.f32 v39, v54;
	v8 =	vmul.f32 v8, v8;
	v58 =	vsub.f32 v41, v58;
	v34 =	vld [tilespmem:s20+$0x10020]  }
0x25d: {  	v49 =	vsub.f32 v36, v27;
	v36 =	vld [tilespmem:s20+$0x8030];
	v0 =	vadd.f32 v4, v0;
	v4 =	vmul.f32 v47, v47  }
0x25e: {  	v12 =	vmul.f32 v33, v33;
	v2 =	vsub.f32 v2, v29;
	v39 =	vld [tilespmem:s20+$0x10030];
	v5 =	vadd.f32 v5, v63  }
0x25f: {  	v21 =	vmul.f32 v53, v53;
	v41 =	vld [tilespmem:s20+$0x8040];
	v0 =	vadd.f32 v4, v0;
	v4 =	vsub.f32 v15, v22  }
0x260: {  	v11 =	vmul.f32 v11, v11;
	v8 =	vadd.f32 v12, v8;
	v32 =	vsub.f32 v30, v32;
	v63 =	vld [tilespmem:s20+$0x8010]  }
0x261: {  	v20 =	vadd.f32 v21, v20;
	v5 =	vadd.f32 v6, v5;
	v6 =	vld [tilespmem:s19+$0x8020];
	v4 =	vmul.f32 v4, v4  }
0x262: {  	v57 =	vmul.f32 v54, v54;
	v55 =	vsub.f32 v55, v56;
	v18 =	vsub.f32 v18, v28;
	v42 =	vld [tilespmem:s20+$0x10040]  }
0x263: {  	v2 =	vmul.f32 v2, v2;
	v20 =	vadd.f32 v61, v20;
	v0 =	vadd.f32 v4, v0;
	v4 =	vld [tilespmem:s20+$0x10010]  }
0x264: {  	v53 =	vmul.f32 v49, v49;
	v49 =	vsub.f32 v50, v52;
	v62 =	vsub.f32 v44, v37;
	v44 =	vld [tilespmem:s20+$0x8050]  }
0x265: {  	v40 =	vsub.f32 v24, v45;
	v10 =	vadd.f32 v10, v20;
	v20 =	vmul.f32 v32, v32;
	v32 =	vld [tilespmem:s20+$0x8020]  }
0x266: {  	v21 =	vmul.f32 v35, v35;
	v45 =	vsub.f32 v46, v48;
	v46 =	vld [tilespmem:s20+$0x10050];
	v5 =	vadd.f32 v7, v5  }
0x267: {  	v35 =	vld [tilespmem:s19+$0x8070];
	v61 =	vmul.f32 v58, v58;
	v37 =	vsub.f32 v59, v60;
	v48 =	vsub.f32 v36, v39  }
0x268: {  	v18 =	vmul.f32 v18, v18;
	v47 =	vld [tilespmem:s19+$0x10070];
	v20 =	vadd.f32 v21, v20;
	v4 =	vsub.f32 v63, v4  }
0x269: {  	v31 =	vmul.f32 v62, v62;
	v6 =	vsub.f32 v6, v17;
	v17 =	vmul.f32 v37, v37  }
0x26a: {  	(xrf2) =	vadd.scan.msk.f32 $0xffff, v9;
	v18 =	vadd.f32 v18, v20;
	v13 =	vsub.f32 v32, v34;
	v4 =	vmul.f32 v4, v4  }
0x26b: {  	v51 =	vld [tilespmem:s20+$0x8060];
	(xrf2) =	vadd.scan.msk.f32 $0xffff, v3;
	v52 =	vsub.f32 v41, v42;
	v58 =	vsub.f32 v44, v46;
	v6 =	vmul.f32 v6, v6  }
0x26c: {  	(xrf2) =	vadd.scan.msk.f32 $0xffff, v10;
	v18 =	vadd.f32 v53, v18;
	v53 =	vld [tilespmem:s20+$0x10060];
	v13 =	vmul.f32 v13, v13;
	v4 =	vadd.f32 v4, v17  }
0x26d: {  	v43 =	vmul.f32 v40, v40;
	(xrf2) =	vadd.scan.msk.f32 $0xffff, v5;
	v5 =	vsub.f32 v35, v47;
	v6 =	vadd.f32 v6, v8  }
0x26e: {  	v8 =	vmul.f32 v48, v48;
	v18 =	vadd.f32 v57, v18;
	v4 =	vadd.f32 v13, v4  }
0x26f: {  	v56 =	vld [tilespmem:s20+$0x8070];
	v50 =	vmul.f32 v45, v45;
	v0 =	vadd.f32 v2, v0;
	v6 =	vadd.f32 v43, v6  }
0x270: {  	v59 =	vmul.f32 v52, v52;
	v57 =	vld [tilespmem:s20+$0x10070];
	v30 =	vadd.f32 v61, v18;
	v4 =	vadd.f32 v8, v4  }
0x271: {  	v54 =	vmul.f32 v49, v49;
	v3 =	vadd.f32 v50, v6;
	v61 =	vsub.f32 v51, v53  }
0x272: {  	v2 =	vadd.f32 v31, v30;
	v8 =	vmul.f32 v58, v58;
	v4 =	vadd.f32 v59, v4  }
0x273: {  	v60 =	vmul.f32 v55, v55;
	(xrf2) =	vadd.scan.msk.f32 $0xffff, v0;
	v0 =	vmul.f32 v5, v5;
	v3 =	vadd.f32 v54, v3  }
0x274: {  	v5 =	vmul.f32 v61, v61;
	v2 =	vadd.f32 v11, v2;
	v4 =	vadd.f32 v8, v4  }
0x275: {  	v62 =	vsub.f32 v56, v57;
	v3 =	vadd.f32 v60, v3  }
0x276: {  	v63, _, _ =	vpop (xrf2);
	(xrf2) =	vadd.scan.msk.f32 $0xffff, v2;
	v2 =	vadd.f32 v5, v4;
	v4 =	vmov s8  }
0x277: {  	v0 =	vadd.f32 v0, v3;
	v3 =	vmul.f32 v62, v62;
	v5 =	vbroadcast v63, $0xF  }
0x278: {  	vm0 =	veq.s32 v4, v1  }
0x279: {  	v4, _, _ =	vpop (xrf2);
	(xrf2) =	vadd.scan.msk.f32 $0xffff, v0;
	v0 =	vadd.f32 v3, v2;
	v3 =	vnsel vm0, $0x0, v5;
	v5 =	vld [tilespmem:$0x1FF50];
	_ =	sdelay $0x1  }
0x27a: {  	v2 =	vmov s9;
	_ =	sdelay $0x1  }
0x27b: {  	v4 =	vbroadcast v4, $0xF  }
0x27c: {  	vm9 =	veq.s32 v2, v1;
	v2, _, _ =	vpop (xrf2);
	v3 =	vadd.f32 v3, v5  }
0x27d: {  	(xrf2) =	vadd.scan.msk.f32 $0xffff, v0;
	v0 =	vmov s10;
	v4 =	vnsel vm9, $0x0, v4;
	v2 =	vbroadcast v2, $0xF  }
0x27e: {  	vm10 =	veq.s32 v0, v1;
	v5, _, _ =	vpop (xrf2);
	v3 =	vadd.f32 v4, v3  }
0x27f: {  	v0 =	vmov s11;
	v2 =	vnsel vm10, $0x0, v2;
	v4 =	vbroadcast v5, $0xF  }
0x280: {  	vm11 =	veq.s32 v0, v1;
	v5, _, _ =	vpop (xrf2);
	v2 =	vadd.f32 v2, v3  }
0x281: {  	v0 =	vmov s12;
	v3 =	vnsel vm11, $0x0, v4;
	v4 =	vbroadcast v5, $0xF  }
0x282: {  	vm12 =	veq.s32 v0, v1;
	v5, _, _ =	vpop (xrf2);
	v2 =	vadd.f32 v3, v2  }
0x283: {  	v0 =	vnsel vm12, $0x0, v4;
	v3 =	vmov s13;
	v4 =	vbroadcast v5, $0xF  }
0x284: {  	vm13 =	veq.s32 v3, v1  }
0x285: {  	v0 =	vadd.f32 v0, v2;
	v2 =	vnsel vm13, $0x0, v4  }
0x286: {  	v5, _, _ =	vpop (xrf2)  }
0x287: {  	p1 =	por p0, p0;
	v3 =	vmov s17;
	v4 =	vbroadcast v5, $0xF  }
.Ltmp7:
0x288: {  	vm14 =	veq.s32 v3, v1;
	v0 =	vadd.f32 v2, v0;
	v2, _, _ =	vpop (xrf2);
	(pc) =	sbr.rel @p1 .LBB2_13-.Ltmp7, $4  }
0x289: {  	v3 =	vnsel vm14, $0x0, v4;
	v4 =	vmov s21;
	v2 =	vbroadcast v2, $0xF  }
0x28a: {  	vm15 =	veq.s32 v4, v1;
	v0 =	vadd.f32 v3, v0  }
0x28b: {  	v2 =	vnsel vm15, $0x0, v2  }
0x28c: {  	p0 =	por $0x0, $0x0;
	s8 =	simm.s32 $0x8;
	v3 =	vadd.f32 v2, v0  }
0x28d: {  	v2 =	vld [tilespmem:$0x1FFD0];
	_ =	sdelay $0x4  }
0x28e: {  	v0 =	vadd.f32 v3, v2;
	_ =	sdelay $0x1  }
0x28f: {  	s7 =	sand.u32 $0x3FFFFFF0, s7;
	(erf) = vrcp.f32 v0  }
0x290: {  	v0 =	vld [tilespmem:s7+$0x18100];
	_ =	sdelay $0x4  }
0x291: {  	v0 =	vmul.f32 v0, v2;
	_ =	sdelay $0x1  }
0x292: {  	v0 =	vmul.f32 v0, v3  }
0x293: {  	v2 =	vpop (erf)  }
0x294: {  	v0 =	vmul.f32 v0, v2;
	v2 =	vld [tilespmem:$0x1FF60]  }
0x295: {  	s1 =	sadd.s32 $0x1, s1  }
0x296: {  	p0 =	sne.s32 s1, $0x8  }
.Ltmp8:
0x297: {  	_ = 	snop;
	(pc) =	sbr.rel @p0 .LBB2_12-.Ltmp8, $3  }
0x298: {  	_ = 	snop  }
0x299: {  	v0 =	vadd.f32 v0, v2;
	_ =	sdelay $0x1  }
0x29a: {  	[tilespmem:$0x19380] =	vst v0  }
0x29b: {  	_ =	swait.ge [sflag:s26], $0x4000  }
0x29c: {  	[sflag:s26] =	ssyncset.done $0x0  }
0x29d: {  	[sflag:s26] =	ssyncadd.s32 $0xFFFFC000  }
0x29e: {  	_ =	swait.ge [sflag:s29], $0x4000  }
0x29f: {  	[sflag:s29] =	ssyncset.done $0x0  }
0x2a0: {  	s1 =	simm.s32 $0x0;
	[sflag:s29] =	ssyncadd.s32 $0xFFFFC000  }
.LBB2_16:
0x2a1: {  	[tilespmem:$0x1FF60] =	vst v0;
	s7 =	sshll.u32 s1, $0x4;
	p0 =	por $0x1, $0x1;
	v3 =	vimm.f32 $0.0e+00;
	s8 =	simm.s32 $0x0  }
.LBB2_17:
0x2a2: {  	s9 =	sor.u32 s7, s8  }
0x2a3: {  	s10 =	sshll.u32 s9, $0x7  }
0x2a4: {  	v0 =	vld [tilespmem:s10+$0xC000]  }
0x2a5: {  	v2 =	vld [tilespmem:s10+$0x14000]  }
0x2a6: {  	[tilespmem:$0x1FF30] =	vst v3;
	v3 =	vld [tilespmem:s10+$0xC010]  }
0x2a7: {  	v4 =	vld [tilespmem:s10+$0x14010]  }
0x2a8: {  	v5 =	vld [tilespmem:s10+$0xC020]  }
0x2a9: {  	v9 =	vld [tilespmem:s10+$0x14020]  }
0x2aa: {  	v12 =	vld [tilespmem:s10+$0xC030]  }
0x2ab: {  	v13 =	vld [tilespmem:s10+$0x14030]  }
0x2ac: {  	v14 =	vld [tilespmem:s10+$0xC040]  }
0x2ad: {  	v15 =	vld [tilespmem:s10+$0x14040]  }
0x2ae: {  	v16 =	vld [tilespmem:s10+$0xC050]  }
0x2af: {  	v17 =	vld [tilespmem:s10+$0x14050]  }
0x2b0: {  	v18 =	vld [tilespmem:s10+$0xC060]  }
0x2b1: {  	s9 =	sor.u32 $0x1, s8;
	v19 =	vld [tilespmem:s10+$0x14060]  }
0x2b2: {  	v20 =	vld [tilespmem:s10+$0xC070];
	s11 =	sor.u32 s7, s9  }
0x2b3: {  	v21 =	vld [tilespmem:s10+$0x14070];
	s11 =	sshll.u32 s11, $0x7  }
0x2b4: {  	v22 =	vld [tilespmem:s11+$0xC000]  }
0x2b5: {  	v23 =	vld [tilespmem:s11+$0x14000]  }
0x2b6: {  	v24 =	vld [tilespmem:s11+$0xC010]  }
0x2b7: {  	v25 =	vld [tilespmem:s11+$0x14010]  }
0x2b8: {  	v26 =	vld [tilespmem:s11+$0xC020]  }
0x2b9: {  	v27 =	vld [tilespmem:s11+$0x14020]  }
0x2ba: {  	v28 =	vld [tilespmem:s11+$0xC030]  }
0x2bb: {  	v29 =	vld [tilespmem:s11+$0x14030]  }
0x2bc: {  	v30 =	vld [tilespmem:s11+$0xC040]  }
0x2bd: {  	v31 =	vld [tilespmem:s11+$0x14040]  }
0x2be: {  	v32 =	vld [tilespmem:s11+$0xC050]  }
0x2bf: {  	v33 =	vld [tilespmem:s11+$0x14050]  }
0x2c0: {  	v34 =	vld [tilespmem:s11+$0xC060]  }
0x2c1: {  	s10 =	sor.u32 $0x2, s8;
	v35 =	vld [tilespmem:s11+$0x14060]  }
0x2c2: {  	s12 =	sor.u32 s7, s10;
	v36 =	vld [tilespmem:s11+$0xC070]  }
0x2c3: {  	v37 =	vld [tilespmem:s11+$0x14070];
	s12 =	sshll.u32 s12, $0x7  }
0x2c4: {  	v38 =	vld [tilespmem:s12+$0xC000]  }
0x2c5: {  	v39 =	vld [tilespmem:s12+$0x14000]  }
0x2c6: {  	v40 =	vld [tilespmem:s12+$0xC010]  }
0x2c7: {  	v41 =	vld [tilespmem:s12+$0x14010]  }
0x2c8: {  	v42 =	vld [tilespmem:s12+$0xC020]  }
0x2c9: {  	v43 =	vld [tilespmem:s12+$0x14020]  }
0x2ca: {  	v44 =	vld [tilespmem:s12+$0xC030]  }
0x2cb: {  	v45 =	vld [tilespmem:s12+$0x14030]  }
0x2cc: {  	v46 =	vld [tilespmem:s12+$0xC040]  }
0x2cd: {  	v47 =	vld [tilespmem:s12+$0x14040]  }
0x2ce: {  	v48 =	vld [tilespmem:s12+$0xC050]  }
0x2cf: {  	v49 =	vld [tilespmem:s12+$0x14050]  }
0x2d0: {  	v50 =	vld [tilespmem:s12+$0xC060]  }
0x2d1: {  	s11 =	sor.u32 $0x3, s8;
	v51 =	vld [tilespmem:s12+$0x14060]  }
0x2d2: {  	v10 =	vld [tilespmem:s12+$0xC070];
	s13 =	sor.u32 s7, s11  }
0x2d3: {  	v11 =	vld [tilespmem:s12+$0x14070];
	s13 =	sshll.u32 s13, $0x7  }
0x2d4: {  	v52 =	vld [tilespmem:s13+$0xC000]  }
0x2d5: {  	v53 =	vld [tilespmem:s13+$0x14000]  }
0x2d6: {  	v54 =	vld [tilespmem:s13+$0xC010]  }
0x2d7: {  	v55 =	vld [tilespmem:s13+$0x14010]  }
0x2d8: {  	v56 =	vld [tilespmem:s13+$0xC020]  }
0x2d9: {  	v57 =	vld [tilespmem:s13+$0x14020]  }
0x2da: {  	v58 =	vld [tilespmem:s13+$0xC030]  }
0x2db: {  	v59 =	vld [tilespmem:s13+$0x14030]  }
0x2dc: {  	v60 =	vld [tilespmem:s13+$0xC040]  }
0x2dd: {  	v61 =	vld [tilespmem:s13+$0x14040]  }
0x2de: {  	v62 =	vld [tilespmem:s13+$0xC050]  }
0x2df: {  	v63 =	vld [tilespmem:s13+$0x14050]  }
0x2e0: {  	s12 =	sor.u32 $0x4, s8;
	v6 =	vld [tilespmem:s13+$0xC060]  }
0x2e1: {  	s14 =	sor.u32 s7, s12;
	v8 =	vld [tilespmem:s13+$0x14060]  }
0x2e2: {  	v7 =	vld [tilespmem:s13+$0xC070];
	s14 =	sshll.u32 s14, $0x7  }
0x2e3: {  	v3 =	vsub.f32 v3, v4;
	v4 =	vld [tilespmem:s14+$0xC000]  }
0x2e4: {  	v2 =	vsub.f32 v0, v2;
	v0 =	vld [tilespmem:s14+$0x14000]  }
0x2e5: {  	v5 =	vsub.f32 v5, v9;
	v9 =	vld [tilespmem:s14+$0xC010]  }
0x2e6: {  	v20 =	vsub.f32 v20, v21;
	v21 =	vld [tilespmem:s14+$0x14060];
	v2 =	vmul.f32 v2, v2;
	v3 =	vmul.f32 v3, v3  }
0x2e7: {  	v25 =	vsub.f32 v24, v25;
	v24 =	vld [tilespmem:s14+$0xC040];
	v28 =	vsub.f32 v28, v29  }
0x2e8: {  	v2 =	vadd.f32 v3, v2;
	v3 =	vmul.f32 v5, v5;
	v5 =	vsub.f32 v12, v13;
	v12 =	vld [tilespmem:s14+$0x14010]  }
0x2e9: {  	v13 =	vld [tilespmem:s14+$0xC020]  }
0x2ea: {  	v29 =	vmul.f32 v28, v28;
	v28 =	vld [tilespmem:s14+$0x14070]  }
0x2eb: {  	v33 =	vsub.f32 v32, v33;
	v32 =	vsub.f32 v40, v41;
	[tilespmem:$0x1FF20] =	vst v7;
	v7 =	vld [tilespmem:s13+$0x14070]  }
0x2ec: {  	v2 =	vadd.f32 v3, v2;
	v3 =	vmul.f32 v5, v5;
	v5 =	vsub.f32 v14, v15;
	v15 =	vld [tilespmem:s14+$0x14020]  }
0x2ed: {  	v40 =	vsub.f32 v44, v45;
	v14 =	vsub.f32 v22, v23;
	v23 =	vld [tilespmem:s14+$0xC030]  }
0x2ee: {  	s13 =	sor.u32 $0x5, s8;
	v45 =	vsub.f32 v54, v55;
	v55 =	vsub.f32 v50, v51;
	v51 =	vld [tilespmem:$0x1FF20]  }
0x2ef: {  	s17 =	sor.u32 s7, s13;
	v2 =	vadd.f32 v3, v2;
	v3 =	vmul.f32 v5, v5;
	v5 =	vsub.f32 v16, v17;
	v16 =	vld [tilespmem:s14+$0x14030]  }
0x2f0: {  	v34 =	vsub.f32 v34, v35;
	v39 =	vsub.f32 v38, v39;
	s20 =	sshll.u32 s17, $0x7;
	v17 =	vmul.f32 v25, v25;
	v25 =	vld [tilespmem:s14+$0x14050]  }
0x2f1: {  	v35 =	vsub.f32 v42, v43;
	v22 =	vsub.f32 v26, v27;
	v27 =	vmul.f32 v32, v32;
	v32 =	vld [tilespmem:s20+$0x14010]  }
0x2f2: {  	v31 =	vsub.f32 v30, v31;
	v26 =	vmul.f32 v39, v39;
	v30 =	vld [tilespmem:s20+$0x14020]  }
0x2f3: {  	v39 =	vmul.f32 v35, v35;
	v35 =	vld [tilespmem:s20+$0xC030]  }
0x2f4: {  	v43 =	vsub.f32 v46, v47;
	v26 =	vadd.f32 v27, v26;
	v27 =	vld [tilespmem:s20+$0x14030]  }
0x2f5: {  	v42 =	vmul.f32 v40, v40;
	v40 =	vld [tilespmem:s20+$0xC050]  }
0x2f6: {  	v46 =	vmul.f32 v43, v43;
	v43 =	vld [tilespmem:s20+$0xC060]  }
0x2f7: {  	v10 =	vsub.f32 v10, v11;
	v14 =	vmul.f32 v14, v14;
	v11 =	vld [tilespmem:s20+$0x14070]  }
0x2f8: {  	v2 =	vadd.f32 v3, v2;
	v3 =	vmul.f32 v5, v5;
	v5 =	vsub.f32 v18, v19;
	v18 =	vld [tilespmem:s14+$0x14040]  }
0x2f9: {  	s17 =	sor.u32 $0x6, s8;
	v14 =	vadd.f32 v17, v14;
	v17 =	vmul.f32 v22, v22;
	v22 =	vld [tilespmem:s14+$0xC050]  }
0x2fa: {  	s18 =	sor.u32 s7, s17;
	v19 =	vld [tilespmem:s20+$0xC010]  }
0x2fb: {  	s19 =	sshll.u32 s18, $0x7;
	v41 =	vadd.f32 v39, v26;
	v39 =	vld [tilespmem:s20+$0x14040]  }
0x2fc: {  	v6 =	vsub.f32 v6, v8;
	v8 =	vld [tilespmem:s19+$0xC000]  }
0x2fd: {  	v0 =	vsub.f32 v4, v0;
	v4 =	vsub.f32 v9, v12;
	v9 =	vld [tilespmem:s19+$0x14000]  }
0x2fe: {  	v12 =	vld [tilespmem:s19+$0xC020]  }
0x2ff: {  	v36 =	vsub.f32 v36, v37;
	v38 =	vmul.f32 v34, v34;
	v34 =	vmul.f32 v45, v45;
	v45 =	vld [tilespmem:s19+$0x14030]  }
0x300: {  	v44 =	vsub.f32 v52, v53;
	v52 =	vsub.f32 v48, v49;
	v48 =	vld [tilespmem:s19+$0x14040]  }
0x301: {  	v47 =	vsub.f32 v56, v57;
	v54 =	vsub.f32 v58, v59;
	v50 =	vld [tilespmem:s19+$0xC050]  }
0x302: {  	v57 =	vsub.f32 v60, v61;
	v58 =	vmul.f32 v55, v55;
	v26 =	vmul.f32 v52, v52;
	v52 =	vld [tilespmem:s19+$0x14050]  }
0x303: {  	v60 =	vsub.f32 v62, v63;
	v0 =	vmul.f32 v0, v0;
	v55 =	vld [tilespmem:s19+$0xC060];
	v4 =	vmul.f32 v4, v4  }
0x304: {  	v2 =	vadd.f32 v3, v2;
	v3 =	vmul.f32 v5, v5;
	v5 =	vadd.f32 v17, v14;
	v14 =	vld [tilespmem:s14+$0xC060]  }
0x305: {  	v13 =	vsub.f32 v13, v15;
	v7 =	vsub.f32 v51, v7;
	v17 =	vmul.f32 v31, v31;
	v31 =	vld [tilespmem:s20+$0x14000]  }
0x306: {  	v20 =	vmul.f32 v20, v20;
	v49 =	vsub.f32 v35, v27;
	v35 =	vld [tilespmem:s19+$0xC070];
	v5 =	vadd.f32 v29, v5  }
0x307: {  	v0 =	vadd.f32 v4, v0;
	v4 =	vmul.f32 v13, v13;
	v2 =	vadd.f32 v3, v2;
	v3 =	vld [tilespmem:s14+$0xC070]  }
0x308: {  	v33 =	vmul.f32 v33, v33;
	v29 =	vld [tilespmem:s20+$0xC000];
	v19 =	vsub.f32 v19, v32;
	v5 =	vadd.f32 v17, v5  }
0x309: {  	v36 =	vmul.f32 v36, v36;
	v0 =	vadd.f32 v4, v0;
	v2 =	vadd.f32 v20, v2;
	v17 =	vld [tilespmem:s20+$0xC020]  }
0x30a: {  	v53 =	vmul.f32 v47, v47;
	v20 =	vadd.f32 v42, v41;
	v42 =	vld [tilespmem:s20+$0x14050];
	v5 =	vadd.f32 v33, v5  }
0x30b: {  	v47 =	vsub.f32 v22, v25;
	v8 =	vsub.f32 v8, v9;
	v41 =	vld [tilespmem:s20+$0xC070];
	v33 =	vmul.f32 v44, v44  }
0x30c: {  	v10 =	vmul.f32 v10, v10;
	v20 =	vadd.f32 v46, v20;
	v46 =	vld [tilespmem:s19+$0xC040];
	v5 =	vadd.f32 v38, v5  }
0x30d: {  	v56 =	vmul.f32 v54, v54;
	v38 =	vld [tilespmem:s20+$0xC040];
	v33 =	vadd.f32 v34, v33;
	v34 =	vsub.f32 v23, v16  }
0x30e: {  	v59 =	vmul.f32 v57, v57;
	v44 =	vsub.f32 v24, v18;
	v20 =	vadd.f32 v26, v20;
	v26 =	vld [tilespmem:s19+$0xC010]  }
0x30f: {  	s21 =	sor.u32 $0x7, s8;
	(xrf2) =	vadd.scan.msk.f32 $0xffff, v2;
	v2 =	vsub.f32 v50, v52;
	v37 =	vsub.f32 v29, v31;
	v16 =	vld [tilespmem:s19+$0x14020];
	v4 =	vmul.f32 v34, v34  }
0x310: {  	s30 =	sor.u32 s7, s21;
	v62 =	vmul.f32 v60, v60;
	v23 =	vld [tilespmem:s19+$0xC030];
	v17 =	vsub.f32 v17, v30;
	v33 =	vadd.f32 v53, v33  }
0x311: {  	v5 =	vadd.f32 v36, v5;
	v36 =	vld [tilespmem:s20+$0x14060];
	s20 =	sshll.u32 s30, $0x7;
	v0 =	vadd.f32 v4, v0;
	v4 =	vmul.f32 v44, v44  }
0x312: {  	v6 =	vmul.f32 v6, v6;
	v20 =	vadd.f32 v58, v20;
	v60 =	vld [tilespmem:s20+$0x14000];
	v33 =	vadd.f32 v56, v33  }
0x313: {  	v58 =	vsub.f32 v40, v42;
	v32 =	vld [tilespmem:s20+$0xC020];
	v0 =	vadd.f32 v4, v0;
	v4 =	vmul.f32 v47, v47  }
0x314: {  	v19 =	vmul.f32 v19, v19;
	v34 =	vld [tilespmem:s20+$0x14020];
	v10 =	vadd.f32 v10, v20;
	v61 =	vadd.f32 v59, v33  }
0x315: {  	v42 =	vld [tilespmem:s20+$0xC040];
	v20 =	vmul.f32 v37, v37;
	v0 =	vadd.f32 v4, v0;
	v4 =	vsub.f32 v14, v21  }
0x316: {  	v7 =	vmul.f32 v7, v7;
	v3 =	vsub.f32 v3, v28;
	v33 =	vld [tilespmem:s19+$0x14010];
	v63 =	vadd.f32 v62, v61  }
0x317: {  	v17 =	vmul.f32 v17, v17;
	v19 =	vadd.f32 v19, v20;
	v59 =	vld [tilespmem:s20+$0xC000];
	v4 =	vmul.f32 v4, v4  }
0x318: {  	v8 =	vmul.f32 v8, v8;
	v54 =	vsub.f32 v38, v39;
	v6 =	vadd.f32 v6, v63;
	v63 =	vld [tilespmem:s20+$0xC010]  }
0x319: {  	v53 =	vmul.f32 v49, v49;
	v17 =	vadd.f32 v17, v19;
	v0 =	vadd.f32 v4, v0;
	v4 =	vld [tilespmem:s20+$0x14010]  }
0x31a: {  	v2 =	vmul.f32 v2, v2;
	v11 =	vsub.f32 v41, v11;
	v46 =	vsub.f32 v46, v48;
	v56 =	vld [tilespmem:s19+$0x14060]  }
0x31b: {  	v12 =	vsub.f32 v12, v16;
	v38 =	vld [tilespmem:s20+$0x14030];
	v57 =	vmul.f32 v54, v54;
	v17 =	vadd.f32 v53, v17  }
0x31c: {  	v3 =	vmul.f32 v3, v3;
	v62 =	vsub.f32 v43, v36;
	v36 =	vld [tilespmem:s20+$0xC030];
	v33 =	vsub.f32 v26, v33  }
0x31d: {  	v48 =	vld [tilespmem:s19+$0x14070];
	v40 =	vsub.f32 v23, v45;
	v61 =	vmul.f32 v58, v58;
	v17 =	vadd.f32 v57, v17  }
0x31e: {  	v43 =	vld [tilespmem:s20+$0x14040];
	v37 =	vsub.f32 v59, v60;
	v9 =	vmul.f32 v33, v33;
	v4 =	vsub.f32 v63, v4  }
0x31f: {  	v45 =	vld [tilespmem:s20+$0xC050];
	v39 =	vmul.f32 v12, v12;
	v15 =	vsub.f32 v32, v34;
	v30 =	vadd.f32 v61, v17  }
0x320: {  	v47 =	vld [tilespmem:s20+$0x14050];
	v17 =	vmul.f32 v37, v37;
	v8 =	vadd.f32 v9, v8;
	v4 =	vmul.f32 v4, v4  }
0x321: {  	v51 =	vld [tilespmem:s20+$0xC060];
	v44 =	vmul.f32 v40, v40;
	v54 =	vsub.f32 v55, v56;
	v49 =	vsub.f32 v36, v38  }
0x322: {  	v15 =	vmul.f32 v15, v15;
	v53 =	vld [tilespmem:s20+$0x14060];
	v8 =	vadd.f32 v39, v8;
	v4 =	vadd.f32 v4, v17  }
0x323: {  	v50 =	vmul.f32 v46, v46;
	v60 =	vsub.f32 v35, v48;
	v52 =	vsub.f32 v42, v43  }
0x324: {  	v9 =	vmul.f32 v49, v49;
	v8 =	vadd.f32 v44, v8;
	v4 =	vadd.f32 v15, v4  }
0x325: {  	(xrf2) =	vadd.scan.msk.f32 $0xffff, v5;
	v55 =	vld [tilespmem:s20+$0xC070];
	v31 =	vmul.f32 v62, v62;
	v6 =	vadd.f32 v7, v6;
	v57 =	vsub.f32 v45, v47  }
0x326: {  	v56 =	vld [tilespmem:s20+$0x14070];
	v58 =	vmul.f32 v52, v52;
	v5 =	vadd.f32 v50, v8;
	v4 =	vadd.f32 v9, v4  }
0x327: {  	(xrf2) =	vadd.scan.msk.f32 $0xffff, v10;
	v0 =	vadd.f32 v3, v0;
	v59 =	vmul.f32 v57, v57;
	v61 =	vsub.f32 v51, v53  }
0x328: {  	(xrf2) =	vadd.scan.msk.f32 $0xffff, v6;
	v2 =	vadd.f32 v2, v5;
	v5 =	vmul.f32 v54, v54;
	v4 =	vadd.f32 v58, v4  }
0x329: {  	v11 =	vmul.f32 v11, v11;
	v3 =	vadd.f32 v31, v30;
	(xrf2) =	vadd.scan.msk.f32 $0xffff, v0;
	v0 =	vmul.f32 v60, v60  }
0x32a: {  	v2 =	vadd.f32 v5, v2;
	v5 =	vmul.f32 v61, v61;
	v4 =	vadd.f32 v59, v4  }
0x32b: {  	v62 =	vsub.f32 v55, v56;
	v3 =	vadd.f32 v11, v3  }
0x32c: {  	v63, _, _ =	vpop (xrf2);
	v0 =	vadd.f32 v0, v2;
	v2 =	vadd.f32 v5, v4;
	v4 =	vmov s8  }
0x32d: {  	(xrf2) =	vadd.scan.msk.f32 $0xffff, v3;
	v3 =	vmul.f32 v62, v62;
	v5 =	vbroadcast v63, $0xF  }
0x32e: {  	vm0 =	veq.s32 v4, v1  }
0x32f: {  	v4, _, _ =	vpop (xrf2);
	(xrf2) =	vadd.scan.msk.f32 $0xffff, v0;
	v0 =	vadd.f32 v3, v2;
	v3 =	vnsel vm0, $0x0, v5;
	v5 =	vld [tilespmem:$0x1FF30];
	_ =	sdelay $0x1  }
0x330: {  	v2 =	vmov s9;
	_ =	sdelay $0x1  }
0x331: {  	v4 =	vbroadcast v4, $0xF  }
0x332: {  	vm9 =	veq.s32 v2, v1;
	v2, _, _ =	vpop (xrf2);
	v3 =	vadd.f32 v3, v5  }
0x333: {  	(xrf2) =	vadd.scan.msk.f32 $0xffff, v0;
	v0 =	vmov s10;
	v4 =	vnsel vm9, $0x0, v4;
	v2 =	vbroadcast v2, $0xF  }
0x334: {  	vm10 =	veq.s32 v0, v1;
	v5, _, _ =	vpop (xrf2);
	v3 =	vadd.f32 v4, v3  }
0x335: {  	v0 =	vmov s11;
	v2 =	vnsel vm10, $0x0, v2;
	v4 =	vbroadcast v5, $0xF  }
0x336: {  	vm11 =	veq.s32 v0, v1;
	v5, _, _ =	vpop (xrf2);
	v2 =	vadd.f32 v2, v3  }
0x337: {  	v0 =	vmov s12;
	v3 =	vnsel vm11, $0x0, v4;
	v4 =	vbroadcast v5, $0xF  }
0x338: {  	vm12 =	veq.s32 v0, v1;
	v5, _, _ =	vpop (xrf2);
	v2 =	vadd.f32 v3, v2  }
0x339: {  	v0 =	vnsel vm12, $0x0, v4;
	v3 =	vmov s13;
	v4 =	vbroadcast v5, $0xF  }
0x33a: {  	vm13 =	veq.s32 v3, v1  }
0x33b: {  	v0 =	vadd.f32 v0, v2;
	v2 =	vnsel vm13, $0x0, v4  }
0x33c: {  	v5, _, _ =	vpop (xrf2)  }
0x33d: {  	p1 =	por p0, p0;
	v3 =	vmov s17;
	v4 =	vbroadcast v5, $0xF  }
.Ltmp9:
0x33e: {  	vm14 =	veq.s32 v3, v1;
	v0 =	vadd.f32 v2, v0;
	v2, _, _ =	vpop (xrf2);
	(pc) =	sbr.rel @p1 .LBB2_17-.Ltmp9, $4  }
0x33f: {  	v3 =	vnsel vm14, $0x0, v4;
	v4 =	vmov s21;
	v2 =	vbroadcast v2, $0xF  }
0x340: {  	vm15 =	veq.s32 v4, v1;
	v0 =	vadd.f32 v3, v0  }
0x341: {  	v2 =	vnsel vm15, $0x0, v2  }
0x342: {  	p0 =	por $0x0, $0x0;
	s8 =	simm.s32 $0x8;
	v3 =	vadd.f32 v2, v0  }
0x343: {  	v2 =	vld [tilespmem:$0x1FFD0];
	_ =	sdelay $0x4  }
0x344: {  	v0 =	vadd.f32 v3, v2;
	_ =	sdelay $0x1  }
0x345: {  	s7 =	sand.u32 $0x3FFFFFF0, s7;
	(erf) = vrcp.f32 v0  }
0x346: {  	v0 =	vld [tilespmem:s7+$0x18180];
	_ =	sdelay $0x4  }
0x347: {  	v0 =	vmul.f32 v0, v2;
	_ =	sdelay $0x1  }
0x348: {  	v0 =	vmul.f32 v0, v3  }
0x349: {  	v2 =	vpop (erf)  }
0x34a: {  	v0 =	vmul.f32 v0, v2;
	v2 =	vld [tilespmem:$0x1FF60]  }
0x34b: {  	s1 =	sadd.s32 $0x1, s1  }
0x34c: {  	p0 =	sne.s32 s1, $0x8  }
.Ltmp10:
0x34d: {  	_ = 	snop;
	(pc) =	sbr.rel @p0 .LBB2_16-.Ltmp10, $3  }
0x34e: {  	_ = 	snop  }
0x34f: {  	v0 =	vadd.f32 v0, v2;
	_ =	sdelay $0x1  }
0x350: {  	[tilespmem:$0x19380] =	vst v0  }
0x351: {  	s1 =	simm.s32 $0x6000;
	v0 =	vld [tilespmem:$0x1FFE0]  }
0x352: {  	v1 =	vld [tilespmem:$0x1FFF0];
	[tilespmem:s4], [sflag:$0x1] =	stream.indirect.gather [hbm4b:s0+s3], $0x80, s1, s3, $0xb8  }
0x353: {  	s20 =	simm.s32 $0x7000  }
0x354: {  	[tilespmem:s22], [sflag:$0x3] =	stream.indirect.gather [hbm4b:s0+s3], $0x80, s20, s3, $0xb8;
	[tilespmem:$0x19400] =	vst v63  }
0x355: {  	s21 =	simm.s32 $0x6080  }
0x356: {  	[tilespmem:s23], [sflag:$0x2] =	stream.indirect.gather [hbm4b:s0+s3], $0x80, s21, s3, $0xb8;
	[tilespmem:$0x19400] =	vst v63  }
0x357: {  	s30 =	simm.s32 $0x7080;
	v0 =	vmul.f32 v1, v0  }
0x358: {  	[tilespmem:s24], [sflag:$0x4] =	stream.indirect.gather [hbm4b:s0+s3], $0x80, s30, s3, $0xb8;
	[tilespmem:$0x19400] =	vst v63  }
0x359: {  	s1 =	simm.s32 $0x0;
	[tilespmem:$0x1FF10] =	vst v0  }
.LBB2_20:
0x35a: {  	_ =	swait.ge [sflag:s25], $0x4000  }
0x35b: {  	[sflag:s25] =	ssyncset.done $0x0  }
0x35c: {  	s30 =	sshll.u32 s1, $0x8;
	[sflag:s25] =	ssyncadd.s32 $0xFFFFC000  }
0x35d: {  	s7 =	sand.u32 $0x3FFFFF00, s30;
	_ =	swait.ge [sflag:s28], $0x4000  }
0x35e: {  	s8 =	sadd.s32 $0x18200, s7;
	[sflag:s28] =	ssyncset.done $0x0  }
0x35f: {  	v1 =	vmov s8;
	[sflag:s28] =	ssyncadd.s32 $0xFFFFC000  }
0x360: {  	s8 =	simm.s32 $0x0;
	[tilespmem:$0x1FF00] =	vst v1;
	v0 =	vld [tilespmem:$0x19380]  }
.LBB2_21:
0x361: {  	_ =	sdelay $0x3  }
0x362: {  	s9 =	sshll.u32 s8, $0x4;
	s10 =	simm.s32 $0x0;
	p0 =	por $0x1, $0x1;
	v2 =	vimm.f32 $0.0e+00;
	[tilespmem:$0x1FEF0] =	vst v0  }
.LBB2_22:
0x363: {  	s11 =	sor.u32 s9, s10  }
0x364: {  	s12 =	sshll.u32 s11, $0x7  }
0x365: {  	v0 =	vld [tilespmem:s12+$0x8000]  }
0x366: {  	[tilespmem:$0x1FEE0] =	vst v2;
	v2 =	vld [tilespmem:s12+$0x10000]  }
0x367: {  	v8 =	vld [tilespmem:s12+$0x8010]  }
0x368: {  	v9 =	vld [tilespmem:s12+$0x10010]  }
0x369: {  	v12 =	vld [tilespmem:s12+$0x8020]  }
0x36a: {  	v13 =	vld [tilespmem:s12+$0x10020]  }
0x36b: {  	v14 =	vld [tilespmem:s12+$0x8030]  }
0x36c: {  	v15 =	vld [tilespmem:s12+$0x10030]  }
0x36d: {  	v16 =	vld [tilespmem:s12+$0x8040]  }
0x36e: {  	v17 =	vld [tilespmem:s12+$0x10040]  }
0x36f: {  	v18 =	vld [tilespmem:s12+$0x8050]  }
0x370: {  	v19 =	vld [tilespmem:s12+$0x10050]  }
0x371: {  	v20 =	vld [tilespmem:s12+$0x8060]  }
0x372: {  	s11 =	sor.u32 $0x1, s10;
	v21 =	vld [tilespmem:s12+$0x10060]  }
0x373: {  	v22 =	vld [tilespmem:s12+$0x8070];
	s13 =	sor.u32 s9, s11  }
0x374: {  	v23 =	vld [tilespmem:s12+$0x10070];
	s13 =	sshll.u32 s13, $0x7  }
0x375: {  	v24 =	vld [tilespmem:s13+$0x8000]  }
0x376: {  	v25 =	vld [tilespmem:s13+$0x10000]  }
0x377: {  	v26 =	vld [tilespmem:s13+$0x8010]  }
0x378: {  	v27 =	vld [tilespmem:s13+$0x10010]  }
0x379: {  	v28 =	vld [tilespmem:s13+$0x8020]  }
0x37a: {  	v29 =	vld [tilespmem:s13+$0x10020]  }
0x37b: {  	v30 =	vld [tilespmem:s13+$0x8030]  }
0x37c: {  	v31 =	vld [tilespmem:s13+$0x10030]  }
0x37d: {  	v32 =	vld [tilespmem:s13+$0x8040]  }
0x37e: {  	v33 =	vld [tilespmem:s13+$0x10040]  }
0x37f: {  	v34 =	vld [tilespmem:s13+$0x8050]  }
0x380: {  	v35 =	vld [tilespmem:s13+$0x10050]  }
0x381: {  	v36 =	vld [tilespmem:s13+$0x8060]  }
0x382: {  	s12 =	sor.u32 $0x2, s10;
	v37 =	vld [tilespmem:s13+$0x10060]  }
0x383: {  	s14 =	sor.u32 s9, s12;
	v38 =	vld [tilespmem:s13+$0x8070]  }
0x384: {  	v39 =	vld [tilespmem:s13+$0x10070];
	s14 =	sshll.u32 s14, $0x7  }
0x385: {  	v40 =	vld [tilespmem:s14+$0x8000]  }
0x386: {  	v41 =	vld [tilespmem:s14+$0x10000]  }
0x387: {  	v42 =	vld [tilespmem:s14+$0x8010]  }
0x388: {  	v43 =	vld [tilespmem:s14+$0x10010]  }
0x389: {  	v44 =	vld [tilespmem:s14+$0x8020]  }
0x38a: {  	v45 =	vld [tilespmem:s14+$0x10020]  }
0x38b: {  	v46 =	vld [tilespmem:s14+$0x8030]  }
0x38c: {  	v47 =	vld [tilespmem:s14+$0x10030]  }
0x38d: {  	v48 =	vld [tilespmem:s14+$0x8040]  }
0x38e: {  	v49 =	vld [tilespmem:s14+$0x10040]  }
0x38f: {  	v50 =	vld [tilespmem:s14+$0x8050]  }
0x390: {  	v51 =	vld [tilespmem:s14+$0x10050]  }
0x391: {  	v52 =	vld [tilespmem:s14+$0x8060]  }
0x392: {  	s13 =	sor.u32 $0x3, s10;
	v53 =	vld [tilespmem:s14+$0x10060]  }
0x393: {  	v10 =	vld [tilespmem:s14+$0x8070];
	s17 =	sor.u32 s9, s13  }
0x394: {  	v11 =	vld [tilespmem:s14+$0x10070];
	s19 =	sshll.u32 s17, $0x7  }
0x395: {  	v54 =	vld [tilespmem:s19+$0x8000]  }
0x396: {  	v55 =	vld [tilespmem:s19+$0x10000]  }
0x397: {  	v56 =	vld [tilespmem:s19+$0x8010]  }
0x398: {  	v57 =	vld [tilespmem:s19+$0x10010]  }
0x399: {  	v58 =	vld [tilespmem:s19+$0x8020]  }
0x39a: {  	v59 =	vld [tilespmem:s19+$0x10020]  }
0x39b: {  	v60 =	vld [tilespmem:s19+$0x8030]  }
0x39c: {  	v61 =	vld [tilespmem:s19+$0x10030]  }
0x39d: {  	v62 =	vld [tilespmem:s19+$0x8040]  }
0x39e: {  	v63 =	vld [tilespmem:s19+$0x10040]  }
0x39f: {  	v3 =	vld [tilespmem:s19+$0x8050]  }
0x3a0: {  	v5 =	vld [tilespmem:s19+$0x10050]  }
0x3a1: {  	v4 =	vld [tilespmem:s19+$0x8060]  }
0x3a2: {  	s17 =	sor.u32 $0x4, s10;
	v1 =	vld [tilespmem:s19+$0x10060]  }
0x3a3: {  	v7 =	vld [tilespmem:s19+$0x8070];
	s18 =	sor.u32 s9, s17  }
0x3a4: {  	v0 =	vsub.f32 v0, v2;
	v2 =	vsub.f32 v8, v9;
	v8 =	vld [tilespmem:s19+$0x10070];
	s20 =	sshll.u32 s18, $0x7  }
0x3a5: {  	v6 =	vld [tilespmem:s20+$0x8000]  }
0x3a6: {  	v9 =	vsub.f32 v12, v13;
	v12 =	vld [tilespmem:s20+$0x10000]  }
0x3a7: {  	v0 =	vmul.f32 v0, v0;
	v13 =	vld [tilespmem:s20+$0x8010]  }
0x3a8: {  	v2 =	vmul.f32 v2, v2;
	v28 =	vsub.f32 v28, v29;
	v29 =	vsub.f32 v20, v21;
	v20 =	vld [tilespmem:s20+$0x10040]  }
0x3a9: {  	v22 =	vsub.f32 v22, v23;
	s18 =	sor.u32 $0x5, s10;
	v23 =	vld [tilespmem:s20+$0x10060]  }
0x3aa: {  	s19 =	sor.u32 s9, s18;
	v0 =	vadd.f32 v2, v0;
	v2 =	vmul.f32 v9, v9;
	v9 =	vsub.f32 v14, v15;
	v15 =	vld [tilespmem:s20+$0x10010]  }
0x3ab: {  	v35 =	vsub.f32 v34, v35;
	s21 =	sshll.u32 s19, $0x7;
	v14 =	vld [tilespmem:s20+$0x8020]  }
0x3ac: {  	v40 =	vsub.f32 v40, v41;
	v34 =	vld [tilespmem:s21+$0x8010]  }
0x3ad: {  	v41 =	vsub.f32 v42, v43;
	v43 =	vsub.f32 v36, v37;
	v42 =	vmul.f32 v35, v35;
	v35 =	vld [tilespmem:s21+$0x10010]  }
0x3ae: {  	v37 =	vsub.f32 v46, v47;
	v47 =	vsub.f32 v50, v51;
	v51 =	vld [tilespmem:s21+$0x10050]  }
0x3af: {  	v10 =	vsub.f32 v10, v11;
	v11 =	vld [tilespmem:s21+$0x10070]  }
0x3b0: {  	v45 =	vsub.f32 v44, v45;
	v21 =	vmul.f32 v43, v43;
	v43 =	vsub.f32 v54, v55;
	v54 =	vld [tilespmem:s21+$0x8060]  }
0x3b1: {  	v44 =	vsub.f32 v56, v57;
	v56 =	vld [tilespmem:s21+$0x10060];
	v3 =	vsub.f32 v3, v5  }
0x3b2: {  	v5 =	vld [tilespmem:s21+$0x8070];
	v0 =	vadd.f32 v2, v0;
	v2 =	vmul.f32 v9, v9;
	v9 =	vsub.f32 v16, v17  }
0x3b3: {  	v17 =	vld [tilespmem:s20+$0x10020];
	v16 =	vsub.f32 v24, v25;
	v24 =	vsub.f32 v26, v27  }
0x3b4: {  	v25 =	vld [tilespmem:s20+$0x8030];
	v0 =	vadd.f32 v2, v0;
	v2 =	vmul.f32 v9, v9  }
0x3b5: {  	v26 =	vld [tilespmem:s20+$0x8040];
	v9 =	vsub.f32 v18, v19;
	v16 =	vmul.f32 v16, v16;
	v19 =	vmul.f32 v24, v24  }
0x3b6: {  	v31 =	vsub.f32 v30, v31;
	v27 =	vld [tilespmem:s20+$0x10050];
	v0 =	vadd.f32 v2, v0  }
0x3b7: {  	v18 =	vld [tilespmem:s20+$0x10030];
	v2 =	vmul.f32 v9, v9;
	v16 =	vadd.f32 v19, v16;
	v19 =	vmul.f32 v28, v28  }
0x3b8: {  	v32 =	vsub.f32 v32, v33;
	v31 =	vmul.f32 v31, v31;
	v24 =	vld [tilespmem:s20+$0x8050]  }
0x3b9: {  	v0 =	vadd.f32 v2, v0;
	v2 =	vmul.f32 v29, v29;
	v30 =	vadd.f32 v19, v16;
	v16 =	vld [tilespmem:s20+$0x8060]  }
0x3ba: {  	v29 =	vmul.f32 v41, v41;
	v41 =	vmul.f32 v37, v37;
	v37 =	vld [tilespmem:s21+$0x8030]  }
0x3bb: {  	v33 =	vmul.f32 v32, v32;
	v2 =	vadd.f32 v2, v0;
	v9 =	vadd.f32 v31, v30;
	v0 =	vld [tilespmem:s20+$0x8070]  }
0x3bc: {  	v28 =	vmul.f32 v40, v40;
	v30 =	vld [tilespmem:s20+$0x10070]  }
0x3bd: {  	v31 =	vld [tilespmem:s21+$0x8000];
	v9 =	vadd.f32 v33, v9  }
0x3be: {  	v36 =	vmul.f32 v45, v45;
	v28 =	vadd.f32 v29, v28;
	v29 =	vld [tilespmem:s21+$0x10020]  }
0x3bf: {  	v22 =	vmul.f32 v22, v22;
	v33 =	vld [tilespmem:s21+$0x10000];
	v19 =	vadd.f32 v42, v9  }
0x3c0: {  	v40 =	vadd.f32 v36, v28;
	v28 =	vld [tilespmem:s21+$0x10030]  }
0x3c1: {  	v9 =	vadd.f32 v22, v2;
	v2 =	vadd.f32 v21, v19;
	v19 =	vld [tilespmem:s21+$0x8020]  }
0x3c2: {  	s19 =	sor.u32 $0x6, s10;
	v42 =	vsub.f32 v48, v49;
	v21 =	vadd.f32 v41, v40;
	v40 =	vld [tilespmem:s21+$0x8040]  }
0x3c3: {  	s20 =	sor.u32 s9, s19;
	v41 =	vld [tilespmem:s21+$0x10040]  }
0x3c4: {  	v38 =	vsub.f32 v38, v39;
	v45 =	vmul.f32 v42, v42;
	v42 =	vld [tilespmem:s21+$0x8050];
	s21 =	sshll.u32 s20, $0x7  }
0x3c5: {  	v50 =	vsub.f32 v52, v53;
	v1 =	vsub.f32 v4, v1;
	v4 =	vld [tilespmem:s21+$0x8000]  }
0x3c6: {  	v38 =	vmul.f32 v38, v38;
	v46 =	vsub.f32 v58, v59;
	v59 =	vsub.f32 v13, v15;
	v13 =	vld [tilespmem:s21+$0x10000]  }
0x3c7: {  	v53 =	vsub.f32 v62, v63;
	v55 =	vmul.f32 v50, v50;
	v10 =	vmul.f32 v10, v10;
	v15 =	vld [tilespmem:s21+$0x8010]  }
0x3c8: {  	v32 =	vmul.f32 v43, v43;
	v6 =	vsub.f32 v6, v12;
	v14 =	vsub.f32 v14, v17;
	v17 =	vld [tilespmem:s21+$0x10010]  }
0x3c9: {  	v57 =	vmul.f32 v53, v53;
	v49 =	vsub.f32 v60, v61;
	v61 =	vsub.f32 v25, v18;
	v18 =	vld [tilespmem:s21+$0x10020]  }
0x3ca: {  	v7 =	vsub.f32 v7, v8;
	v6 =	vmul.f32 v6, v6;
	v36 =	vmul.f32 v44, v44;
	v25 =	vld [tilespmem:s21+$0x8030]  }
0x3cb: {  	v63 =	vsub.f32 v34, v35;
	v12 =	vmul.f32 v59, v59;
	v62 =	vsub.f32 v31, v33;
	v33 =	vld [tilespmem:s21+$0x10030]  }
0x3cc: {  	v35 =	vsub.f32 v24, v27;
	v32 =	vadd.f32 v36, v32;
	v48 =	vmul.f32 v46, v46;
	v24 =	vld [tilespmem:s21+$0x10040]  }
0x3cd: {  	v3 =	vmul.f32 v3, v3;
	v54 =	vsub.f32 v54, v56;
	v5 =	vsub.f32 v5, v11;
	s20 =	sor.u32 $0x7, s10;
	v27 =	vld [tilespmem:s21+$0x8050]  }
0x3ce: {  	v6 =	vadd.f32 v12, v6;
	v32 =	vadd.f32 v48, v32;
	v52 =	vmul.f32 v49, v49;
	v12 =	vld [tilespmem:s21+$0x10050];
	s14 =	sor.u32 s9, s20  }
0x3cf: {  	v22 =	vmul.f32 v47, v47;
	v60 =	vmul.f32 v14, v14;
	v47 =	vsub.f32 v16, v23;
	v48 =	vld [tilespmem:s21+$0x10060];
	s14 =	sshll.u32 s14, $0x7  }
0x3d0: {  	v1 =	vmul.f32 v1, v1;
	v0 =	vsub.f32 v0, v30;
	v32 =	vadd.f32 v52, v32;
	v52 =	vld [tilespmem:s14+$0x10000]  }
0x3d1: {  	v6 =	vadd.f32 v60, v6;
	v31 =	vmul.f32 v61, v61;
	v21 =	vadd.f32 v45, v21;
	v56 =	vld [tilespmem:s14+$0x10010]  }
0x3d2: {  	v7 =	vmul.f32 v7, v7;
	v36 =	vsub.f32 v37, v28;
	v2 =	vadd.f32 v38, v2;
	v59 =	vld [tilespmem:s14+$0x8020]  }
0x3d3: {  	v8 =	vmul.f32 v47, v47;
	v6 =	vadd.f32 v31, v6;
	v61 =	vld [tilespmem:s14+$0x10020];
	v21 =	vadd.f32 v22, v21  }
0x3d4: {  	v37 =	vmul.f32 v35, v35;
	v30 =	vld [tilespmem:s14+$0x8030];
	v58 =	vadd.f32 v57, v32;
	v32 =	vsub.f32 v26, v20  }
0x3d5: {  	v0 =	vmul.f32 v0, v0;
	v35 =	vld [tilespmem:s14+$0x10040];
	v19 =	vsub.f32 v19, v29;
	v46 =	vsub.f32 v40, v41  }
0x3d6: {  	v43 =	vmul.f32 v36, v36;
	v26 =	vld [tilespmem:s21+$0x8040];
	v50 =	vsub.f32 v42, v51;
	v21 =	vadd.f32 v55, v21  }
0x3d7: {  	v22 =	vmul.f32 v63, v63;
	v51 =	vld [tilespmem:s14+$0x8000];
	v3 =	vadd.f32 v3, v58;
	v4 =	vsub.f32 v4, v13  }
0x3d8: {  	v34 =	vmul.f32 v32, v32;
	v55 =	vld [tilespmem:s14+$0x8010];
	v60 =	vsub.f32 v15, v17;
	v33 =	vsub.f32 v25, v33  }
0x3d9: {  	v58 =	vmul.f32 v54, v54;
	v32 =	vld [tilespmem:s14+$0x10030];
	v42 =	vsub.f32 v27, v12;
	v10 =	vadd.f32 v10, v21  }
0x3da: {  	v1 =	vadd.f32 v1, v3;
	v3 =	vld [tilespmem:s21+$0x8020];
	v21 =	vmul.f32 v62, v62;
	v6 =	vadd.f32 v34, v6  }
0x3db: {  	v63 =	vld [tilespmem:s21+$0x8070];
	v4 =	vmul.f32 v4, v4;
	v15 =	vsub.f32 v59, v61;
	v38 =	vsub.f32 v26, v24  }
0x3dc: {  	v40 =	vld [tilespmem:s21+$0x10070];
	v13 =	vmul.f32 v60, v60;
	v21 =	vadd.f32 v22, v21;
	v6 =	vadd.f32 v37, v6  }
0x3dd: {  	v44 =	vld [tilespmem:s14+$0x8060];
	v19 =	vmul.f32 v19, v19;
	v1 =	vadd.f32 v7, v1;
	v31 =	vsub.f32 v51, v52  }
0x3de: {  	(xrf2) =	vadd.scan.msk.f32 $0xffff, v9;
	v49 =	vmul.f32 v46, v46;
	v46 =	vld [tilespmem:s14+$0x10060];
	v4 =	vadd.f32 v13, v4;
	v7 =	vsub.f32 v55, v56  }
0x3df: {  	(xrf2) =	vadd.scan.msk.f32 $0xffff, v2;
	v53 =	vmul.f32 v50, v50;
	v34 =	vld [tilespmem:s14+$0x8040];
	v41 =	vsub.f32 v30, v32;
	v3 =	vsub.f32 v3, v18  }
0x3e0: {  	v22 =	vld [tilespmem:s21+$0x8060];
	(xrf2) =	vadd.scan.msk.f32 $0xffff, v10;
	v39 =	vadd.f32 v19, v21;
	v17 =	vmul.f32 v31, v31;
	v7 =	vmul.f32 v7, v7  }
0x3e1: {  	v37 =	vld [tilespmem:s14+$0x8050];
	v6 =	vadd.f32 v8, v6;
	(xrf2) =	vadd.scan.msk.f32 $0xffff, v1;
	v1 =	vsub.f32 v63, v40;
	v3 =	vmul.f32 v3, v3  }
0x3e2: {  	v15 =	vmul.f32 v15, v15;
	v14 =	vadd.f32 v43, v39;
	v39 =	vld [tilespmem:s14+$0x10050];
	v7 =	vadd.f32 v7, v17  }
0x3e3: {  	v36 =	vmul.f32 v33, v33;
	v54 =	vsub.f32 v44, v46;
	v3 =	vadd.f32 v3, v4  }
0x3e4: {  	v45 =	vsub.f32 v34, v35;
	v7 =	vadd.f32 v15, v7;
	v4 =	vmul.f32 v41, v41  }
0x3e5: {  	v43 =	vmul.f32 v38, v38;
	v47 =	vsub.f32 v22, v48;
	v3 =	vadd.f32 v36, v3  }
0x3e6: {  	v48 =	vld [tilespmem:s14+$0x8070];
	v51 =	vmul.f32 v45, v45;
	v14 =	vadd.f32 v49, v14;
	v4 =	vadd.f32 v4, v7  }
0x3e7: {  	v49 =	vld [tilespmem:s14+$0x10070];
	v50 =	vsub.f32 v37, v39;
	v2 =	vadd.f32 v43, v3;
	v3 =	vmul.f32 v42, v42  }
0x3e8: {  	v5 =	vmul.f32 v5, v5;
	v0 =	vadd.f32 v0, v6;
	v57 =	vadd.f32 v53, v14  }
0x3e9: {  	v53 =	vmul.f32 v50, v50;
	v2 =	vadd.f32 v3, v2;
	v3 =	vadd.f32 v51, v4  }
0x3ea: {  	(xrf2) =	vadd.scan.msk.f32 $0xffff, v0;
	v0 =	vmul.f32 v1, v1;
	v52 =	vmul.f32 v47, v47  }
0x3eb: {  	v1 =	vmul.f32 v54, v54;
	v62 =	vadd.f32 v58, v57;
	v3 =	vadd.f32 v53, v3  }
0x3ec: {  	v55 =	vsub.f32 v48, v49;
	v2 =	vadd.f32 v52, v2  }
0x3ed: {  	v5 =	vadd.f32 v5, v62;
	v1 =	vadd.f32 v1, v3;
	v3 =	vmov s10  }
0x3ee: {  	v59 =	vld [tilespmem:$0x1FEE0];
	v56, _, _ =	vpop (xrf2);
	v0 =	vadd.f32 v0, v2;
	v2 =	vmul.f32 v55, v55  }
0x3ef: {  	v57 =	vbroadcast v56, $0xF;
	v58 =	vlaneseq.u32;
	(xrf2) =	vadd.scan.msk.f32 $0xffff, v5  }
0x3f0: {  	vm0 =	veq.s32 v3, v58;
	v3, _, _ =	vpop (xrf2);
	(xrf2) =	vadd.scan.msk.f32 $0xffff, v0;
	v0 =	vadd.f32 v2, v1;
	v1 =	vmov s11;
	_ =	sdelay $0x1  }
0x3f1: {  	v2 =	vnsel vm0, $0x0, v57;
	v3 =	vbroadcast v3, $0xF  }
0x3f2: {  	v2 =	vadd.f32 v2, v59;
	vm9 =	veq.s32 v1, v58;
	v1, _, _ =	vpop (xrf2)  }
0x3f3: {  	(xrf2) =	vadd.scan.msk.f32 $0xffff, v0;
	v0 =	vmov s12;
	v3 =	vnsel vm9, $0x0, v3;
	v1 =	vbroadcast v1, $0xF  }
0x3f4: {  	v60, _, _ =	vpop (xrf2);
	v2 =	vadd.f32 v3, v2;
	vm10 =	veq.s32 v0, v58  }
0x3f5: {  	v0 =	vmov s13;
	v3 =	vbroadcast v60, $0xF;
	v1 =	vnsel vm10, $0x0, v1  }
0x3f6: {  	v61, _, _ =	vpop (xrf2);
	vm11 =	veq.s32 v0, v58;
	v1 =	vadd.f32 v1, v2  }
0x3f7: {  	v0 =	vmov s17;
	v2 =	vnsel vm11, $0x0, v3;
	v3 =	vbroadcast v61, $0xF  }
0x3f8: {  	v62, _, _ =	vpop (xrf2);
	vm12 =	veq.s32 v0, v58;
	v1 =	vadd.f32 v2, v1  }
0x3f9: {  	v0 =	vnsel vm12, $0x0, v3;
	v2 =	vmov s18;
	v3 =	vbroadcast v62, $0xF  }
0x3fa: {  	vm13 =	veq.s32 v2, v58  }
0x3fb: {  	v0 =	vadd.f32 v0, v1;
	v1 =	vnsel vm13, $0x0, v3  }
0x3fc: {  	v63, _, _ =	vpop (xrf2)  }
0x3fd: {  	p1 =	por p0, p0;
	v2 =	vmov s19;
	v3 =	vbroadcast v63, $0xF  }
.Ltmp11:
0x3fe: {  	vm14 =	veq.s32 v2, v58;
	v0 =	vadd.f32 v1, v0;
	v1, _, _ =	vpop (xrf2);
	(pc) =	sbr.rel @p1 .LBB2_22-.Ltmp11, $4  }
0x3ff: {  	v2 =	vnsel vm14, $0x0, v3;
	v3 =	vmov s20;
	v1 =	vbroadcast v1, $0xF  }
0x400: {  	vm15 =	veq.s32 v3, v58;
	v0 =	vadd.f32 v2, v0  }
0x401: {  	v1 =	vnsel vm15, $0x0, v1  }
0x402: {  	p0 =	por $0x0, $0x0;
	s10 =	simm.s32 $0x8;
	v2 =	vadd.f32 v1, v0  }
0x403: {  	v0 =	vld [tilespmem:$0x1FFE0];
	_ =	sdelay $0x4  }
0x404: {  	v0 =	vadd.f32 v2, v0;
	_ =	sdelay $0x1  }
0x405: {  	(erf) = vrcp.f32 v0;
	v0 =	vld [tilespmem:$0x1FF00];
	_ =	sdelay $0x6  }
0x406: {  	s9 =	sand.u32 $0x3FFFFFF0, s9;
	v1 =	vld [tilespmem:$0x1FF10]  }
0x407: {  	v0 =	vld.idx.msk [tilespmem:v0+s9+$0x0 ss:$0x1], $0xffff;
	_ =	sdelay $0x4  }
0x408: {  	v0 =	vmul.f32 v0, v1;
	_ =	sdelay $0x1  }
0x409: {  	v0 =	vmul.f32 v0, v2  }
0x40a: {  	v1 =	vpop (erf)  }
0x40b: {  	v0 =	vmul.f32 v0, v1;
	v1 =	vld [tilespmem:$0x1FEF0]  }
0x40c: {  	s8 =	sadd.s32 $0x1, s8  }
0x40d: {  	p0 =	sne.s32 s8, $0x8  }
.Ltmp12:
0x40e: {  	_ = 	snop;
	(pc) =	sbr.rel @p0 .LBB2_21-.Ltmp12, $3  }
0x40f: {  	_ = 	snop  }
0x410: {  	v0 =	vadd.f32 v0, v1;
	_ =	sdelay $0x1  }
0x411: {  	[tilespmem:$0x19380] =	vst v0  }
0x412: {  	p0 =	seq.s32 s1, $0xF  }
0x413: {  	s8 =	sshll.u32 @!p0 s1, $0x8  }
0x414: {  	s10 =	simm.s32 @!p0 $0x80;
	s11 =	simm.s32 @!p0 $0x8000;
	s9 =	sadd.s32 @!p0 $0x6100, s8  }
0x415: {  	[tilespmem:s11], [sflag:$0x1] =	stream.indirect.gather @!p0 [hbm4b:s0+s10], $0x80, s9, s10, $0xb8;
	[tilespmem:$0x19400] =	vst v63  }
0x416: {  	s8 =	sadd.s32 @!p0 $0x7100, s8;
	s9 =	simm.s32 @!p0 $0x10000  }
0x417: {  	[tilespmem:s9], [sflag:$0x3] =	stream.indirect.gather @!p0 [hbm4b:s0+s10], $0x80, s8, s10, $0xb8;
	[tilespmem:$0x19400] =	vst v63  }
0x418: {  	_ =	swait.ge [sflag:s26], $0x4000  }
0x419: {  	[sflag:s26] =	ssyncset.done $0x0  }
0x41a: {  	[sflag:s26] =	ssyncadd.s32 $0xFFFFC000  }
0x41b: {  	_ =	swait.ge [sflag:s29], $0x4000  }
0x41c: {  	s21 =	sadd.s32 $0x18280, s7;
	[sflag:s29] =	ssyncset.done $0x0  }
0x41d: {  	v1 =	vmov s21;
	[sflag:s29] =	ssyncadd.s32 $0xFFFFC000  }
0x41e: {  	s7 =	simm.s32 $0x0;
	[tilespmem:$0x1FED0] =	vst v1;
	v0 =	vld [tilespmem:$0x19380]  }
.LBB2_25:
0x41f: {  	_ =	sdelay $0x3  }
0x420: {  	s8 =	sshll.u32 s7, $0x4;
	p1 =	por $0x1, $0x1;
	v2 =	vimm.f32 $0.0e+00;
	s9 =	simm.s32 $0x0;
	[tilespmem:$0x1FEC0] =	vst v0  }
.LBB2_26:
0x421: {  	s10 =	sor.u32 s8, s9  }
0x422: {  	s11 =	sshll.u32 s10, $0x7  }
0x423: {  	v0 =	vld [tilespmem:s11+$0xC000]  }
0x424: {  	v1 =	vld [tilespmem:s11+$0x14000]  }
0x425: {  	[tilespmem:$0x1FEB0] =	vst v2;
	v2 =	vld [tilespmem:s11+$0xC010]  }
0x426: {  	v3 =	vld [tilespmem:s11+$0x14010]  }
0x427: {  	v9 =	vld [tilespmem:s11+$0xC020]  }
0x428: {  	v12 =	vld [tilespmem:s11+$0x14020]  }
0x429: {  	v13 =	vld [tilespmem:s11+$0xC030]  }
0x42a: {  	v14 =	vld [tilespmem:s11+$0x14030]  }
0x42b: {  	v15 =	vld [tilespmem:s11+$0xC040]  }
0x42c: {  	v16 =	vld [tilespmem:s11+$0x14040]  }
0x42d: {  	v17 =	vld [tilespmem:s11+$0xC050]  }
0x42e: {  	v18 =	vld [tilespmem:s11+$0x14050]  }
0x42f: {  	v19 =	vld [tilespmem:s11+$0xC060]  }
0x430: {  	s10 =	sor.u32 $0x1, s9;
	v20 =	vld [tilespmem:s11+$0x14060]  }
0x431: {  	v21 =	vld [tilespmem:s11+$0xC070];
	s12 =	sor.u32 s8, s10  }
0x432: {  	v22 =	vld [tilespmem:s11+$0x14070];
	s12 =	sshll.u32 s12, $0x7  }
0x433: {  	v23 =	vld [tilespmem:s12+$0xC000]  }
0x434: {  	v24 =	vld [tilespmem:s12+$0x14000]  }
0x435: {  	v25 =	vld [tilespmem:s12+$0xC010]  }
0x436: {  	v26 =	vld [tilespmem:s12+$0x14010]  }
0x437: {  	v27 =	vld [tilespmem:s12+$0xC020]  }
0x438: {  	v28 =	vld [tilespmem:s12+$0x14020]  }
0x439: {  	v29 =	vld [tilespmem:s12+$0xC030]  }
0x43a: {  	v30 =	vld [tilespmem:s12+$0x14030]  }
0x43b: {  	v31 =	vld [tilespmem:s12+$0xC040]  }
0x43c: {  	v32 =	vld [tilespmem:s12+$0x14040]  }
0x43d: {  	v33 =	vld [tilespmem:s12+$0xC050]  }
0x43e: {  	v34 =	vld [tilespmem:s12+$0x14050]  }
0x43f: {  	v35 =	vld [tilespmem:s12+$0xC060]  }
0x440: {  	s11 =	sor.u32 $0x2, s9;
	v36 =	vld [tilespmem:s12+$0x14060]  }
0x441: {  	s13 =	sor.u32 s8, s11;
	v37 =	vld [tilespmem:s12+$0xC070]  }
0x442: {  	v38 =	vld [tilespmem:s12+$0x14070];
	s13 =	sshll.u32 s13, $0x7  }
0x443: {  	v39 =	vld [tilespmem:s13+$0xC000]  }
0x444: {  	v40 =	vld [tilespmem:s13+$0x14000]  }
0x445: {  	v41 =	vld [tilespmem:s13+$0xC010]  }
0x446: {  	v42 =	vld [tilespmem:s13+$0x14010]  }
0x447: {  	v43 =	vld [tilespmem:s13+$0xC020]  }
0x448: {  	v44 =	vld [tilespmem:s13+$0x14020]  }
0x449: {  	v45 =	vld [tilespmem:s13+$0xC030]  }
0x44a: {  	v46 =	vld [tilespmem:s13+$0x14030]  }
0x44b: {  	v47 =	vld [tilespmem:s13+$0xC040]  }
0x44c: {  	v48 =	vld [tilespmem:s13+$0x14040]  }
0x44d: {  	v49 =	vld [tilespmem:s13+$0xC050]  }
0x44e: {  	v50 =	vld [tilespmem:s13+$0x14050]  }
0x44f: {  	v51 =	vld [tilespmem:s13+$0xC060]  }
0x450: {  	s12 =	sor.u32 $0x3, s9;
	v52 =	vld [tilespmem:s13+$0x14060]  }
0x451: {  	v10 =	vld [tilespmem:s13+$0xC070];
	s14 =	sor.u32 s8, s12  }
0x452: {  	v11 =	vld [tilespmem:s13+$0x14070];
	s14 =	sshll.u32 s14, $0x7  }
0x453: {  	v53 =	vld [tilespmem:s14+$0xC000]  }
0x454: {  	v54 =	vld [tilespmem:s14+$0x14000]  }
0x455: {  	v55 =	vld [tilespmem:s14+$0xC010]  }
0x456: {  	v56 =	vld [tilespmem:s14+$0x14010]  }
0x457: {  	v57 =	vld [tilespmem:s14+$0xC020]  }
0x458: {  	v58 =	vld [tilespmem:s14+$0x14020]  }
0x459: {  	v59 =	vld [tilespmem:s14+$0xC030]  }
0x45a: {  	v60 =	vld [tilespmem:s14+$0x14030]  }
0x45b: {  	v61 =	vld [tilespmem:s14+$0xC040]  }
0x45c: {  	v62 =	vld [tilespmem:s14+$0x14040]  }
0x45d: {  	v63 =	vld [tilespmem:s14+$0xC050]  }
0x45e: {  	v5 =	vld [tilespmem:s14+$0x14050]  }
0x45f: {  	v4 =	vld [tilespmem:s14+$0xC060]  }
0x460: {  	s13 =	sor.u32 $0x4, s9;
	v6 =	vld [tilespmem:s14+$0x14060]  }
0x461: {  	s17 =	sor.u32 s8, s13;
	v7 =	vld [tilespmem:s14+$0xC070]  }
0x462: {  	v8 =	vld [tilespmem:s14+$0x14070];
	s19 =	sshll.u32 s17, $0x7  }
0x463: {  	v0 =	vsub.f32 v0, v1;
	v1 =	vsub.f32 v2, v3;
	v2 =	vld [tilespmem:s19+$0xC000]  }
0x464: {  	v3 =	vsub.f32 v9, v12;
	s17 =	sor.u32 $0x5, s9;
	v9 =	vld [tilespmem:s19+$0x14000]  }
0x465: {  	v12 =	vld [tilespmem:s19+$0xC010];
	s18 =	sor.u32 s8, s17  }
0x466: {  	v21 =	vsub.f32 v21, v22;
	v22 =	vld [tilespmem:s19+$0x14060];
	s20 =	sshll.u32 s18, $0x7  }
0x467: {  	v34 =	vsub.f32 v33, v34;
	v33 =	vld [tilespmem:s20+$0x14010]  }
0x468: {  	v0 =	vmul.f32 v0, v0;
	v1 =	vmul.f32 v1, v1;
	v37 =	vsub.f32 v37, v38;
	v38 =	vld [tilespmem:s20+$0xC070]  }
0x469: {  	v29 =	vsub.f32 v29, v30;
	v10 =	vsub.f32 v10, v11;
	v11 =	vld [tilespmem:s20+$0x14070]  }
0x46a: {  	v0 =	vadd.f32 v1, v0;
	v1 =	vmul.f32 v3, v3;
	v3 =	vsub.f32 v13, v14;
	v13 =	vld [tilespmem:s19+$0x14010]  }
0x46b: {  	v31 =	vsub.f32 v31, v32;
	v39 =	vsub.f32 v39, v40;
	v14 =	vld [tilespmem:s19+$0xC020]  }
0x46c: {  	v40 =	vsub.f32 v41, v42;
	v42 =	vsub.f32 v35, v36;
	v30 =	vmul.f32 v29, v29;
	v29 =	vld [tilespmem:s19+$0x14070]  }
0x46d: {  	v43 =	vsub.f32 v43, v44;
	v32 =	vmul.f32 v31, v31;
	v31 =	vld [tilespmem:s20+$0x14020]  }
0x46e: {  	v44 =	vmul.f32 v42, v42;
	v42 =	vsub.f32 v47, v48;
	v48 =	vld [tilespmem:s20+$0x14040]  }
0x46f: {  	v28 =	vsub.f32 v27, v28;
	v36 =	vmul.f32 v43, v43;
	v43 =	vsub.f32 v53, v54;
	v53 =	vld [tilespmem:s20+$0x14050]  }
0x470: {  	v27 =	vmul.f32 v39, v39;
	v39 =	vsub.f32 v45, v46;
	v46 =	vsub.f32 v57, v58;
	v57 =	vld [tilespmem:s20+$0x14060]  }
0x471: {  	v0 =	vadd.f32 v1, v0;
	v1 =	vmul.f32 v3, v3;
	v3 =	vsub.f32 v15, v16;
	v16 =	vld [tilespmem:s19+$0x14020]  }
0x472: {  	v15 =	vsub.f32 v23, v24;
	v23 =	vsub.f32 v25, v26;
	v24 =	vld [tilespmem:s19+$0xC030]  }
0x473: {  	v25 =	vld [tilespmem:s19+$0xC040];
	v0 =	vadd.f32 v1, v0;
	v1 =	vmul.f32 v3, v3  }
0x474: {  	v26 =	vld [tilespmem:s19+$0x14050];
	v3 =	vsub.f32 v17, v18;
	v15 =	vmul.f32 v15, v15;
	v18 =	vmul.f32 v23, v23  }
0x475: {  	v28 =	vmul.f32 v28, v28;
	v17 =	vld [tilespmem:s19+$0x14030];
	v0 =	vadd.f32 v1, v0  }
0x476: {  	v23 =	vld [tilespmem:s19+$0xC050];
	v1 =	vmul.f32 v3, v3;
	v3 =	vsub.f32 v19, v20;
	v15 =	vadd.f32 v18, v15  }
0x477: {  	v19 =	vld [tilespmem:s19+$0x14040]  }
0x478: {  	v20 =	vld [tilespmem:s20+$0xC010];
	v0 =	vadd.f32 v1, v0;
	v1 =	vmul.f32 v3, v3;
	v3 =	vadd.f32 v28, v15  }
0x479: {  	v18 =	vld [tilespmem:s20+$0xC020]  }
0x47a: {  	v15 =	vld [tilespmem:s19+$0xC060];
	v3 =	vadd.f32 v30, v3  }
0x47b: {  	v28 =	vmul.f32 v40, v40;
	v0 =	vadd.f32 v1, v0;
	v1 =	vld [tilespmem:s19+$0xC070]  }
0x47c: {  	v41 =	vmul.f32 v34, v34;
	v30 =	vld [tilespmem:s20+$0xC000];
	v3 =	vadd.f32 v32, v3  }
0x47d: {  	v27 =	vadd.f32 v28, v27;
	v28 =	vld [tilespmem:s20+$0x14030]  }
0x47e: {  	v32 =	vld [tilespmem:s20+$0x14000];
	v3 =	vadd.f32 v41, v3  }
0x47f: {  	v21 =	vmul.f32 v21, v21;
	v40 =	vadd.f32 v36, v27;
	v36 =	vld [tilespmem:s20+$0xC030];
	v41 =	vmul.f32 v39, v39  }
0x480: {  	s18 =	sor.u32 $0x6, s9;
	v39 =	vld [tilespmem:s20+$0xC040];
	v3 =	vadd.f32 v44, v3;
	v44 =	vsub.f32 v55, v56  }
0x481: {  	s19 =	sor.u32 s8, s18;
	v0 =	vadd.f32 v21, v0;
	v21 =	vadd.f32 v41, v40;
	v41 =	vld [tilespmem:s20+$0xC050]  }
0x482: {  	v35 =	vmul.f32 v44, v44;
	v44 =	vld [tilespmem:s20+$0xC060];
	s20 =	sshll.u32 s19, $0x7  }
0x483: {  	v47 =	vsub.f32 v49, v50;
	v4 =	vsub.f32 v4, v6;
	v6 =	vld [tilespmem:s20+$0xC000]  }
0x484: {  	v50 =	vsub.f32 v59, v60;
	v60 =	vsub.f32 v12, v13;
	v12 =	vld [tilespmem:s20+$0x14000]  }
0x485: {  	v52 =	vsub.f32 v51, v52;
	v5 =	vsub.f32 v63, v5;
	v13 =	vld [tilespmem:s20+$0xC010]  }
0x486: {  	v37 =	vmul.f32 v37, v37;
	v2 =	vsub.f32 v2, v9;
	v14 =	vsub.f32 v14, v16;
	v16 =	vld [tilespmem:s20+$0x14010]  }
0x487: {  	v10 =	vmul.f32 v10, v10;
	v55 =	vsub.f32 v61, v62;
	v62 =	vsub.f32 v24, v17;
	v17 =	vld [tilespmem:s20+$0x14020]  }
0x488: {  	v7 =	vsub.f32 v7, v8;
	v45 =	vmul.f32 v42, v42;
	v2 =	vmul.f32 v2, v2;
	v24 =	vld [tilespmem:s20+$0xC030]  }
0x489: {  	v9 =	vmul.f32 v60, v60;
	v63 =	vsub.f32 v30, v32;
	v32 =	vsub.f32 v25, v19;
	v19 =	vld [tilespmem:s20+$0x14030]  }
0x48a: {  	v34 =	vmul.f32 v43, v43;
	v49 =	vmul.f32 v46, v46;
	v11 =	vsub.f32 v38, v11;
	v25 =	vld [tilespmem:s20+$0xC040]  }
0x48b: {  	v54 =	vmul.f32 v50, v50;
	v2 =	vadd.f32 v9, v2;
	v20 =	vsub.f32 v20, v33;
	v42 =	vld [tilespmem:s20+$0x14050]  }
0x48c: {  	v27 =	vmul.f32 v47, v47;
	v61 =	vmul.f32 v14, v14;
	s19 =	sor.u32 $0x7, s9;
	v47 =	vsub.f32 v39, v48;
	v48 =	vld [tilespmem:s20+$0xC060]  }
0x48d: {  	v5 =	vmul.f32 v5, v5;
	v18 =	vsub.f32 v18, v31;
	v1 =	vsub.f32 v1, v29;
	s21 =	sor.u32 s8, s19;
	v29 =	vld [tilespmem:s20+$0xC070]  }
0x48e: {  	v56 =	vmul.f32 v52, v52;
	v21 =	vadd.f32 v45, v21;
	v2 =	vadd.f32 v61, v2;
	v40 =	vld [tilespmem:s20+$0x14070];
	s14 =	sshll.u32 s21, $0x7  }
0x48f: {  	v30 =	vmul.f32 v62, v62;
	v34 =	vadd.f32 v35, v34;
	v52 =	vsub.f32 v41, v53;
	v53 =	vld [tilespmem:s14+$0xC000]  }
0x490: {  	v4 =	vmul.f32 v4, v4;
	v3 =	vadd.f32 v37, v3;
	v21 =	vadd.f32 v27, v21;
	v61 =	vld [tilespmem:s14+$0xC020]  }
0x491: {  	v33 =	vmul.f32 v32, v32;
	v2 =	vadd.f32 v30, v2;
	v30 =	vld [tilespmem:s14+$0xC030];
	v34 =	vadd.f32 v49, v34  }
0x492: {  	v7 =	vmul.f32 v7, v7;
	v35 =	vsub.f32 v36, v28;
	v32 =	vld [tilespmem:s14+$0x14030];
	v21 =	vadd.f32 v56, v21  }
0x493: {  	v58 =	vmul.f32 v55, v55;
	v37 =	vld [tilespmem:s14+$0xC050];
	v2 =	vadd.f32 v33, v2;
	v34 =	vadd.f32 v54, v34  }
0x494: {  	v20 =	vmul.f32 v20, v20;
	v39 =	vld [tilespmem:s14+$0x14050];
	v49 =	vsub.f32 v15, v22;
	v56 =	vsub.f32 v44, v57  }
0x495: {  	v18 =	vmul.f32 v18, v18;
	v57 =	vld [tilespmem:s14+$0xC010];
	v10 =	vadd.f32 v10, v21;
	v59 =	vadd.f32 v58, v34  }
0x496: {  	v1 =	vmul.f32 v1, v1;
	v54 =	vld [tilespmem:s14+$0x14000];
	v6 =	vsub.f32 v6, v12;
	v62 =	vsub.f32 v13, v16  }
0x497: {  	v21 =	vmul.f32 v63, v63;
	v63 =	vld [tilespmem:s14+$0x14020];
	v33 =	vsub.f32 v24, v19;
	v5 =	vadd.f32 v5, v59  }
0x498: {  	v55 =	vmul.f32 v52, v52;
	v52 =	vsub.f32 v29, v40;
	v34 =	vsub.f32 v23, v26;
	v58 =	vld [tilespmem:s14+$0x14010]  }
0x499: {  	v51 =	vmul.f32 v47, v47;
	v20 =	vadd.f32 v20, v21;
	v4 =	vadd.f32 v4, v5;
	v5 =	vld [tilespmem:s20+$0xC020]  }
0x49a: {  	v50 =	vld [tilespmem:s20+$0x14060];
	v6 =	vmul.f32 v6, v6;
	v12 =	vmul.f32 v62, v62;
	v41 =	vsub.f32 v30, v32  }
0x49b: {  	v8 =	vmul.f32 v49, v49;
	v23 =	vld [tilespmem:s20+$0x14040];
	v49 =	vsub.f32 v37, v39;
	v45 =	vadd.f32 v18, v20  }
0x49c: {  	v46 =	vmul.f32 v35, v35;
	v26 =	vld [tilespmem:s20+$0xC050];
	v6 =	vadd.f32 v12, v6;
	v31 =	vsub.f32 v53, v54  }
0x49d: {  	v35 =	vld [tilespmem:s14+$0x14040];
	v36 =	vmul.f32 v34, v34;
	v13 =	vsub.f32 v61, v63;
	v4 =	vadd.f32 v7, v4  }
0x49e: {  	v60 =	vmul.f32 v56, v56;
	v34 =	vld [tilespmem:s14+$0xC040];
	v7 =	vsub.f32 v57, v58;
	v5 =	vsub.f32 v5, v17  }
0x49f: {  	v2 =	vadd.f32 v36, v2;
	v14 =	vadd.f32 v46, v45;
	v16 =	vmul.f32 v31, v31  }
0x4a0: {  	v46 =	vsub.f32 v48, v50;
	v7 =	vmul.f32 v7, v7;
	v5 =	vmul.f32 v5, v5  }
0x4a1: {  	(xrf2) =	vadd.scan.msk.f32 $0xffff, v0;
	v43 =	vld [tilespmem:s14+$0xC060];
	v36 =	vmul.f32 v33, v33;
	v38 =	vsub.f32 v25, v23;
	v0 =	vsub.f32 v26, v42  }
0x4a2: {  	v45 =	vld [tilespmem:s14+$0x14060];
	v13 =	vmul.f32 v13, v13;
	v7 =	vadd.f32 v7, v16;
	v5 =	vadd.f32 v5, v6  }
0x4a3: {  	v14 =	vadd.f32 v51, v14;
	v42 =	vmul.f32 v38, v38;
	v44 =	vsub.f32 v34, v35  }
0x4a4: {  	v7 =	vadd.f32 v13, v7;
	v6 =	vmul.f32 v41, v41;
	v5 =	vadd.f32 v36, v5  }
0x4a5: {  	(xrf2) =	vadd.scan.msk.f32 $0xffff, v3;
	v47 =	vld [tilespmem:s14+$0xC070];
	v2 =	vadd.f32 v8, v2;
	v0 =	vmul.f32 v0, v0;
	v59 =	vadd.f32 v55, v14  }
0x4a6: {  	v48 =	vld [tilespmem:s14+$0x14070];
	v50 =	vmul.f32 v44, v44;
	v6 =	vadd.f32 v6, v7;
	v3 =	vadd.f32 v42, v5  }
0x4a7: {  	(xrf2) =	vadd.scan.msk.f32 $0xffff, v10;
	v51 =	vmul.f32 v49, v49;
	v1 =	vadd.f32 v1, v2;
	v53 =	vsub.f32 v43, v45  }
0x4a8: {  	(xrf2) =	vadd.scan.msk.f32 $0xffff, v4;
	v5 =	vmul.f32 v46, v46;
	v0 =	vadd.f32 v0, v3;
	v3 =	vadd.f32 v50, v6  }
0x4a9: {  	v11 =	vmul.f32 v11, v11;
	v2 =	vadd.f32 v60, v59;
	(xrf2) =	vadd.scan.msk.f32 $0xffff, v1;
	v1 =	vmul.f32 v52, v52  }
0x4aa: {  	v54 =	vmul.f32 v53, v53;
	v0 =	vadd.f32 v5, v0;
	v3 =	vadd.f32 v51, v3  }
0x4ab: {  	v55 =	vsub.f32 v47, v48;
	v2 =	vadd.f32 v11, v2  }
0x4ac: {  	v0 =	vadd.f32 v1, v0;
	v1 =	vadd.f32 v54, v3;
	v3 =	vmov s9  }
0x4ad: {  	v56, _, _ =	vpop (xrf2);
	v59 =	vld [tilespmem:$0x1FEB0];
	(xrf2) =	vadd.scan.msk.f32 $0xffff, v2;
	v2 =	vmul.f32 v55, v55  }
0x4ae: {  	v57 =	vbroadcast v56, $0xF;
	v58 =	vlaneseq.u32  }
0x4af: {  	vm0 =	veq.s32 v3, v58;
	v3, _, _ =	vpop (xrf2);
	(xrf2) =	vadd.scan.msk.f32 $0xffff, v0;
	v0 =	vadd.f32 v2, v1;
	v1 =	vmov s10;
	_ =	sdelay $0x1  }
0x4b0: {  	v2 =	vnsel vm0, $0x0, v57;
	v3 =	vbroadcast v3, $0xF  }
0x4b1: {  	v2 =	vadd.f32 v2, v59;
	vm9 =	veq.s32 v1, v58;
	v1, _, _ =	vpop (xrf2)  }
0x4b2: {  	(xrf2) =	vadd.scan.msk.f32 $0xffff, v0;
	v0 =	vmov s11;
	v3 =	vnsel vm9, $0x0, v3;
	v1 =	vbroadcast v1, $0xF  }
0x4b3: {  	v60, _, _ =	vpop (xrf2);
	v2 =	vadd.f32 v3, v2;
	vm10 =	veq.s32 v0, v58  }
0x4b4: {  	v0 =	vmov s12;
	v3 =	vbroadcast v60, $0xF;
	v1 =	vnsel vm10, $0x0, v1  }
0x4b5: {  	v61, _, _ =	vpop (xrf2);
	vm11 =	veq.s32 v0, v58;
	v1 =	vadd.f32 v1, v2  }
0x4b6: {  	v0 =	vmov s13;
	v2 =	vnsel vm11, $0x0, v3;
	v3 =	vbroadcast v61, $0xF  }
0x4b7: {  	v62, _, _ =	vpop (xrf2);
	vm12 =	veq.s32 v0, v58;
	v1 =	vadd.f32 v2, v1  }
0x4b8: {  	v0 =	vnsel vm12, $0x0, v3;
	v2 =	vmov s17;
	v3 =	vbroadcast v62, $0xF  }
0x4b9: {  	vm13 =	veq.s32 v2, v58  }
0x4ba: {  	v0 =	vadd.f32 v0, v1;
	v1 =	vnsel vm13, $0x0, v3  }
0x4bb: {  	v63, _, _ =	vpop (xrf2)  }
0x4bc: {  	p2 =	por p1, p1;
	v2 =	vmov s18;
	v3 =	vbroadcast v63, $0xF  }
.Ltmp13:
0x4bd: {  	vm14 =	veq.s32 v2, v58;
	v0 =	vadd.f32 v1, v0;
	v1, _, _ =	vpop (xrf2);
	(pc) =	sbr.rel @p2 .LBB2_26-.Ltmp13, $4  }
0x4be: {  	v2 =	vnsel vm14, $0x0, v3;
	v3 =	vmov s19;
	v1 =	vbroadcast v1, $0xF  }
0x4bf: {  	vm15 =	veq.s32 v3, v58;
	v0 =	vadd.f32 v2, v0  }
0x4c0: {  	v1 =	vnsel vm15, $0x0, v1  }
0x4c1: {  	p1 =	por $0x0, $0x0;
	s9 =	simm.s32 $0x8;
	v2 =	vadd.f32 v1, v0  }
0x4c2: {  	v0 =	vld [tilespmem:$0x1FFE0];
	_ =	sdelay $0x4  }
0x4c3: {  	v0 =	vadd.f32 v2, v0;
	_ =	sdelay $0x1  }
0x4c4: {  	(erf) = vrcp.f32 v0;
	v0 =	vld [tilespmem:$0x1FED0];
	_ =	sdelay $0x6  }
0x4c5: {  	s8 =	sand.u32 $0x3FFFFFF0, s8;
	v1 =	vld [tilespmem:$0x1FF10]  }
0x4c6: {  	v0 =	vld.idx.msk [tilespmem:v0+s8+$0x0 ss:$0x1], $0xffff;
	_ =	sdelay $0x4  }
0x4c7: {  	v0 =	vmul.f32 v0, v1;
	_ =	sdelay $0x1  }
0x4c8: {  	v0 =	vmul.f32 v0, v2  }
0x4c9: {  	v1 =	vpop (erf)  }
0x4ca: {  	v0 =	vmul.f32 v0, v1;
	v1 =	vld [tilespmem:$0x1FEC0]  }
0x4cb: {  	s7 =	sadd.s32 $0x1, s7  }
0x4cc: {  	p1 =	sne.s32 s7, $0x8  }
.Ltmp14:
0x4cd: {  	_ = 	snop;
	(pc) =	sbr.rel @p1 .LBB2_25-.Ltmp14, $3  }
0x4ce: {  	_ = 	snop  }
0x4cf: {  	v0 =	vadd.f32 v0, v1;
	_ =	sdelay $0x1  }
0x4d0: {  	[tilespmem:$0x19380] =	vst v0  }
.Ltmp15:
0x4d1: {  	(pc) =	sbr.rel @p0 .LBB2_30-.Ltmp15, $1  }
0x4d2: {  	_ =	sdelay $0x3  }
.Ltmp16:
0x4d3: {  	(pc) =	sbr.rel .LBB2_20-.Ltmp16, $4  }
0x4d4: {  	s7 =	sadd.s32 $0x6180, s30  }
0x4d5: {  	[tilespmem:s23], [sflag:$0x2] =	stream.indirect.gather [hbm4b:s0+s3], $0x80, s7, s3, $0xb8;
	[tilespmem:$0x19400] =	vst v63  }
0x4d6: {  	s30 =	sadd.s32 $0x7180, s30;
	s1 =	sadd.s32 $0x1, s1  }
0x4d7: {  	[tilespmem:s24], [sflag:$0x4] =	stream.indirect.gather [hbm4b:s0+s3], $0x80, s30, s3, $0xb8;
	[tilespmem:$0x19400] =	vst v63  }
.LBB2_31:
0x4d8: {  	_ =	sfence.sel $0x180000  }
0x4d9: {  	[bflag:$0x0] =	sbarrier.arrive $0xFFFF  }
0x4da: {  	_ =	strace $0x90000047  }
0x4db: {  	s0 =	stileid.u32;
	[bflag:$0x2] =	sbarrier.arrive $0xFFFF  }
0x4dc: {  	p0 =	sne.s32 s0, $0x0;
	s0 =	rddreg [dreg:$0x7]  }
0x4dd: {  	s0 =	sadd.s32 @!p0 $0x100000, s0  }
0x4de: {  	[sflag:s0] =	ssyncadd.tile.s32 @!p0 $0x1;
	_ =	shalt  }
.Lfunc_end2:
_tile_overlayer_lowered:
.L_overlay_start_2:
0x4df: {  	(tag) =	ssettag $0x2  }
0x4e0: {  	s0 =	rddreg [dreg:$0x0];
	s2 =	stileid.u32  }
0x4e1: {  	s1 =	rddreg [dreg:$0x1];
	p0 =	sne.s32 s2, $0x0  }
0x4e2: {  	s3 =	rddreg [dreg:$0x2];
	[bflag:$0x3] =	sbarrier.arrive $0xFFFF;
	s2 =	simm.s32 @!p0 $0x1C05  }
0x4e3: {  	[timem:s3], [sflag:s2] =	dma.local @!p0 [hbm:s0], s1  }
0x4e4: {  	s0 =	simm.s32 @!p0 $0x5  }
0x4e5: {  	_ =	swait.ge @!p0 [sflag:s0], s1  }
0x4e6: {  	s1 =	ssub.s32 @!p0 $0x0, s1;
	[sflag:s0] =	ssyncset.done @!p0 $0x0  }
0x4e7: {  	[sflag:s0] =	ssyncadd.s32 @!p0 s1  }
0x4e8: {  	[bflag:$0x3] =	sbarrier.arrive $0xFFFF  }
0x4e9: {  	_ =	shalt  }

</sc_bundles>
